<compile_context>
chip_gen: v7x
topology: tpu7x:2x2x1
jax: 0.10.2.dev20260603
libtpu: 0.0.44.dev20260713+nightly
codegen_flags: <defaults>
</compile_context>

<pallas_src>
import functools

import jax
import jax.numpy as jnp
from jax import lax
from jax.experimental import pallas as pl
from jax.experimental.pallas import tpu as pltpu
from jax.experimental.pallas import tpu_sc as plsc

NC = 2
NS = 16
NW = NC * NS

K = 100
DEG_W = 8


def _sc_mesh():
    return plsc.VectorSubcoreMesh(
        core_axis_name="c", subcore_axis_name="s", num_cores=NC,
        num_subcores=NS)


def _make_deg_kernel(n, e):
    nch = e // (NW * K)
    rows_per_tile = n // NS

    @functools.partial(
        pl.kernel,
        out_type=jax.ShapeDtypeStruct((n, 128), jnp.float32),
        mesh=_sc_mesh(),
        compiler_params=pltpu.CompilerParams(use_tc_tiling_on_sc=False),
        scratch_types=[
            pltpu.VMEM((nch, K), jnp.int32),
            pltpu.VMEM((K, DEG_W), jnp.float32),
            pltpu.VMEM_SHARED((n, DEG_W), jnp.float32),
        ],
    )
    def deg_kernel(col_hbm, ones_hbm, zeros_hbm, out_hbm, idx_c, ones_v,
                   acc):
        cid = lax.axis_index("c")
        sid = lax.axis_index("s")
        wid = sid * NC + cid
        pltpu.sync_copy(col_hbm.at[wid], idx_c)
        pltpu.sync_copy(ones_hbm, ones_v)
        sl = pl.ds(sid * rows_per_tile, rows_per_tile)
        pltpu.sync_copy(zeros_hbm, acc.at[sl])
        plsc.subcore_barrier()

        def step(j, carry):
            pltpu.sync_copy(ones_v, acc.at[idx_c.at[j]], add=True)
            return carry

        lax.fori_loop(0, nch, step, 0)
        plsc.subcore_barrier()
        pltpu.sync_copy(acc.at[sl],
                        out_hbm.at[sl, pl.ds(cid * DEG_W, DEG_W)])

    return deg_kernel


def _make_agg_kernel(n, e, d, feature_split):
    tiles = NS if feature_split else NW
    nch = e // (tiles * K)
    rows_per_tile = n // NS

    @functools.partial(
        pl.kernel,
        out_type=jax.ShapeDtypeStruct((n, 2 * d), jnp.float32),
        mesh=_sc_mesh(),
        compiler_params=pltpu.CompilerParams(use_tc_tiling_on_sc=False),
        scratch_types=(
            [pltpu.VMEM((nch // 2, K), jnp.int32)] * 2
            + [pltpu.VMEM((K, d), jnp.float32)] * 10
            + [pltpu.VMEM_SHARED((n, d), jnp.float32)]
            + [pltpu.SemaphoreType.DMA] * 4
        ),
    )
    def agg_kernel(h_hbm, row_hbm, col_hbm, zeros_hbm, out_hbm, idx_r,
                   idx_c, a0, a1, a2, a3, a4, b0, b1, b2, b3, b4, acc,
                   sga, sgb, ssa, ssb):
        cid = lax.axis_index("c")
        sid = lax.axis_index("s")
        if feature_split:
            src_hbm = h_hbm.at[pl.ds(cid, h_hbm.shape[0] - 1)]
            tid = sid
        else:
            src_hbm = h_hbm.at[pl.ds(0, h_hbm.shape[0] - 1)]
            tid = sid * NC + cid
        rows_slab = row_hbm.at[tid]
        cols_slab = col_hbm.at[tid]
        sl = pl.ds(sid * rows_per_tile, rows_per_tile)
        pltpu.sync_copy(zeros_hbm, acc.at[sl])
        plsc.subcore_barrier()

        bufa = (a0, a1, a2, a3, a4)
        bufb = (b0, b1, b2, b3, b4)
        G = 5
        nch2 = nch // 2

        def fire_g(base, bufs, sem):
            for t in range(G):
                pltpu.async_copy(src_hbm.at[idx_r.at[base + t]], bufs[t],
                                 sem)

        def drain_g(base, bufs, sem):
            for t in range(G):
                pltpu.make_async_copy(src_hbm.at[idx_r.at[base + t]],
                                      bufs[t], sem).wait()

        def fire_s(base, bufs, sem):
            for t in range(G):
                pltpu.async_copy(bufs[t], acc.at[idx_c.at[base + t]], sem,
                                 add=True)

        def drain_s(base, bufs, sem):
            for t in range(G):
                pltpu.make_async_copy(bufs[t], acc.at[idx_c.at[base + t]],
                                      sem).wait()

        niter = nch2 // (2 * G)
        for ph in range(2):
            pltpu.sync_copy(rows_slab.at[pl.ds(ph * nch2, nch2)], idx_r)
            pltpu.sync_copy(cols_slab.at[pl.ds(ph * nch2, nch2)], idx_c)
            fire_g(0, bufa, sga)

            def step(i, carry):
                base = i * 2 * G
                drain_g(base, bufa, sga)

                @pl.when(i > 0)
                def _():
                    drain_s(base - G, bufb, ssb)

                fire_g(base + G, bufb, sgb)
                fire_s(base, bufa, ssa)
                drain_g(base + G, bufb, sgb)
                drain_s(base, bufa, ssa)

                @pl.when(i < niter - 1)
                def _():
                    fire_g(base + 2 * G, bufa, sga)

                fire_s(base + G, bufb, ssb)
                return carry

            lax.fori_loop(0, niter, step, 0)
            drain_s(niter * 2 * G - G, bufb, ssb)

        plsc.subcore_barrier()
        pltpu.sync_copy(acc.at[sl], out_hbm.at[sl, pl.ds(cid * d, d)])

    return agg_kernel


def _mm1_body(x_ref, w_ref, degp_ref, hs_ref, dinv_ref):
    deg = degp_ref[:, 0:1] + degp_ref[:, DEG_W:DEG_W + 1] + 1.0
    dinv = lax.rsqrt(deg)
    h = jnp.dot(x_ref[...], w_ref[...], preferred_element_type=jnp.float32)
    hs_ref[...] = dinv * h
    dinv_ref[...] = jnp.broadcast_to(dinv, dinv_ref.shape)


def _mid_body(p_ref, hs_ref, dinv_ref, b1_ref, g_ref, be_ref, w2_ref,
              h2s_ref):
    dinv = dinv_ref[:, 0:1]
    t = dinv * (p_ref[...] + hs_ref[...]) + b1_ref[...]
    m = jnp.mean(t, axis=-1, keepdims=True)
    v = jnp.mean((t - m) ** 2, axis=-1, keepdims=True)
    t = (t - m) * lax.rsqrt(v + 1e-6) * g_ref[...] + be_ref[...]
    a = jnp.maximum(t, 0.0)
    h2 = jnp.dot(a, w2_ref[...], preferred_element_type=jnp.float32)
    s2 = dinv * h2
    h2s_ref[...] = jnp.concatenate([s2, s2], axis=-1)


def _final_body(p_ref, h2s_ref, dinv_ref, b2_ref, out_ref):
    dinv = dinv_ref[:, 0:1]
    d = p_ref.shape[-1] // 2
    ncls = out_ref.shape[-1]
    psum = p_ref[:, :d] + p_ref[:, d:]
    t = dinv * (psum + h2s_ref[:, :d])
    out_ref[...] = t[:, :ncls] + b2_ref[...]


def kernel(x, edge_index, edge_weight, W1, b1, gamma1, beta1, W2, b2):
    n0, d = x.shape
    hdim = W1.shape[1]
    ncls = W2.shape[1]
    e = edge_index.shape[1]
    n = ((n0 + NS * 8 - 1) // (NS * 8)) * (NS * 8)
    n = max(n, 10240)
    rows_per_tile = n // NS
    d2 = 64
    half = hdim // 2

    row = edge_index[0]
    col = edge_index[1]
    row2 = row * 2
    nch_e = e // (NW * K)
    row_e2 = row2.reshape(NW, nch_e, K)
    col_e = col.reshape(NW, nch_e, K)
    nch_f = e // (NS * K)
    row_f2 = row2.reshape(NS, nch_f, K)
    col_f = col.reshape(NS, nch_f, K)

    ones_deg = jnp.ones((K, DEG_W), jnp.float32)
    zeros_deg = jnp.zeros((rows_per_tile, DEG_W), jnp.float32)
    zeros_2 = jnp.zeros((rows_per_tile, d2), jnp.float32)
    W2p = jnp.pad(W2, ((0, 0), (0, d2 - ncls)))

    R = 640
    grid = (n // R,)

    degp = _make_deg_kernel(n, e)(col_e, ones_deg, zeros_deg)

    hs, dinv = pl.pallas_call(
        _mm1_body,
        grid=grid,
        in_specs=[
            pl.BlockSpec((R, d), lambda i: (i, 0)),
            pl.BlockSpec((d, hdim), lambda i: (0, 0)),
            pl.BlockSpec((R, 128), lambda i: (i, 0)),
        ],
        out_specs=[
            pl.BlockSpec((R, hdim), lambda i: (i, 0)),
            pl.BlockSpec((R, 8), lambda i: (i, 0)),
        ],
        out_shape=[
            jax.ShapeDtypeStruct((n, hdim), jnp.float32),
            jax.ShapeDtypeStruct((n, 8), jnp.float32),
        ],
    )(x, W1, degp)

    p1 = _make_agg_kernel(n, e, half, True)(
        hs.reshape(2 * n, half), row_f2, col_f, zeros_2)

    h2s = pl.pallas_call(
        _mid_body,
        grid=grid,
        in_specs=[
            pl.BlockSpec((R, hdim), lambda i: (i, 0)),
            pl.BlockSpec((R, hdim), lambda i: (i, 0)),
            pl.BlockSpec((R, 8), lambda i: (i, 0)),
            pl.BlockSpec((1, hdim), lambda i: (0, 0)),
            pl.BlockSpec((1, hdim), lambda i: (0, 0)),
            pl.BlockSpec((1, hdim), lambda i: (0, 0)),
            pl.BlockSpec((hdim, d2), lambda i: (0, 0)),
        ],
        out_specs=pl.BlockSpec((R, 2 * d2), lambda i: (i, 0)),
        out_shape=jax.ShapeDtypeStruct((n, 2 * d2), jnp.float32),
    )(p1, hs, dinv, b1.reshape(1, hdim), gamma1.reshape(1, hdim),
      beta1.reshape(1, hdim), W2p)

    p2 = _make_agg_kernel(n, e, d2, False)(
        h2s.reshape(2 * n, d2), row_e2, col_e, zeros_2)

    Rf = 1000
    out = pl.pallas_call(
        _final_body,
        grid=(n0 // Rf,),
        in_specs=[
            pl.BlockSpec((Rf, 2 * d2), lambda i: (i, 0)),
            pl.BlockSpec((Rf, 2 * d2), lambda i: (i, 0)),
            pl.BlockSpec((Rf, 8), lambda i: (i, 0)),
            pl.BlockSpec((1, ncls), lambda i: (0, 0)),
        ],
        out_specs=pl.BlockSpec((Rf, ncls), lambda i: (i, 0)),
        out_shape=jax.ShapeDtypeStruct((n0, ncls), jnp.float32),
    )(p2, h2s, dinv, b2.reshape(1, ncls))

    return out

# --- scband reference (transcript-rebuilt; emitter-appended) ---
"""Pipeline reference for scband-gcn-66005057405276 (READ-ONLY COPY).

The authoritative reference and input builder live on the scoring server;
editing this copy changes nothing except your own understanding.
"""

import jax, jax.numpy as jnp
import numpy as np

N = 10000
E = 320000
D_FEAT = 128
HIDDEN = 128
N_CLASS = 40


def setup_inputs(seed: int = 0) -> dict:
    key = jax.random.key(seed)
    ks = jax.random.split(key, 10)
    x = jax.random.normal(ks[0], (N, D_FEAT), dtype=jnp.float32)
    edge_index = jax.random.randint(ks[1], (2, E), 0, N, dtype=jnp.int32)
    edge_weight = jnp.ones((E,), dtype=jnp.float32)
    # GCNConv layer 1: in=128 out=128 (glorot-ish init)
    W1 = jax.random.normal(ks[2], (D_FEAT, HIDDEN), dtype=jnp.float32) * (1.0 / np.sqrt(D_FEAT))
    b1 = jnp.zeros((HIDDEN,), dtype=jnp.float32)
    # LayerNorm params
    gamma1 = jnp.ones((HIDDEN,), dtype=jnp.float32)
    beta1 = jnp.zeros((HIDDEN,), dtype=jnp.float32)
    # GCNConv layer 2: in=128 out=40
    W2 = jax.random.normal(ks[3], (HIDDEN, N_CLASS), dtype=jnp.float32) * (1.0 / np.sqrt(HIDDEN))
    b2 = jnp.zeros((N_CLASS,), dtype=jnp.float32)
    return {"x": x, "edge_index": edge_index, "edge_weight": edge_weight,
            "W1": W1, "b1": b1, "gamma1": gamma1, "beta1": beta1,
            "W2": W2, "b2": b2}


def _gcn_conv(x, row, col, W, b):
    # GCNConv with normalize=True, add_self_loops=True, edge weights default to 1
    h = x @ W
    n = x.shape[0]
    sl = jnp.arange(n, dtype=row.dtype)
    r = jnp.concatenate([row, sl])
    c = jnp.concatenate([col, sl])
    w = jnp.ones((r.shape[0],), dtype=x.dtype)
    deg = jnp.zeros((n,), dtype=x.dtype).at[c].add(w)
    deg_inv_sqrt = jnp.where(deg > 0, jax.lax.rsqrt(jnp.maximum(deg, 1e-12)), 0.0)
    norm = deg_inv_sqrt[r] * w * deg_inv_sqrt[c]
    msg = norm[:, None] * jnp.take(h, r, axis=0)
    out = jnp.zeros_like(h).at[c].add(msg)
    return out + b


def _layernorm(x, gamma, beta, eps=1e-6):
    m = jnp.mean(x, axis=-1, keepdims=True)
    v = jnp.mean((x - m) ** 2, axis=-1, keepdims=True)
    return (x - m) / jnp.sqrt(v + eps) * gamma + beta


def reference(x, edge_index, edge_weight, W1, b1, gamma1, beta1, W2, b2):
    # eval mode: dropout is identity. edge_weight is unpacked but unused by the torch
    # module (convs are called without it), so normalization uses unit weights.
    row = edge_index[0]
    col = edge_index[1]
    h = _gcn_conv(x, row, col, W1, b1)
    h = _layernorm(h, gamma1, beta1)
    h = jax.nn.relu(h)
    out = _gcn_conv(h, row, col, W2, b2)
    return out

if __name__ == "__main__":
    import jax
    _d = setup_inputs()
    print(jax.jit(kernel)(*tuple(_d.values())))

</pallas_src>

<mosaic_0001>
#map = affine_map<(d0, d1) -> (0, 0, 0)>
#map1 = affine_map<(d0, d1) -> (0, 0)>
module attributes {stable_mosaic.version = 14 : i64} {
  func.func @deg_kernel(%arg0: i32, %arg1: i32, %arg2: memref<32x100x100xi32, #tpu.memory_space<hbm>>, %arg3: memref<100x8xf32, #tpu.memory_space<hbm>>, %arg4: memref<640x8xf32, #tpu.memory_space<hbm>>, %arg5: memref<10240x128xf32, #tpu.memory_space<hbm>>, %arg6: memref<100x100xi32, #tpu.memory_space<vmem>>, %arg7: memref<100x8xf32, #tpu.memory_space<vmem>>, %arg8: memref<10240x8xf32, #tpu.memory_space<vmem_shared>>) attributes {dimension_semantics = [#tpu.dimension_semantics<core_parallel>, #tpu.dimension_semantics<subcore_parallel>], iteration_bounds = array<i64: 2, 16>, scalar_prefetch = 0 : i64, scratch_operands = 3 : i64, tpu.core_type = #tpu.core_type<sc_vector_subcore>, window_params = [{transform_indices = #map}, {transform_indices = #map1}, {transform_indices = #map1}, {transform_indices = #map1}]} {
    %mul3A = arith.constant 2 : i32
    %mul3A_0 = arith.muli %arg1, %mul3A : i32
    %add3A = arith.addi %mul3A_0, %arg0 : i32
    "tpu.region"() ({
      %run_scoped3A = tpu.sem_alloc : memref<!tpu.dma_semaphore, #tpu.memory_space<semaphore_mem>>
      %dma_start3A = arith.constant 0 : i32
      %dma_start3A_11 = arith.constant 0 : i32
      %dma_start3A_12 = tpu.memref_slice %arg2[%add3A, %dma_start3A, %dma_start3A_11] : memref<32x100x100xi32, #tpu.memory_space<hbm>> -> memref<1x100x100xi32, #tpu.memory_space<hbm>>
      %dma_start3A_13 = tpu.memref_squeeze %dma_start3A_12 : memref<1x100x100xi32, #tpu.memory_space<hbm>> -> memref<100x100xi32, #tpu.memory_space<hbm>>
      %dma_start3A_14 = arith.constant 0 : i32
      %dma_start3A_15 = arith.constant 0 : i32
      %dma_start3A_16 = tpu.memref_slice %arg2[%add3A, %dma_start3A_14, %dma_start3A_15] : memref<32x100x100xi32, #tpu.memory_space<hbm>> -> memref<1x100x100xi32, #tpu.memory_space<hbm>>
      %dma_start3A_17 = tpu.memref_squeeze %dma_start3A_16 : memref<1x100x100xi32, #tpu.memory_space<hbm>> -> memref<100x100xi32, #tpu.memory_space<hbm>>
      tpu.enqueue_dma source(%dma_start3A_17 : memref<100x100xi32, #tpu.memory_space<hbm>>) target(%arg6 : memref<100x100xi32, #tpu.memory_space<vmem>>) target_semaphore(%run_scoped3A : memref<!tpu.dma_semaphore, #tpu.memory_space<semaphore_mem>>)
      %dma_wait3A = arith.constant 0 : i32
      %dma_wait3A_18 = arith.constant 0 : i32
      %dma_wait3A_19 = tpu.memref_slice %arg2[%add3A, %dma_wait3A, %dma_wait3A_18] : memref<32x100x100xi32, #tpu.memory_space<hbm>> -> memref<1x100x100xi32, #tpu.memory_space<hbm>>
      %dma_wait3A_20 = tpu.memref_squeeze %dma_wait3A_19 : memref<1x100x100xi32, #tpu.memory_space<hbm>> -> memref<100x100xi32, #tpu.memory_space<hbm>>
      %dma_wait3A_21 = arith.constant 0 : i32
      %dma_wait3A_22 = arith.constant 0 : i32
      %dma_wait3A_23 = tpu.memref_slice %arg2[%add3A, %dma_wait3A_21, %dma_wait3A_22] : memref<32x100x100xi32, #tpu.memory_space<hbm>> -> memref<1x100x100xi32, #tpu.memory_space<hbm>>
      %dma_wait3A_24 = tpu.memref_squeeze %dma_wait3A_23 : memref<1x100x100xi32, #tpu.memory_space<hbm>> -> memref<100x100xi32, #tpu.memory_space<hbm>>
      tpu.wait_dma2 semaphore(%run_scoped3A : memref<!tpu.dma_semaphore, #tpu.memory_space<semaphore_mem>>) src(%dma_wait3A_24 : memref<100x100xi32, #tpu.memory_space<hbm>>) dst(%arg6 : memref<100x100xi32, #tpu.memory_space<vmem>>)
      tpu.yield
    }) : () -> ()
    "tpu.region"() ({
      %run_scoped3A = tpu.sem_alloc : memref<!tpu.dma_semaphore, #tpu.memory_space<semaphore_mem>>
      tpu.enqueue_dma source(%arg3 : memref<100x8xf32, #tpu.memory_space<hbm>>) target(%arg7 : memref<100x8xf32, #tpu.memory_space<vmem>>) target_semaphore(%run_scoped3A : memref<!tpu.dma_semaphore, #tpu.memory_space<semaphore_mem>>)
      tpu.wait_dma2 semaphore(%run_scoped3A : memref<!tpu.dma_semaphore, #tpu.memory_space<semaphore_mem>>) src(%arg3 : memref<100x8xf32, #tpu.memory_space<hbm>>) dst(%arg7 : memref<100x8xf32, #tpu.memory_space<vmem>>)
      tpu.yield
    }) : () -> ()
    %mul3A_1 = arith.constant 640 : i32
    %mul3A_2 = arith.muli %arg1, %mul3A_1 : i32
    "tpu.region"() ({
      %run_scoped3A = tpu.sem_alloc : memref<!tpu.dma_semaphore, #tpu.memory_space<semaphore_mem>>
      %dma_start3A = arith.constant 0 : i32
      %dma_start3A_11 = tpu.memref_slice %arg8[%mul3A_2, %dma_start3A] : memref<10240x8xf32, #tpu.memory_space<vmem_shared>> -> memref<640x8xf32, #tpu.memory_space<vmem_shared>>
      tpu.enqueue_dma source(%arg4 : memref<640x8xf32, #tpu.memory_space<hbm>>) target(%dma_start3A_11 : memref<640x8xf32, #tpu.memory_space<vmem_shared>>) target_semaphore(%run_scoped3A : memref<!tpu.dma_semaphore, #tpu.memory_space<semaphore_mem>>)
      %dma_wait3A = arith.constant 0 : i32
      %dma_wait3A_12 = tpu.memref_slice %arg8[%mul3A_2, %dma_wait3A] : memref<10240x8xf32, #tpu.memory_space<vmem_shared>> -> memref<640x8xf32, #tpu.memory_space<vmem_shared>>
      tpu.wait_dma2 semaphore(%run_scoped3A : memref<!tpu.dma_semaphore, #tpu.memory_space<semaphore_mem>>) src(%arg4 : memref<640x8xf32, #tpu.memory_space<hbm>>) dst(%dma_wait3A_12 : memref<640x8xf32, #tpu.memory_space<vmem_shared>>)
      tpu.yield
    }) : () -> ()
    %barrier3A = arith.constant 0 : index
    tpu.barrier barrier_id(%barrier3A)
    %scan3A = arith.constant 0 : i32
    %scan3A_3 = arith.constant 0 : i32
    %scan3A_4 = arith.constant 100 : i32
    %scan3A_5 = arith.addi %scan3A_3, %scan3A_4 : i32
    %scan3A_6 = arith.constant 1 : i32
    scf.for %scan3A_11 = %scan3A_3 to %scan3A_5 step %scan3A_6  : i32 {
      "tpu.region"() ({
        %run_scoped3A = tpu.sem_alloc : memref<!tpu.dma_semaphore, #tpu.memory_space<semaphore_mem>>
        %dma_start3A = arith.constant 0 : i32
        %dma_start3A_12 = tpu.memref_slice %arg6[%scan3A_11, %dma_start3A] : memref<100x100xi32, #tpu.memory_space<vmem>> -> memref<1x100xi32, #tpu.memory_space<vmem>>
        %dma_start3A_13 = tpu.memref_squeeze %dma_start3A_12 : memref<1x100xi32, #tpu.memory_space<vmem>> -> memref<100xi32, #tpu.memory_space<vmem>>
        %dma_start3A_14 = arith.constant 0 : i32
        %dma_start3A_15 = arith.constant 0 : i32
        %dma_start3A_16 = tpu.memref_slice %arg8[%dma_start3A_14, %dma_start3A_15] : memref<10240x8xf32, #tpu.memory_space<vmem_shared>> -> memref<10240x8xf32, #tpu.memory_space<vmem_shared>>
        tpu.enqueue_indirect_dma source(%arg7 : memref<100x8xf32, #tpu.memory_space<vmem>>) target(%dma_start3A_16 : memref<10240x8xf32, #tpu.memory_space<vmem_shared>>) offsets(%dma_start3A_13 : memref<100xi32, #tpu.memory_space<vmem>>) semaphore(%run_scoped3A : memref<!tpu.dma_semaphore, #tpu.memory_space<semaphore_mem>>) {add = true}
        %dma_wait3A = arith.constant 0 : i32
        %dma_wait3A_17 = tpu.memref_slice %arg6[%scan3A_11, %dma_wait3A] : memref<100x100xi32, #tpu.memory_space<vmem>> -> memref<1x100xi32, #tpu.memory_space<vmem>>
        %dma_wait3A_18 = tpu.memref_squeeze %dma_wait3A_17 : memref<1x100xi32, #tpu.memory_space<vmem>> -> memref<100xi32, #tpu.memory_space<vmem>>
        %dma_wait3A_19 = arith.constant 0 : i32
        %dma_wait3A_20 = arith.constant 0 : i32
        %dma_wait3A_21 = tpu.memref_slice %arg8[%dma_wait3A_19, %dma_wait3A_20] : memref<10240x8xf32, #tpu.memory_space<vmem_shared>> -> memref<10240x8xf32, #tpu.memory_space<vmem_shared>>
        tpu.wait_indirect_dma semaphore(%run_scoped3A : memref<!tpu.dma_semaphore, #tpu.memory_space<semaphore_mem>>) src(%arg7 : memref<100x8xf32, #tpu.memory_space<vmem>>) dst(%dma_wait3A_21 : memref<10240x8xf32, #tpu.memory_space<vmem_shared>>)
        tpu.yield
      }) : () -> ()
    }
    %scan3A_7 = arith.constant 100 : i32
    %barrier3A_8 = arith.constant 0 : index
    tpu.barrier barrier_id(%barrier3A_8)
    %mul3A_9 = arith.constant 8 : i32
    %mul3A_10 = arith.muli %arg0, %mul3A_9 : i32
    "tpu.region"() ({
      %run_scoped3A = tpu.sem_alloc : memref<!tpu.dma_semaphore, #tpu.memory_space<semaphore_mem>>
      %dma_start3A = tpu.memref_slice %arg5[%mul3A_2, %mul3A_10] : memref<10240x128xf32, #tpu.memory_space<hbm>> -> memref<640x8xf32, #tpu.memory_space<hbm>>
      %dma_start3A_11 = arith.constant 0 : i32
      %dma_start3A_12 = tpu.memref_slice %arg8[%mul3A_2, %dma_start3A_11] : memref<10240x8xf32, #tpu.memory_space<vmem_shared>> -> memref<640x8xf32, #tpu.memory_space<vmem_shared>>
      tpu.enqueue_dma source(%dma_start3A_12 : memref<640x8xf32, #tpu.memory_space<vmem_shared>>) target(%dma_start3A : memref<640x8xf32, #tpu.memory_space<hbm>>) target_semaphore(%run_scoped3A : memref<!tpu.dma_semaphore, #tpu.memory_space<semaphore_mem>>)
      %dma_wait3A = tpu.memref_slice %arg5[%mul3A_2, %mul3A_10] : memref<10240x128xf32, #tpu.memory_space<hbm>> -> memref<640x8xf32, #tpu.memory_space<hbm>>
      %dma_wait3A_13 = arith.constant 0 : i32
      %dma_wait3A_14 = tpu.memref_slice %arg8[%mul3A_2, %dma_wait3A_13] : memref<10240x8xf32, #tpu.memory_space<vmem_shared>> -> memref<640x8xf32, #tpu.memory_space<vmem_shared>>
      tpu.wait_dma2 semaphore(%run_scoped3A : memref<!tpu.dma_semaphore, #tpu.memory_space<semaphore_mem>>) src(%dma_wait3A_14 : memref<640x8xf32, #tpu.memory_space<vmem_shared>>) dst(%dma_wait3A : memref<640x8xf32, #tpu.memory_space<hbm>>)
      tpu.yield
    }) : () -> ()
    return
  }
}

#map = affine_map<(d0, d1) -> (0, 0)>
#map1 = affine_map<(d0, d1) -> (0, 0, 0)>
module attributes {stable_mosaic.version = 14 : i64} {
  func.func @agg_kernel(%arg0: i32, %arg1: i32, %arg2: memref<20480x64xf32, #tpu.memory_space<hbm>>, %arg3: memref<16x200x100xi32, #tpu.memory_space<hbm>>, %arg4: memref<16x200x100xi32, #tpu.memory_space<hbm>>, %arg5: memref<640x64xf32, #tpu.memory_space<hbm>>, %arg6: memref<10240x128xf32, #tpu.memory_space<hbm>>, %arg7: memref<100x100xi32, #tpu.memory_space<vmem>>, %arg8: memref<100x100xi32, #tpu.memory_space<vmem>>, %arg9: memref<100x64xf32, #tpu.memory_space<vmem>>, %arg10: memref<100x64xf32, #tpu.memory_space<vmem>>, %arg11: memref<100x64xf32, #tpu.memory_space<vmem>>, %arg12: memref<100x64xf32, #tpu.memory_space<vmem>>, %arg13: memref<100x64xf32, #tpu.memory_space<vmem>>, %arg14: memref<100x64xf32, #tpu.memory_space<vmem>>, %arg15: memref<100x64xf32, #tpu.memory_space<vmem>>, %arg16: memref<100x64xf32, #tpu.memory_space<vmem>>, %arg17: memref<100x64xf32, #tpu.memory_space<vmem>>, %arg18: memref<100x64xf32, #tpu.memory_space<vmem>>, %arg19: memref<10240x64xf32, #tpu.memory_space<vmem_shared>>, %arg20: memref<!tpu.dma_semaphore, #tpu.memory_space<semaphore_mem>>, %arg21: memref<!tpu.dma_semaphore, #tpu.memory_space<semaphore_mem>>, %arg22: memref<!tpu.dma_semaphore, #tpu.memory_space<semaphore_mem>>, %arg23: memref<!tpu.dma_semaphore, #tpu.memory_space<semaphore_mem>>) attributes {dimension_semantics = [#tpu.dimension_semantics<core_parallel>, #tpu.dimension_semantics<subcore_parallel>], iteration_bounds = array<i64: 2, 16>, scalar_prefetch = 0 : i64, scratch_operands = 17 : i64, tpu.core_type = #tpu.core_type<sc_vector_subcore>, window_params = [{transform_indices = #map}, {transform_indices = #map1}, {transform_indices = #map1}, {transform_indices = #map}, {transform_indices = #map}]} {
    %mul3A = arith.constant 640 : i32
    %mul3A_0 = arith.muli %arg1, %mul3A : i32
    "tpu.region"() ({
      %run_scoped3A = tpu.sem_alloc : memref<!tpu.dma_semaphore, #tpu.memory_space<semaphore_mem>>
      %dma_start3A_173 = arith.constant 0 : i32
      %dma_start3A_174 = tpu.memref_slice %arg19[%mul3A_0, %dma_start3A_173] : memref<10240x64xf32, #tpu.memory_space<vmem_shared>> -> memref<640x64xf32, #tpu.memory_space<vmem_shared>>
      tpu.enqueue_dma source(%arg5 : memref<640x64xf32, #tpu.memory_space<hbm>>) target(%dma_start3A_174 : memref<640x64xf32, #tpu.memory_space<vmem_shared>>) target_semaphore(%run_scoped3A : memref<!tpu.dma_semaphore, #tpu.memory_space<semaphore_mem>>)
      %dma_wait3A_175 = arith.constant 0 : i32
      %dma_wait3A_176 = tpu.memref_slice %arg19[%mul3A_0, %dma_wait3A_175] : memref<10240x64xf32, #tpu.memory_space<vmem_shared>> -> memref<640x64xf32, #tpu.memory_space<vmem_shared>>
      tpu.wait_dma2 semaphore(%run_scoped3A : memref<!tpu.dma_semaphore, #tpu.memory_space<semaphore_mem>>) src(%arg5 : memref<640x64xf32, #tpu.memory_space<hbm>>) dst(%dma_wait3A_176 : memref<640x64xf32, #tpu.memory_space<vmem_shared>>)
      tpu.yield
    }) : () -> ()
    %barrier3A = arith.constant 0 : index
    tpu.barrier barrier_id(%barrier3A)
    "tpu.region"() ({
      %run_scoped3A = tpu.sem_alloc : memref<!tpu.dma_semaphore, #tpu.memory_space<semaphore_mem>>
      %dma_start3A_173 = arith.constant 0 : i32
      %dma_start3A_174 = arith.constant 0 : i32
      %dma_start3A_175 = tpu.memref_slice %arg3[%arg1, %dma_start3A_173, %dma_start3A_174] : memref<16x200x100xi32, #tpu.memory_space<hbm>> -> memref<1x200x100xi32, #tpu.memory_space<hbm>>
      %dma_start3A_176 = tpu.memref_squeeze %dma_start3A_175 : memref<1x200x100xi32, #tpu.memory_space<hbm>> -> memref<200x100xi32, #tpu.memory_space<hbm>>
      %dma_start3A_177 = arith.constant 0 : i32
      %dma_start3A_178 = arith.constant 0 : i32
      %dma_start3A_179 = tpu.memref_slice %dma_start3A_176[%dma_start3A_177, %dma_start3A_178] : memref<200x100xi32, #tpu.memory_space<hbm>> -> memref<100x100xi32, #tpu.memory_space<hbm>>
      %dma_start3A_180 = arith.constant 0 : i32
      %dma_start3A_181 = arith.constant 0 : i32
      %dma_start3A_182 = tpu.memref_slice %arg3[%arg1, %dma_start3A_180, %dma_start3A_181] : memref<16x200x100xi32, #tpu.memory_space<hbm>> -> memref<1x200x100xi32, #tpu.memory_space<hbm>>
      %dma_start3A_183 = tpu.memref_squeeze %dma_start3A_182 : memref<1x200x100xi32, #tpu.memory_space<hbm>> -> memref<200x100xi32, #tpu.memory_space<hbm>>
      %dma_start3A_184 = arith.constant 0 : i32
      %dma_start3A_185 = arith.constant 0 : i32
      %dma_start3A_186 = tpu.memref_slice %dma_start3A_183[%dma_start3A_184, %dma_start3A_185] : memref<200x100xi32, #tpu.memory_space<hbm>> -> memref<100x100xi32, #tpu.memory_space<hbm>>
      tpu.enqueue_dma source(%dma_start3A_186 : memref<100x100xi32, #tpu.memory_space<hbm>>) target(%arg7 : memref<100x100xi32, #tpu.memory_space<vmem>>) target_semaphore(%run_scoped3A : memref<!tpu.dma_semaphore, #tpu.memory_space<semaphore_mem>>)
      %dma_wait3A_187 = arith.constant 0 : i32
      %dma_wait3A_188 = arith.constant 0 : i32
      %dma_wait3A_189 = tpu.memref_slice %arg3[%arg1, %dma_wait3A_187, %dma_wait3A_188] : memref<16x200x100xi32, #tpu.memory_space<hbm>> -> memref<1x200x100xi32, #tpu.memory_space<hbm>>
      %dma_wait3A_190 = tpu.memref_squeeze %dma_wait3A_189 : memref<1x200x100xi32, #tpu.memory_space<hbm>> -> memref<200x100xi32, #tpu.memory_space<hbm>>
      %dma_wait3A_191 = arith.constant 0 : i32
      %dma_wait3A_192 = arith.constant 0 : i32
      %dma_wait3A_193 = tpu.memref_slice %dma_wait3A_190[%dma_wait3A_191, %dma_wait3A_192] : memref<200x100xi32, #tpu.memory_space<hbm>> -> memref<100x100xi32, #tpu.memory_space<hbm>>
      %dma_wait3A_194 = arith.constant 0 : i32
      %dma_wait3A_195 = arith.constant 0 : i32
      %dma_wait3A_196 = tpu.memref_slice %arg3[%arg1, %dma_wait3A_194, %dma_wait3A_195] : memref<16x200x100xi32, #tpu.memory_space<hbm>> -> memref<1x200x100xi32, #tpu.memory_space<hbm>>
      %dma_wait3A_197 = tpu.memref_squeeze %dma_wait3A_196 : memref<1x200x100xi32, #tpu.memory_space<hbm>> -> memref<200x100xi32, #tpu.memory_space<hbm>>
      %dma_wait3A_198 = arith.constant 0 : i32
      %dma_wait3A_199 = arith.constant 0 : i32
      %dma_wait3A_200 = tpu.memref_slice %dma_wait3A_197[%dma_wait3A_198, %dma_wait3A_199] : memref<200x100xi32, #tpu.memory_space<hbm>> -> memref<100x100xi32, #tpu.memory_space<hbm>>
      tpu.wait_dma2 semaphore(%run_scoped3A : memref<!tpu.dma_semaphore, #tpu.memory_space<semaphore_mem>>) src(%dma_wait3A_200 : memref<100x100xi32, #tpu.memory_space<hbm>>) dst(%arg7 : memref<100x100xi32, #tpu.memory_space<vmem>>)
      tpu.yield
    }) : () -> ()
    "tpu.region"() ({
      %run_scoped3A = tpu.sem_alloc : memref<!tpu.dma_semaphore, #tpu.memory_space<semaphore_mem>>
      %dma_start3A_173 = arith.constant 0 : i32
      %dma_start3A_174 = arith.constant 0 : i32
      %dma_start3A_175 = tpu.memref_slice %arg4[%arg1, %dma_start3A_173, %dma_start3A_174] : memref<16x200x100xi32, #tpu.memory_space<hbm>> -> memref<1x200x100xi32, #tpu.memory_space<hbm>>
      %dma_start3A_176 = tpu.memref_squeeze %dma_start3A_175 : memref<1x200x100xi32, #tpu.memory_space<hbm>> -> memref<200x100xi32, #tpu.memory_space<hbm>>
      %dma_start3A_177 = arith.constant 0 : i32
      %dma_start3A_178 = arith.constant 0 : i32
      %dma_start3A_179 = tpu.memref_slice %dma_start3A_176[%dma_start3A_177, %dma_start3A_178] : memref<200x100xi32, #tpu.memory_space<hbm>> -> memref<100x100xi32, #tpu.memory_space<hbm>>
      %dma_start3A_180 = arith.constant 0 : i32
      %dma_start3A_181 = arith.constant 0 : i32
      %dma_start3A_182 = tpu.memref_slice %arg4[%arg1, %dma_start3A_180, %dma_start3A_181] : memref<16x200x100xi32, #tpu.memory_space<hbm>> -> memref<1x200x100xi32, #tpu.memory_space<hbm>>
      %dma_start3A_183 = tpu.memref_squeeze %dma_start3A_182 : memref<1x200x100xi32, #tpu.memory_space<hbm>> -> memref<200x100xi32, #tpu.memory_space<hbm>>
      %dma_start3A_184 = arith.constant 0 : i32
      %dma_start3A_185 = arith.constant 0 : i32
      %dma_start3A_186 = tpu.memref_slice %dma_start3A_183[%dma_start3A_184, %dma_start3A_185] : memref<200x100xi32, #tpu.memory_space<hbm>> -> memref<100x100xi32, #tpu.memory_space<hbm>>
      tpu.enqueue_dma source(%dma_start3A_186 : memref<100x100xi32, #tpu.memory_space<hbm>>) target(%arg8 : memref<100x100xi32, #tpu.memory_space<vmem>>) target_semaphore(%run_scoped3A : memref<!tpu.dma_semaphore, #tpu.memory_space<semaphore_mem>>)
      %dma_wait3A_187 = arith.constant 0 : i32
      %dma_wait3A_188 = arith.constant 0 : i32
      %dma_wait3A_189 = tpu.memref_slice %arg4[%arg1, %dma_wait3A_187, %dma_wait3A_188] : memref<16x200x100xi32, #tpu.memory_space<hbm>> -> memref<1x200x100xi32, #tpu.memory_space<hbm>>
      %dma_wait3A_190 = tpu.memref_squeeze %dma_wait3A_189 : memref<1x200x100xi32, #tpu.memory_space<hbm>> -> memref<200x100xi32, #tpu.memory_space<hbm>>
      %dma_wait3A_191 = arith.constant 0 : i32
      %dma_wait3A_192 = arith.constant 0 : i32
      %dma_wait3A_193 = tpu.memref_slice %dma_wait3A_190[%dma_wait3A_191, %dma_wait3A_192] : memref<200x100xi32, #tpu.memory_space<hbm>> -> memref<100x100xi32, #tpu.memory_space<hbm>>
      %dma_wait3A_194 = arith.constant 0 : i32
      %dma_wait3A_195 = arith.constant 0 : i32
      %dma_wait3A_196 = tpu.memref_slice %arg4[%arg1, %dma_wait3A_194, %dma_wait3A_195] : memref<16x200x100xi32, #tpu.memory_space<hbm>> -> memref<1x200x100xi32, #tpu.memory_space<hbm>>
      %dma_wait3A_197 = tpu.memref_squeeze %dma_wait3A_196 : memref<1x200x100xi32, #tpu.memory_space<hbm>> -> memref<200x100xi32, #tpu.memory_space<hbm>>
      %dma_wait3A_198 = arith.constant 0 : i32
      %dma_wait3A_199 = arith.constant 0 : i32
      %dma_wait3A_200 = tpu.memref_slice %dma_wait3A_197[%dma_wait3A_198, %dma_wait3A_199] : memref<200x100xi32, #tpu.memory_space<hbm>> -> memref<100x100xi32, #tpu.memory_space<hbm>>
      tpu.wait_dma2 semaphore(%run_scoped3A : memref<!tpu.dma_semaphore, #tpu.memory_space<semaphore_mem>>) src(%dma_wait3A_200 : memref<100x100xi32, #tpu.memory_space<hbm>>) dst(%arg8 : memref<100x100xi32, #tpu.memory_space<vmem>>)
      tpu.yield
    }) : () -> ()
    %dma_start3A = arith.constant 0 : i32
    %dma_start3A_1 = arith.constant 0 : i32
    %dma_start3A_2 = tpu.memref_slice %arg7[%dma_start3A, %dma_start3A_1] : memref<100x100xi32, #tpu.memory_space<vmem>> -> memref<1x100xi32, #tpu.memory_space<vmem>>
    %dma_start3A_3 = tpu.memref_squeeze %dma_start3A_2 : memref<1x100xi32, #tpu.memory_space<vmem>> -> memref<100xi32, #tpu.memory_space<vmem>>
    %dma_start3A_4 = arith.constant 0 : i32
    %dma_start3A_5 = tpu.memref_slice %arg2[%arg0, %dma_start3A_4] : memref<20480x64xf32, #tpu.memory_space<hbm>> -> memref<20479x64xf32, #tpu.memory_space<hbm>>
    %dma_start3A_6 = arith.constant 0 : i32
    %dma_start3A_7 = arith.constant 0 : i32
    %dma_start3A_8 = tpu.memref_slice %dma_start3A_5[%dma_start3A_6, %dma_start3A_7] : memref<20479x64xf32, #tpu.memory_space<hbm>> -> memref<20479x64xf32, #tpu.memory_space<hbm>>
    tpu.enqueue_indirect_dma source(%dma_start3A_8 : memref<20479x64xf32, #tpu.memory_space<hbm>>) target(%arg9 : memref<100x64xf32, #tpu.memory_space<vmem>>) offsets(%dma_start3A_3 : memref<100xi32, #tpu.memory_space<vmem>>) semaphore(%arg20 : memref<!tpu.dma_semaphore, #tpu.memory_space<semaphore_mem>>)
    %dma_start3A_9 = arith.constant 1 : i32
    %dma_start3A_10 = arith.constant 0 : i32
    %dma_start3A_11 = tpu.memref_slice %arg7[%dma_start3A_9, %dma_start3A_10] : memref<100x100xi32, #tpu.memory_space<vmem>> -> memref<1x100xi32, #tpu.memory_space<vmem>>
    %dma_start3A_12 = tpu.memref_squeeze %dma_start3A_11 : memref<1x100xi32, #tpu.memory_space<vmem>> -> memref<100xi32, #tpu.memory_space<vmem>>
    %dma_start3A_13 = arith.constant 0 : i32
    %dma_start3A_14 = tpu.memref_slice %arg2[%arg0, %dma_start3A_13] : memref<20480x64xf32, #tpu.memory_space<hbm>> -> memref<20479x64xf32, #tpu.memory_space<hbm>>
    %dma_start3A_15 = arith.constant 0 : i32
    %dma_start3A_16 = arith.constant 0 : i32
    %dma_start3A_17 = tpu.memref_slice %dma_start3A_14[%dma_start3A_15, %dma_start3A_16] : memref<20479x64xf32, #tpu.memory_space<hbm>> -> memref<20479x64xf32, #tpu.memory_space<hbm>>
    tpu.enqueue_indirect_dma source(%dma_start3A_17 : memref<20479x64xf32, #tpu.memory_space<hbm>>) target(%arg10 : memref<100x64xf32, #tpu.memory_space<vmem>>) offsets(%dma_start3A_12 : memref<100xi32, #tpu.memory_space<vmem>>) semaphore(%arg20 : memref<!tpu.dma_semaphore, #tpu.memory_space<semaphore_mem>>)
    %dma_start3A_18 = arith.constant 2 : i32
    %dma_start3A_19 = arith.constant 0 : i32
    %dma_start3A_20 = tpu.memref_slice %arg7[%dma_start3A_18, %dma_start3A_19] : memref<100x100xi32, #tpu.memory_space<vmem>> -> memref<1x100xi32, #tpu.memory_space<vmem>>
    %dma_start3A_21 = tpu.memref_squeeze %dma_start3A_20 : memref<1x100xi32, #tpu.memory_space<vmem>> -> memref<100xi32, #tpu.memory_space<vmem>>
    %dma_start3A_22 = arith.constant 0 : i32
    %dma_start3A_23 = tpu.memref_slice %arg2[%arg0, %dma_start3A_22] : memref<20480x64xf32, #tpu.memory_space<hbm>> -> memref<20479x64xf32, #tpu.memory_space<hbm>>
    %dma_start3A_24 = arith.constant 0 : i32
    %dma_start3A_25 = arith.constant 0 : i32
    %dma_start3A_26 = tpu.memref_slice %dma_start3A_23[%dma_start3A_24, %dma_start3A_25] : memref<20479x64xf32, #tpu.memory_space<hbm>> -> memref<20479x64xf32, #tpu.memory_space<hbm>>
    tpu.enqueue_indirect_dma source(%dma_start3A_26 : memref<20479x64xf32, #tpu.memory_space<hbm>>) target(%arg11 : memref<100x64xf32, #tpu.memory_space<vmem>>) offsets(%dma_start3A_21 : memref<100xi32, #tpu.memory_space<vmem>>) semaphore(%arg20 : memref<!tpu.dma_semaphore, #tpu.memory_space<semaphore_mem>>)
    %dma_start3A_27 = arith.constant 3 : i32
    %dma_start3A_28 = arith.constant 0 : i32
    %dma_start3A_29 = tpu.memref_slice %arg7[%dma_start3A_27, %dma_start3A_28] : memref<100x100xi32, #tpu.memory_space<vmem>> -> memref<1x100xi32, #tpu.memory_space<vmem>>
    %dma_start3A_30 = tpu.memref_squeeze %dma_start3A_29 : memref<1x100xi32, #tpu.memory_space<vmem>> -> memref<100xi32, #tpu.memory_space<vmem>>
    %dma_start3A_31 = arith.constant 0 : i32
    %dma_start3A_32 = tpu.memref_slice %arg2[%arg0, %dma_start3A_31] : memref<20480x64xf32, #tpu.memory_space<hbm>> -> memref<20479x64xf32, #tpu.memory_space<hbm>>
    %dma_start3A_33 = arith.constant 0 : i32
    %dma_start3A_34 = arith.constant 0 : i32
    %dma_start3A_35 = tpu.memref_slice %dma_start3A_32[%dma_start3A_33, %dma_start3A_34] : memref<20479x64xf32, #tpu.memory_space<hbm>> -> memref<20479x64xf32, #tpu.memory_space<hbm>>
    tpu.enqueue_indirect_dma source(%dma_start3A_35 : memref<20479x64xf32, #tpu.memory_space<hbm>>) target(%arg12 : memref<100x64xf32, #tpu.memory_space<vmem>>) offsets(%dma_start3A_30 : memref<100xi32, #tpu.memory_space<vmem>>) semaphore(%arg20 : memref<!tpu.dma_semaphore, #tpu.memory_space<semaphore_mem>>)
    %dma_start3A_36 = arith.constant 4 : i32
    %dma_start3A_37 = arith.constant 0 : i32
    %dma_start3A_38 = tpu.memref_slice %arg7[%dma_start3A_36, %dma_start3A_37] : memref<100x100xi32, #tpu.memory_space<vmem>> -> memref<1x100xi32, #tpu.memory_space<vmem>>
    %dma_start3A_39 = tpu.memref_squeeze %dma_start3A_38 : memref<1x100xi32, #tpu.memory_space<vmem>> -> memref<100xi32, #tpu.memory_space<vmem>>
    %dma_start3A_40 = arith.constant 0 : i32
    %dma_start3A_41 = tpu.memref_slice %arg2[%arg0, %dma_start3A_40] : memref<20480x64xf32, #tpu.memory_space<hbm>> -> memref<20479x64xf32, #tpu.memory_space<hbm>>
    %dma_start3A_42 = arith.constant 0 : i32
    %dma_start3A_43 = arith.constant 0 : i32
    %dma_start3A_44 = tpu.memref_slice %dma_start3A_41[%dma_start3A_42, %dma_start3A_43] : memref<20479x64xf32, #tpu.memory_space<hbm>> -> memref<20479x64xf32, #tpu.memory_space<hbm>>
    tpu.enqueue_indirect_dma source(%dma_start3A_44 : memref<20479x64xf32, #tpu.memory_space<hbm>>) target(%arg13 : memref<100x64xf32, #tpu.memory_space<vmem>>) offsets(%dma_start3A_39 : memref<100xi32, #tpu.memory_space<vmem>>) semaphore(%arg20 : memref<!tpu.dma_semaphore, #tpu.memory_space<semaphore_mem>>)
    %scan3A = arith.constant 0 : i32
    %scan3A_45 = arith.constant 0 : i32
    %scan3A_46 = arith.constant 10 : i32
    %scan3A_47 = arith.addi %scan3A_45, %scan3A_46 : i32
    %scan3A_48 = arith.constant 1 : i32
    scf.for %scan3A_173 = %scan3A_45 to %scan3A_47 step %scan3A_48  : i32 {
      %mul3A_174 = arith.constant 2 : i32
      %mul3A_175 = arith.muli %scan3A_173, %mul3A_174 : i32
      %mul3A_176 = arith.constant 5 : i32
      %mul3A_177 = arith.muli %mul3A_175, %mul3A_176 : i32
      %add3A = arith.constant 0 : i32
      %add3A_178 = arith.addi %mul3A_177, %add3A : i32
      %dma_wait3A_179 = arith.constant 0 : i32
      %dma_wait3A_180 = tpu.memref_slice %arg7[%add3A_178, %dma_wait3A_179] : memref<100x100xi32, #tpu.memory_space<vmem>> -> memref<1x100xi32, #tpu.memory_space<vmem>>
      %dma_wait3A_181 = tpu.memref_squeeze %dma_wait3A_180 : memref<1x100xi32, #tpu.memory_space<vmem>> -> memref<100xi32, #tpu.memory_space<vmem>>
      %dma_wait3A_182 = arith.constant 0 : i32
      %dma_wait3A_183 = tpu.memref_slice %arg2[%arg0, %dma_wait3A_182] : memref<20480x64xf32, #tpu.memory_space<hbm>> -> memref<20479x64xf32, #tpu.memory_space<hbm>>
      %dma_wait3A_184 = arith.constant 0 : i32
      %dma_wait3A_185 = arith.constant 0 : i32
      %dma_wait3A_186 = tpu.memref_slice %dma_wait3A_183[%dma_wait3A_184, %dma_wait3A_185] : memref<20479x64xf32, #tpu.memory_space<hbm>> -> memref<20479x64xf32, #tpu.memory_space<hbm>>
      tpu.wait_indirect_dma semaphore(%arg20 : memref<!tpu.dma_semaphore, #tpu.memory_space<semaphore_mem>>) src(%dma_wait3A_186 : memref<20479x64xf32, #tpu.memory_space<hbm>>) dst(%arg9 : memref<100x64xf32, #tpu.memory_space<vmem>>)
      %add3A_187 = arith.constant 1 : i32
      %add3A_188 = arith.addi %mul3A_177, %add3A_187 : i32
      %dma_wait3A_189 = arith.constant 0 : i32
      %dma_wait3A_190 = tpu.memref_slice %arg7[%add3A_188, %dma_wait3A_189] : memref<100x100xi32, #tpu.memory_space<vmem>> -> memref<1x100xi32, #tpu.memory_space<vmem>>
      %dma_wait3A_191 = tpu.memref_squeeze %dma_wait3A_190 : memref<1x100xi32, #tpu.memory_space<vmem>> -> memref<100xi32, #tpu.memory_space<vmem>>
      %dma_wait3A_192 = arith.constant 0 : i32
      %dma_wait3A_193 = tpu.memref_slice %arg2[%arg0, %dma_wait3A_192] : memref<20480x64xf32, #tpu.memory_space<hbm>> -> memref<20479x64xf32, #tpu.memory_space<hbm>>
      %dma_wait3A_194 = arith.constant 0 : i32
      %dma_wait3A_195 = arith.constant 0 : i32
      %dma_wait3A_196 = tpu.memref_slice %dma_wait3A_193[%dma_wait3A_194, %dma_wait3A_195] : memref<20479x64xf32, #tpu.memory_space<hbm>> -> memref<20479x64xf32, #tpu.memory_space<hbm>>
      tpu.wait_indirect_dma semaphore(%arg20 : memref<!tpu.dma_semaphore, #tpu.memory_space<semaphore_mem>>) src(%dma_wait3A_196 : memref<20479x64xf32, #tpu.memory_space<hbm>>) dst(%arg10 : memref<100x64xf32, #tpu.memory_space<vmem>>)
      %add3A_197 = arith.constant 2 : i32
      %add3A_198 = arith.addi %mul3A_177, %add3A_197 : i32
      %dma_wait3A_199 = arith.constant 0 : i32
      %dma_wait3A_200 = tpu.memref_slice %arg7[%add3A_198, %dma_wait3A_199] : memref<100x100xi32, #tpu.memory_space<vmem>> -> memref<1x100xi32, #tpu.memory_space<vmem>>
      %dma_wait3A_201 = tpu.memref_squeeze %dma_wait3A_200 : memref<1x100xi32, #tpu.memory_space<vmem>> -> memref<100xi32, #tpu.memory_space<vmem>>
      %dma_wait3A_202 = arith.constant 0 : i32
      %dma_wait3A_203 = tpu.memref_slice %arg2[%arg0, %dma_wait3A_202] : memref<20480x64xf32, #tpu.memory_space<hbm>> -> memref<20479x64xf32, #tpu.memory_space<hbm>>
      %dma_wait3A_204 = arith.constant 0 : i32
      %dma_wait3A_205 = arith.constant 0 : i32
      %dma_wait3A_206 = tpu.memref_slice %dma_wait3A_203[%dma_wait3A_204, %dma_wait3A_205] : memref<20479x64xf32, #tpu.memory_space<hbm>> -> memref<20479x64xf32, #tpu.memory_space<hbm>>
      tpu.wait_indirect_dma semaphore(%arg20 : memref<!tpu.dma_semaphore, #tpu.memory_space<semaphore_mem>>) src(%dma_wait3A_206 : memref<20479x64xf32, #tpu.memory_space<hbm>>) dst(%arg11 : memref<100x64xf32, #tpu.memory_space<vmem>>)
      %add3A_207 = arith.constant 3 : i32
      %add3A_208 = arith.addi %mul3A_177, %add3A_207 : i32
      %dma_wait3A_209 = arith.constant 0 : i32
      %dma_wait3A_210 = tpu.memref_slice %arg7[%add3A_208, %dma_wait3A_209] : memref<100x100xi32, #tpu.memory_space<vmem>> -> memref<1x100xi32, #tpu.memory_space<vmem>>
      %dma_wait3A_211 = tpu.memref_squeeze %dma_wait3A_210 : memref<1x100xi32, #tpu.memory_space<vmem>> -> memref<100xi32, #tpu.memory_space<vmem>>
      %dma_wait3A_212 = arith.constant 0 : i32
      %dma_wait3A_213 = tpu.memref_slice %arg2[%arg0, %dma_wait3A_212] : memref<20480x64xf32, #tpu.memory_space<hbm>> -> memref<20479x64xf32, #tpu.memory_space<hbm>>
      %dma_wait3A_214 = arith.constant 0 : i32
      %dma_wait3A_215 = arith.constant 0 : i32
      %dma_wait3A_216 = tpu.memref_slice %dma_wait3A_213[%dma_wait3A_214, %dma_wait3A_215] : memref<20479x64xf32, #tpu.memory_space<hbm>> -> memref<20479x64xf32, #tpu.memory_space<hbm>>
      tpu.wait_indirect_dma semaphore(%arg20 : memref<!tpu.dma_semaphore, #tpu.memory_space<semaphore_mem>>) src(%dma_wait3A_216 : memref<20479x64xf32, #tpu.memory_space<hbm>>) dst(%arg12 : memref<100x64xf32, #tpu.memory_space<vmem>>)
      %add3A_217 = arith.constant 4 : i32
      %add3A_218 = arith.addi %mul3A_177, %add3A_217 : i32
      %dma_wait3A_219 = arith.constant 0 : i32
      %dma_wait3A_220 = tpu.memref_slice %arg7[%add3A_218, %dma_wait3A_219] : memref<100x100xi32, #tpu.memory_space<vmem>> -> memref<1x100xi32, #tpu.memory_space<vmem>>
      %dma_wait3A_221 = tpu.memref_squeeze %dma_wait3A_220 : memref<1x100xi32, #tpu.memory_space<vmem>> -> memref<100xi32, #tpu.memory_space<vmem>>
      %dma_wait3A_222 = arith.constant 0 : i32
      %dma_wait3A_223 = tpu.memref_slice %arg2[%arg0, %dma_wait3A_222] : memref<20480x64xf32, #tpu.memory_space<hbm>> -> memref<20479x64xf32, #tpu.memory_space<hbm>>
      %dma_wait3A_224 = arith.constant 0 : i32
      %dma_wait3A_225 = arith.constant 0 : i32
      %dma_wait3A_226 = tpu.memref_slice %dma_wait3A_223[%dma_wait3A_224, %dma_wait3A_225] : memref<20479x64xf32, #tpu.memory_space<hbm>> -> memref<20479x64xf32, #tpu.memory_space<hbm>>
      tpu.wait_indirect_dma semaphore(%arg20 : memref<!tpu.dma_semaphore, #tpu.memory_space<semaphore_mem>>) src(%dma_wait3A_226 : memref<20479x64xf32, #tpu.memory_space<hbm>>) dst(%arg13 : memref<100x64xf32, #tpu.memory_space<vmem>>)
      %gt3A = arith.constant 0 : i32
      %gt3A_227 = arith.cmpi sgt, %scan3A_173, %gt3A : i32
      %convert_element_type3A = arith.extui %gt3A_227 : i1 to i32
      %cond3A = arith.constant 0 : i32
      %cond3A_228 = arith.cmpi ne, %convert_element_type3A, %cond3A : i32
      scf.if %cond3A_228 {
        %sub3A = arith.constant 5 : i32
        %sub3A_459 = arith.subi %mul3A_177, %sub3A : i32
        %add3A_460 = arith.constant 0 : i32
        %add3A_461 = arith.addi %sub3A_459, %add3A_460 : i32
        %dma_wait3A_462 = arith.constant 0 : i32
        %dma_wait3A_463 = tpu.memref_slice %arg8[%add3A_461, %dma_wait3A_462] : memref<100x100xi32, #tpu.memory_space<vmem>> -> memref<1x100xi32, #tpu.memory_space<vmem>>
        %dma_wait3A_464 = tpu.memref_squeeze %dma_wait3A_463 : memref<1x100xi32, #tpu.memory_space<vmem>> -> memref<100xi32, #tpu.memory_space<vmem>>
        %dma_wait3A_465 = arith.constant 0 : i32
        %dma_wait3A_466 = arith.constant 0 : i32
        %dma_wait3A_467 = tpu.memref_slice %arg19[%dma_wait3A_465, %dma_wait3A_466] : memref<10240x64xf32, #tpu.memory_space<vmem_shared>> -> memref<10240x64xf32, #tpu.memory_space<vmem_shared>>
        tpu.wait_indirect_dma semaphore(%arg23 : memref<!tpu.dma_semaphore, #tpu.memory_space<semaphore_mem>>) src(%arg14 : memref<100x64xf32, #tpu.memory_space<vmem>>) dst(%dma_wait3A_467 : memref<10240x64xf32, #tpu.memory_space<vmem_shared>>)
        %add3A_468 = arith.constant 1 : i32
        %add3A_469 = arith.addi %sub3A_459, %add3A_468 : i32
        %dma_wait3A_470 = arith.constant 0 : i32
        %dma_wait3A_471 = tpu.memref_slice %arg8[%add3A_469, %dma_wait3A_470] : memref<100x100xi32, #tpu.memory_space<vmem>> -> memref<1x100xi32, #tpu.memory_space<vmem>>
        %dma_wait3A_472 = tpu.memref_squeeze %dma_wait3A_471 : memref<1x100xi32, #tpu.memory_space<vmem>> -> memref<100xi32, #tpu.memory_space<vmem>>
        %dma_wait3A_473 = arith.constant 0 : i32
        %dma_wait3A_474 = arith.constant 0 : i32
        %dma_wait3A_475 = tpu.memref_slice %arg19[%dma_wait3A_473, %dma_wait3A_474] : memref<10240x64xf32, #tpu.memory_space<vmem_shared>> -> memref<10240x64xf32, #tpu.memory_space<vmem_shared>>
        tpu.wait_indirect_dma semaphore(%arg23 : memref<!tpu.dma_semaphore, #tpu.memory_space<semaphore_mem>>) src(%arg15 : memref<100x64xf32, #tpu.memory_space<vmem>>) dst(%dma_wait3A_475 : memref<10240x64xf32, #tpu.memory_space<vmem_shared>>)
        %add3A_476 = arith.constant 2 : i32
        %add3A_477 = arith.addi %sub3A_459, %add3A_476 : i32
        %dma_wait3A_478 = arith.constant 0 : i32
        %dma_wait3A_479 = tpu.memref_slice %arg8[%add3A_477, %dma_wait3A_478] : memref<100x100xi32, #tpu.memory_space<vmem>> -> memref<1x100xi32, #tpu.memory_space<vmem>>
        %dma_wait3A_480 = tpu.memref_squeeze %dma_wait3A_479 : memref<1x100xi32, #tpu.memory_space<vmem>> -> memref<100xi32, #tpu.memory_space<vmem>>
        %dma_wait3A_481 = arith.constant 0 : i32
        %dma_wait3A_482 = arith.constant 0 : i32
        %dma_wait3A_483 = tpu.memref_slice %arg19[%dma_wait3A_481, %dma_wait3A_482] : memref<10240x64xf32, #tpu.memory_space<vmem_shared>> -> memref<10240x64xf32, #tpu.memory_space<vmem_shared>>
        tpu.wait_indirect_dma semaphore(%arg23 : memref<!tpu.dma_semaphore, #tpu.memory_space<semaphore_mem>>) src(%arg16 : memref<100x64xf32, #tpu.memory_space<vmem>>) dst(%dma_wait3A_483 : memref<10240x64xf32, #tpu.memory_space<vmem_shared>>)
        %add3A_484 = arith.constant 3 : i32
        %add3A_485 = arith.addi %sub3A_459, %add3A_484 : i32
        %dma_wait3A_486 = arith.constant 0 : i32
        %dma_wait3A_487 = tpu.memref_slice %arg8[%add3A_485, %dma_wait3A_486] : memref<100x100xi32, #tpu.memory_space<vmem>> -> memref<1x100xi32, #tpu.memory_space<vmem>>
        %dma_wait3A_488 = tpu.memref_squeeze %dma_wait3A_487 : memref<1x100xi32, #tpu.memory_space<vmem>> -> memref<100xi32, #tpu.memory_space<vmem>>
        %dma_wait3A_489 = arith.constant 0 : i32
        %dma_wait3A_490 = arith.constant 0 : i32
        %dma_wait3A_491 = tpu.memref_slice %arg19[%dma_wait3A_489, %dma_wait3A_490] : memref<10240x64xf32, #tpu.memory_space<vmem_shared>> -> memref<10240x64xf32, #tpu.memory_space<vmem_shared>>
        tpu.wait_indirect_dma semaphore(%arg23 : memref<!tpu.dma_semaphore, #tpu.memory_space<semaphore_mem>>) src(%arg17 : memref<100x64xf32, #tpu.memory_space<vmem>>) dst(%dma_wait3A_491 : memref<10240x64xf32, #tpu.memory_space<vmem_shared>>)
        %add3A_492 = arith.constant 4 : i32
        %add3A_493 = arith.addi %sub3A_459, %add3A_492 : i32
        %dma_wait3A_494 = arith.constant 0 : i32
        %dma_wait3A_495 = tpu.memref_slice %arg8[%add3A_493, %dma_wait3A_494] : memref<100x100xi32, #tpu.memory_space<vmem>> -> memref<1x100xi32, #tpu.memory_space<vmem>>
        %dma_wait3A_496 = tpu.memref_squeeze %dma_wait3A_495 : memref<1x100xi32, #tpu.memory_space<vmem>> -> memref<100xi32, #tpu.memory_space<vmem>>
        %dma_wait3A_497 = arith.constant 0 : i32
        %dma_wait3A_498 = arith.constant 0 : i32
        %dma_wait3A_499 = tpu.memref_slice %arg19[%dma_wait3A_497, %dma_wait3A_498] : memref<10240x64xf32, #tpu.memory_space<vmem_shared>> -> memref<10240x64xf32, #tpu.memory_space<vmem_shared>>
        tpu.wait_indirect_dma semaphore(%arg23 : memref<!tpu.dma_semaphore, #tpu.memory_space<semaphore_mem>>) src(%arg18 : memref<100x64xf32, #tpu.memory_space<vmem>>) dst(%dma_wait3A_499 : memref<10240x64xf32, #tpu.memory_space<vmem_shared>>)
      } else {
      }
      %add3A_229 = arith.constant 5 : i32
      %add3A_230 = arith.addi %mul3A_177, %add3A_229 : i32
      %add3A_231 = arith.constant 0 : i32
      %add3A_232 = arith.addi %add3A_230, %add3A_231 : i32
      %dma_start3A_233 = arith.constant 0 : i32
      %dma_start3A_234 = tpu.memref_slice %arg7[%add3A_232, %dma_start3A_233] : memref<100x100xi32, #tpu.memory_space<vmem>> -> memref<1x100xi32, #tpu.memory_space<vmem>>
      %dma_start3A_235 = tpu.memref_squeeze %dma_start3A_234 : memref<1x100xi32, #tpu.memory_space<vmem>> -> memref<100xi32, #tpu.memory_space<vmem>>
      %dma_start3A_236 = arith.constant 0 : i32
      %dma_start3A_237 = tpu.memref_slice %arg2[%arg0, %dma_start3A_236] : memref<20480x64xf32, #tpu.memory_space<hbm>> -> memref<20479x64xf32, #tpu.memory_space<hbm>>
      %dma_start3A_238 = arith.constant 0 : i32
      %dma_start3A_239 = arith.constant 0 : i32
      %dma_start3A_240 = tpu.memref_slice %dma_start3A_237[%dma_start3A_238, %dma_start3A_239] : memref<20479x64xf32, #tpu.memory_space<hbm>> -> memref<20479x64xf32, #tpu.memory_space<hbm>>
      tpu.enqueue_indirect_dma source(%dma_start3A_240 : memref<20479x64xf32, #tpu.memory_space<hbm>>) target(%arg14 : memref<100x64xf32, #tpu.memory_space<vmem>>) offsets(%dma_start3A_235 : memref<100xi32, #tpu.memory_space<vmem>>) semaphore(%arg21 : memref<!tpu.dma_semaphore, #tpu.memory_space<semaphore_mem>>)
      %add3A_241 = arith.constant 1 : i32
      %add3A_242 = arith.addi %add3A_230, %add3A_241 : i32
      %dma_start3A_243 = arith.constant 0 : i32
      %dma_start3A_244 = tpu.memref_slice %arg7[%add3A_242, %dma_start3A_243] : memref<100x100xi32, #tpu.memory_space<vmem>> -> memref<1x100xi32, #tpu.memory_space<vmem>>
      %dma_start3A_245 = tpu.memref_squeeze %dma_start3A_244 : memref<1x100xi32, #tpu.memory_space<vmem>> -> memref<100xi32, #tpu.memory_space<vmem>>
      %dma_start3A_246 = arith.constant 0 : i32
      %dma_start3A_247 = tpu.memref_slice %arg2[%arg0, %dma_start3A_246] : memref<20480x64xf32, #tpu.memory_space<hbm>> -> memref<20479x64xf32, #tpu.memory_space<hbm>>
      %dma_start3A_248 = arith.constant 0 : i32
      %dma_start3A_249 = arith.constant 0 : i32
      %dma_start3A_250 = tpu.memref_slice %dma_start3A_247[%dma_start3A_248, %dma_start3A_249] : memref<20479x64xf32, #tpu.memory_space<hbm>> -> memref<20479x64xf32, #tpu.memory_space<hbm>>
      tpu.enqueue_indirect_dma source(%dma_start3A_250 : memref<20479x64xf32, #tpu.memory_space<hbm>>) target(%arg15 : memref<100x64xf32, #tpu.memory_space<vmem>>) offsets(%dma_start3A_245 : memref<100xi32, #tpu.memory_space<vmem>>) semaphore(%arg21 : memref<!tpu.dma_semaphore, #tpu.memory_space<semaphore_mem>>)
      %add3A_251 = arith.constant 2 : i32
      %add3A_252 = arith.addi %add3A_230, %add3A_251 : i32
      %dma_start3A_253 = arith.constant 0 : i32
      %dma_start3A_254 = tpu.memref_slice %arg7[%add3A_252, %dma_start3A_253] : memref<100x100xi32, #tpu.memory_space<vmem>> -> memref<1x100xi32, #tpu.memory_space<vmem>>
      %dma_start3A_255 = tpu.memref_squeeze %dma_start3A_254 : memref<1x100xi32, #tpu.memory_space<vmem>> -> memref<100xi32, #tpu.memory_space<vmem>>
      %dma_start3A_256 = arith.constant 0 : i32
      %dma_start3A_257 = tpu.memref_slice %arg2[%arg0, %dma_start3A_256] : memref<20480x64xf32, #tpu.memory_space<hbm>> -> memref<20479x64xf32, #tpu.memory_space<hbm>>
      %dma_start3A_258 = arith.constant 0 : i32
      %dma_start3A_259 = arith.constant 0 : i32
      %dma_start3A_260 = tpu.memref_slice %dma_start3A_257[%dma_start3A_258, %dma_start3A_259] : memref<20479x64xf32, #tpu.memory_space<hbm>> -> memref<20479x64xf32, #tpu.memory_space<hbm>>
      tpu.enqueue_indirect_dma source(%dma_start3A_260 : memref<20479x64xf32, #tpu.memory_space<hbm>>) target(%arg16 : memref<100x64xf32, #tpu.memory_space<vmem>>) offsets(%dma_start3A_255 : memref<100xi32, #tpu.memory_space<vmem>>) semaphore(%arg21 : memref<!tpu.dma_semaphore, #tpu.memory_space<semaphore_mem>>)
      %add3A_261 = arith.constant 3 : i32
      %add3A_262 = arith.addi %add3A_230, %add3A_261 : i32
      %dma_start3A_263 = arith.constant 0 : i32
      %dma_start3A_264 = tpu.memref_slice %arg7[%add3A_262, %dma_start3A_263] : memref<100x100xi32, #tpu.memory_space<vmem>> -> memref<1x100xi32, #tpu.memory_space<vmem>>
      %dma_start3A_265 = tpu.memref_squeeze %dma_start3A_264 : memref<1x100xi32, #tpu.memory_space<vmem>> -> memref<100xi32, #tpu.memory_space<vmem>>
      %dma_start3A_266 = arith.constant 0 : i32
      %dma_start3A_267 = tpu.memref_slice %arg2[%arg0, %dma_start3A_266] : memref<20480x64xf32, #tpu.memory_space<hbm>> -> memref<20479x64xf32, #tpu.memory_space<hbm>>
      %dma_start3A_268 = arith.constant 0 : i32
      %dma_start3A_269 = arith.constant 0 : i32
      %dma_start3A_270 = tpu.memref_slice %dma_start3A_267[%dma_start3A_268, %dma_start3A_269] : memref<20479x64xf32, #tpu.memory_space<hbm>> -> memref<20479x64xf32, #tpu.memory_space<hbm>>
      tpu.enqueue_indirect_dma source(%dma_start3A_270 : memref<20479x64xf32, #tpu.memory_space<hbm>>) target(%arg17 : memref<100x64xf32, #tpu.memory_space<vmem>>) offsets(%dma_start3A_265 : memref<100xi32, #tpu.memory_space<vmem>>) semaphore(%arg21 : memref<!tpu.dma_semaphore, #tpu.memory_space<semaphore_mem>>)
      %add3A_271 = arith.constant 4 : i32
      %add3A_272 = arith.addi %add3A_230, %add3A_271 : i32
      %dma_start3A_273 = arith.constant 0 : i32
      %dma_start3A_274 = tpu.memref_slice %arg7[%add3A_272, %dma_start3A_273] : memref<100x100xi32, #tpu.memory_space<vmem>> -> memref<1x100xi32, #tpu.memory_space<vmem>>
      %dma_start3A_275 = tpu.memref_squeeze %dma_start3A_274 : memref<1x100xi32, #tpu.memory_space<vmem>> -> memref<100xi32, #tpu.memory_space<vmem>>
      %dma_start3A_276 = arith.constant 0 : i32
      %dma_start3A_277 = tpu.memref_slice %arg2[%arg0, %dma_start3A_276] : memref<20480x64xf32, #tpu.memory_space<hbm>> -> memref<20479x64xf32, #tpu.memory_space<hbm>>
      %dma_start3A_278 = arith.constant 0 : i32
      %dma_start3A_279 = arith.constant 0 : i32
      %dma_start3A_280 = tpu.memref_slice %dma_start3A_277[%dma_start3A_278, %dma_start3A_279] : memref<20479x64xf32, #tpu.memory_space<hbm>> -> memref<20479x64xf32, #tpu.memory_space<hbm>>
      tpu.enqueue_indirect_dma source(%dma_start3A_280 : memref<20479x64xf32, #tpu.memory_space<hbm>>) target(%arg18 : memref<100x64xf32, #tpu.memory_space<vmem>>) offsets(%dma_start3A_275 : memref<100xi32, #tpu.memory_space<vmem>>) semaphore(%arg21 : memref<!tpu.dma_semaphore, #tpu.memory_space<semaphore_mem>>)
      %add3A_281 = arith.constant 0 : i32
      %add3A_282 = arith.addi %mul3A_177, %add3A_281 : i32
      %dma_start3A_283 = arith.constant 0 : i32
      %dma_start3A_284 = tpu.memref_slice %arg8[%add3A_282, %dma_start3A_283] : memref<100x100xi32, #tpu.memory_space<vmem>> -> memref<1x100xi32, #tpu.memory_space<vmem>>
      %dma_start3A_285 = tpu.memref_squeeze %dma_start3A_284 : memref<1x100xi32, #tpu.memory_space<vmem>> -> memref<100xi32, #tpu.memory_space<vmem>>
      %dma_start3A_286 = arith.constant 0 : i32
      %dma_start3A_287 = arith.constant 0 : i32
      %dma_start3A_288 = tpu.memref_slice %arg19[%dma_start3A_286, %dma_start3A_287] : memref<10240x64xf32, #tpu.memory_space<vmem_shared>> -> memref<10240x64xf32, #tpu.memory_space<vmem_shared>>
      tpu.enqueue_indirect_dma source(%arg9 : memref<100x64xf32, #tpu.memory_space<vmem>>) target(%dma_start3A_288 : memref<10240x64xf32, #tpu.memory_space<vmem_shared>>) offsets(%dma_start3A_285 : memref<100xi32, #tpu.memory_space<vmem>>) semaphore(%arg22 : memref<!tpu.dma_semaphore, #tpu.memory_space<semaphore_mem>>) {add = true}
      %add3A_289 = arith.constant 1 : i32
      %add3A_290 = arith.addi %mul3A_177, %add3A_289 : i32
      %dma_start3A_291 = arith.constant 0 : i32
      %dma_start3A_292 = tpu.memref_slice %arg8[%add3A_290, %dma_start3A_291] : memref<100x100xi32, #tpu.memory_space<vmem>> -> memref<1x100xi32, #tpu.memory_space<vmem>>
      %dma_start3A_293 = tpu.memref_squeeze %dma_start3A_292 : memref<1x100xi32, #tpu.memory_space<vmem>> -> memref<100xi32, #tpu.memory_space<vmem>>
      %dma_start3A_294 = arith.constant 0 : i32
      %dma_start3A_295 = arith.constant 0 : i32
      %dma_start3A_296 = tpu.memref_slice %arg19[%dma_start3A_294, %dma_start3A_295] : memref<10240x64xf32, #tpu.memory_space<vmem_shared>> -> memref<10240x64xf32, #tpu.memory_space<vmem_shared>>
      tpu.enqueue_indirect_dma source(%arg10 : memref<100x64xf32, #tpu.memory_space<vmem>>) target(%dma_start3A_296 : memref<10240x64xf32, #tpu.memory_space<vmem_shared>>) offsets(%dma_start3A_293 : memref<100xi32, #tpu.memory_space<vmem>>) semaphore(%arg22 : memref<!tpu.dma_semaphore, #tpu.memory_space<semaphore_mem>>) {add = true}
      %add3A_297 = arith.constant 2 : i32
      %add3A_298 = arith.addi %mul3A_177, %add3A_297 : i32
      %dma_start3A_299 = arith.constant 0 : i32
      %dma_start3A_300 = tpu.memref_slice %arg8[%add3A_298, %dma_start3A_299] : memref<100x100xi32, #tpu.memory_space<vmem>> -> memref<1x100xi32, #tpu.memory_space<vmem>>
      %dma_start3A_301 = tpu.memref_squeeze %dma_start3A_300 : memref<1x100xi32, #tpu.memory_space<vmem>> -> memref<100xi32, #tpu.memory_space<vmem>>
      %dma_start3A_302 = arith.constant 0 : i32
      %dma_start3A_303 = arith.constant 0 : i32
      %dma_start3A_304 = tpu.memref_slice %arg19[%dma_start3A_302, %dma_start3A_303] : memref<10240x64xf32, #tpu.memory_space<vmem_shared>> -> memref<10240x64xf32, #tpu.memory_space<vmem_shared>>
      tpu.enqueue_indirect_dma source(%arg11 : memref<100x64xf32, #tpu.memory_space<vmem>>) target(%dma_start3A_304 : memref<10240x64xf32, #tpu.memory_space<vmem_shared>>) offsets(%dma_start3A_301 : memref<100xi32, #tpu.memory_space<vmem>>) semaphore(%arg22 : memref<!tpu.dma_semaphore, #tpu.memory_space<semaphore_mem>>) {add = true}
      %add3A_305 = arith.constant 3 : i32
      %add3A_306 = arith.addi %mul3A_177, %add3A_305 : i32
      %dma_start3A_307 = arith.constant 0 : i32
      %dma_start3A_308 = tpu.memref_slice %arg8[%add3A_306, %dma_start3A_307] : memref<100x100xi32, #tpu.memory_space<vmem>> -> memref<1x100xi32, #tpu.memory_space<vmem>>
      %dma_start3A_309 = tpu.memref_squeeze %dma_start3A_308 : memref<1x100xi32, #tpu.memory_space<vmem>> -> memref<100xi32, #tpu.memory_space<vmem>>
      %dma_start3A_310 = arith.constant 0 : i32
      %dma_start3A_311 = arith.constant 0 : i32
      %dma_start3A_312 = tpu.memref_slice %arg19[%dma_start3A_310, %dma_start3A_311] : memref<10240x64xf32, #tpu.memory_space<vmem_shared>> -> memref<10240x64xf32, #tpu.memory_space<vmem_shared>>
      tpu.enqueue_indirect_dma source(%arg12 : memref<100x64xf32, #tpu.memory_space<vmem>>) target(%dma_start3A_312 : memref<10240x64xf32, #tpu.memory_space<vmem_shared>>) offsets(%dma_start3A_309 : memref<100xi32, #tpu.memory_space<vmem>>) semaphore(%arg22 : memref<!tpu.dma_semaphore, #tpu.memory_space<semaphore_mem>>) {add = true}
      %add3A_313 = arith.constant 4 : i32
      %add3A_314 = arith.addi %mul3A_177, %add3A_313 : i32
      %dma_start3A_315 = arith.constant 0 : i32
      %dma_start3A_316 = tpu.memref_slice %arg8[%add3A_314, %dma_start3A_315] : memref<100x100xi32, #tpu.memory_space<vmem>> -> memref<1x100xi32, #tpu.memory_space<vmem>>
      %dma_start3A_317 = tpu.memref_squeeze %dma_start3A_316 : memref<1x100xi32, #tpu.memory_space<vmem>> -> memref<100xi32, #tpu.memory_space<vmem>>
      %dma_start3A_318 = arith.constant 0 : i32
      %dma_start3A_319 = arith.constant 0 : i32
      %dma_start3A_320 = tpu.memref_slice %arg19[%dma_start3A_318, %dma_start3A_319] : memref<10240x64xf32, #tpu.memory_space<vmem_shared>> -> memref<10240x64xf32, #tpu.memory_space<vmem_shared>>
      tpu.enqueue_indirect_dma source(%arg13 : memref<100x64xf32, #tpu.memory_space<vmem>>) target(%dma_start3A_320 : memref<10240x64xf32, #tpu.memory_space<vmem_shared>>) offsets(%dma_start3A_317 : memref<100xi32, #tpu.memory_space<vmem>>) semaphore(%arg22 : memref<!tpu.dma_semaphore, #tpu.memory_space<semaphore_mem>>) {add = true}
      %add3A_321 = arith.constant 5 : i32
      %add3A_322 = arith.addi %mul3A_177, %add3A_321 : i32
      %add3A_323 = arith.constant 0 : i32
      %add3A_324 = arith.addi %add3A_322, %add3A_323 : i32
      %dma_wait3A_325 = arith.constant 0 : i32
      %dma_wait3A_326 = tpu.memref_slice %arg7[%add3A_324, %dma_wait3A_325] : memref<100x100xi32, #tpu.memory_space<vmem>> -> memref<1x100xi32, #tpu.memory_space<vmem>>
      %dma_wait3A_327 = tpu.memref_squeeze %dma_wait3A_326 : memref<1x100xi32, #tpu.memory_space<vmem>> -> memref<100xi32, #tpu.memory_space<vmem>>
      %dma_wait3A_328 = arith.constant 0 : i32
      %dma_wait3A_329 = tpu.memref_slice %arg2[%arg0, %dma_wait3A_328] : memref<20480x64xf32, #tpu.memory_space<hbm>> -> memref<20479x64xf32, #tpu.memory_space<hbm>>
      %dma_wait3A_330 = arith.constant 0 : i32
      %dma_wait3A_331 = arith.constant 0 : i32
      %dma_wait3A_332 = tpu.memref_slice %dma_wait3A_329[%dma_wait3A_330, %dma_wait3A_331] : memref<20479x64xf32, #tpu.memory_space<hbm>> -> memref<20479x64xf32, #tpu.memory_space<hbm>>
      tpu.wait_indirect_dma semaphore(%arg21 : memref<!tpu.dma_semaphore, #tpu.memory_space<semaphore_mem>>) src(%dma_wait3A_332 : memref<20479x64xf32, #tpu.memory_space<hbm>>) dst(%arg14 : memref<100x64xf32, #tpu.memory_space<vmem>>)
      %add3A_333 = arith.constant 1 : i32
      %add3A_334 = arith.addi %add3A_322, %add3A_333 : i32
      %dma_wait3A_335 = arith.constant 0 : i32
      %dma_wait3A_336 = tpu.memref_slice %arg7[%add3A_334, %dma_wait3A_335] : memref<100x100xi32, #tpu.memory_space<vmem>> -> memref<1x100xi32, #tpu.memory_space<vmem>>
      %dma_wait3A_337 = tpu.memref_squeeze %dma_wait3A_336 : memref<1x100xi32, #tpu.memory_space<vmem>> -> memref<100xi32, #tpu.memory_space<vmem>>
      %dma_wait3A_338 = arith.constant 0 : i32
      %dma_wait3A_339 = tpu.memref_slice %arg2[%arg0, %dma_wait3A_338] : memref<20480x64xf32, #tpu.memory_space<hbm>> -> memref<20479x64xf32, #tpu.memory_space<hbm>>
      %dma_wait3A_340 = arith.constant 0 : i32
      %dma_wait3A_341 = arith.constant 0 : i32
      %dma_wait3A_342 = tpu.memref_slice %dma_wait3A_339[%dma_wait3A_340, %dma_wait3A_341] : memref<20479x64xf32, #tpu.memory_space<hbm>> -> memref<20479x64xf32, #tpu.memory_space<hbm>>
      tpu.wait_indirect_dma semaphore(%arg21 : memref<!tpu.dma_semaphore, #tpu.memory_space<semaphore_mem>>) src(%dma_wait3A_342 : memref<20479x64xf32, #tpu.memory_space<hbm>>) dst(%arg15 : memref<100x64xf32, #tpu.memory_space<vmem>>)
      %add3A_343 = arith.constant 2 : i32
      %add3A_344 = arith.addi %add3A_322, %add3A_343 : i32
      %dma_wait3A_345 = arith.constant 0 : i32
      %dma_wait3A_346 = tpu.memref_slice %arg7[%add3A_344, %dma_wait3A_345] : memref<100x100xi32, #tpu.memory_space<vmem>> -> memref<1x100xi32, #tpu.memory_space<vmem>>
      %dma_wait3A_347 = tpu.memref_squeeze %dma_wait3A_346 : memref<1x100xi32, #tpu.memory_space<vmem>> -> memref<100xi32, #tpu.memory_space<vmem>>
      %dma_wait3A_348 = arith.constant 0 : i32
      %dma_wait3A_349 = tpu.memref_slice %arg2[%arg0, %dma_wait3A_348] : memref<20480x64xf32, #tpu.memory_space<hbm>> -> memref<20479x64xf32, #tpu.memory_space<hbm>>
      %dma_wait3A_350 = arith.constant 0 : i32
      %dma_wait3A_351 = arith.constant 0 : i32
      %dma_wait3A_352 = tpu.memref_slice %dma_wait3A_349[%dma_wait3A_350, %dma_wait3A_351] : memref<20479x64xf32, #tpu.memory_space<hbm>> -> memref<20479x64xf32, #tpu.memory_space<hbm>>
      tpu.wait_indirect_dma semaphore(%arg21 : memref<!tpu.dma_semaphore, #tpu.memory_space<semaphore_mem>>) src(%dma_wait3A_352 : memref<20479x64xf32, #tpu.memory_space<hbm>>) dst(%arg16 : memref<100x64xf32, #tpu.memory_space<vmem>>)
      %add3A_353 = arith.constant 3 : i32
      %add3A_354 = arith.addi %add3A_322, %add3A_353 : i32
      %dma_wait3A_355 = arith.constant 0 : i32
      %dma_wait3A_356 = tpu.memref_slice %arg7[%add3A_354, %dma_wait3A_355] : memref<100x100xi32, #tpu.memory_space<vmem>> -> memref<1x100xi32, #tpu.memory_space<vmem>>
      %dma_wait3A_357 = tpu.memref_squeeze %dma_wait3A_356 : memref<1x100xi32, #tpu.memory_space<vmem>> -> memref<100xi32, #tpu.memory_space<vmem>>
      %dma_wait3A_358 = arith.constant 0 : i32
      %dma_wait3A_359 = tpu.memref_slice %arg2[%arg0, %dma_wait3A_358] : memref<20480x64xf32, #tpu.memory_space<hbm>> -> memref<20479x64xf32, #tpu.memory_space<hbm>>
      %dma_wait3A_360 = arith.constant 0 : i32
      %dma_wait3A_361 = arith.constant 0 : i32
      %dma_wait3A_362 = tpu.memref_slice %dma_wait3A_359[%dma_wait3A_360, %dma_wait3A_361] : memref<20479x64xf32, #tpu.memory_space<hbm>> -> memref<20479x64xf32, #tpu.memory_space<hbm>>
      tpu.wait_indirect_dma semaphore(%arg21 : memref<!tpu.dma_semaphore, #tpu.memory_space<semaphore_mem>>) src(%dma_wait3A_362 : memref<20479x64xf32, #tpu.memory_space<hbm>>) dst(%arg17 : memref<100x64xf32, #tpu.memory_space<vmem>>)
      %add3A_363 = arith.constant 4 : i32
      %add3A_364 = arith.addi %add3A_322, %add3A_363 : i32
      %dma_wait3A_365 = arith.constant 0 : i32
      %dma_wait3A_366 = tpu.memref_slice %arg7[%add3A_364, %dma_wait3A_365] : memref<100x100xi32, #tpu.memory_space<vmem>> -> memref<1x100xi32, #tpu.memory_space<vmem>>
      %dma_wait3A_367 = tpu.memref_squeeze %dma_wait3A_366 : memref<1x100xi32, #tpu.memory_space<vmem>> -> memref<100xi32, #tpu.memory_space<vmem>>
      %dma_wait3A_368 = arith.constant 0 : i32
      %dma_wait3A_369 = tpu.memref_slice %arg2[%arg0, %dma_wait3A_368] : memref<20480x64xf32, #tpu.memory_space<hbm>> -> memref<20479x64xf32, #tpu.memory_space<hbm>>
      %dma_wait3A_370 = arith.constant 0 : i32
      %dma_wait3A_371 = arith.constant 0 : i32
      %dma_wait3A_372 = tpu.memref_slice %dma_wait3A_369[%dma_wait3A_370, %dma_wait3A_371] : memref<20479x64xf32, #tpu.memory_space<hbm>> -> memref<20479x64xf32, #tpu.memory_space<hbm>>
      tpu.wait_indirect_dma semaphore(%arg21 : memref<!tpu.dma_semaphore, #tpu.memory_space<semaphore_mem>>) src(%dma_wait3A_372 : memref<20479x64xf32, #tpu.memory_space<hbm>>) dst(%arg18 : memref<100x64xf32, #tpu.memory_space<vmem>>)
      %add3A_373 = arith.constant 0 : i32
      %add3A_374 = arith.addi %mul3A_177, %add3A_373 : i32
      %dma_wait3A_375 = arith.constant 0 : i32
      %dma_wait3A_376 = tpu.memref_slice %arg8[%add3A_374, %dma_wait3A_375] : memref<100x100xi32, #tpu.memory_space<vmem>> -> memref<1x100xi32, #tpu.memory_space<vmem>>
      %dma_wait3A_377 = tpu.memref_squeeze %dma_wait3A_376 : memref<1x100xi32, #tpu.memory_space<vmem>> -> memref<100xi32, #tpu.memory_space<vmem>>
      %dma_wait3A_378 = arith.constant 0 : i32
      %dma_wait3A_379 = arith.constant 0 : i32
      %dma_wait3A_380 = tpu.memref_slice %arg19[%dma_wait3A_378, %dma_wait3A_379] : memref<10240x64xf32, #tpu.memory_space<vmem_shared>> -> memref<10240x64xf32, #tpu.memory_space<vmem_shared>>
      tpu.wait_indirect_dma semaphore(%arg22 : memref<!tpu.dma_semaphore, #tpu.memory_space<semaphore_mem>>) src(%arg9 : memref<100x64xf32, #tpu.memory_space<vmem>>) dst(%dma_wait3A_380 : memref<10240x64xf32, #tpu.memory_space<vmem_shared>>)
      %add3A_381 = arith.constant 1 : i32
      %add3A_382 = arith.addi %mul3A_177, %add3A_381 : i32
      %dma_wait3A_383 = arith.constant 0 : i32
      %dma_wait3A_384 = tpu.memref_slice %arg8[%add3A_382, %dma_wait3A_383] : memref<100x100xi32, #tpu.memory_space<vmem>> -> memref<1x100xi32, #tpu.memory_space<vmem>>
      %dma_wait3A_385 = tpu.memref_squeeze %dma_wait3A_384 : memref<1x100xi32, #tpu.memory_space<vmem>> -> memref<100xi32, #tpu.memory_space<vmem>>
      %dma_wait3A_386 = arith.constant 0 : i32
      %dma_wait3A_387 = arith.constant 0 : i32
      %dma_wait3A_388 = tpu.memref_slice %arg19[%dma_wait3A_386, %dma_wait3A_387] : memref<10240x64xf32, #tpu.memory_space<vmem_shared>> -> memref<10240x64xf32, #tpu.memory_space<vmem_shared>>
      tpu.wait_indirect_dma semaphore(%arg22 : memref<!tpu.dma_semaphore, #tpu.memory_space<semaphore_mem>>) src(%arg10 : memref<100x64xf32, #tpu.memory_space<vmem>>) dst(%dma_wait3A_388 : memref<10240x64xf32, #tpu.memory_space<vmem_shared>>)
      %add3A_389 = arith.constant 2 : i32
      %add3A_390 = arith.addi %mul3A_177, %add3A_389 : i32
      %dma_wait3A_391 = arith.constant 0 : i32
      %dma_wait3A_392 = tpu.memref_slice %arg8[%add3A_390, %dma_wait3A_391] : memref<100x100xi32, #tpu.memory_space<vmem>> -> memref<1x100xi32, #tpu.memory_space<vmem>>
      %dma_wait3A_393 = tpu.memref_squeeze %dma_wait3A_392 : memref<1x100xi32, #tpu.memory_space<vmem>> -> memref<100xi32, #tpu.memory_space<vmem>>
      %dma_wait3A_394 = arith.constant 0 : i32
      %dma_wait3A_395 = arith.constant 0 : i32
      %dma_wait3A_396 = tpu.memref_slice %arg19[%dma_wait3A_394, %dma_wait3A_395] : memref<10240x64xf32, #tpu.memory_space<vmem_shared>> -> memref<10240x64xf32, #tpu.memory_space<vmem_shared>>
      tpu.wait_indirect_dma semaphore(%arg22 : memref<!tpu.dma_semaphore, #tpu.memory_space<semaphore_mem>>) src(%arg11 : memref<100x64xf32, #tpu.memory_space<vmem>>) dst(%dma_wait3A_396 : memref<10240x64xf32, #tpu.memory_space<vmem_shared>>)
      %add3A_397 = arith.constant 3 : i32
      %add3A_398 = arith.addi %mul3A_177, %add3A_397 : i32
      %dma_wait3A_399 = arith.constant 0 : i32
      %dma_wait3A_400 = tpu.memref_slice %arg8[%add3A_398, %dma_wait3A_399] : memref<100x100xi32, #tpu.memory_space<vmem>> -> memref<1x100xi32, #tpu.memory_space<vmem>>
      %dma_wait3A_401 = tpu.memref_squeeze %dma_wait3A_400 : memref<1x100xi32, #tpu.memory_space<vmem>> -> memref<100xi32, #tpu.memory_space<vmem>>
      %dma_wait3A_402 = arith.constant 0 : i32
      %dma_wait3A_403 = arith.constant 0 : i32
      %dma_wait3A_404 = tpu.memref_slice %arg19[%dma_wait3A_402, %dma_wait3A_403] : memref<10240x64xf32, #tpu.memory_space<vmem_shared>> -> memref<10240x64xf32, #tpu.memory_space<vmem_shared>>
      tpu.wait_indirect_dma semaphore(%arg22 : memref<!tpu.dma_semaphore, #tpu.memory_space<semaphore_mem>>) src(%arg12 : memref<100x64xf32, #tpu.memory_space<vmem>>) dst(%dma_wait3A_404 : memref<10240x64xf32, #tpu.memory_space<vmem_shared>>)
      %add3A_405 = arith.constant 4 : i32
      %add3A_406 = arith.addi %mul3A_177, %add3A_405 : i32
      %dma_wait3A_407 = arith.constant 0 : i32
      %dma_wait3A_408 = tpu.memref_slice %arg8[%add3A_406, %dma_wait3A_407] : memref<100x100xi32, #tpu.memory_space<vmem>> -> memref<1x100xi32, #tpu.memory_space<vmem>>
      %dma_wait3A_409 = tpu.memref_squeeze %dma_wait3A_408 : memref<1x100xi32, #tpu.memory_space<vmem>> -> memref<100xi32, #tpu.memory_space<vmem>>
      %dma_wait3A_410 = arith.constant 0 : i32
      %dma_wait3A_411 = arith.constant 0 : i32
      %dma_wait3A_412 = tpu.memref_slice %arg19[%dma_wait3A_410, %dma_wait3A_411] : memref<10240x64xf32, #tpu.memory_space<vmem_shared>> -> memref<10240x64xf32, #tpu.memory_space<vmem_shared>>
      tpu.wait_indirect_dma semaphore(%arg22 : memref<!tpu.dma_semaphore, #tpu.memory_space<semaphore_mem>>) src(%arg13 : memref<100x64xf32, #tpu.memory_space<vmem>>) dst(%dma_wait3A_412 : memref<10240x64xf32, #tpu.memory_space<vmem_shared>>)
      %lt3A = arith.constant 9 : i32
      %lt3A_413 = arith.cmpi slt, %scan3A_173, %lt3A : i32
      %convert_element_type3A_414 = arith.extui %lt3A_413 : i1 to i32
      %cond3A_415 = arith.constant 0 : i32
      %cond3A_416 = arith.cmpi ne, %convert_element_type3A_414, %cond3A_415 : i32
      scf.if %cond3A_416 {
        %add3A_459 = arith.constant 10 : i32
        %add3A_460 = arith.addi %mul3A_177, %add3A_459 : i32
        %add3A_461 = arith.constant 0 : i32
        %add3A_462 = arith.addi %add3A_460, %add3A_461 : i32
        %dma_start3A_463 = arith.constant 0 : i32
        %dma_start3A_464 = tpu.memref_slice %arg7[%add3A_462, %dma_start3A_463] : memref<100x100xi32, #tpu.memory_space<vmem>> -> memref<1x100xi32, #tpu.memory_space<vmem>>
        %dma_start3A_465 = tpu.memref_squeeze %dma_start3A_464 : memref<1x100xi32, #tpu.memory_space<vmem>> -> memref<100xi32, #tpu.memory_space<vmem>>
        %dma_start3A_466 = arith.constant 0 : i32
        %dma_start3A_467 = tpu.memref_slice %arg2[%arg0, %dma_start3A_466] : memref<20480x64xf32, #tpu.memory_space<hbm>> -> memref<20479x64xf32, #tpu.memory_space<hbm>>
        %dma_start3A_468 = arith.constant 0 : i32
        %dma_start3A_469 = arith.constant 0 : i32
        %dma_start3A_470 = tpu.memref_slice %dma_start3A_467[%dma_start3A_468, %dma_start3A_469] : memref<20479x64xf32, #tpu.memory_space<hbm>> -> memref<20479x64xf32, #tpu.memory_space<hbm>>
        tpu.enqueue_indirect_dma source(%dma_start3A_470 : memref<20479x64xf32, #tpu.memory_space<hbm>>) target(%arg9 : memref<100x64xf32, #tpu.memory_space<vmem>>) offsets(%dma_start3A_465 : memref<100xi32, #tpu.memory_space<vmem>>) semaphore(%arg20 : memref<!tpu.dma_semaphore, #tpu.memory_space<semaphore_mem>>)
        %add3A_471 = arith.constant 1 : i32
        %add3A_472 = arith.addi %add3A_460, %add3A_471 : i32
        %dma_start3A_473 = arith.constant 0 : i32
        %dma_start3A_474 = tpu.memref_slice %arg7[%add3A_472, %dma_start3A_473] : memref<100x100xi32, #tpu.memory_space<vmem>> -> memref<1x100xi32, #tpu.memory_space<vmem>>
        %dma_start3A_475 = tpu.memref_squeeze %dma_start3A_474 : memref<1x100xi32, #tpu.memory_space<vmem>> -> memref<100xi32, #tpu.memory_space<vmem>>
        %dma_start3A_476 = arith.constant 0 : i32
        %dma_start3A_477 = tpu.memref_slice %arg2[%arg0, %dma_start3A_476] : memref<20480x64xf32, #tpu.memory_space<hbm>> -> memref<20479x64xf32, #tpu.memory_space<hbm>>
        %dma_start3A_478 = arith.constant 0 : i32
        %dma_start3A_479 = arith.constant 0 : i32
        %dma_start3A_480 = tpu.memref_slice %dma_start3A_477[%dma_start3A_478, %dma_start3A_479] : memref<20479x64xf32, #tpu.memory_space<hbm>> -> memref<20479x64xf32, #tpu.memory_space<hbm>>
        tpu.enqueue_indirect_dma source(%dma_start3A_480 : memref<20479x64xf32, #tpu.memory_space<hbm>>) target(%arg10 : memref<100x64xf32, #tpu.memory_space<vmem>>) offsets(%dma_start3A_475 : memref<100xi32, #tpu.memory_space<vmem>>) semaphore(%arg20 : memref<!tpu.dma_semaphore, #tpu.memory_space<semaphore_mem>>)
        %add3A_481 = arith.constant 2 : i32
        %add3A_482 = arith.addi %add3A_460, %add3A_481 : i32
        %dma_start3A_483 = arith.constant 0 : i32
        %dma_start3A_484 = tpu.memref_slice %arg7[%add3A_482, %dma_start3A_483] : memref<100x100xi32, #tpu.memory_space<vmem>> -> memref<1x100xi32, #tpu.memory_space<vmem>>
        %dma_start3A_485 = tpu.memref_squeeze %dma_start3A_484 : memref<1x100xi32, #tpu.memory_space<vmem>> -> memref<100xi32, #tpu.memory_space<vmem>>
        %dma_start3A_486 = arith.constant 0 : i32
        %dma_start3A_487 = tpu.memref_slice %arg2[%arg0, %dma_start3A_486] : memref<20480x64xf32, #tpu.memory_space<hbm>> -> memref<20479x64xf32, #tpu.memory_space<hbm>>
        %dma_start3A_488 = arith.constant 0 : i32
        %dma_start3A_489 = arith.constant 0 : i32
        %dma_start3A_490 = tpu.memref_slice %dma_start3A_487[%dma_start3A_488, %dma_start3A_489] : memref<20479x64xf32, #tpu.memory_space<hbm>> -> memref<20479x64xf32, #tpu.memory_space<hbm>>
        tpu.enqueue_indirect_dma source(%dma_start3A_490 : memref<20479x64xf32, #tpu.memory_space<hbm>>) target(%arg11 : memref<100x64xf32, #tpu.memory_space<vmem>>) offsets(%dma_start3A_485 : memref<100xi32, #tpu.memory_space<vmem>>) semaphore(%arg20 : memref<!tpu.dma_semaphore, #tpu.memory_space<semaphore_mem>>)
        %add3A_491 = arith.constant 3 : i32
        %add3A_492 = arith.addi %add3A_460, %add3A_491 : i32
        %dma_start3A_493 = arith.constant 0 : i32
        %dma_start3A_494 = tpu.memref_slice %arg7[%add3A_492, %dma_start3A_493] : memref<100x100xi32, #tpu.memory_space<vmem>> -> memref<1x100xi32, #tpu.memory_space<vmem>>
        %dma_start3A_495 = tpu.memref_squeeze %dma_start3A_494 : memref<1x100xi32, #tpu.memory_space<vmem>> -> memref<100xi32, #tpu.memory_space<vmem>>
        %dma_start3A_496 = arith.constant 0 : i32
        %dma_start3A_497 = tpu.memref_slice %arg2[%arg0, %dma_start3A_496] : memref<20480x64xf32, #tpu.memory_space<hbm>> -> memref<20479x64xf32, #tpu.memory_space<hbm>>
        %dma_start3A_498 = arith.constant 0 : i32
        %dma_start3A_499 = arith.constant 0 : i32
        %dma_start3A_500 = tpu.memref_slice %dma_start3A_497[%dma_start3A_498, %dma_start3A_499] : memref<20479x64xf32, #tpu.memory_space<hbm>> -> memref<20479x64xf32, #tpu.memory_space<hbm>>
        tpu.enqueue_indirect_dma source(%dma_start3A_500 : memref<20479x64xf32, #tpu.memory_space<hbm>>) target(%arg12 : memref<100x64xf32, #tpu.memory_space<vmem>>) offsets(%dma_start3A_495 : memref<100xi32, #tpu.memory_space<vmem>>) semaphore(%arg20 : memref<!tpu.dma_semaphore, #tpu.memory_space<semaphore_mem>>)
        %add3A_501 = arith.constant 4 : i32
        %add3A_502 = arith.addi %add3A_460, %add3A_501 : i32
        %dma_start3A_503 = arith.constant 0 : i32
        %dma_start3A_504 = tpu.memref_slice %arg7[%add3A_502, %dma_start3A_503] : memref<100x100xi32, #tpu.memory_space<vmem>> -> memref<1x100xi32, #tpu.memory_space<vmem>>
        %dma_start3A_505 = tpu.memref_squeeze %dma_start3A_504 : memref<1x100xi32, #tpu.memory_space<vmem>> -> memref<100xi32, #tpu.memory_space<vmem>>
        %dma_start3A_506 = arith.constant 0 : i32
        %dma_start3A_507 = tpu.memref_slice %arg2[%arg0, %dma_start3A_506] : memref<20480x64xf32, #tpu.memory_space<hbm>> -> memref<20479x64xf32, #tpu.memory_space<hbm>>
        %dma_start3A_508 = arith.constant 0 : i32
        %dma_start3A_509 = arith.constant 0 : i32
        %dma_start3A_510 = tpu.memref_slice %dma_start3A_507[%dma_start3A_508, %dma_start3A_509] : memref<20479x64xf32, #tpu.memory_space<hbm>> -> memref<20479x64xf32, #tpu.memory_space<hbm>>
        tpu.enqueue_indirect_dma source(%dma_start3A_510 : memref<20479x64xf32, #tpu.memory_space<hbm>>) target(%arg13 : memref<100x64xf32, #tpu.memory_space<vmem>>) offsets(%dma_start3A_505 : memref<100xi32, #tpu.memory_space<vmem>>) semaphore(%arg20 : memref<!tpu.dma_semaphore, #tpu.memory_space<semaphore_mem>>)
      } else {
      }
      %add3A_417 = arith.constant 5 : i32
      %add3A_418 = arith.addi %mul3A_177, %add3A_417 : i32
      %add3A_419 = arith.constant 0 : i32
      %add3A_420 = arith.addi %add3A_418, %add3A_419 : i32
      %dma_start3A_421 = arith.constant 0 : i32
      %dma_start3A_422 = tpu.memref_slice %arg8[%add3A_420, %dma_start3A_421] : memref<100x100xi32, #tpu.memory_space<vmem>> -> memref<1x100xi32, #tpu.memory_space<vmem>>
      %dma_start3A_423 = tpu.memref_squeeze %dma_start3A_422 : memref<1x100xi32, #tpu.memory_space<vmem>> -> memref<100xi32, #tpu.memory_space<vmem>>
      %dma_start3A_424 = arith.constant 0 : i32
      %dma_start3A_425 = arith.constant 0 : i32
      %dma_start3A_426 = tpu.memref_slice %arg19[%dma_start3A_424, %dma_start3A_425] : memref<10240x64xf32, #tpu.memory_space<vmem_shared>> -> memref<10240x64xf32, #tpu.memory_space<vmem_shared>>
      tpu.enqueue_indirect_dma source(%arg14 : memref<100x64xf32, #tpu.memory_space<vmem>>) target(%dma_start3A_426 : memref<10240x64xf32, #tpu.memory_space<vmem_shared>>) offsets(%dma_start3A_423 : memref<100xi32, #tpu.memory_space<vmem>>) semaphore(%arg23 : memref<!tpu.dma_semaphore, #tpu.memory_space<semaphore_mem>>) {add = true}
      %add3A_427 = arith.constant 1 : i32
      %add3A_428 = arith.addi %add3A_418, %add3A_427 : i32
      %dma_start3A_429 = arith.constant 0 : i32
      %dma_start3A_430 = tpu.memref_slice %arg8[%add3A_428, %dma_start3A_429] : memref<100x100xi32, #tpu.memory_space<vmem>> -> memref<1x100xi32, #tpu.memory_space<vmem>>
      %dma_start3A_431 = tpu.memref_squeeze %dma_start3A_430 : memref<1x100xi32, #tpu.memory_space<vmem>> -> memref<100xi32, #tpu.memory_space<vmem>>
      %dma_start3A_432 = arith.constant 0 : i32
      %dma_start3A_433 = arith.constant 0 : i32
      %dma_start3A_434 = tpu.memref_slice %arg19[%dma_start3A_432, %dma_start3A_433] : memref<10240x64xf32, #tpu.memory_space<vmem_shared>> -> memref<10240x64xf32, #tpu.memory_space<vmem_shared>>
      tpu.enqueue_indirect_dma source(%arg15 : memref<100x64xf32, #tpu.memory_space<vmem>>) target(%dma_start3A_434 : memref<10240x64xf32, #tpu.memory_space<vmem_shared>>) offsets(%dma_start3A_431 : memref<100xi32, #tpu.memory_space<vmem>>) semaphore(%arg23 : memref<!tpu.dma_semaphore, #tpu.memory_space<semaphore_mem>>) {add = true}
      %add3A_435 = arith.constant 2 : i32
      %add3A_436 = arith.addi %add3A_418, %add3A_435 : i32
      %dma_start3A_437 = arith.constant 0 : i32
      %dma_start3A_438 = tpu.memref_slice %arg8[%add3A_436, %dma_start3A_437] : memref<100x100xi32, #tpu.memory_space<vmem>> -> memref<1x100xi32, #tpu.memory_space<vmem>>
      %dma_start3A_439 = tpu.memref_squeeze %dma_start3A_438 : memref<1x100xi32, #tpu.memory_space<vmem>> -> memref<100xi32, #tpu.memory_space<vmem>>
      %dma_start3A_440 = arith.constant 0 : i32
      %dma_start3A_441 = arith.constant 0 : i32
      %dma_start3A_442 = tpu.memref_slice %arg19[%dma_start3A_440, %dma_start3A_441] : memref<10240x64xf32, #tpu.memory_space<vmem_shared>> -> memref<10240x64xf32, #tpu.memory_space<vmem_shared>>
      tpu.enqueue_indirect_dma source(%arg16 : memref<100x64xf32, #tpu.memory_space<vmem>>) target(%dma_start3A_442 : memref<10240x64xf32, #tpu.memory_space<vmem_shared>>) offsets(%dma_start3A_439 : memref<100xi32, #tpu.memory_space<vmem>>) semaphore(%arg23 : memref<!tpu.dma_semaphore, #tpu.memory_space<semaphore_mem>>) {add = true}
      %add3A_443 = arith.constant 3 : i32
      %add3A_444 = arith.addi %add3A_418, %add3A_443 : i32
      %dma_start3A_445 = arith.constant 0 : i32
      %dma_start3A_446 = tpu.memref_slice %arg8[%add3A_444, %dma_start3A_445] : memref<100x100xi32, #tpu.memory_space<vmem>> -> memref<1x100xi32, #tpu.memory_space<vmem>>
      %dma_start3A_447 = tpu.memref_squeeze %dma_start3A_446 : memref<1x100xi32, #tpu.memory_space<vmem>> -> memref<100xi32, #tpu.memory_space<vmem>>
      %dma_start3A_448 = arith.constant 0 : i32
      %dma_start3A_449 = arith.constant 0 : i32
      %dma_start3A_450 = tpu.memref_slice %arg19[%dma_start3A_448, %dma_start3A_449] : memref<10240x64xf32, #tpu.memory_space<vmem_shared>> -> memref<10240x64xf32, #tpu.memory_space<vmem_shared>>
      tpu.enqueue_indirect_dma source(%arg17 : memref<100x64xf32, #tpu.memory_space<vmem>>) target(%dma_start3A_450 : memref<10240x64xf32, #tpu.memory_space<vmem_shared>>) offsets(%dma_start3A_447 : memref<100xi32, #tpu.memory_space<vmem>>) semaphore(%arg23 : memref<!tpu.dma_semaphore, #tpu.memory_space<semaphore_mem>>) {add = true}
      %add3A_451 = arith.constant 4 : i32
      %add3A_452 = arith.addi %add3A_418, %add3A_451 : i32
      %dma_start3A_453 = arith.constant 0 : i32
      %dma_start3A_454 = tpu.memref_slice %arg8[%add3A_452, %dma_start3A_453] : memref<100x100xi32, #tpu.memory_space<vmem>> -> memref<1x100xi32, #tpu.memory_space<vmem>>
      %dma_start3A_455 = tpu.memref_squeeze %dma_start3A_454 : memref<1x100xi32, #tpu.memory_space<vmem>> -> memref<100xi32, #tpu.memory_space<vmem>>
      %dma_start3A_456 = arith.constant 0 : i32
      %dma_start3A_457 = arith.constant 0 : i32
      %dma_start3A_458 = tpu.memref_slice %arg19[%dma_start3A_456, %dma_start3A_457] : memref<10240x64xf32, #tpu.memory_space<vmem_shared>> -> memref<10240x64xf32, #tpu.memory_space<vmem_shared>>
      tpu.enqueue_indirect_dma source(%arg18 : memref<100x64xf32, #tpu.memory_space<vmem>>) target(%dma_start3A_458 : memref<10240x64xf32, #tpu.memory_space<vmem_shared>>) offsets(%dma_start3A_455 : memref<100xi32, #tpu.memory_space<vmem>>) semaphore(%arg23 : memref<!tpu.dma_semaphore, #tpu.memory_space<semaphore_mem>>) {add = true}
    }
    %scan3A_49 = arith.constant 10 : i32
    %dma_wait3A = arith.constant 95 : i32
    %dma_wait3A_50 = arith.constant 0 : i32
    %dma_wait3A_51 = tpu.memref_slice %arg8[%dma_wait3A, %dma_wait3A_50] : memref<100x100xi32, #tpu.memory_space<vmem>> -> memref<1x100xi32, #tpu.memory_space<vmem>>
    %dma_wait3A_52 = tpu.memref_squeeze %dma_wait3A_51 : memref<1x100xi32, #tpu.memory_space<vmem>> -> memref<100xi32, #tpu.memory_space<vmem>>
    %dma_wait3A_53 = arith.constant 0 : i32
    %dma_wait3A_54 = arith.constant 0 : i32
    %dma_wait3A_55 = tpu.memref_slice %arg19[%dma_wait3A_53, %dma_wait3A_54] : memref<10240x64xf32, #tpu.memory_space<vmem_shared>> -> memref<10240x64xf32, #tpu.memory_space<vmem_shared>>
    tpu.wait_indirect_dma semaphore(%arg23 : memref<!tpu.dma_semaphore, #tpu.memory_space<semaphore_mem>>) src(%arg14 : memref<100x64xf32, #tpu.memory_space<vmem>>) dst(%dma_wait3A_55 : memref<10240x64xf32, #tpu.memory_space<vmem_shared>>)
    %dma_wait3A_56 = arith.constant 96 : i32
    %dma_wait3A_57 = arith.constant 0 : i32
    %dma_wait3A_58 = tpu.memref_slice %arg8[%dma_wait3A_56, %dma_wait3A_57] : memref<100x100xi32, #tpu.memory_space<vmem>> -> memref<1x100xi32, #tpu.memory_space<vmem>>
    %dma_wait3A_59 = tpu.memref_squeeze %dma_wait3A_58 : memref<1x100xi32, #tpu.memory_space<vmem>> -> memref<100xi32, #tpu.memory_space<vmem>>
    %dma_wait3A_60 = arith.constant 0 : i32
    %dma_wait3A_61 = arith.constant 0 : i32
    %dma_wait3A_62 = tpu.memref_slice %arg19[%dma_wait3A_60, %dma_wait3A_61] : memref<10240x64xf32, #tpu.memory_space<vmem_shared>> -> memref<10240x64xf32, #tpu.memory_space<vmem_shared>>
    tpu.wait_indirect_dma semaphore(%arg23 : memref<!tpu.dma_semaphore, #tpu.memory_space<semaphore_mem>>) src(%arg15 : memref<100x64xf32, #tpu.memory_space<vmem>>) dst(%dma_wait3A_62 : memref<10240x64xf32, #tpu.memory_space<vmem_shared>>)
    %dma_wait3A_63 = arith.constant 97 : i32
    %dma_wait3A_64 = arith.constant 0 : i32
    %dma_wait3A_65 = tpu.memref_slice %arg8[%dma_wait3A_63, %dma_wait3A_64] : memref<100x100xi32, #tpu.memory_space<vmem>> -> memref<1x100xi32, #tpu.memory_space<vmem>>
    %dma_wait3A_66 = tpu.memref_squeeze %dma_wait3A_65 : memref<1x100xi32, #tpu.memory_space<vmem>> -> memref<100xi32, #tpu.memory_space<vmem>>
    %dma_wait3A_67 = arith.constant 0 : i32
    %dma_wait3A_68 = arith.constant 0 : i32
    %dma_wait3A_69 = tpu.memref_slice %arg19[%dma_wait3A_67, %dma_wait3A_68] : memref<10240x64xf32, #tpu.memory_space<vmem_shared>> -> memref<10240x64xf32, #tpu.memory_space<vmem_shared>>
    tpu.wait_indirect_dma semaphore(%arg23 : memref<!tpu.dma_semaphore, #tpu.memory_space<semaphore_mem>>) src(%arg16 : memref<100x64xf32, #tpu.memory_space<vmem>>) dst(%dma_wait3A_69 : memref<10240x64xf32, #tpu.memory_space<vmem_shared>>)
    %dma_wait3A_70 = arith.constant 98 : i32
    %dma_wait3A_71 = arith.constant 0 : i32
    %dma_wait3A_72 = tpu.memref_slice %arg8[%dma_wait3A_70, %dma_wait3A_71] : memref<100x100xi32, #tpu.memory_space<vmem>> -> memref<1x100xi32, #tpu.memory_space<vmem>>
    %dma_wait3A_73 = tpu.memref_squeeze %dma_wait3A_72 : memref<1x100xi32, #tpu.memory_space<vmem>> -> memref<100xi32, #tpu.memory_space<vmem>>
    %dma_wait3A_74 = arith.constant 0 : i32
    %dma_wait3A_75 = arith.constant 0 : i32
    %dma_wait3A_76 = tpu.memref_slice %arg19[%dma_wait3A_74, %dma_wait3A_75] : memref<10240x64xf32, #tpu.memory_space<vmem_shared>> -> memref<10240x64xf32, #tpu.memory_space<vmem_shared>>
    tpu.wait_indirect_dma semaphore(%arg23 : memref<!tpu.dma_semaphore, #tpu.memory_space<semaphore_mem>>) src(%arg17 : memref<100x64xf32, #tpu.memory_space<vmem>>) dst(%dma_wait3A_76 : memref<10240x64xf32, #tpu.memory_space<vmem_shared>>)
    %dma_wait3A_77 = arith.constant 99 : i32
    %dma_wait3A_78 = arith.constant 0 : i32
    %dma_wait3A_79 = tpu.memref_slice %arg8[%dma_wait3A_77, %dma_wait3A_78] : memref<100x100xi32, #tpu.memory_space<vmem>> -> memref<1x100xi32, #tpu.memory_space<vmem>>
    %dma_wait3A_80 = tpu.memref_squeeze %dma_wait3A_79 : memref<1x100xi32, #tpu.memory_space<vmem>> -> memref<100xi32, #tpu.memory_space<vmem>>
    %dma_wait3A_81 = arith.constant 0 : i32
    %dma_wait3A_82 = arith.constant 0 : i32
    %dma_wait3A_83 = tpu.memref_slice %arg19[%dma_wait3A_81, %dma_wait3A_82] : memref<10240x64xf32, #tpu.memory_space<vmem_shared>> -> memref<10240x64xf32, #tpu.memory_space<vmem_shared>>
    tpu.wait_indirect_dma semaphore(%arg23 : memref<!tpu.dma_semaphore, #tpu.memory_space<semaphore_mem>>) src(%arg18 : memref<100x64xf32, #tpu.memory_space<vmem>>) dst(%dma_wait3A_83 : memref<10240x64xf32, #tpu.memory_space<vmem_shared>>)
    "tpu.region"() ({
      %run_scoped3A = tpu.sem_alloc : memref<!tpu.dma_semaphore, #tpu.memory_space<semaphore_mem>>
      %dma_start3A_173 = arith.constant 0 : i32
      %dma_start3A_174 = arith.constant 0 : i32
      %dma_start3A_175 = tpu.memref_slice %arg3[%arg1, %dma_start3A_173, %dma_start3A_174] : memref<16x200x100xi32, #tpu.memory_space<hbm>> -> memref<1x200x100xi32, #tpu.memory_space<hbm>>
      %dma_start3A_176 = tpu.memref_squeeze %dma_start3A_175 : memref<1x200x100xi32, #tpu.memory_space<hbm>> -> memref<200x100xi32, #tpu.memory_space<hbm>>
      %dma_start3A_177 = arith.constant 100 : i32
      %dma_start3A_178 = arith.constant 0 : i32
      %dma_start3A_179 = tpu.memref_slice %dma_start3A_176[%dma_start3A_177, %dma_start3A_178] : memref<200x100xi32, #tpu.memory_space<hbm>> -> memref<100x100xi32, #tpu.memory_space<hbm>>
      %dma_start3A_180 = arith.constant 0 : i32
      %dma_start3A_181 = arith.constant 0 : i32
      %dma_start3A_182 = tpu.memref_slice %arg3[%arg1, %dma_start3A_180, %dma_start3A_181] : memref<16x200x100xi32, #tpu.memory_space<hbm>> -> memref<1x200x100xi32, #tpu.memory_space<hbm>>
      %dma_start3A_183 = tpu.memref_squeeze %dma_start3A_182 : memref<1x200x100xi32, #tpu.memory_space<hbm>> -> memref<200x100xi32, #tpu.memory_space<hbm>>
      %dma_start3A_184 = arith.constant 100 : i32
      %dma_start3A_185 = arith.constant 0 : i32
      %dma_start3A_186 = tpu.memref_slice %dma_start3A_183[%dma_start3A_184, %dma_start3A_185] : memref<200x100xi32, #tpu.memory_space<hbm>> -> memref<100x100xi32, #tpu.memory_space<hbm>>
      tpu.enqueue_dma source(%dma_start3A_186 : memref<100x100xi32, #tpu.memory_space<hbm>>) target(%arg7 : memref<100x100xi32, #tpu.memory_space<vmem>>) target_semaphore(%run_scoped3A : memref<!tpu.dma_semaphore, #tpu.memory_space<semaphore_mem>>)
      %dma_wait3A_187 = arith.constant 0 : i32
      %dma_wait3A_188 = arith.constant 0 : i32
      %dma_wait3A_189 = tpu.memref_slice %arg3[%arg1, %dma_wait3A_187, %dma_wait3A_188] : memref<16x200x100xi32, #tpu.memory_space<hbm>> -> memref<1x200x100xi32, #tpu.memory_space<hbm>>
      %dma_wait3A_190 = tpu.memref_squeeze %dma_wait3A_189 : memref<1x200x100xi32, #tpu.memory_space<hbm>> -> memref<200x100xi32, #tpu.memory_space<hbm>>
      %dma_wait3A_191 = arith.constant 100 : i32
      %dma_wait3A_192 = arith.constant 0 : i32
      %dma_wait3A_193 = tpu.memref_slice %dma_wait3A_190[%dma_wait3A_191, %dma_wait3A_192] : memref<200x100xi32, #tpu.memory_space<hbm>> -> memref<100x100xi32, #tpu.memory_space<hbm>>
      %dma_wait3A_194 = arith.constant 0 : i32
      %dma_wait3A_195 = arith.constant 0 : i32
      %dma_wait3A_196 = tpu.memref_slice %arg3[%arg1, %dma_wait3A_194, %dma_wait3A_195] : memref<16x200x100xi32, #tpu.memory_space<hbm>> -> memref<1x200x100xi32, #tpu.memory_space<hbm>>
      %dma_wait3A_197 = tpu.memref_squeeze %dma_wait3A_196 : memref<1x200x100xi32, #tpu.memory_space<hbm>> -> memref<200x100xi32, #tpu.memory_space<hbm>>
      %dma_wait3A_198 = arith.constant 100 : i32
      %dma_wait3A_199 = arith.constant 0 : i32
      %dma_wait3A_200 = tpu.memref_slice %dma_wait3A_197[%dma_wait3A_198, %dma_wait3A_199] : memref<200x100xi32, #tpu.memory_space<hbm>> -> memref<100x100xi32, #tpu.memory_space<hbm>>
      tpu.wait_dma2 semaphore(%run_scoped3A : memref<!tpu.dma_semaphore, #tpu.memory_space<semaphore_mem>>) src(%dma_wait3A_200 : memref<100x100xi32, #tpu.memory_space<hbm>>) dst(%arg7 : memref<100x100xi32, #tpu.memory_space<vmem>>)
      tpu.yield
    }) : () -> ()
    "tpu.region"() ({
      %run_scoped3A = tpu.sem_alloc : memref<!tpu.dma_semaphore, #tpu.memory_space<semaphore_mem>>
      %dma_start3A_173 = arith.constant 0 : i32
      %dma_start3A_174 = arith.constant 0 : i32
      %dma_start3A_175 = tpu.memref_slice %arg4[%arg1, %dma_start3A_173, %dma_start3A_174] : memref<16x200x100xi32, #tpu.memory_space<hbm>> -> memref<1x200x100xi32, #tpu.memory_space<hbm>>
      %dma_start3A_176 = tpu.memref_squeeze %dma_start3A_175 : memref<1x200x100xi32, #tpu.memory_space<hbm>> -> memref<200x100xi32, #tpu.memory_space<hbm>>
      %dma_start3A_177 = arith.constant 100 : i32
      %dma_start3A_178 = arith.constant 0 : i32
      %dma_start3A_179 = tpu.memref_slice %dma_start3A_176[%dma_start3A_177, %dma_start3A_178] : memref<200x100xi32, #tpu.memory_space<hbm>> -> memref<100x100xi32, #tpu.memory_space<hbm>>
      %dma_start3A_180 = arith.constant 0 : i32
      %dma_start3A_181 = arith.constant 0 : i32
      %dma_start3A_182 = tpu.memref_slice %arg4[%arg1, %dma_start3A_180, %dma_start3A_181] : memref<16x200x100xi32, #tpu.memory_space<hbm>> -> memref<1x200x100xi32, #tpu.memory_space<hbm>>
      %dma_start3A_183 = tpu.memref_squeeze %dma_start3A_182 : memref<1x200x100xi32, #tpu.memory_space<hbm>> -> memref<200x100xi32, #tpu.memory_space<hbm>>
      %dma_start3A_184 = arith.constant 100 : i32
      %dma_start3A_185 = arith.constant 0 : i32
      %dma_start3A_186 = tpu.memref_slice %dma_start3A_183[%dma_start3A_184, %dma_start3A_185] : memref<200x100xi32, #tpu.memory_space<hbm>> -> memref<100x100xi32, #tpu.memory_space<hbm>>
      tpu.enqueue_dma source(%dma_start3A_186 : memref<100x100xi32, #tpu.memory_space<hbm>>) target(%arg8 : memref<100x100xi32, #tpu.memory_space<vmem>>) target_semaphore(%run_scoped3A : memref<!tpu.dma_semaphore, #tpu.memory_space<semaphore_mem>>)
      %dma_wait3A_187 = arith.constant 0 : i32
      %dma_wait3A_188 = arith.constant 0 : i32
      %dma_wait3A_189 = tpu.memref_slice %arg4[%arg1, %dma_wait3A_187, %dma_wait3A_188] : memref<16x200x100xi32, #tpu.memory_space<hbm>> -> memref<1x200x100xi32, #tpu.memory_space<hbm>>
      %dma_wait3A_190 = tpu.memref_squeeze %dma_wait3A_189 : memref<1x200x100xi32, #tpu.memory_space<hbm>> -> memref<200x100xi32, #tpu.memory_space<hbm>>
      %dma_wait3A_191 = arith.constant 100 : i32
      %dma_wait3A_192 = arith.constant 0 : i32
      %dma_wait3A_193 = tpu.memref_slice %dma_wait3A_190[%dma_wait3A_191, %dma_wait3A_192] : memref<200x100xi32, #tpu.memory_space<hbm>> -> memref<100x100xi32, #tpu.memory_space<hbm>>
      %dma_wait3A_194 = arith.constant 0 : i32
      %dma_wait3A_195 = arith.constant 0 : i32
      %dma_wait3A_196 = tpu.memref_slice %arg4[%arg1, %dma_wait3A_194, %dma_wait3A_195] : memref<16x200x100xi32, #tpu.memory_space<hbm>> -> memref<1x200x100xi32, #tpu.memory_space<hbm>>
      %dma_wait3A_197 = tpu.memref_squeeze %dma_wait3A_196 : memref<1x200x100xi32, #tpu.memory_space<hbm>> -> memref<200x100xi32, #tpu.memory_space<hbm>>
      %dma_wait3A_198 = arith.constant 100 : i32
      %dma_wait3A_199 = arith.constant 0 : i32
      %dma_wait3A_200 = tpu.memref_slice %dma_wait3A_197[%dma_wait3A_198, %dma_wait3A_199] : memref<200x100xi32, #tpu.memory_space<hbm>> -> memref<100x100xi32, #tpu.memory_space<hbm>>
      tpu.wait_dma2 semaphore(%run_scoped3A : memref<!tpu.dma_semaphore, #tpu.memory_space<semaphore_mem>>) src(%dma_wait3A_200 : memref<100x100xi32, #tpu.memory_space<hbm>>) dst(%arg8 : memref<100x100xi32, #tpu.memory_space<vmem>>)
      tpu.yield
    }) : () -> ()
    %dma_start3A_84 = arith.constant 0 : i32
    %dma_start3A_85 = arith.constant 0 : i32
    %dma_start3A_86 = tpu.memref_slice %arg7[%dma_start3A_84, %dma_start3A_85] : memref<100x100xi32, #tpu.memory_space<vmem>> -> memref<1x100xi32, #tpu.memory_space<vmem>>
    %dma_start3A_87 = tpu.memref_squeeze %dma_start3A_86 : memref<1x100xi32, #tpu.memory_space<vmem>> -> memref<100xi32, #tpu.memory_space<vmem>>
    %dma_start3A_88 = arith.constant 0 : i32
    %dma_start3A_89 = tpu.memref_slice %arg2[%arg0, %dma_start3A_88] : memref<20480x64xf32, #tpu.memory_space<hbm>> -> memref<20479x64xf32, #tpu.memory_space<hbm>>
    %dma_start3A_90 = arith.constant 0 : i32
    %dma_start3A_91 = arith.constant 0 : i32
    %dma_start3A_92 = tpu.memref_slice %dma_start3A_89[%dma_start3A_90, %dma_start3A_91] : memref<20479x64xf32, #tpu.memory_space<hbm>> -> memref<20479x64xf32, #tpu.memory_space<hbm>>
    tpu.enqueue_indirect_dma source(%dma_start3A_92 : memref<20479x64xf32, #tpu.memory_space<hbm>>) target(%arg9 : memref<100x64xf32, #tpu.memory_space<vmem>>) offsets(%dma_start3A_87 : memref<100xi32, #tpu.memory_space<vmem>>) semaphore(%arg20 : memref<!tpu.dma_semaphore, #tpu.memory_space<semaphore_mem>>)
    %dma_start3A_93 = arith.constant 1 : i32
    %dma_start3A_94 = arith.constant 0 : i32
    %dma_start3A_95 = tpu.memref_slice %arg7[%dma_start3A_93, %dma_start3A_94] : memref<100x100xi32, #tpu.memory_space<vmem>> -> memref<1x100xi32, #tpu.memory_space<vmem>>
    %dma_start3A_96 = tpu.memref_squeeze %dma_start3A_95 : memref<1x100xi32, #tpu.memory_space<vmem>> -> memref<100xi32, #tpu.memory_space<vmem>>
    %dma_start3A_97 = arith.constant 0 : i32
    %dma_start3A_98 = tpu.memref_slice %arg2[%arg0, %dma_start3A_97] : memref<20480x64xf32, #tpu.memory_space<hbm>> -> memref<20479x64xf32, #tpu.memory_space<hbm>>
    %dma_start3A_99 = arith.constant 0 : i32
    %dma_start3A_100 = arith.constant 0 : i32
    %dma_start3A_101 = tpu.memref_slice %dma_start3A_98[%dma_start3A_99, %dma_start3A_100] : memref<20479x64xf32, #tpu.memory_space<hbm>> -> memref<20479x64xf32, #tpu.memory_space<hbm>>
    tpu.enqueue_indirect_dma source(%dma_start3A_101 : memref<20479x64xf32, #tpu.memory_space<hbm>>) target(%arg10 : memref<100x64xf32, #tpu.memory_space<vmem>>) offsets(%dma_start3A_96 : memref<100xi32, #tpu.memory_space<vmem>>) semaphore(%arg20 : memref<!tpu.dma_semaphore, #tpu.memory_space<semaphore_mem>>)
    %dma_start3A_102 = arith.constant 2 : i32
    %dma_start3A_103 = arith.constant 0 : i32
    %dma_start3A_104 = tpu.memref_slice %arg7[%dma_start3A_102, %dma_start3A_103] : memref<100x100xi32, #tpu.memory_space<vmem>> -> memref<1x100xi32, #tpu.memory_space<vmem>>
    %dma_start3A_105 = tpu.memref_squeeze %dma_start3A_104 : memref<1x100xi32, #tpu.memory_space<vmem>> -> memref<100xi32, #tpu.memory_space<vmem>>
    %dma_start3A_106 = arith.constant 0 : i32
    %dma_start3A_107 = tpu.memref_slice %arg2[%arg0, %dma_start3A_106] : memref<20480x64xf32, #tpu.memory_space<hbm>> -> memref<20479x64xf32, #tpu.memory_space<hbm>>
    %dma_start3A_108 = arith.constant 0 : i32
    %dma_start3A_109 = arith.constant 0 : i32
    %dma_start3A_110 = tpu.memref_slice %dma_start3A_107[%dma_start3A_108, %dma_start3A_109] : memref<20479x64xf32, #tpu.memory_space<hbm>> -> memref<20479x64xf32, #tpu.memory_space<hbm>>
    tpu.enqueue_indirect_dma source(%dma_start3A_110 : memref<20479x64xf32, #tpu.memory_space<hbm>>) target(%arg11 : memref<100x64xf32, #tpu.memory_space<vmem>>) offsets(%dma_start3A_105 : memref<100xi32, #tpu.memory_space<vmem>>) semaphore(%arg20 : memref<!tpu.dma_semaphore, #tpu.memory_space<semaphore_mem>>)
    %dma_start3A_111 = arith.constant 3 : i32
    %dma_start3A_112 = arith.constant 0 : i32
    %dma_start3A_113 = tpu.memref_slice %arg7[%dma_start3A_111, %dma_start3A_112] : memref<100x100xi32, #tpu.memory_space<vmem>> -> memref<1x100xi32, #tpu.memory_space<vmem>>
    %dma_start3A_114 = tpu.memref_squeeze %dma_start3A_113 : memref<1x100xi32, #tpu.memory_space<vmem>> -> memref<100xi32, #tpu.memory_space<vmem>>
    %dma_start3A_115 = arith.constant 0 : i32
    %dma_start3A_116 = tpu.memref_slice %arg2[%arg0, %dma_start3A_115] : memref<20480x64xf32, #tpu.memory_space<hbm>> -> memref<20479x64xf32, #tpu.memory_space<hbm>>
    %dma_start3A_117 = arith.constant 0 : i32
    %dma_start3A_118 = arith.constant 0 : i32
    %dma_start3A_119 = tpu.memref_slice %dma_start3A_116[%dma_start3A_117, %dma_start3A_118] : memref<20479x64xf32, #tpu.memory_space<hbm>> -> memref<20479x64xf32, #tpu.memory_space<hbm>>
    tpu.enqueue_indirect_dma source(%dma_start3A_119 : memref<20479x64xf32, #tpu.memory_space<hbm>>) target(%arg12 : memref<100x64xf32, #tpu.memory_space<vmem>>) offsets(%dma_start3A_114 : memref<100xi32, #tpu.memory_space<vmem>>) semaphore(%arg20 : memref<!tpu.dma_semaphore, #tpu.memory_space<semaphore_mem>>)
    %dma_start3A_120 = arith.constant 4 : i32
    %dma_start3A_121 = arith.constant 0 : i32
    %dma_start3A_122 = tpu.memref_slice %arg7[%dma_start3A_120, %dma_start3A_121] : memref<100x100xi32, #tpu.memory_space<vmem>> -> memref<1x100xi32, #tpu.memory_space<vmem>>
    %dma_start3A_123 = tpu.memref_squeeze %dma_start3A_122 : memref<1x100xi32, #tpu.memory_space<vmem>> -> memref<100xi32, #tpu.memory_space<vmem>>
    %dma_start3A_124 = arith.constant 0 : i32
    %dma_start3A_125 = tpu.memref_slice %arg2[%arg0, %dma_start3A_124] : memref<20480x64xf32, #tpu.memory_space<hbm>> -> memref<20479x64xf32, #tpu.memory_space<hbm>>
    %dma_start3A_126 = arith.constant 0 : i32
    %dma_start3A_127 = arith.constant 0 : i32
    %dma_start3A_128 = tpu.memref_slice %dma_start3A_125[%dma_start3A_126, %dma_start3A_127] : memref<20479x64xf32, #tpu.memory_space<hbm>> -> memref<20479x64xf32, #tpu.memory_space<hbm>>
    tpu.enqueue_indirect_dma source(%dma_start3A_128 : memref<20479x64xf32, #tpu.memory_space<hbm>>) target(%arg13 : memref<100x64xf32, #tpu.memory_space<vmem>>) offsets(%dma_start3A_123 : memref<100xi32, #tpu.memory_space<vmem>>) semaphore(%arg20 : memref<!tpu.dma_semaphore, #tpu.memory_space<semaphore_mem>>)
    %scan3A_129 = arith.constant 0 : i32
    %scan3A_130 = arith.constant 0 : i32
    %scan3A_131 = arith.constant 10 : i32
    %scan3A_132 = arith.addi %scan3A_130, %scan3A_131 : i32
    %scan3A_133 = arith.constant 1 : i32
    scf.for %scan3A_173 = %scan3A_130 to %scan3A_132 step %scan3A_133  : i32 {
      %mul3A_174 = arith.constant 2 : i32
      %mul3A_175 = arith.muli %scan3A_173, %mul3A_174 : i32
      %mul3A_176 = arith.constant 5 : i32
      %mul3A_177 = arith.muli %mul3A_175, %mul3A_176 : i32
      %add3A = arith.constant 0 : i32
      %add3A_178 = arith.addi %mul3A_177, %add3A : i32
      %dma_wait3A_179 = arith.constant 0 : i32
      %dma_wait3A_180 = tpu.memref_slice %arg7[%add3A_178, %dma_wait3A_179] : memref<100x100xi32, #tpu.memory_space<vmem>> -> memref<1x100xi32, #tpu.memory_space<vmem>>
      %dma_wait3A_181 = tpu.memref_squeeze %dma_wait3A_180 : memref<1x100xi32, #tpu.memory_space<vmem>> -> memref<100xi32, #tpu.memory_space<vmem>>
      %dma_wait3A_182 = arith.constant 0 : i32
      %dma_wait3A_183 = tpu.memref_slice %arg2[%arg0, %dma_wait3A_182] : memref<20480x64xf32, #tpu.memory_space<hbm>> -> memref<20479x64xf32, #tpu.memory_space<hbm>>
      %dma_wait3A_184 = arith.constant 0 : i32
      %dma_wait3A_185 = arith.constant 0 : i32
      %dma_wait3A_186 = tpu.memref_slice %dma_wait3A_183[%dma_wait3A_184, %dma_wait3A_185] : memref<20479x64xf32, #tpu.memory_space<hbm>> -> memref<20479x64xf32, #tpu.memory_space<hbm>>
      tpu.wait_indirect_dma semaphore(%arg20 : memref<!tpu.dma_semaphore, #tpu.memory_space<semaphore_mem>>) src(%dma_wait3A_186 : memref<20479x64xf32, #tpu.memory_space<hbm>>) dst(%arg9 : memref<100x64xf32, #tpu.memory_space<vmem>>)
      %add3A_187 = arith.constant 1 : i32
      %add3A_188 = arith.addi %mul3A_177, %add3A_187 : i32
      %dma_wait3A_189 = arith.constant 0 : i32
      %dma_wait3A_190 = tpu.memref_slice %arg7[%add3A_188, %dma_wait3A_189] : memref<100x100xi32, #tpu.memory_space<vmem>> -> memref<1x100xi32, #tpu.memory_space<vmem>>
      %dma_wait3A_191 = tpu.memref_squeeze %dma_wait3A_190 : memref<1x100xi32, #tpu.memory_space<vmem>> -> memref<100xi32, #tpu.memory_space<vmem>>
      %dma_wait3A_192 = arith.constant 0 : i32
      %dma_wait3A_193 = tpu.memref_slice %arg2[%arg0, %dma_wait3A_192] : memref<20480x64xf32, #tpu.memory_space<hbm>> -> memref<20479x64xf32, #tpu.memory_space<hbm>>
      %dma_wait3A_194 = arith.constant 0 : i32
      %dma_wait3A_195 = arith.constant 0 : i32
      %dma_wait3A_196 = tpu.memref_slice %dma_wait3A_193[%dma_wait3A_194, %dma_wait3A_195] : memref<20479x64xf32, #tpu.memory_space<hbm>> -> memref<20479x64xf32, #tpu.memory_space<hbm>>
      tpu.wait_indirect_dma semaphore(%arg20 : memref<!tpu.dma_semaphore, #tpu.memory_space<semaphore_mem>>) src(%dma_wait3A_196 : memref<20479x64xf32, #tpu.memory_space<hbm>>) dst(%arg10 : memref<100x64xf32, #tpu.memory_space<vmem>>)
      %add3A_197 = arith.constant 2 : i32
      %add3A_198 = arith.addi %mul3A_177, %add3A_197 : i32
      %dma_wait3A_199 = arith.constant 0 : i32
      %dma_wait3A_200 = tpu.memref_slice %arg7[%add3A_198, %dma_wait3A_199] : memref<100x100xi32, #tpu.memory_space<vmem>> -> memref<1x100xi32, #tpu.memory_space<vmem>>
      %dma_wait3A_201 = tpu.memref_squeeze %dma_wait3A_200 : memref<1x100xi32, #tpu.memory_space<vmem>> -> memref<100xi32, #tpu.memory_space<vmem>>
      %dma_wait3A_202 = arith.constant 0 : i32
      %dma_wait3A_203 = tpu.memref_slice %arg2[%arg0, %dma_wait3A_202] : memref<20480x64xf32, #tpu.memory_space<hbm>> -> memref<20479x64xf32, #tpu.memory_space<hbm>>
      %dma_wait3A_204 = arith.constant 0 : i32
      %dma_wait3A_205 = arith.constant 0 : i32
      %dma_wait3A_206 = tpu.memref_slice %dma_wait3A_203[%dma_wait3A_204, %dma_wait3A_205] : memref<20479x64xf32, #tpu.memory_space<hbm>> -> memref<20479x64xf32, #tpu.memory_space<hbm>>
      tpu.wait_indirect_dma semaphore(%arg20 : memref<!tpu.dma_semaphore, #tpu.memory_space<semaphore_mem>>) src(%dma_wait3A_206 : memref<20479x64xf32, #tpu.memory_space<hbm>>) dst(%arg11 : memref<100x64xf32, #tpu.memory_space<vmem>>)
      %add3A_207 = arith.constant 3 : i32
      %add3A_208 = arith.addi %mul3A_177, %add3A_207 : i32
      %dma_wait3A_209 = arith.constant 0 : i32
      %dma_wait3A_210 = tpu.memref_slice %arg7[%add3A_208, %dma_wait3A_209] : memref<100x100xi32, #tpu.memory_space<vmem>> -> memref<1x100xi32, #tpu.memory_space<vmem>>
      %dma_wait3A_211 = tpu.memref_squeeze %dma_wait3A_210 : memref<1x100xi32, #tpu.memory_space<vmem>> -> memref<100xi32, #tpu.memory_space<vmem>>
      %dma_wait3A_212 = arith.constant 0 : i32
      %dma_wait3A_213 = tpu.memref_slice %arg2[%arg0, %dma_wait3A_212] : memref<20480x64xf32, #tpu.memory_space<hbm>> -> memref<20479x64xf32, #tpu.memory_space<hbm>>
      %dma_wait3A_214 = arith.constant 0 : i32
      %dma_wait3A_215 = arith.constant 0 : i32
      %dma_wait3A_216 = tpu.memref_slice %dma_wait3A_213[%dma_wait3A_214, %dma_wait3A_215] : memref<20479x64xf32, #tpu.memory_space<hbm>> -> memref<20479x64xf32, #tpu.memory_space<hbm>>
      tpu.wait_indirect_dma semaphore(%arg20 : memref<!tpu.dma_semaphore, #tpu.memory_space<semaphore_mem>>) src(%dma_wait3A_216 : memref<20479x64xf32, #tpu.memory_space<hbm>>) dst(%arg12 : memref<100x64xf32, #tpu.memory_space<vmem>>)
      %add3A_217 = arith.constant 4 : i32
      %add3A_218 = arith.addi %mul3A_177, %add3A_217 : i32
      %dma_wait3A_219 = arith.constant 0 : i32
      %dma_wait3A_220 = tpu.memref_slice %arg7[%add3A_218, %dma_wait3A_219] : memref<100x100xi32, #tpu.memory_space<vmem>> -> memref<1x100xi32, #tpu.memory_space<vmem>>
      %dma_wait3A_221 = tpu.memref_squeeze %dma_wait3A_220 : memref<1x100xi32, #tpu.memory_space<vmem>> -> memref<100xi32, #tpu.memory_space<vmem>>
      %dma_wait3A_222 = arith.constant 0 : i32
      %dma_wait3A_223 = tpu.memref_slice %arg2[%arg0, %dma_wait3A_222] : memref<20480x64xf32, #tpu.memory_space<hbm>> -> memref<20479x64xf32, #tpu.memory_space<hbm>>
      %dma_wait3A_224 = arith.constant 0 : i32
      %dma_wait3A_225 = arith.constant 0 : i32
      %dma_wait3A_226 = tpu.memref_slice %dma_wait3A_223[%dma_wait3A_224, %dma_wait3A_225] : memref<20479x64xf32, #tpu.memory_space<hbm>> -> memref<20479x64xf32, #tpu.memory_space<hbm>>
      tpu.wait_indirect_dma semaphore(%arg20 : memref<!tpu.dma_semaphore, #tpu.memory_space<semaphore_mem>>) src(%dma_wait3A_226 : memref<20479x64xf32, #tpu.memory_space<hbm>>) dst(%arg13 : memref<100x64xf32, #tpu.memory_space<vmem>>)
      %gt3A = arith.constant 0 : i32
      %gt3A_227 = arith.cmpi sgt, %scan3A_173, %gt3A : i32
      %convert_element_type3A = arith.extui %gt3A_227 : i1 to i32
      %cond3A = arith.constant 0 : i32
      %cond3A_228 = arith.cmpi ne, %convert_element_type3A, %cond3A : i32
      scf.if %cond3A_228 {
        %sub3A = arith.constant 5 : i32
        %sub3A_459 = arith.subi %mul3A_177, %sub3A : i32
        %add3A_460 = arith.constant 0 : i32
        %add3A_461 = arith.addi %sub3A_459, %add3A_460 : i32
        %dma_wait3A_462 = arith.constant 0 : i32
        %dma_wait3A_463 = tpu.memref_slice %arg8[%add3A_461, %dma_wait3A_462] : memref<100x100xi32, #tpu.memory_space<vmem>> -> memref<1x100xi32, #tpu.memory_space<vmem>>
        %dma_wait3A_464 = tpu.memref_squeeze %dma_wait3A_463 : memref<1x100xi32, #tpu.memory_space<vmem>> -> memref<100xi32, #tpu.memory_space<vmem>>
        %dma_wait3A_465 = arith.constant 0 : i32
        %dma_wait3A_466 = arith.constant 0 : i32
        %dma_wait3A_467 = tpu.memref_slice %arg19[%dma_wait3A_465, %dma_wait3A_466] : memref<10240x64xf32, #tpu.memory_space<vmem_shared>> -> memref<10240x64xf32, #tpu.memory_space<vmem_shared>>
        tpu.wait_indirect_dma semaphore(%arg23 : memref<!tpu.dma_semaphore, #tpu.memory_space<semaphore_mem>>) src(%arg14 : memref<100x64xf32, #tpu.memory_space<vmem>>) dst(%dma_wait3A_467 : memref<10240x64xf32, #tpu.memory_space<vmem_shared>>)
        %add3A_468 = arith.constant 1 : i32
        %add3A_469 = arith.addi %sub3A_459, %add3A_468 : i32
        %dma_wait3A_470 = arith.constant 0 : i32
        %dma_wait3A_471 = tpu.memref_slice %arg8[%add3A_469, %dma_wait3A_470] : memref<100x100xi32, #tpu.memory_space<vmem>> -> memref<1x100xi32, #tpu.memory_space<vmem>>
        %dma_wait3A_472 = tpu.memref_squeeze %dma_wait3A_471 : memref<1x100xi32, #tpu.memory_space<vmem>> -> memref<100xi32, #tpu.memory_space<vmem>>
        %dma_wait3A_473 = arith.constant 0 : i32
        %dma_wait3A_474 = arith.constant 0 : i32
        %dma_wait3A_475 = tpu.memref_slice %arg19[%dma_wait3A_473, %dma_wait3A_474] : memref<10240x64xf32, #tpu.memory_space<vmem_shared>> -> memref<10240x64xf32, #tpu.memory_space<vmem_shared>>
        tpu.wait_indirect_dma semaphore(%arg23 : memref<!tpu.dma_semaphore, #tpu.memory_space<semaphore_mem>>) src(%arg15 : memref<100x64xf32, #tpu.memory_space<vmem>>) dst(%dma_wait3A_475 : memref<10240x64xf32, #tpu.memory_space<vmem_shared>>)
        %add3A_476 = arith.constant 2 : i32
        %add3A_477 = arith.addi %sub3A_459, %add3A_476 : i32
        %dma_wait3A_478 = arith.constant 0 : i32
        %dma_wait3A_479 = tpu.memref_slice %arg8[%add3A_477, %dma_wait3A_478] : memref<100x100xi32, #tpu.memory_space<vmem>> -> memref<1x100xi32, #tpu.memory_space<vmem>>
        %dma_wait3A_480 = tpu.memref_squeeze %dma_wait3A_479 : memref<1x100xi32, #tpu.memory_space<vmem>> -> memref<100xi32, #tpu.memory_space<vmem>>
        %dma_wait3A_481 = arith.constant 0 : i32
        %dma_wait3A_482 = arith.constant 0 : i32
        %dma_wait3A_483 = tpu.memref_slice %arg19[%dma_wait3A_481, %dma_wait3A_482] : memref<10240x64xf32, #tpu.memory_space<vmem_shared>> -> memref<10240x64xf32, #tpu.memory_space<vmem_shared>>
        tpu.wait_indirect_dma semaphore(%arg23 : memref<!tpu.dma_semaphore, #tpu.memory_space<semaphore_mem>>) src(%arg16 : memref<100x64xf32, #tpu.memory_space<vmem>>) dst(%dma_wait3A_483 : memref<10240x64xf32, #tpu.memory_space<vmem_shared>>)
        %add3A_484 = arith.constant 3 : i32
        %add3A_485 = arith.addi %sub3A_459, %add3A_484 : i32
        %dma_wait3A_486 = arith.constant 0 : i32
        %dma_wait3A_487 = tpu.memref_slice %arg8[%add3A_485, %dma_wait3A_486] : memref<100x100xi32, #tpu.memory_space<vmem>> -> memref<1x100xi32, #tpu.memory_space<vmem>>
        %dma_wait3A_488 = tpu.memref_squeeze %dma_wait3A_487 : memref<1x100xi32, #tpu.memory_space<vmem>> -> memref<100xi32, #tpu.memory_space<vmem>>
        %dma_wait3A_489 = arith.constant 0 : i32
        %dma_wait3A_490 = arith.constant 0 : i32
        %dma_wait3A_491 = tpu.memref_slice %arg19[%dma_wait3A_489, %dma_wait3A_490] : memref<10240x64xf32, #tpu.memory_space<vmem_shared>> -> memref<10240x64xf32, #tpu.memory_space<vmem_shared>>
        tpu.wait_indirect_dma semaphore(%arg23 : memref<!tpu.dma_semaphore, #tpu.memory_space<semaphore_mem>>) src(%arg17 : memref<100x64xf32, #tpu.memory_space<vmem>>) dst(%dma_wait3A_491 : memref<10240x64xf32, #tpu.memory_space<vmem_shared>>)
        %add3A_492 = arith.constant 4 : i32
        %add3A_493 = arith.addi %sub3A_459, %add3A_492 : i32
        %dma_wait3A_494 = arith.constant 0 : i32
        %dma_wait3A_495 = tpu.memref_slice %arg8[%add3A_493, %dma_wait3A_494] : memref<100x100xi32, #tpu.memory_space<vmem>> -> memref<1x100xi32, #tpu.memory_space<vmem>>
        %dma_wait3A_496 = tpu.memref_squeeze %dma_wait3A_495 : memref<1x100xi32, #tpu.memory_space<vmem>> -> memref<100xi32, #tpu.memory_space<vmem>>
        %dma_wait3A_497 = arith.constant 0 : i32
        %dma_wait3A_498 = arith.constant 0 : i32
        %dma_wait3A_499 = tpu.memref_slice %arg19[%dma_wait3A_497, %dma_wait3A_498] : memref<10240x64xf32, #tpu.memory_space<vmem_shared>> -> memref<10240x64xf32, #tpu.memory_space<vmem_shared>>
        tpu.wait_indirect_dma semaphore(%arg23 : memref<!tpu.dma_semaphore, #tpu.memory_space<semaphore_mem>>) src(%arg18 : memref<100x64xf32, #tpu.memory_space<vmem>>) dst(%dma_wait3A_499 : memref<10240x64xf32, #tpu.memory_space<vmem_shared>>)
      } else {
      }
      %add3A_229 = arith.constant 5 : i32
      %add3A_230 = arith.addi %mul3A_177, %add3A_229 : i32
      %add3A_231 = arith.constant 0 : i32
      %add3A_232 = arith.addi %add3A_230, %add3A_231 : i32
      %dma_start3A_233 = arith.constant 0 : i32
      %dma_start3A_234 = tpu.memref_slice %arg7[%add3A_232, %dma_start3A_233] : memref<100x100xi32, #tpu.memory_space<vmem>> -> memref<1x100xi32, #tpu.memory_space<vmem>>
      %dma_start3A_235 = tpu.memref_squeeze %dma_start3A_234 : memref<1x100xi32, #tpu.memory_space<vmem>> -> memref<100xi32, #tpu.memory_space<vmem>>
      %dma_start3A_236 = arith.constant 0 : i32
      %dma_start3A_237 = tpu.memref_slice %arg2[%arg0, %dma_start3A_236] : memref<20480x64xf32, #tpu.memory_space<hbm>> -> memref<20479x64xf32, #tpu.memory_space<hbm>>
      %dma_start3A_238 = arith.constant 0 : i32
      %dma_start3A_239 = arith.constant 0 : i32
      %dma_start3A_240 = tpu.memref_slice %dma_start3A_237[%dma_start3A_238, %dma_start3A_239] : memref<20479x64xf32, #tpu.memory_space<hbm>> -> memref<20479x64xf32, #tpu.memory_space<hbm>>
      tpu.enqueue_indirect_dma source(%dma_start3A_240 : memref<20479x64xf32, #tpu.memory_space<hbm>>) target(%arg14 : memref<100x64xf32, #tpu.memory_space<vmem>>) offsets(%dma_start3A_235 : memref<100xi32, #tpu.memory_space<vmem>>) semaphore(%arg21 : memref<!tpu.dma_semaphore, #tpu.memory_space<semaphore_mem>>)
      %add3A_241 = arith.constant 1 : i32
      %add3A_242 = arith.addi %add3A_230, %add3A_241 : i32
      %dma_start3A_243 = arith.constant 0 : i32
      %dma_start3A_244 = tpu.memref_slice %arg7[%add3A_242, %dma_start3A_243] : memref<100x100xi32, #tpu.memory_space<vmem>> -> memref<1x100xi32, #tpu.memory_space<vmem>>
      %dma_start3A_245 = tpu.memref_squeeze %dma_start3A_244 : memref<1x100xi32, #tpu.memory_space<vmem>> -> memref<100xi32, #tpu.memory_space<vmem>>
      %dma_start3A_246 = arith.constant 0 : i32
      %dma_start3A_247 = tpu.memref_slice %arg2[%arg0, %dma_start3A_246] : memref<20480x64xf32, #tpu.memory_space<hbm>> -> memref<20479x64xf32, #tpu.memory_space<hbm>>
      %dma_start3A_248 = arith.constant 0 : i32
      %dma_start3A_249 = arith.constant 0 : i32
      %dma_start3A_250 = tpu.memref_slice %dma_start3A_247[%dma_start3A_248, %dma_start3A_249] : memref<20479x64xf32, #tpu.memory_space<hbm>> -> memref<20479x64xf32, #tpu.memory_space<hbm>>
      tpu.enqueue_indirect_dma source(%dma_start3A_250 : memref<20479x64xf32, #tpu.memory_space<hbm>>) target(%arg15 : memref<100x64xf32, #tpu.memory_space<vmem>>) offsets(%dma_start3A_245 : memref<100xi32, #tpu.memory_space<vmem>>) semaphore(%arg21 : memref<!tpu.dma_semaphore, #tpu.memory_space<semaphore_mem>>)
      %add3A_251 = arith.constant 2 : i32
      %add3A_252 = arith.addi %add3A_230, %add3A_251 : i32
      %dma_start3A_253 = arith.constant 0 : i32
      %dma_start3A_254 = tpu.memref_slice %arg7[%add3A_252, %dma_start3A_253] : memref<100x100xi32, #tpu.memory_space<vmem>> -> memref<1x100xi32, #tpu.memory_space<vmem>>
      %dma_start3A_255 = tpu.memref_squeeze %dma_start3A_254 : memref<1x100xi32, #tpu.memory_space<vmem>> -> memref<100xi32, #tpu.memory_space<vmem>>
      %dma_start3A_256 = arith.constant 0 : i32
      %dma_start3A_257 = tpu.memref_slice %arg2[%arg0, %dma_start3A_256] : memref<20480x64xf32, #tpu.memory_space<hbm>> -> memref<20479x64xf32, #tpu.memory_space<hbm>>
      %dma_start3A_258 = arith.constant 0 : i32
      %dma_start3A_259 = arith.constant 0 : i32
      %dma_start3A_260 = tpu.memref_slice %dma_start3A_257[%dma_start3A_258, %dma_start3A_259] : memref<20479x64xf32, #tpu.memory_space<hbm>> -> memref<20479x64xf32, #tpu.memory_space<hbm>>
      tpu.enqueue_indirect_dma source(%dma_start3A_260 : memref<20479x64xf32, #tpu.memory_space<hbm>>) target(%arg16 : memref<100x64xf32, #tpu.memory_space<vmem>>) offsets(%dma_start3A_255 : memref<100xi32, #tpu.memory_space<vmem>>) semaphore(%arg21 : memref<!tpu.dma_semaphore, #tpu.memory_space<semaphore_mem>>)
      %add3A_261 = arith.constant 3 : i32
      %add3A_262 = arith.addi %add3A_230, %add3A_261 : i32
      %dma_start3A_263 = arith.constant 0 : i32
      %dma_start3A_264 = tpu.memref_slice %arg7[%add3A_262, %dma_start3A_263] : memref<100x100xi32, #tpu.memory_space<vmem>> -> memref<1x100xi32, #tpu.memory_space<vmem>>
      %dma_start3A_265 = tpu.memref_squeeze %dma_start3A_264 : memref<1x100xi32, #tpu.memory_space<vmem>> -> memref<100xi32, #tpu.memory_space<vmem>>
      %dma_start3A_266 = arith.constant 0 : i32
      %dma_start3A_267 = tpu.memref_slice %arg2[%arg0, %dma_start3A_266] : memref<20480x64xf32, #tpu.memory_space<hbm>> -> memref<20479x64xf32, #tpu.memory_space<hbm>>
      %dma_start3A_268 = arith.constant 0 : i32
      %dma_start3A_269 = arith.constant 0 : i32
      %dma_start3A_270 = tpu.memref_slice %dma_start3A_267[%dma_start3A_268, %dma_start3A_269] : memref<20479x64xf32, #tpu.memory_space<hbm>> -> memref<20479x64xf32, #tpu.memory_space<hbm>>
      tpu.enqueue_indirect_dma source(%dma_start3A_270 : memref<20479x64xf32, #tpu.memory_space<hbm>>) target(%arg17 : memref<100x64xf32, #tpu.memory_space<vmem>>) offsets(%dma_start3A_265 : memref<100xi32, #tpu.memory_space<vmem>>) semaphore(%arg21 : memref<!tpu.dma_semaphore, #tpu.memory_space<semaphore_mem>>)
      %add3A_271 = arith.constant 4 : i32
      %add3A_272 = arith.addi %add3A_230, %add3A_271 : i32
      %dma_start3A_273 = arith.constant 0 : i32
      %dma_start3A_274 = tpu.memref_slice %arg7[%add3A_272, %dma_start3A_273] : memref<100x100xi32, #tpu.memory_space<vmem>> -> memref<1x100xi32, #tpu.memory_space<vmem>>
      %dma_start3A_275 = tpu.memref_squeeze %dma_start3A_274 : memref<1x100xi32, #tpu.memory_space<vmem>> -> memref<100xi32, #tpu.memory_space<vmem>>
      %dma_start3A_276 = arith.constant 0 : i32
      %dma_start3A_277 = tpu.memref_slice %arg2[%arg0, %dma_start3A_276] : memref<20480x64xf32, #tpu.memory_space<hbm>> -> memref<20479x64xf32, #tpu.memory_space<hbm>>
      %dma_start3A_278 = arith.constant 0 : i32
      %dma_start3A_279 = arith.constant 0 : i32
      %dma_start3A_280 = tpu.memref_slice %dma_start3A_277[%dma_start3A_278, %dma_start3A_279] : memref<20479x64xf32, #tpu.memory_space<hbm>> -> memref<20479x64xf32, #tpu.memory_space<hbm>>
      tpu.enqueue_indirect_dma source(%dma_start3A_280 : memref<20479x64xf32, #tpu.memory_space<hbm>>) target(%arg18 : memref<100x64xf32, #tpu.memory_space<vmem>>) offsets(%dma_start3A_275 : memref<100xi32, #tpu.memory_space<vmem>>) semaphore(%arg21 : memref<!tpu.dma_semaphore, #tpu.memory_space<semaphore_mem>>)
      %add3A_281 = arith.constant 0 : i32
      %add3A_282 = arith.addi %mul3A_177, %add3A_281 : i32
      %dma_start3A_283 = arith.constant 0 : i32
      %dma_start3A_284 = tpu.memref_slice %arg8[%add3A_282, %dma_start3A_283] : memref<100x100xi32, #tpu.memory_space<vmem>> -> memref<1x100xi32, #tpu.memory_space<vmem>>
      %dma_start3A_285 = tpu.memref_squeeze %dma_start3A_284 : memref<1x100xi32, #tpu.memory_space<vmem>> -> memref<100xi32, #tpu.memory_space<vmem>>
      %dma_start3A_286 = arith.constant 0 : i32
      %dma_start3A_287 = arith.constant 0 : i32
      %dma_start3A_288 = tpu.memref_slice %arg19[%dma_start3A_286, %dma_start3A_287] : memref<10240x64xf32, #tpu.memory_space<vmem_shared>> -> memref<10240x64xf32, #tpu.memory_space<vmem_shared>>
      tpu.enqueue_indirect_dma source(%arg9 : memref<100x64xf32, #tpu.memory_space<vmem>>) target(%dma_start3A_288 : memref<10240x64xf32, #tpu.memory_space<vmem_shared>>) offsets(%dma_start3A_285 : memref<100xi32, #tpu.memory_space<vmem>>) semaphore(%arg22 : memref<!tpu.dma_semaphore, #tpu.memory_space<semaphore_mem>>) {add = true}
      %add3A_289 = arith.constant 1 : i32
      %add3A_290 = arith.addi %mul3A_177, %add3A_289 : i32
      %dma_start3A_291 = arith.constant 0 : i32
      %dma_start3A_292 = tpu.memref_slice %arg8[%add3A_290, %dma_start3A_291] : memref<100x100xi32, #tpu.memory_space<vmem>> -> memref<1x100xi32, #tpu.memory_space<vmem>>
      %dma_start3A_293 = tpu.memref_squeeze %dma_start3A_292 : memref<1x100xi32, #tpu.memory_space<vmem>> -> memref<100xi32, #tpu.memory_space<vmem>>
      %dma_start3A_294 = arith.constant 0 : i32
      %dma_start3A_295 = arith.constant 0 : i32
      %dma_start3A_296 = tpu.memref_slice %arg19[%dma_start3A_294, %dma_start3A_295] : memref<10240x64xf32, #tpu.memory_space<vmem_shared>> -> memref<10240x64xf32, #tpu.memory_space<vmem_shared>>
      tpu.enqueue_indirect_dma source(%arg10 : memref<100x64xf32, #tpu.memory_space<vmem>>) target(%dma_start3A_296 : memref<10240x64xf32, #tpu.memory_space<vmem_shared>>) offsets(%dma_start3A_293 : memref<100xi32, #tpu.memory_space<vmem>>) semaphore(%arg22 : memref<!tpu.dma_semaphore, #tpu.memory_space<semaphore_mem>>) {add = true}
      %add3A_297 = arith.constant 2 : i32
      %add3A_298 = arith.addi %mul3A_177, %add3A_297 : i32
      %dma_start3A_299 = arith.constant 0 : i32
      %dma_start3A_300 = tpu.memref_slice %arg8[%add3A_298, %dma_start3A_299] : memref<100x100xi32, #tpu.memory_space<vmem>> -> memref<1x100xi32, #tpu.memory_space<vmem>>
      %dma_start3A_301 = tpu.memref_squeeze %dma_start3A_300 : memref<1x100xi32, #tpu.memory_space<vmem>> -> memref<100xi32, #tpu.memory_space<vmem>>
      %dma_start3A_302 = arith.constant 0 : i32
      %dma_start3A_303 = arith.constant 0 : i32
      %dma_start3A_304 = tpu.memref_slice %arg19[%dma_start3A_302, %dma_start3A_303] : memref<10240x64xf32, #tpu.memory_space<vmem_shared>> -> memref<10240x64xf32, #tpu.memory_space<vmem_shared>>
      tpu.enqueue_indirect_dma source(%arg11 : memref<100x64xf32, #tpu.memory_space<vmem>>) target(%dma_start3A_304 : memref<10240x64xf32, #tpu.memory_space<vmem_shared>>) offsets(%dma_start3A_301 : memref<100xi32, #tpu.memory_space<vmem>>) semaphore(%arg22 : memref<!tpu.dma_semaphore, #tpu.memory_space<semaphore_mem>>) {add = true}
      %add3A_305 = arith.constant 3 : i32
      %add3A_306 = arith.addi %mul3A_177, %add3A_305 : i32
      %dma_start3A_307 = arith.constant 0 : i32
      %dma_start3A_308 = tpu.memref_slice %arg8[%add3A_306, %dma_start3A_307] : memref<100x100xi32, #tpu.memory_space<vmem>> -> memref<1x100xi32, #tpu.memory_space<vmem>>
      %dma_start3A_309 = tpu.memref_squeeze %dma_start3A_308 : memref<1x100xi32, #tpu.memory_space<vmem>> -> memref<100xi32, #tpu.memory_space<vmem>>
      %dma_start3A_310 = arith.constant 0 : i32
      %dma_start3A_311 = arith.constant 0 : i32
      %dma_start3A_312 = tpu.memref_slice %arg19[%dma_start3A_310, %dma_start3A_311] : memref<10240x64xf32, #tpu.memory_space<vmem_shared>> -> memref<10240x64xf32, #tpu.memory_space<vmem_shared>>
      tpu.enqueue_indirect_dma source(%arg12 : memref<100x64xf32, #tpu.memory_space<vmem>>) target(%dma_start3A_312 : memref<10240x64xf32, #tpu.memory_space<vmem_shared>>) offsets(%dma_start3A_309 : memref<100xi32, #tpu.memory_space<vmem>>) semaphore(%arg22 : memref<!tpu.dma_semaphore, #tpu.memory_space<semaphore_mem>>) {add = true}
      %add3A_313 = arith.constant 4 : i32
      %add3A_314 = arith.addi %mul3A_177, %add3A_313 : i32
      %dma_start3A_315 = arith.constant 0 : i32
      %dma_start3A_316 = tpu.memref_slice %arg8[%add3A_314, %dma_start3A_315] : memref<100x100xi32, #tpu.memory_space<vmem>> -> memref<1x100xi32, #tpu.memory_space<vmem>>
      %dma_start3A_317 = tpu.memref_squeeze %dma_start3A_316 : memref<1x100xi32, #tpu.memory_space<vmem>> -> memref<100xi32, #tpu.memory_space<vmem>>
      %dma_start3A_318 = arith.constant 0 : i32
      %dma_start3A_319 = arith.constant 0 : i32
      %dma_start3A_320 = tpu.memref_slice %arg19[%dma_start3A_318, %dma_start3A_319] : memref<10240x64xf32, #tpu.memory_space<vmem_shared>> -> memref<10240x64xf32, #tpu.memory_space<vmem_shared>>
      tpu.enqueue_indirect_dma source(%arg13 : memref<100x64xf32, #tpu.memory_space<vmem>>) target(%dma_start3A_320 : memref<10240x64xf32, #tpu.memory_space<vmem_shared>>) offsets(%dma_start3A_317 : memref<100xi32, #tpu.memory_space<vmem>>) semaphore(%arg22 : memref<!tpu.dma_semaphore, #tpu.memory_space<semaphore_mem>>) {add = true}
      %add3A_321 = arith.constant 5 : i32
      %add3A_322 = arith.addi %mul3A_177, %add3A_321 : i32
      %add3A_323 = arith.constant 0 : i32
      %add3A_324 = arith.addi %add3A_322, %add3A_323 : i32
      %dma_wait3A_325 = arith.constant 0 : i32
      %dma_wait3A_326 = tpu.memref_slice %arg7[%add3A_324, %dma_wait3A_325] : memref<100x100xi32, #tpu.memory_space<vmem>> -> memref<1x100xi32, #tpu.memory_space<vmem>>
      %dma_wait3A_327 = tpu.memref_squeeze %dma_wait3A_326 : memref<1x100xi32, #tpu.memory_space<vmem>> -> memref<100xi32, #tpu.memory_space<vmem>>
      %dma_wait3A_328 = arith.constant 0 : i32
      %dma_wait3A_329 = tpu.memref_slice %arg2[%arg0, %dma_wait3A_328] : memref<20480x64xf32, #tpu.memory_space<hbm>> -> memref<20479x64xf32, #tpu.memory_space<hbm>>
      %dma_wait3A_330 = arith.constant 0 : i32
      %dma_wait3A_331 = arith.constant 0 : i32
      %dma_wait3A_332 = tpu.memref_slice %dma_wait3A_329[%dma_wait3A_330, %dma_wait3A_331] : memref<20479x64xf32, #tpu.memory_space<hbm>> -> memref<20479x64xf32, #tpu.memory_space<hbm>>
      tpu.wait_indirect_dma semaphore(%arg21 : memref<!tpu.dma_semaphore, #tpu.memory_space<semaphore_mem>>) src(%dma_wait3A_332 : memref<20479x64xf32, #tpu.memory_space<hbm>>) dst(%arg14 : memref<100x64xf32, #tpu.memory_space<vmem>>)
      %add3A_333 = arith.constant 1 : i32
      %add3A_334 = arith.addi %add3A_322, %add3A_333 : i32
      %dma_wait3A_335 = arith.constant 0 : i32
      %dma_wait3A_336 = tpu.memref_slice %arg7[%add3A_334, %dma_wait3A_335] : memref<100x100xi32, #tpu.memory_space<vmem>> -> memref<1x100xi32, #tpu.memory_space<vmem>>
      %dma_wait3A_337 = tpu.memref_squeeze %dma_wait3A_336 : memref<1x100xi32, #tpu.memory_space<vmem>> -> memref<100xi32, #tpu.memory_space<vmem>>
      %dma_wait3A_338 = arith.constant 0 : i32
      %dma_wait3A_339 = tpu.memref_slice %arg2[%arg0, %dma_wait3A_338] : memref<20480x64xf32, #tpu.memory_space<hbm>> -> memref<20479x64xf32, #tpu.memory_space<hbm>>
      %dma_wait3A_340 = arith.constant 0 : i32
      %dma_wait3A_341 = arith.constant 0 : i32
      %dma_wait3A_342 = tpu.memref_slice %dma_wait3A_339[%dma_wait3A_340, %dma_wait3A_341] : memref<20479x64xf32, #tpu.memory_space<hbm>> -> memref<20479x64xf32, #tpu.memory_space<hbm>>
      tpu.wait_indirect_dma semaphore(%arg21 : memref<!tpu.dma_semaphore, #tpu.memory_space<semaphore_mem>>) src(%dma_wait3A_342 : memref<20479x64xf32, #tpu.memory_space<hbm>>) dst(%arg15 : memref<100x64xf32, #tpu.memory_space<vmem>>)
      %add3A_343 = arith.constant 2 : i32
      %add3A_344 = arith.addi %add3A_322, %add3A_343 : i32
      %dma_wait3A_345 = arith.constant 0 : i32
      %dma_wait3A_346 = tpu.memref_slice %arg7[%add3A_344, %dma_wait3A_345] : memref<100x100xi32, #tpu.memory_space<vmem>> -> memref<1x100xi32, #tpu.memory_space<vmem>>
      %dma_wait3A_347 = tpu.memref_squeeze %dma_wait3A_346 : memref<1x100xi32, #tpu.memory_space<vmem>> -> memref<100xi32, #tpu.memory_space<vmem>>
      %dma_wait3A_348 = arith.constant 0 : i32
      %dma_wait3A_349 = tpu.memref_slice %arg2[%arg0, %dma_wait3A_348] : memref<20480x64xf32, #tpu.memory_space<hbm>> -> memref<20479x64xf32, #tpu.memory_space<hbm>>
      %dma_wait3A_350 = arith.constant 0 : i32
      %dma_wait3A_351 = arith.constant 0 : i32
      %dma_wait3A_352 = tpu.memref_slice %dma_wait3A_349[%dma_wait3A_350, %dma_wait3A_351] : memref<20479x64xf32, #tpu.memory_space<hbm>> -> memref<20479x64xf32, #tpu.memory_space<hbm>>
      tpu.wait_indirect_dma semaphore(%arg21 : memref<!tpu.dma_semaphore, #tpu.memory_space<semaphore_mem>>) src(%dma_wait3A_352 : memref<20479x64xf32, #tpu.memory_space<hbm>>) dst(%arg16 : memref<100x64xf32, #tpu.memory_space<vmem>>)
      %add3A_353 = arith.constant 3 : i32
      %add3A_354 = arith.addi %add3A_322, %add3A_353 : i32
      %dma_wait3A_355 = arith.constant 0 : i32
      %dma_wait3A_356 = tpu.memref_slice %arg7[%add3A_354, %dma_wait3A_355] : memref<100x100xi32, #tpu.memory_space<vmem>> -> memref<1x100xi32, #tpu.memory_space<vmem>>
      %dma_wait3A_357 = tpu.memref_squeeze %dma_wait3A_356 : memref<1x100xi32, #tpu.memory_space<vmem>> -> memref<100xi32, #tpu.memory_space<vmem>>
      %dma_wait3A_358 = arith.constant 0 : i32
      %dma_wait3A_359 = tpu.memref_slice %arg2[%arg0, %dma_wait3A_358] : memref<20480x64xf32, #tpu.memory_space<hbm>> -> memref<20479x64xf32, #tpu.memory_space<hbm>>
      %dma_wait3A_360 = arith.constant 0 : i32
      %dma_wait3A_361 = arith.constant 0 : i32
      %dma_wait3A_362 = tpu.memref_slice %dma_wait3A_359[%dma_wait3A_360, %dma_wait3A_361] : memref<20479x64xf32, #tpu.memory_space<hbm>> -> memref<20479x64xf32, #tpu.memory_space<hbm>>
      tpu.wait_indirect_dma semaphore(%arg21 : memref<!tpu.dma_semaphore, #tpu.memory_space<semaphore_mem>>) src(%dma_wait3A_362 : memref<20479x64xf32, #tpu.memory_space<hbm>>) dst(%arg17 : memref<100x64xf32, #tpu.memory_space<vmem>>)
      %add3A_363 = arith.constant 4 : i32
      %add3A_364 = arith.addi %add3A_322, %add3A_363 : i32
      %dma_wait3A_365 = arith.constant 0 : i32
      %dma_wait3A_366 = tpu.memref_slice %arg7[%add3A_364, %dma_wait3A_365] : memref<100x100xi32, #tpu.memory_space<vmem>> -> memref<1x100xi32, #tpu.memory_space<vmem>>
      %dma_wait3A_367 = tpu.memref_squeeze %dma_wait3A_366 : memref<1x100xi32, #tpu.memory_space<vmem>> -> memref<100xi32, #tpu.memory_space<vmem>>
      %dma_wait3A_368 = arith.constant 0 : i32
      %dma_wait3A_369 = tpu.memref_slice %arg2[%arg0, %dma_wait3A_368] : memref<20480x64xf32, #tpu.memory_space<hbm>> -> memref<20479x64xf32, #tpu.memory_space<hbm>>
      %dma_wait3A_370 = arith.constant 0 : i32
      %dma_wait3A_371 = arith.constant 0 : i32
      %dma_wait3A_372 = tpu.memref_slice %dma_wait3A_369[%dma_wait3A_370, %dma_wait3A_371] : memref<20479x64xf32, #tpu.memory_space<hbm>> -> memref<20479x64xf32, #tpu.memory_space<hbm>>
      tpu.wait_indirect_dma semaphore(%arg21 : memref<!tpu.dma_semaphore, #tpu.memory_space<semaphore_mem>>) src(%dma_wait3A_372 : memref<20479x64xf32, #tpu.memory_space<hbm>>) dst(%arg18 : memref<100x64xf32, #tpu.memory_space<vmem>>)
      %add3A_373 = arith.constant 0 : i32
      %add3A_374 = arith.addi %mul3A_177, %add3A_373 : i32
      %dma_wait3A_375 = arith.constant 0 : i32
      %dma_wait3A_376 = tpu.memref_slice %arg8[%add3A_374, %dma_wait3A_375] : memref<100x100xi32, #tpu.memory_space<vmem>> -> memref<1x100xi32, #tpu.memory_space<vmem>>
      %dma_wait3A_377 = tpu.memref_squeeze %dma_wait3A_376 : memref<1x100xi32, #tpu.memory_space<vmem>> -> memref<100xi32, #tpu.memory_space<vmem>>
      %dma_wait3A_378 = arith.constant 0 : i32
      %dma_wait3A_379 = arith.constant 0 : i32
      %dma_wait3A_380 = tpu.memref_slice %arg19[%dma_wait3A_378, %dma_wait3A_379] : memref<10240x64xf32, #tpu.memory_space<vmem_shared>> -> memref<10240x64xf32, #tpu.memory_space<vmem_shared>>
      tpu.wait_indirect_dma semaphore(%arg22 : memref<!tpu.dma_semaphore, #tpu.memory_space<semaphore_mem>>) src(%arg9 : memref<100x64xf32, #tpu.memory_space<vmem>>) dst(%dma_wait3A_380 : memref<10240x64xf32, #tpu.memory_space<vmem_shared>>)
      %add3A_381 = arith.constant 1 : i32
      %add3A_382 = arith.addi %mul3A_177, %add3A_381 : i32
      %dma_wait3A_383 = arith.constant 0 : i32
      %dma_wait3A_384 = tpu.memref_slice %arg8[%add3A_382, %dma_wait3A_383] : memref<100x100xi32, #tpu.memory_space<vmem>> -> memref<1x100xi32, #tpu.memory_space<vmem>>
      %dma_wait3A_385 = tpu.memref_squeeze %dma_wait3A_384 : memref<1x100xi32, #tpu.memory_space<vmem>> -> memref<100xi32, #tpu.memory_space<vmem>>
      %dma_wait3A_386 = arith.constant 0 : i32
      %dma_wait3A_387 = arith.constant 0 : i32
      %dma_wait3A_388 = tpu.memref_slice %arg19[%dma_wait3A_386, %dma_wait3A_387] : memref<10240x64xf32, #tpu.memory_space<vmem_shared>> -> memref<10240x64xf32, #tpu.memory_space<vmem_shared>>
      tpu.wait_indirect_dma semaphore(%arg22 : memref<!tpu.dma_semaphore, #tpu.memory_space<semaphore_mem>>) src(%arg10 : memref<100x64xf32, #tpu.memory_space<vmem>>) dst(%dma_wait3A_388 : memref<10240x64xf32, #tpu.memory_space<vmem_shared>>)
      %add3A_389 = arith.constant 2 : i32
      %add3A_390 = arith.addi %mul3A_177, %add3A_389 : i32
      %dma_wait3A_391 = arith.constant 0 : i32
      %dma_wait3A_392 = tpu.memref_slice %arg8[%add3A_390, %dma_wait3A_391] : memref<100x100xi32, #tpu.memory_space<vmem>> -> memref<1x100xi32, #tpu.memory_space<vmem>>
      %dma_wait3A_393 = tpu.memref_squeeze %dma_wait3A_392 : memref<1x100xi32, #tpu.memory_space<vmem>> -> memref<100xi32, #tpu.memory_space<vmem>>
      %dma_wait3A_394 = arith.constant 0 : i32
      %dma_wait3A_395 = arith.constant 0 : i32
      %dma_wait3A_396 = tpu.memref_slice %arg19[%dma_wait3A_394, %dma_wait3A_395] : memref<10240x64xf32, #tpu.memory_space<vmem_shared>> -> memref<10240x64xf32, #tpu.memory_space<vmem_shared>>
      tpu.wait_indirect_dma semaphore(%arg22 : memref<!tpu.dma_semaphore, #tpu.memory_space<semaphore_mem>>) src(%arg11 : memref<100x64xf32, #tpu.memory_space<vmem>>) dst(%dma_wait3A_396 : memref<10240x64xf32, #tpu.memory_space<vmem_shared>>)
      %add3A_397 = arith.constant 3 : i32
      %add3A_398 = arith.addi %mul3A_177, %add3A_397 : i32
      %dma_wait3A_399 = arith.constant 0 : i32
      %dma_wait3A_400 = tpu.memref_slice %arg8[%add3A_398, %dma_wait3A_399] : memref<100x100xi32, #tpu.memory_space<vmem>> -> memref<1x100xi32, #tpu.memory_space<vmem>>
      %dma_wait3A_401 = tpu.memref_squeeze %dma_wait3A_400 : memref<1x100xi32, #tpu.memory_space<vmem>> -> memref<100xi32, #tpu.memory_space<vmem>>
      %dma_wait3A_402 = arith.constant 0 : i32
      %dma_wait3A_403 = arith.constant 0 : i32
      %dma_wait3A_404 = tpu.memref_slice %arg19[%dma_wait3A_402, %dma_wait3A_403] : memref<10240x64xf32, #tpu.memory_space<vmem_shared>> -> memref<10240x64xf32, #tpu.memory_space<vmem_shared>>
      tpu.wait_indirect_dma semaphore(%arg22 : memref<!tpu.dma_semaphore, #tpu.memory_space<semaphore_mem>>) src(%arg12 : memref<100x64xf32, #tpu.memory_space<vmem>>) dst(%dma_wait3A_404 : memref<10240x64xf32, #tpu.memory_space<vmem_shared>>)
      %add3A_405 = arith.constant 4 : i32
      %add3A_406 = arith.addi %mul3A_177, %add3A_405 : i32
      %dma_wait3A_407 = arith.constant 0 : i32
      %dma_wait3A_408 = tpu.memref_slice %arg8[%add3A_406, %dma_wait3A_407] : memref<100x100xi32, #tpu.memory_space<vmem>> -> memref<1x100xi32, #tpu.memory_space<vmem>>
      %dma_wait3A_409 = tpu.memref_squeeze %dma_wait3A_408 : memref<1x100xi32, #tpu.memory_space<vmem>> -> memref<100xi32, #tpu.memory_space<vmem>>
      %dma_wait3A_410 = arith.constant 0 : i32
      %dma_wait3A_411 = arith.constant 0 : i32
      %dma_wait3A_412 = tpu.memref_slice %arg19[%dma_wait3A_410, %dma_wait3A_411] : memref<10240x64xf32, #tpu.memory_space<vmem_shared>> -> memref<10240x64xf32, #tpu.memory_space<vmem_shared>>
      tpu.wait_indirect_dma semaphore(%arg22 : memref<!tpu.dma_semaphore, #tpu.memory_space<semaphore_mem>>) src(%arg13 : memref<100x64xf32, #tpu.memory_space<vmem>>) dst(%dma_wait3A_412 : memref<10240x64xf32, #tpu.memory_space<vmem_shared>>)
      %lt3A = arith.constant 9 : i32
      %lt3A_413 = arith.cmpi slt, %scan3A_173, %lt3A : i32
      %convert_element_type3A_414 = arith.extui %lt3A_413 : i1 to i32
      %cond3A_415 = arith.constant 0 : i32
      %cond3A_416 = arith.cmpi ne, %convert_element_type3A_414, %cond3A_415 : i32
      scf.if %cond3A_416 {
        %add3A_459 = arith.constant 10 : i32
        %add3A_460 = arith.addi %mul3A_177, %add3A_459 : i32
        %add3A_461 = arith.constant 0 : i32
        %add3A_462 = arith.addi %add3A_460, %add3A_461 : i32
        %dma_start3A_463 = arith.constant 0 : i32
        %dma_start3A_464 = tpu.memref_slice %arg7[%add3A_462, %dma_start3A_463] : memref<100x100xi32, #tpu.memory_space<vmem>> -> memref<1x100xi32, #tpu.memory_space<vmem>>
        %dma_start3A_465 = tpu.memref_squeeze %dma_start3A_464 : memref<1x100xi32, #tpu.memory_space<vmem>> -> memref<100xi32, #tpu.memory_space<vmem>>
        %dma_start3A_466 = arith.constant 0 : i32
        %dma_start3A_467 = tpu.memref_slice %arg2[%arg0, %dma_start3A_466] : memref<20480x64xf32, #tpu.memory_space<hbm>> -> memref<20479x64xf32, #tpu.memory_space<hbm>>
        %dma_start3A_468 = arith.constant 0 : i32
        %dma_start3A_469 = arith.constant 0 : i32
        %dma_start3A_470 = tpu.memref_slice %dma_start3A_467[%dma_start3A_468, %dma_start3A_469] : memref<20479x64xf32, #tpu.memory_space<hbm>> -> memref<20479x64xf32, #tpu.memory_space<hbm>>
        tpu.enqueue_indirect_dma source(%dma_start3A_470 : memref<20479x64xf32, #tpu.memory_space<hbm>>) target(%arg9 : memref<100x64xf32, #tpu.memory_space<vmem>>) offsets(%dma_start3A_465 : memref<100xi32, #tpu.memory_space<vmem>>) semaphore(%arg20 : memref<!tpu.dma_semaphore, #tpu.memory_space<semaphore_mem>>)
        %add3A_471 = arith.constant 1 : i32
        %add3A_472 = arith.addi %add3A_460, %add3A_471 : i32
        %dma_start3A_473 = arith.constant 0 : i32
        %dma_start3A_474 = tpu.memref_slice %arg7[%add3A_472, %dma_start3A_473] : memref<100x100xi32, #tpu.memory_space<vmem>> -> memref<1x100xi32, #tpu.memory_space<vmem>>
        %dma_start3A_475 = tpu.memref_squeeze %dma_start3A_474 : memref<1x100xi32, #tpu.memory_space<vmem>> -> memref<100xi32, #tpu.memory_space<vmem>>
        %dma_start3A_476 = arith.constant 0 : i32
        %dma_start3A_477 = tpu.memref_slice %arg2[%arg0, %dma_start3A_476] : memref<20480x64xf32, #tpu.memory_space<hbm>> -> memref<20479x64xf32, #tpu.memory_space<hbm>>
        %dma_start3A_478 = arith.constant 0 : i32
        %dma_start3A_479 = arith.constant 0 : i32
        %dma_start3A_480 = tpu.memref_slice %dma_start3A_477[%dma_start3A_478, %dma_start3A_479] : memref<20479x64xf32, #tpu.memory_space<hbm>> -> memref<20479x64xf32, #tpu.memory_space<hbm>>
        tpu.enqueue_indirect_dma source(%dma_start3A_480 : memref<20479x64xf32, #tpu.memory_space<hbm>>) target(%arg10 : memref<100x64xf32, #tpu.memory_space<vmem>>) offsets(%dma_start3A_475 : memref<100xi32, #tpu.memory_space<vmem>>) semaphore(%arg20 : memref<!tpu.dma_semaphore, #tpu.memory_space<semaphore_mem>>)
        %add3A_481 = arith.constant 2 : i32
        %add3A_482 = arith.addi %add3A_460, %add3A_481 : i32
        %dma_start3A_483 = arith.constant 0 : i32
        %dma_start3A_484 = tpu.memref_slice %arg7[%add3A_482, %dma_start3A_483] : memref<100x100xi32, #tpu.memory_space<vmem>> -> memref<1x100xi32, #tpu.memory_space<vmem>>
        %dma_start3A_485 = tpu.memref_squeeze %dma_start3A_484 : memref<1x100xi32, #tpu.memory_space<vmem>> -> memref<100xi32, #tpu.memory_space<vmem>>
        %dma_start3A_486 = arith.constant 0 : i32
        %dma_start3A_487 = tpu.memref_slice %arg2[%arg0, %dma_start3A_486] : memref<20480x64xf32, #tpu.memory_space<hbm>> -> memref<20479x64xf32, #tpu.memory_space<hbm>>
        %dma_start3A_488 = arith.constant 0 : i32
        %dma_start3A_489 = arith.constant 0 : i32
        %dma_start3A_490 = tpu.memref_slice %dma_start3A_487[%dma_start3A_488, %dma_start3A_489] : memref<20479x64xf32, #tpu.memory_space<hbm>> -> memref<20479x64xf32, #tpu.memory_space<hbm>>
        tpu.enqueue_indirect_dma source(%dma_start3A_490 : memref<20479x64xf32, #tpu.memory_space<hbm>>) target(%arg11 : memref<100x64xf32, #tpu.memory_space<vmem>>) offsets(%dma_start3A_485 : memref<100xi32, #tpu.memory_space<vmem>>) semaphore(%arg20 : memref<!tpu.dma_semaphore, #tpu.memory_space<semaphore_mem>>)
        %add3A_491 = arith.constant 3 : i32
        %add3A_492 = arith.addi %add3A_460, %add3A_491 : i32
        %dma_start3A_493 = arith.constant 0 : i32
        %dma_start3A_494 = tpu.memref_slice %arg7[%add3A_492, %dma_start3A_493] : memref<100x100xi32, #tpu.memory_space<vmem>> -> memref<1x100xi32, #tpu.memory_space<vmem>>
        %dma_start3A_495 = tpu.memref_squeeze %dma_start3A_494 : memref<1x100xi32, #tpu.memory_space<vmem>> -> memref<100xi32, #tpu.memory_space<vmem>>
        %dma_start3A_496 = arith.constant 0 : i32
        %dma_start3A_497 = tpu.memref_slice %arg2[%arg0, %dma_start3A_496] : memref<20480x64xf32, #tpu.memory_space<hbm>> -> memref<20479x64xf32, #tpu.memory_space<hbm>>
        %dma_start3A_498 = arith.constant 0 : i32
        %dma_start3A_499 = arith.constant 0 : i32
        %dma_start3A_500 = tpu.memref_slice %dma_start3A_497[%dma_start3A_498, %dma_start3A_499] : memref<20479x64xf32, #tpu.memory_space<hbm>> -> memref<20479x64xf32, #tpu.memory_space<hbm>>
        tpu.enqueue_indirect_dma source(%dma_start3A_500 : memref<20479x64xf32, #tpu.memory_space<hbm>>) target(%arg12 : memref<100x64xf32, #tpu.memory_space<vmem>>) offsets(%dma_start3A_495 : memref<100xi32, #tpu.memory_space<vmem>>) semaphore(%arg20 : memref<!tpu.dma_semaphore, #tpu.memory_space<semaphore_mem>>)
        %add3A_501 = arith.constant 4 : i32
        %add3A_502 = arith.addi %add3A_460, %add3A_501 : i32
        %dma_start3A_503 = arith.constant 0 : i32
        %dma_start3A_504 = tpu.memref_slice %arg7[%add3A_502, %dma_start3A_503] : memref<100x100xi32, #tpu.memory_space<vmem>> -> memref<1x100xi32, #tpu.memory_space<vmem>>
        %dma_start3A_505 = tpu.memref_squeeze %dma_start3A_504 : memref<1x100xi32, #tpu.memory_space<vmem>> -> memref<100xi32, #tpu.memory_space<vmem>>
        %dma_start3A_506 = arith.constant 0 : i32
        %dma_start3A_507 = tpu.memref_slice %arg2[%arg0, %dma_start3A_506] : memref<20480x64xf32, #tpu.memory_space<hbm>> -> memref<20479x64xf32, #tpu.memory_space<hbm>>
        %dma_start3A_508 = arith.constant 0 : i32
        %dma_start3A_509 = arith.constant 0 : i32
        %dma_start3A_510 = tpu.memref_slice %dma_start3A_507[%dma_start3A_508, %dma_start3A_509] : memref<20479x64xf32, #tpu.memory_space<hbm>> -> memref<20479x64xf32, #tpu.memory_space<hbm>>
        tpu.enqueue_indirect_dma source(%dma_start3A_510 : memref<20479x64xf32, #tpu.memory_space<hbm>>) target(%arg13 : memref<100x64xf32, #tpu.memory_space<vmem>>) offsets(%dma_start3A_505 : memref<100xi32, #tpu.memory_space<vmem>>) semaphore(%arg20 : memref<!tpu.dma_semaphore, #tpu.memory_space<semaphore_mem>>)
      } else {
      }
      %add3A_417 = arith.constant 5 : i32
      %add3A_418 = arith.addi %mul3A_177, %add3A_417 : i32
      %add3A_419 = arith.constant 0 : i32
      %add3A_420 = arith.addi %add3A_418, %add3A_419 : i32
      %dma_start3A_421 = arith.constant 0 : i32
      %dma_start3A_422 = tpu.memref_slice %arg8[%add3A_420, %dma_start3A_421] : memref<100x100xi32, #tpu.memory_space<vmem>> -> memref<1x100xi32, #tpu.memory_space<vmem>>
      %dma_start3A_423 = tpu.memref_squeeze %dma_start3A_422 : memref<1x100xi32, #tpu.memory_space<vmem>> -> memref<100xi32, #tpu.memory_space<vmem>>
      %dma_start3A_424 = arith.constant 0 : i32
      %dma_start3A_425 = arith.constant 0 : i32
      %dma_start3A_426 = tpu.memref_slice %arg19[%dma_start3A_424, %dma_start3A_425] : memref<10240x64xf32, #tpu.memory_space<vmem_shared>> -> memref<10240x64xf32, #tpu.memory_space<vmem_shared>>
      tpu.enqueue_indirect_dma source(%arg14 : memref<100x64xf32, #tpu.memory_space<vmem>>) target(%dma_start3A_426 : memref<10240x64xf32, #tpu.memory_space<vmem_shared>>) offsets(%dma_start3A_423 : memref<100xi32, #tpu.memory_space<vmem>>) semaphore(%arg23 : memref<!tpu.dma_semaphore, #tpu.memory_space<semaphore_mem>>) {add = true}
      %add3A_427 = arith.constant 1 : i32
      %add3A_428 = arith.addi %add3A_418, %add3A_427 : i32
      %dma_start3A_429 = arith.constant 0 : i32
      %dma_start3A_430 = tpu.memref_slice %arg8[%add3A_428, %dma_start3A_429] : memref<100x100xi32, #tpu.memory_space<vmem>> -> memref<1x100xi32, #tpu.memory_space<vmem>>
      %dma_start3A_431 = tpu.memref_squeeze %dma_start3A_430 : memref<1x100xi32, #tpu.memory_space<vmem>> -> memref<100xi32, #tpu.memory_space<vmem>>
      %dma_start3A_432 = arith.constant 0 : i32
      %dma_start3A_433 = arith.constant 0 : i32
      %dma_start3A_434 = tpu.memref_slice %arg19[%dma_start3A_432, %dma_start3A_433] : memref<10240x64xf32, #tpu.memory_space<vmem_shared>> -> memref<10240x64xf32, #tpu.memory_space<vmem_shared>>
      tpu.enqueue_indirect_dma source(%arg15 : memref<100x64xf32, #tpu.memory_space<vmem>>) target(%dma_start3A_434 : memref<10240x64xf32, #tpu.memory_space<vmem_shared>>) offsets(%dma_start3A_431 : memref<100xi32, #tpu.memory_space<vmem>>) semaphore(%arg23 : memref<!tpu.dma_semaphore, #tpu.memory_space<semaphore_mem>>) {add = true}
      %add3A_435 = arith.constant 2 : i32
      %add3A_436 = arith.addi %add3A_418, %add3A_435 : i32
      %dma_start3A_437 = arith.constant 0 : i32
      %dma_start3A_438 = tpu.memref_slice %arg8[%add3A_436, %dma_start3A_437] : memref<100x100xi32, #tpu.memory_space<vmem>> -> memref<1x100xi32, #tpu.memory_space<vmem>>
      %dma_start3A_439 = tpu.memref_squeeze %dma_start3A_438 : memref<1x100xi32, #tpu.memory_space<vmem>> -> memref<100xi32, #tpu.memory_space<vmem>>
      %dma_start3A_440 = arith.constant 0 : i32
      %dma_start3A_441 = arith.constant 0 : i32
      %dma_start3A_442 = tpu.memref_slice %arg19[%dma_start3A_440, %dma_start3A_441] : memref<10240x64xf32, #tpu.memory_space<vmem_shared>> -> memref<10240x64xf32, #tpu.memory_space<vmem_shared>>
      tpu.enqueue_indirect_dma source(%arg16 : memref<100x64xf32, #tpu.memory_space<vmem>>) target(%dma_start3A_442 : memref<10240x64xf32, #tpu.memory_space<vmem_shared>>) offsets(%dma_start3A_439 : memref<100xi32, #tpu.memory_space<vmem>>) semaphore(%arg23 : memref<!tpu.dma_semaphore, #tpu.memory_space<semaphore_mem>>) {add = true}
      %add3A_443 = arith.constant 3 : i32
      %add3A_444 = arith.addi %add3A_418, %add3A_443 : i32
      %dma_start3A_445 = arith.constant 0 : i32
      %dma_start3A_446 = tpu.memref_slice %arg8[%add3A_444, %dma_start3A_445] : memref<100x100xi32, #tpu.memory_space<vmem>> -> memref<1x100xi32, #tpu.memory_space<vmem>>
      %dma_start3A_447 = tpu.memref_squeeze %dma_start3A_446 : memref<1x100xi32, #tpu.memory_space<vmem>> -> memref<100xi32, #tpu.memory_space<vmem>>
      %dma_start3A_448 = arith.constant 0 : i32
      %dma_start3A_449 = arith.constant 0 : i32
      %dma_start3A_450 = tpu.memref_slice %arg19[%dma_start3A_448, %dma_start3A_449] : memref<10240x64xf32, #tpu.memory_space<vmem_shared>> -> memref<10240x64xf32, #tpu.memory_space<vmem_shared>>
      tpu.enqueue_indirect_dma source(%arg17 : memref<100x64xf32, #tpu.memory_space<vmem>>) target(%dma_start3A_450 : memref<10240x64xf32, #tpu.memory_space<vmem_shared>>) offsets(%dma_start3A_447 : memref<100xi32, #tpu.memory_space<vmem>>) semaphore(%arg23 : memref<!tpu.dma_semaphore, #tpu.memory_space<semaphore_mem>>) {add = true}
      %add3A_451 = arith.constant 4 : i32
      %add3A_452 = arith.addi %add3A_418, %add3A_451 : i32
      %dma_start3A_453 = arith.constant 0 : i32
      %dma_start3A_454 = tpu.memref_slice %arg8[%add3A_452, %dma_start3A_453] : memref<100x100xi32, #tpu.memory_space<vmem>> -> memref<1x100xi32, #tpu.memory_space<vmem>>
      %dma_start3A_455 = tpu.memref_squeeze %dma_start3A_454 : memref<1x100xi32, #tpu.memory_space<vmem>> -> memref<100xi32, #tpu.memory_space<vmem>>
      %dma_start3A_456 = arith.constant 0 : i32
      %dma_start3A_457 = arith.constant 0 : i32
      %dma_start3A_458 = tpu.memref_slice %arg19[%dma_start3A_456, %dma_start3A_457] : memref<10240x64xf32, #tpu.memory_space<vmem_shared>> -> memref<10240x64xf32, #tpu.memory_space<vmem_shared>>
      tpu.enqueue_indirect_dma source(%arg18 : memref<100x64xf32, #tpu.memory_space<vmem>>) target(%dma_start3A_458 : memref<10240x64xf32, #tpu.memory_space<vmem_shared>>) offsets(%dma_start3A_455 : memref<100xi32, #tpu.memory_space<vmem>>) semaphore(%arg23 : memref<!tpu.dma_semaphore, #tpu.memory_space<semaphore_mem>>) {add = true}
    }
    %scan3A_134 = arith.constant 10 : i32
    %dma_wait3A_135 = arith.constant 95 : i32
    %dma_wait3A_136 = arith.constant 0 : i32
    %dma_wait3A_137 = tpu.memref_slice %arg8[%dma_wait3A_135, %dma_wait3A_136] : memref<100x100xi32, #tpu.memory_space<vmem>> -> memref<1x100xi32, #tpu.memory_space<vmem>>
    %dma_wait3A_138 = tpu.memref_squeeze %dma_wait3A_137 : memref<1x100xi32, #tpu.memory_space<vmem>> -> memref<100xi32, #tpu.memory_space<vmem>>
    %dma_wait3A_139 = arith.constant 0 : i32
    %dma_wait3A_140 = arith.constant 0 : i32
    %dma_wait3A_141 = tpu.memref_slice %arg19[%dma_wait3A_139, %dma_wait3A_140] : memref<10240x64xf32, #tpu.memory_space<vmem_shared>> -> memref<10240x64xf32, #tpu.memory_space<vmem_shared>>
    tpu.wait_indirect_dma semaphore(%arg23 : memref<!tpu.dma_semaphore, #tpu.memory_space<semaphore_mem>>) src(%arg14 : memref<100x64xf32, #tpu.memory_space<vmem>>) dst(%dma_wait3A_141 : memref<10240x64xf32, #tpu.memory_space<vmem_shared>>)
    %dma_wait3A_142 = arith.constant 96 : i32
    %dma_wait3A_143 = arith.constant 0 : i32
    %dma_wait3A_144 = tpu.memref_slice %arg8[%dma_wait3A_142, %dma_wait3A_143] : memref<100x100xi32, #tpu.memory_space<vmem>> -> memref<1x100xi32, #tpu.memory_space<vmem>>
    %dma_wait3A_145 = tpu.memref_squeeze %dma_wait3A_144 : memref<1x100xi32, #tpu.memory_space<vmem>> -> memref<100xi32, #tpu.memory_space<vmem>>
    %dma_wait3A_146 = arith.constant 0 : i32
    %dma_wait3A_147 = arith.constant 0 : i32
    %dma_wait3A_148 = tpu.memref_slice %arg19[%dma_wait3A_146, %dma_wait3A_147] : memref<10240x64xf32, #tpu.memory_space<vmem_shared>> -> memref<10240x64xf32, #tpu.memory_space<vmem_shared>>
    tpu.wait_indirect_dma semaphore(%arg23 : memref<!tpu.dma_semaphore, #tpu.memory_space<semaphore_mem>>) src(%arg15 : memref<100x64xf32, #tpu.memory_space<vmem>>) dst(%dma_wait3A_148 : memref<10240x64xf32, #tpu.memory_space<vmem_shared>>)
    %dma_wait3A_149 = arith.constant 97 : i32
    %dma_wait3A_150 = arith.constant 0 : i32
    %dma_wait3A_151 = tpu.memref_slice %arg8[%dma_wait3A_149, %dma_wait3A_150] : memref<100x100xi32, #tpu.memory_space<vmem>> -> memref<1x100xi32, #tpu.memory_space<vmem>>
    %dma_wait3A_152 = tpu.memref_squeeze %dma_wait3A_151 : memref<1x100xi32, #tpu.memory_space<vmem>> -> memref<100xi32, #tpu.memory_space<vmem>>
    %dma_wait3A_153 = arith.constant 0 : i32
    %dma_wait3A_154 = arith.constant 0 : i32
    %dma_wait3A_155 = tpu.memref_slice %arg19[%dma_wait3A_153, %dma_wait3A_154] : memref<10240x64xf32, #tpu.memory_space<vmem_shared>> -> memref<10240x64xf32, #tpu.memory_space<vmem_shared>>
    tpu.wait_indirect_dma semaphore(%arg23 : memref<!tpu.dma_semaphore, #tpu.memory_space<semaphore_mem>>) src(%arg16 : memref<100x64xf32, #tpu.memory_space<vmem>>) dst(%dma_wait3A_155 : memref<10240x64xf32, #tpu.memory_space<vmem_shared>>)
    %dma_wait3A_156 = arith.constant 98 : i32
    %dma_wait3A_157 = arith.constant 0 : i32
    %dma_wait3A_158 = tpu.memref_slice %arg8[%dma_wait3A_156, %dma_wait3A_157] : memref<100x100xi32, #tpu.memory_space<vmem>> -> memref<1x100xi32, #tpu.memory_space<vmem>>
    %dma_wait3A_159 = tpu.memref_squeeze %dma_wait3A_158 : memref<1x100xi32, #tpu.memory_space<vmem>> -> memref<100xi32, #tpu.memory_space<vmem>>
    %dma_wait3A_160 = arith.constant 0 : i32
    %dma_wait3A_161 = arith.constant 0 : i32
    %dma_wait3A_162 = tpu.memref_slice %arg19[%dma_wait3A_160, %dma_wait3A_161] : memref<10240x64xf32, #tpu.memory_space<vmem_shared>> -> memref<10240x64xf32, #tpu.memory_space<vmem_shared>>
    tpu.wait_indirect_dma semaphore(%arg23 : memref<!tpu.dma_semaphore, #tpu.memory_space<semaphore_mem>>) src(%arg17 : memref<100x64xf32, #tpu.memory_space<vmem>>) dst(%dma_wait3A_162 : memref<10240x64xf32, #tpu.memory_space<vmem_shared>>)
    %dma_wait3A_163 = arith.constant 99 : i32
    %dma_wait3A_164 = arith.constant 0 : i32
    %dma_wait3A_165 = tpu.memref_slice %arg8[%dma_wait3A_163, %dma_wait3A_164] : memref<100x100xi32, #tpu.memory_space<vmem>> -> memref<1x100xi32, #tpu.memory_space<vmem>>
    %dma_wait3A_166 = tpu.memref_squeeze %dma_wait3A_165 : memref<1x100xi32, #tpu.memory_space<vmem>> -> memref<100xi32, #tpu.memory_space<vmem>>
    %dma_wait3A_167 = arith.constant 0 : i32
    %dma_wait3A_168 = arith.constant 0 : i32
    %dma_wait3A_169 = tpu.memref_slice %arg19[%dma_wait3A_167, %dma_wait3A_168] : memref<10240x64xf32, #tpu.memory_space<vmem_shared>> -> memref<10240x64xf32, #tpu.memory_space<vmem_shared>>
    tpu.wait_indirect_dma semaphore(%arg23 : memref<!tpu.dma_semaphore, #tpu.memory_space<semaphore_mem>>) src(%arg18 : memref<100x64xf32, #tpu.memory_space<vmem>>) dst(%dma_wait3A_169 : memref<10240x64xf32, #tpu.memory_space<vmem_shared>>)
    %barrier3A_170 = arith.constant 0 : index
    tpu.barrier barrier_id(%barrier3A_170)
    %mul3A_171 = arith.constant 64 : i32
    %mul3A_172 = arith.muli %arg0, %mul3A_171 : i32
    "tpu.region"() ({
      %run_scoped3A = tpu.sem_alloc : memref<!tpu.dma_semaphore, #tpu.memory_space<semaphore_mem>>
      %dma_start3A_173 = tpu.memref_slice %arg6[%mul3A_0, %mul3A_172] : memref<10240x128xf32, #tpu.memory_space<hbm>> -> memref<640x64xf32, #tpu.memory_space<hbm>>
      %dma_start3A_174 = arith.constant 0 : i32
      %dma_start3A_175 = tpu.memref_slice %arg19[%mul3A_0, %dma_start3A_174] : memref<10240x64xf32, #tpu.memory_space<vmem_shared>> -> memref<640x64xf32, #tpu.memory_space<vmem_shared>>
      tpu.enqueue_dma source(%dma_start3A_175 : memref<640x64xf32, #tpu.memory_space<vmem_shared>>) target(%dma_start3A_173 : memref<640x64xf32, #tpu.memory_space<hbm>>) target_semaphore(%run_scoped3A : memref<!tpu.dma_semaphore, #tpu.memory_space<semaphore_mem>>)
      %dma_wait3A_176 = tpu.memref_slice %arg6[%mul3A_0, %mul3A_172] : memref<10240x128xf32, #tpu.memory_space<hbm>> -> memref<640x64xf32, #tpu.memory_space<hbm>>
      %dma_wait3A_177 = arith.constant 0 : i32
      %dma_wait3A_178 = tpu.memref_slice %arg19[%mul3A_0, %dma_wait3A_177] : memref<10240x64xf32, #tpu.memory_space<vmem_shared>> -> memref<640x64xf32, #tpu.memory_space<vmem_shared>>
      tpu.wait_dma2 semaphore(%run_scoped3A : memref<!tpu.dma_semaphore, #tpu.memory_space<semaphore_mem>>) src(%dma_wait3A_178 : memref<640x64xf32, #tpu.memory_space<vmem_shared>>) dst(%dma_wait3A_176 : memref<640x64xf32, #tpu.memory_space<hbm>>)
      tpu.yield
    }) : () -> ()
    return
  }
}

#map = affine_map<(d0, d1) -> (0, 0)>
#map1 = affine_map<(d0, d1) -> (0, 0, 0)>
module attributes {stable_mosaic.version = 14 : i64} {
  func.func @agg_kernel(%arg0: i32, %arg1: i32, %arg2: memref<20480x64xf32, #tpu.memory_space<hbm>>, %arg3: memref<32x100x100xi32, #tpu.memory_space<hbm>>, %arg4: memref<32x100x100xi32, #tpu.memory_space<hbm>>, %arg5: memref<640x64xf32, #tpu.memory_space<hbm>>, %arg6: memref<10240x128xf32, #tpu.memory_space<hbm>>, %arg7: memref<50x100xi32, #tpu.memory_space<vmem>>, %arg8: memref<50x100xi32, #tpu.memory_space<vmem>>, %arg9: memref<100x64xf32, #tpu.memory_space<vmem>>, %arg10: memref<100x64xf32, #tpu.memory_space<vmem>>, %arg11: memref<100x64xf32, #tpu.memory_space<vmem>>, %arg12: memref<100x64xf32, #tpu.memory_space<vmem>>, %arg13: memref<100x64xf32, #tpu.memory_space<vmem>>, %arg14: memref<100x64xf32, #tpu.memory_space<vmem>>, %arg15: memref<100x64xf32, #tpu.memory_space<vmem>>, %arg16: memref<100x64xf32, #tpu.memory_space<vmem>>, %arg17: memref<100x64xf32, #tpu.memory_space<vmem>>, %arg18: memref<100x64xf32, #tpu.memory_space<vmem>>, %arg19: memref<10240x64xf32, #tpu.memory_space<vmem_shared>>, %arg20: memref<!tpu.dma_semaphore, #tpu.memory_space<semaphore_mem>>, %arg21: memref<!tpu.dma_semaphore, #tpu.memory_space<semaphore_mem>>, %arg22: memref<!tpu.dma_semaphore, #tpu.memory_space<semaphore_mem>>, %arg23: memref<!tpu.dma_semaphore, #tpu.memory_space<semaphore_mem>>) attributes {dimension_semantics = [#tpu.dimension_semantics<core_parallel>, #tpu.dimension_semantics<subcore_parallel>], iteration_bounds = array<i64: 2, 16>, scalar_prefetch = 0 : i64, scratch_operands = 17 : i64, tpu.core_type = #tpu.core_type<sc_vector_subcore>, window_params = [{transform_indices = #map}, {transform_indices = #map1}, {transform_indices = #map1}, {transform_indices = #map}, {transform_indices = #map}]} {
    %mul3A = arith.constant 2 : i32
    %mul3A_0 = arith.muli %arg1, %mul3A : i32
    %add3A = arith.addi %mul3A_0, %arg0 : i32
    %mul3A_1 = arith.constant 640 : i32
    %mul3A_2 = arith.muli %arg1, %mul3A_1 : i32
    "tpu.region"() ({
      %run_scoped3A = tpu.sem_alloc : memref<!tpu.dma_semaphore, #tpu.memory_space<semaphore_mem>>
      %dma_start3A_185 = arith.constant 0 : i32
      %dma_start3A_186 = tpu.memref_slice %arg19[%mul3A_2, %dma_start3A_185] : memref<10240x64xf32, #tpu.memory_space<vmem_shared>> -> memref<640x64xf32, #tpu.memory_space<vmem_shared>>
      tpu.enqueue_dma source(%arg5 : memref<640x64xf32, #tpu.memory_space<hbm>>) target(%dma_start3A_186 : memref<640x64xf32, #tpu.memory_space<vmem_shared>>) target_semaphore(%run_scoped3A : memref<!tpu.dma_semaphore, #tpu.memory_space<semaphore_mem>>)
      %dma_wait3A_187 = arith.constant 0 : i32
      %dma_wait3A_188 = tpu.memref_slice %arg19[%mul3A_2, %dma_wait3A_187] : memref<10240x64xf32, #tpu.memory_space<vmem_shared>> -> memref<640x64xf32, #tpu.memory_space<vmem_shared>>
      tpu.wait_dma2 semaphore(%run_scoped3A : memref<!tpu.dma_semaphore, #tpu.memory_space<semaphore_mem>>) src(%arg5 : memref<640x64xf32, #tpu.memory_space<hbm>>) dst(%dma_wait3A_188 : memref<640x64xf32, #tpu.memory_space<vmem_shared>>)
      tpu.yield
    }) : () -> ()
    %barrier3A = arith.constant 0 : index
    tpu.barrier barrier_id(%barrier3A)
    "tpu.region"() ({
      %run_scoped3A = tpu.sem_alloc : memref<!tpu.dma_semaphore, #tpu.memory_space<semaphore_mem>>
      %dma_start3A_185 = arith.constant 0 : i32
      %dma_start3A_186 = arith.constant 0 : i32
      %dma_start3A_187 = tpu.memref_slice %arg3[%add3A, %dma_start3A_185, %dma_start3A_186] : memref<32x100x100xi32, #tpu.memory_space<hbm>> -> memref<1x100x100xi32, #tpu.memory_space<hbm>>
      %dma_start3A_188 = tpu.memref_squeeze %dma_start3A_187 : memref<1x100x100xi32, #tpu.memory_space<hbm>> -> memref<100x100xi32, #tpu.memory_space<hbm>>
      %dma_start3A_189 = arith.constant 0 : i32
      %dma_start3A_190 = arith.constant 0 : i32
      %dma_start3A_191 = tpu.memref_slice %dma_start3A_188[%dma_start3A_189, %dma_start3A_190] : memref<100x100xi32, #tpu.memory_space<hbm>> -> memref<50x100xi32, #tpu.memory_space<hbm>>
      %dma_start3A_192 = arith.constant 0 : i32
      %dma_start3A_193 = arith.constant 0 : i32
      %dma_start3A_194 = tpu.memref_slice %arg3[%add3A, %dma_start3A_192, %dma_start3A_193] : memref<32x100x100xi32, #tpu.memory_space<hbm>> -> memref<1x100x100xi32, #tpu.memory_space<hbm>>
      %dma_start3A_195 = tpu.memref_squeeze %dma_start3A_194 : memref<1x100x100xi32, #tpu.memory_space<hbm>> -> memref<100x100xi32, #tpu.memory_space<hbm>>
      %dma_start3A_196 = arith.constant 0 : i32
      %dma_start3A_197 = arith.constant 0 : i32
      %dma_start3A_198 = tpu.memref_slice %dma_start3A_195[%dma_start3A_196, %dma_start3A_197] : memref<100x100xi32, #tpu.memory_space<hbm>> -> memref<50x100xi32, #tpu.memory_space<hbm>>
      tpu.enqueue_dma source(%dma_start3A_198 : memref<50x100xi32, #tpu.memory_space<hbm>>) target(%arg7 : memref<50x100xi32, #tpu.memory_space<vmem>>) target_semaphore(%run_scoped3A : memref<!tpu.dma_semaphore, #tpu.memory_space<semaphore_mem>>)
      %dma_wait3A_199 = arith.constant 0 : i32
      %dma_wait3A_200 = arith.constant 0 : i32
      %dma_wait3A_201 = tpu.memref_slice %arg3[%add3A, %dma_wait3A_199, %dma_wait3A_200] : memref<32x100x100xi32, #tpu.memory_space<hbm>> -> memref<1x100x100xi32, #tpu.memory_space<hbm>>
      %dma_wait3A_202 = tpu.memref_squeeze %dma_wait3A_201 : memref<1x100x100xi32, #tpu.memory_space<hbm>> -> memref<100x100xi32, #tpu.memory_space<hbm>>
      %dma_wait3A_203 = arith.constant 0 : i32
      %dma_wait3A_204 = arith.constant 0 : i32
      %dma_wait3A_205 = tpu.memref_slice %dma_wait3A_202[%dma_wait3A_203, %dma_wait3A_204] : memref<100x100xi32, #tpu.memory_space<hbm>> -> memref<50x100xi32, #tpu.memory_space<hbm>>
      %dma_wait3A_206 = arith.constant 0 : i32
      %dma_wait3A_207 = arith.constant 0 : i32
      %dma_wait3A_208 = tpu.memref_slice %arg3[%add3A, %dma_wait3A_206, %dma_wait3A_207] : memref<32x100x100xi32, #tpu.memory_space<hbm>> -> memref<1x100x100xi32, #tpu.memory_space<hbm>>
      %dma_wait3A_209 = tpu.memref_squeeze %dma_wait3A_208 : memref<1x100x100xi32, #tpu.memory_space<hbm>> -> memref<100x100xi32, #tpu.memory_space<hbm>>
      %dma_wait3A_210 = arith.constant 0 : i32
      %dma_wait3A_211 = arith.constant 0 : i32
      %dma_wait3A_212 = tpu.memref_slice %dma_wait3A_209[%dma_wait3A_210, %dma_wait3A_211] : memref<100x100xi32, #tpu.memory_space<hbm>> -> memref<50x100xi32, #tpu.memory_space<hbm>>
      tpu.wait_dma2 semaphore(%run_scoped3A : memref<!tpu.dma_semaphore, #tpu.memory_space<semaphore_mem>>) src(%dma_wait3A_212 : memref<50x100xi32, #tpu.memory_space<hbm>>) dst(%arg7 : memref<50x100xi32, #tpu.memory_space<vmem>>)
      tpu.yield
    }) : () -> ()
    "tpu.region"() ({
      %run_scoped3A = tpu.sem_alloc : memref<!tpu.dma_semaphore, #tpu.memory_space<semaphore_mem>>
      %dma_start3A_185 = arith.constant 0 : i32
      %dma_start3A_186 = arith.constant 0 : i32
      %dma_start3A_187 = tpu.memref_slice %arg4[%add3A, %dma_start3A_185, %dma_start3A_186] : memref<32x100x100xi32, #tpu.memory_space<hbm>> -> memref<1x100x100xi32, #tpu.memory_space<hbm>>
      %dma_start3A_188 = tpu.memref_squeeze %dma_start3A_187 : memref<1x100x100xi32, #tpu.memory_space<hbm>> -> memref<100x100xi32, #tpu.memory_space<hbm>>
      %dma_start3A_189 = arith.constant 0 : i32
      %dma_start3A_190 = arith.constant 0 : i32
      %dma_start3A_191 = tpu.memref_slice %dma_start3A_188[%dma_start3A_189, %dma_start3A_190] : memref<100x100xi32, #tpu.memory_space<hbm>> -> memref<50x100xi32, #tpu.memory_space<hbm>>
      %dma_start3A_192 = arith.constant 0 : i32
      %dma_start3A_193 = arith.constant 0 : i32
      %dma_start3A_194 = tpu.memref_slice %arg4[%add3A, %dma_start3A_192, %dma_start3A_193] : memref<32x100x100xi32, #tpu.memory_space<hbm>> -> memref<1x100x100xi32, #tpu.memory_space<hbm>>
      %dma_start3A_195 = tpu.memref_squeeze %dma_start3A_194 : memref<1x100x100xi32, #tpu.memory_space<hbm>> -> memref<100x100xi32, #tpu.memory_space<hbm>>
      %dma_start3A_196 = arith.constant 0 : i32
      %dma_start3A_197 = arith.constant 0 : i32
      %dma_start3A_198 = tpu.memref_slice %dma_start3A_195[%dma_start3A_196, %dma_start3A_197] : memref<100x100xi32, #tpu.memory_space<hbm>> -> memref<50x100xi32, #tpu.memory_space<hbm>>
      tpu.enqueue_dma source(%dma_start3A_198 : memref<50x100xi32, #tpu.memory_space<hbm>>) target(%arg8 : memref<50x100xi32, #tpu.memory_space<vmem>>) target_semaphore(%run_scoped3A : memref<!tpu.dma_semaphore, #tpu.memory_space<semaphore_mem>>)
      %dma_wait3A_199 = arith.constant 0 : i32
      %dma_wait3A_200 = arith.constant 0 : i32
      %dma_wait3A_201 = tpu.memref_slice %arg4[%add3A, %dma_wait3A_199, %dma_wait3A_200] : memref<32x100x100xi32, #tpu.memory_space<hbm>> -> memref<1x100x100xi32, #tpu.memory_space<hbm>>
      %dma_wait3A_202 = tpu.memref_squeeze %dma_wait3A_201 : memref<1x100x100xi32, #tpu.memory_space<hbm>> -> memref<100x100xi32, #tpu.memory_space<hbm>>
      %dma_wait3A_203 = arith.constant 0 : i32
      %dma_wait3A_204 = arith.constant 0 : i32
      %dma_wait3A_205 = tpu.memref_slice %dma_wait3A_202[%dma_wait3A_203, %dma_wait3A_204] : memref<100x100xi32, #tpu.memory_space<hbm>> -> memref<50x100xi32, #tpu.memory_space<hbm>>
      %dma_wait3A_206 = arith.constant 0 : i32
      %dma_wait3A_207 = arith.constant 0 : i32
      %dma_wait3A_208 = tpu.memref_slice %arg4[%add3A, %dma_wait3A_206, %dma_wait3A_207] : memref<32x100x100xi32, #tpu.memory_space<hbm>> -> memref<1x100x100xi32, #tpu.memory_space<hbm>>
      %dma_wait3A_209 = tpu.memref_squeeze %dma_wait3A_208 : memref<1x100x100xi32, #tpu.memory_space<hbm>> -> memref<100x100xi32, #tpu.memory_space<hbm>>
      %dma_wait3A_210 = arith.constant 0 : i32
      %dma_wait3A_211 = arith.constant 0 : i32
      %dma_wait3A_212 = tpu.memref_slice %dma_wait3A_209[%dma_wait3A_210, %dma_wait3A_211] : memref<100x100xi32, #tpu.memory_space<hbm>> -> memref<50x100xi32, #tpu.memory_space<hbm>>
      tpu.wait_dma2 semaphore(%run_scoped3A : memref<!tpu.dma_semaphore, #tpu.memory_space<semaphore_mem>>) src(%dma_wait3A_212 : memref<50x100xi32, #tpu.memory_space<hbm>>) dst(%arg8 : memref<50x100xi32, #tpu.memory_space<vmem>>)
      tpu.yield
    }) : () -> ()
    %dma_start3A = arith.constant 0 : i32
    %dma_start3A_3 = arith.constant 0 : i32
    %dma_start3A_4 = tpu.memref_slice %arg7[%dma_start3A, %dma_start3A_3] : memref<50x100xi32, #tpu.memory_space<vmem>> -> memref<1x100xi32, #tpu.memory_space<vmem>>
    %dma_start3A_5 = tpu.memref_squeeze %dma_start3A_4 : memref<1x100xi32, #tpu.memory_space<vmem>> -> memref<100xi32, #tpu.memory_space<vmem>>
    %dma_start3A_6 = arith.constant 0 : i32
    %dma_start3A_7 = arith.constant 0 : i32
    %dma_start3A_8 = tpu.memref_slice %arg2[%dma_start3A_6, %dma_start3A_7] : memref<20480x64xf32, #tpu.memory_space<hbm>> -> memref<20479x64xf32, #tpu.memory_space<hbm>>
    %dma_start3A_9 = arith.constant 0 : i32
    %dma_start3A_10 = arith.constant 0 : i32
    %dma_start3A_11 = tpu.memref_slice %dma_start3A_8[%dma_start3A_9, %dma_start3A_10] : memref<20479x64xf32, #tpu.memory_space<hbm>> -> memref<20479x64xf32, #tpu.memory_space<hbm>>
    tpu.enqueue_indirect_dma source(%dma_start3A_11 : memref<20479x64xf32, #tpu.memory_space<hbm>>) target(%arg9 : memref<100x64xf32, #tpu.memory_space<vmem>>) offsets(%dma_start3A_5 : memref<100xi32, #tpu.memory_space<vmem>>) semaphore(%arg20 : memref<!tpu.dma_semaphore, #tpu.memory_space<semaphore_mem>>)
    %dma_start3A_12 = arith.constant 1 : i32
    %dma_start3A_13 = arith.constant 0 : i32
    %dma_start3A_14 = tpu.memref_slice %arg7[%dma_start3A_12, %dma_start3A_13] : memref<50x100xi32, #tpu.memory_space<vmem>> -> memref<1x100xi32, #tpu.memory_space<vmem>>
    %dma_start3A_15 = tpu.memref_squeeze %dma_start3A_14 : memref<1x100xi32, #tpu.memory_space<vmem>> -> memref<100xi32, #tpu.memory_space<vmem>>
    %dma_start3A_16 = arith.constant 0 : i32
    %dma_start3A_17 = arith.constant 0 : i32
    %dma_start3A_18 = tpu.memref_slice %arg2[%dma_start3A_16, %dma_start3A_17] : memref<20480x64xf32, #tpu.memory_space<hbm>> -> memref<20479x64xf32, #tpu.memory_space<hbm>>
    %dma_start3A_19 = arith.constant 0 : i32
    %dma_start3A_20 = arith.constant 0 : i32
    %dma_start3A_21 = tpu.memref_slice %dma_start3A_18[%dma_start3A_19, %dma_start3A_20] : memref<20479x64xf32, #tpu.memory_space<hbm>> -> memref<20479x64xf32, #tpu.memory_space<hbm>>
    tpu.enqueue_indirect_dma source(%dma_start3A_21 : memref<20479x64xf32, #tpu.memory_space<hbm>>) target(%arg10 : memref<100x64xf32, #tpu.memory_space<vmem>>) offsets(%dma_start3A_15 : memref<100xi32, #tpu.memory_space<vmem>>) semaphore(%arg20 : memref<!tpu.dma_semaphore, #tpu.memory_space<semaphore_mem>>)
    %dma_start3A_22 = arith.constant 2 : i32
    %dma_start3A_23 = arith.constant 0 : i32
    %dma_start3A_24 = tpu.memref_slice %arg7[%dma_start3A_22, %dma_start3A_23] : memref<50x100xi32, #tpu.memory_space<vmem>> -> memref<1x100xi32, #tpu.memory_space<vmem>>
    %dma_start3A_25 = tpu.memref_squeeze %dma_start3A_24 : memref<1x100xi32, #tpu.memory_space<vmem>> -> memref<100xi32, #tpu.memory_space<vmem>>
    %dma_start3A_26 = arith.constant 0 : i32
    %dma_start3A_27 = arith.constant 0 : i32
    %dma_start3A_28 = tpu.memref_slice %arg2[%dma_start3A_26, %dma_start3A_27] : memref<20480x64xf32, #tpu.memory_space<hbm>> -> memref<20479x64xf32, #tpu.memory_space<hbm>>
    %dma_start3A_29 = arith.constant 0 : i32
    %dma_start3A_30 = arith.constant 0 : i32
    %dma_start3A_31 = tpu.memref_slice %dma_start3A_28[%dma_start3A_29, %dma_start3A_30] : memref<20479x64xf32, #tpu.memory_space<hbm>> -> memref<20479x64xf32, #tpu.memory_space<hbm>>
    tpu.enqueue_indirect_dma source(%dma_start3A_31 : memref<20479x64xf32, #tpu.memory_space<hbm>>) target(%arg11 : memref<100x64xf32, #tpu.memory_space<vmem>>) offsets(%dma_start3A_25 : memref<100xi32, #tpu.memory_space<vmem>>) semaphore(%arg20 : memref<!tpu.dma_semaphore, #tpu.memory_space<semaphore_mem>>)
    %dma_start3A_32 = arith.constant 3 : i32
    %dma_start3A_33 = arith.constant 0 : i32
    %dma_start3A_34 = tpu.memref_slice %arg7[%dma_start3A_32, %dma_start3A_33] : memref<50x100xi32, #tpu.memory_space<vmem>> -> memref<1x100xi32, #tpu.memory_space<vmem>>
    %dma_start3A_35 = tpu.memref_squeeze %dma_start3A_34 : memref<1x100xi32, #tpu.memory_space<vmem>> -> memref<100xi32, #tpu.memory_space<vmem>>
    %dma_start3A_36 = arith.constant 0 : i32
    %dma_start3A_37 = arith.constant 0 : i32
    %dma_start3A_38 = tpu.memref_slice %arg2[%dma_start3A_36, %dma_start3A_37] : memref<20480x64xf32, #tpu.memory_space<hbm>> -> memref<20479x64xf32, #tpu.memory_space<hbm>>
    %dma_start3A_39 = arith.constant 0 : i32
    %dma_start3A_40 = arith.constant 0 : i32
    %dma_start3A_41 = tpu.memref_slice %dma_start3A_38[%dma_start3A_39, %dma_start3A_40] : memref<20479x64xf32, #tpu.memory_space<hbm>> -> memref<20479x64xf32, #tpu.memory_space<hbm>>
    tpu.enqueue_indirect_dma source(%dma_start3A_41 : memref<20479x64xf32, #tpu.memory_space<hbm>>) target(%arg12 : memref<100x64xf32, #tpu.memory_space<vmem>>) offsets(%dma_start3A_35 : memref<100xi32, #tpu.memory_space<vmem>>) semaphore(%arg20 : memref<!tpu.dma_semaphore, #tpu.memory_space<semaphore_mem>>)
    %dma_start3A_42 = arith.constant 4 : i32
    %dma_start3A_43 = arith.constant 0 : i32
    %dma_start3A_44 = tpu.memref_slice %arg7[%dma_start3A_42, %dma_start3A_43] : memref<50x100xi32, #tpu.memory_space<vmem>> -> memref<1x100xi32, #tpu.memory_space<vmem>>
    %dma_start3A_45 = tpu.memref_squeeze %dma_start3A_44 : memref<1x100xi32, #tpu.memory_space<vmem>> -> memref<100xi32, #tpu.memory_space<vmem>>
    %dma_start3A_46 = arith.constant 0 : i32
    %dma_start3A_47 = arith.constant 0 : i32
    %dma_start3A_48 = tpu.memref_slice %arg2[%dma_start3A_46, %dma_start3A_47] : memref<20480x64xf32, #tpu.memory_space<hbm>> -> memref<20479x64xf32, #tpu.memory_space<hbm>>
    %dma_start3A_49 = arith.constant 0 : i32
    %dma_start3A_50 = arith.constant 0 : i32
    %dma_start3A_51 = tpu.memref_slice %dma_start3A_48[%dma_start3A_49, %dma_start3A_50] : memref<20479x64xf32, #tpu.memory_space<hbm>> -> memref<20479x64xf32, #tpu.memory_space<hbm>>
    tpu.enqueue_indirect_dma source(%dma_start3A_51 : memref<20479x64xf32, #tpu.memory_space<hbm>>) target(%arg13 : memref<100x64xf32, #tpu.memory_space<vmem>>) offsets(%dma_start3A_45 : memref<100xi32, #tpu.memory_space<vmem>>) semaphore(%arg20 : memref<!tpu.dma_semaphore, #tpu.memory_space<semaphore_mem>>)
    %scan3A = arith.constant 0 : i32
    %scan3A_52 = arith.constant 0 : i32
    %scan3A_53 = arith.constant 5 : i32
    %scan3A_54 = arith.addi %scan3A_52, %scan3A_53 : i32
    %scan3A_55 = arith.constant 1 : i32
    scf.for %scan3A_185 = %scan3A_52 to %scan3A_54 step %scan3A_55  : i32 {
      %mul3A_186 = arith.constant 2 : i32
      %mul3A_187 = arith.muli %scan3A_185, %mul3A_186 : i32
      %mul3A_188 = arith.constant 5 : i32
      %mul3A_189 = arith.muli %mul3A_187, %mul3A_188 : i32
      %add3A_190 = arith.constant 0 : i32
      %add3A_191 = arith.addi %mul3A_189, %add3A_190 : i32
      %dma_wait3A_192 = arith.constant 0 : i32
      %dma_wait3A_193 = tpu.memref_slice %arg7[%add3A_191, %dma_wait3A_192] : memref<50x100xi32, #tpu.memory_space<vmem>> -> memref<1x100xi32, #tpu.memory_space<vmem>>
      %dma_wait3A_194 = tpu.memref_squeeze %dma_wait3A_193 : memref<1x100xi32, #tpu.memory_space<vmem>> -> memref<100xi32, #tpu.memory_space<vmem>>
      %dma_wait3A_195 = arith.constant 0 : i32
      %dma_wait3A_196 = arith.constant 0 : i32
      %dma_wait3A_197 = tpu.memref_slice %arg2[%dma_wait3A_195, %dma_wait3A_196] : memref<20480x64xf32, #tpu.memory_space<hbm>> -> memref<20479x64xf32, #tpu.memory_space<hbm>>
      %dma_wait3A_198 = arith.constant 0 : i32
      %dma_wait3A_199 = arith.constant 0 : i32
      %dma_wait3A_200 = tpu.memref_slice %dma_wait3A_197[%dma_wait3A_198, %dma_wait3A_199] : memref<20479x64xf32, #tpu.memory_space<hbm>> -> memref<20479x64xf32, #tpu.memory_space<hbm>>
      tpu.wait_indirect_dma semaphore(%arg20 : memref<!tpu.dma_semaphore, #tpu.memory_space<semaphore_mem>>) src(%dma_wait3A_200 : memref<20479x64xf32, #tpu.memory_space<hbm>>) dst(%arg9 : memref<100x64xf32, #tpu.memory_space<vmem>>)
      %add3A_201 = arith.constant 1 : i32
      %add3A_202 = arith.addi %mul3A_189, %add3A_201 : i32
      %dma_wait3A_203 = arith.constant 0 : i32
      %dma_wait3A_204 = tpu.memref_slice %arg7[%add3A_202, %dma_wait3A_203] : memref<50x100xi32, #tpu.memory_space<vmem>> -> memref<1x100xi32, #tpu.memory_space<vmem>>
      %dma_wait3A_205 = tpu.memref_squeeze %dma_wait3A_204 : memref<1x100xi32, #tpu.memory_space<vmem>> -> memref<100xi32, #tpu.memory_space<vmem>>
      %dma_wait3A_206 = arith.constant 0 : i32
      %dma_wait3A_207 = arith.constant 0 : i32
      %dma_wait3A_208 = tpu.memref_slice %arg2[%dma_wait3A_206, %dma_wait3A_207] : memref<20480x64xf32, #tpu.memory_space<hbm>> -> memref<20479x64xf32, #tpu.memory_space<hbm>>
      %dma_wait3A_209 = arith.constant 0 : i32
      %dma_wait3A_210 = arith.constant 0 : i32
      %dma_wait3A_211 = tpu.memref_slice %dma_wait3A_208[%dma_wait3A_209, %dma_wait3A_210] : memref<20479x64xf32, #tpu.memory_space<hbm>> -> memref<20479x64xf32, #tpu.memory_space<hbm>>
      tpu.wait_indirect_dma semaphore(%arg20 : memref<!tpu.dma_semaphore, #tpu.memory_space<semaphore_mem>>) src(%dma_wait3A_211 : memref<20479x64xf32, #tpu.memory_space<hbm>>) dst(%arg10 : memref<100x64xf32, #tpu.memory_space<vmem>>)
      %add3A_212 = arith.constant 2 : i32
      %add3A_213 = arith.addi %mul3A_189, %add3A_212 : i32
      %dma_wait3A_214 = arith.constant 0 : i32
      %dma_wait3A_215 = tpu.memref_slice %arg7[%add3A_213, %dma_wait3A_214] : memref<50x100xi32, #tpu.memory_space<vmem>> -> memref<1x100xi32, #tpu.memory_space<vmem>>
      %dma_wait3A_216 = tpu.memref_squeeze %dma_wait3A_215 : memref<1x100xi32, #tpu.memory_space<vmem>> -> memref<100xi32, #tpu.memory_space<vmem>>
      %dma_wait3A_217 = arith.constant 0 : i32
      %dma_wait3A_218 = arith.constant 0 : i32
      %dma_wait3A_219 = tpu.memref_slice %arg2[%dma_wait3A_217, %dma_wait3A_218] : memref<20480x64xf32, #tpu.memory_space<hbm>> -> memref<20479x64xf32, #tpu.memory_space<hbm>>
      %dma_wait3A_220 = arith.constant 0 : i32
      %dma_wait3A_221 = arith.constant 0 : i32
      %dma_wait3A_222 = tpu.memref_slice %dma_wait3A_219[%dma_wait3A_220, %dma_wait3A_221] : memref<20479x64xf32, #tpu.memory_space<hbm>> -> memref<20479x64xf32, #tpu.memory_space<hbm>>
      tpu.wait_indirect_dma semaphore(%arg20 : memref<!tpu.dma_semaphore, #tpu.memory_space<semaphore_mem>>) src(%dma_wait3A_222 : memref<20479x64xf32, #tpu.memory_space<hbm>>) dst(%arg11 : memref<100x64xf32, #tpu.memory_space<vmem>>)
      %add3A_223 = arith.constant 3 : i32
      %add3A_224 = arith.addi %mul3A_189, %add3A_223 : i32
      %dma_wait3A_225 = arith.constant 0 : i32
      %dma_wait3A_226 = tpu.memref_slice %arg7[%add3A_224, %dma_wait3A_225] : memref<50x100xi32, #tpu.memory_space<vmem>> -> memref<1x100xi32, #tpu.memory_space<vmem>>
      %dma_wait3A_227 = tpu.memref_squeeze %dma_wait3A_226 : memref<1x100xi32, #tpu.memory_space<vmem>> -> memref<100xi32, #tpu.memory_space<vmem>>
      %dma_wait3A_228 = arith.constant 0 : i32
      %dma_wait3A_229 = arith.constant 0 : i32
      %dma_wait3A_230 = tpu.memref_slice %arg2[%dma_wait3A_228, %dma_wait3A_229] : memref<20480x64xf32, #tpu.memory_space<hbm>> -> memref<20479x64xf32, #tpu.memory_space<hbm>>
      %dma_wait3A_231 = arith.constant 0 : i32
      %dma_wait3A_232 = arith.constant 0 : i32
      %dma_wait3A_233 = tpu.memref_slice %dma_wait3A_230[%dma_wait3A_231, %dma_wait3A_232] : memref<20479x64xf32, #tpu.memory_space<hbm>> -> memref<20479x64xf32, #tpu.memory_space<hbm>>
      tpu.wait_indirect_dma semaphore(%arg20 : memref<!tpu.dma_semaphore, #tpu.memory_space<semaphore_mem>>) src(%dma_wait3A_233 : memref<20479x64xf32, #tpu.memory_space<hbm>>) dst(%arg12 : memref<100x64xf32, #tpu.memory_space<vmem>>)
      %add3A_234 = arith.constant 4 : i32
      %add3A_235 = arith.addi %mul3A_189, %add3A_234 : i32
      %dma_wait3A_236 = arith.constant 0 : i32
      %dma_wait3A_237 = tpu.memref_slice %arg7[%add3A_235, %dma_wait3A_236] : memref<50x100xi32, #tpu.memory_space<vmem>> -> memref<1x100xi32, #tpu.memory_space<vmem>>
      %dma_wait3A_238 = tpu.memref_squeeze %dma_wait3A_237 : memref<1x100xi32, #tpu.memory_space<vmem>> -> memref<100xi32, #tpu.memory_space<vmem>>
      %dma_wait3A_239 = arith.constant 0 : i32
      %dma_wait3A_240 = arith.constant 0 : i32
      %dma_wait3A_241 = tpu.memref_slice %arg2[%dma_wait3A_239, %dma_wait3A_240] : memref<20480x64xf32, #tpu.memory_space<hbm>> -> memref<20479x64xf32, #tpu.memory_space<hbm>>
      %dma_wait3A_242 = arith.constant 0 : i32
      %dma_wait3A_243 = arith.constant 0 : i32
      %dma_wait3A_244 = tpu.memref_slice %dma_wait3A_241[%dma_wait3A_242, %dma_wait3A_243] : memref<20479x64xf32, #tpu.memory_space<hbm>> -> memref<20479x64xf32, #tpu.memory_space<hbm>>
      tpu.wait_indirect_dma semaphore(%arg20 : memref<!tpu.dma_semaphore, #tpu.memory_space<semaphore_mem>>) src(%dma_wait3A_244 : memref<20479x64xf32, #tpu.memory_space<hbm>>) dst(%arg13 : memref<100x64xf32, #tpu.memory_space<vmem>>)
      %gt3A = arith.constant 0 : i32
      %gt3A_245 = arith.cmpi sgt, %scan3A_185, %gt3A : i32
      %convert_element_type3A = arith.extui %gt3A_245 : i1 to i32
      %cond3A = arith.constant 0 : i32
      %cond3A_246 = arith.cmpi ne, %convert_element_type3A, %cond3A : i32
      scf.if %cond3A_246 {
        %sub3A = arith.constant 5 : i32
        %sub3A_487 = arith.subi %mul3A_189, %sub3A : i32
        %add3A_488 = arith.constant 0 : i32
        %add3A_489 = arith.addi %sub3A_487, %add3A_488 : i32
        %dma_wait3A_490 = arith.constant 0 : i32
        %dma_wait3A_491 = tpu.memref_slice %arg8[%add3A_489, %dma_wait3A_490] : memref<50x100xi32, #tpu.memory_space<vmem>> -> memref<1x100xi32, #tpu.memory_space<vmem>>
        %dma_wait3A_492 = tpu.memref_squeeze %dma_wait3A_491 : memref<1x100xi32, #tpu.memory_space<vmem>> -> memref<100xi32, #tpu.memory_space<vmem>>
        %dma_wait3A_493 = arith.constant 0 : i32
        %dma_wait3A_494 = arith.constant 0 : i32
        %dma_wait3A_495 = tpu.memref_slice %arg19[%dma_wait3A_493, %dma_wait3A_494] : memref<10240x64xf32, #tpu.memory_space<vmem_shared>> -> memref<10240x64xf32, #tpu.memory_space<vmem_shared>>
        tpu.wait_indirect_dma semaphore(%arg23 : memref<!tpu.dma_semaphore, #tpu.memory_space<semaphore_mem>>) src(%arg14 : memref<100x64xf32, #tpu.memory_space<vmem>>) dst(%dma_wait3A_495 : memref<10240x64xf32, #tpu.memory_space<vmem_shared>>)
        %add3A_496 = arith.constant 1 : i32
        %add3A_497 = arith.addi %sub3A_487, %add3A_496 : i32
        %dma_wait3A_498 = arith.constant 0 : i32
        %dma_wait3A_499 = tpu.memref_slice %arg8[%add3A_497, %dma_wait3A_498] : memref<50x100xi32, #tpu.memory_space<vmem>> -> memref<1x100xi32, #tpu.memory_space<vmem>>
        %dma_wait3A_500 = tpu.memref_squeeze %dma_wait3A_499 : memref<1x100xi32, #tpu.memory_space<vmem>> -> memref<100xi32, #tpu.memory_space<vmem>>
        %dma_wait3A_501 = arith.constant 0 : i32
        %dma_wait3A_502 = arith.constant 0 : i32
        %dma_wait3A_503 = tpu.memref_slice %arg19[%dma_wait3A_501, %dma_wait3A_502] : memref<10240x64xf32, #tpu.memory_space<vmem_shared>> -> memref<10240x64xf32, #tpu.memory_space<vmem_shared>>
        tpu.wait_indirect_dma semaphore(%arg23 : memref<!tpu.dma_semaphore, #tpu.memory_space<semaphore_mem>>) src(%arg15 : memref<100x64xf32, #tpu.memory_space<vmem>>) dst(%dma_wait3A_503 : memref<10240x64xf32, #tpu.memory_space<vmem_shared>>)
        %add3A_504 = arith.constant 2 : i32
        %add3A_505 = arith.addi %sub3A_487, %add3A_504 : i32
        %dma_wait3A_506 = arith.constant 0 : i32
        %dma_wait3A_507 = tpu.memref_slice %arg8[%add3A_505, %dma_wait3A_506] : memref<50x100xi32, #tpu.memory_space<vmem>> -> memref<1x100xi32, #tpu.memory_space<vmem>>
        %dma_wait3A_508 = tpu.memref_squeeze %dma_wait3A_507 : memref<1x100xi32, #tpu.memory_space<vmem>> -> memref<100xi32, #tpu.memory_space<vmem>>
        %dma_wait3A_509 = arith.constant 0 : i32
        %dma_wait3A_510 = arith.constant 0 : i32
        %dma_wait3A_511 = tpu.memref_slice %arg19[%dma_wait3A_509, %dma_wait3A_510] : memref<10240x64xf32, #tpu.memory_space<vmem_shared>> -> memref<10240x64xf32, #tpu.memory_space<vmem_shared>>
        tpu.wait_indirect_dma semaphore(%arg23 : memref<!tpu.dma_semaphore, #tpu.memory_space<semaphore_mem>>) src(%arg16 : memref<100x64xf32, #tpu.memory_space<vmem>>) dst(%dma_wait3A_511 : memref<10240x64xf32, #tpu.memory_space<vmem_shared>>)
        %add3A_512 = arith.constant 3 : i32
        %add3A_513 = arith.addi %sub3A_487, %add3A_512 : i32
        %dma_wait3A_514 = arith.constant 0 : i32
        %dma_wait3A_515 = tpu.memref_slice %arg8[%add3A_513, %dma_wait3A_514] : memref<50x100xi32, #tpu.memory_space<vmem>> -> memref<1x100xi32, #tpu.memory_space<vmem>>
        %dma_wait3A_516 = tpu.memref_squeeze %dma_wait3A_515 : memref<1x100xi32, #tpu.memory_space<vmem>> -> memref<100xi32, #tpu.memory_space<vmem>>
        %dma_wait3A_517 = arith.constant 0 : i32
        %dma_wait3A_518 = arith.constant 0 : i32
        %dma_wait3A_519 = tpu.memref_slice %arg19[%dma_wait3A_517, %dma_wait3A_518] : memref<10240x64xf32, #tpu.memory_space<vmem_shared>> -> memref<10240x64xf32, #tpu.memory_space<vmem_shared>>
        tpu.wait_indirect_dma semaphore(%arg23 : memref<!tpu.dma_semaphore, #tpu.memory_space<semaphore_mem>>) src(%arg17 : memref<100x64xf32, #tpu.memory_space<vmem>>) dst(%dma_wait3A_519 : memref<10240x64xf32, #tpu.memory_space<vmem_shared>>)
        %add3A_520 = arith.constant 4 : i32
        %add3A_521 = arith.addi %sub3A_487, %add3A_520 : i32
        %dma_wait3A_522 = arith.constant 0 : i32
        %dma_wait3A_523 = tpu.memref_slice %arg8[%add3A_521, %dma_wait3A_522] : memref<50x100xi32, #tpu.memory_space<vmem>> -> memref<1x100xi32, #tpu.memory_space<vmem>>
        %dma_wait3A_524 = tpu.memref_squeeze %dma_wait3A_523 : memref<1x100xi32, #tpu.memory_space<vmem>> -> memref<100xi32, #tpu.memory_space<vmem>>
        %dma_wait3A_525 = arith.constant 0 : i32
        %dma_wait3A_526 = arith.constant 0 : i32
        %dma_wait3A_527 = tpu.memref_slice %arg19[%dma_wait3A_525, %dma_wait3A_526] : memref<10240x64xf32, #tpu.memory_space<vmem_shared>> -> memref<10240x64xf32, #tpu.memory_space<vmem_shared>>
        tpu.wait_indirect_dma semaphore(%arg23 : memref<!tpu.dma_semaphore, #tpu.memory_space<semaphore_mem>>) src(%arg18 : memref<100x64xf32, #tpu.memory_space<vmem>>) dst(%dma_wait3A_527 : memref<10240x64xf32, #tpu.memory_space<vmem_shared>>)
      } else {
      }
      %add3A_247 = arith.constant 5 : i32
      %add3A_248 = arith.addi %mul3A_189, %add3A_247 : i32
      %add3A_249 = arith.constant 0 : i32
      %add3A_250 = arith.addi %add3A_248, %add3A_249 : i32
      %dma_start3A_251 = arith.constant 0 : i32
      %dma_start3A_252 = tpu.memref_slice %arg7[%add3A_250, %dma_start3A_251] : memref<50x100xi32, #tpu.memory_space<vmem>> -> memref<1x100xi32, #tpu.memory_space<vmem>>
      %dma_start3A_253 = tpu.memref_squeeze %dma_start3A_252 : memref<1x100xi32, #tpu.memory_space<vmem>> -> memref<100xi32, #tpu.memory_space<vmem>>
      %dma_start3A_254 = arith.constant 0 : i32
      %dma_start3A_255 = arith.constant 0 : i32
      %dma_start3A_256 = tpu.memref_slice %arg2[%dma_start3A_254, %dma_start3A_255] : memref<20480x64xf32, #tpu.memory_space<hbm>> -> memref<20479x64xf32, #tpu.memory_space<hbm>>
      %dma_start3A_257 = arith.constant 0 : i32
      %dma_start3A_258 = arith.constant 0 : i32
      %dma_start3A_259 = tpu.memref_slice %dma_start3A_256[%dma_start3A_257, %dma_start3A_258] : memref<20479x64xf32, #tpu.memory_space<hbm>> -> memref<20479x64xf32, #tpu.memory_space<hbm>>
      tpu.enqueue_indirect_dma source(%dma_start3A_259 : memref<20479x64xf32, #tpu.memory_space<hbm>>) target(%arg14 : memref<100x64xf32, #tpu.memory_space<vmem>>) offsets(%dma_start3A_253 : memref<100xi32, #tpu.memory_space<vmem>>) semaphore(%arg21 : memref<!tpu.dma_semaphore, #tpu.memory_space<semaphore_mem>>)
      %add3A_260 = arith.constant 1 : i32
      %add3A_261 = arith.addi %add3A_248, %add3A_260 : i32
      %dma_start3A_262 = arith.constant 0 : i32
      %dma_start3A_263 = tpu.memref_slice %arg7[%add3A_261, %dma_start3A_262] : memref<50x100xi32, #tpu.memory_space<vmem>> -> memref<1x100xi32, #tpu.memory_space<vmem>>
      %dma_start3A_264 = tpu.memref_squeeze %dma_start3A_263 : memref<1x100xi32, #tpu.memory_space<vmem>> -> memref<100xi32, #tpu.memory_space<vmem>>
      %dma_start3A_265 = arith.constant 0 : i32
      %dma_start3A_266 = arith.constant 0 : i32
      %dma_start3A_267 = tpu.memref_slice %arg2[%dma_start3A_265, %dma_start3A_266] : memref<20480x64xf32, #tpu.memory_space<hbm>> -> memref<20479x64xf32, #tpu.memory_space<hbm>>
      %dma_start3A_268 = arith.constant 0 : i32
      %dma_start3A_269 = arith.constant 0 : i32
      %dma_start3A_270 = tpu.memref_slice %dma_start3A_267[%dma_start3A_268, %dma_start3A_269] : memref<20479x64xf32, #tpu.memory_space<hbm>> -> memref<20479x64xf32, #tpu.memory_space<hbm>>
      tpu.enqueue_indirect_dma source(%dma_start3A_270 : memref<20479x64xf32, #tpu.memory_space<hbm>>) target(%arg15 : memref<100x64xf32, #tpu.memory_space<vmem>>) offsets(%dma_start3A_264 : memref<100xi32, #tpu.memory_space<vmem>>) semaphore(%arg21 : memref<!tpu.dma_semaphore, #tpu.memory_space<semaphore_mem>>)
      %add3A_271 = arith.constant 2 : i32
      %add3A_272 = arith.addi %add3A_248, %add3A_271 : i32
      %dma_start3A_273 = arith.constant 0 : i32
      %dma_start3A_274 = tpu.memref_slice %arg7[%add3A_272, %dma_start3A_273] : memref<50x100xi32, #tpu.memory_space<vmem>> -> memref<1x100xi32, #tpu.memory_space<vmem>>
      %dma_start3A_275 = tpu.memref_squeeze %dma_start3A_274 : memref<1x100xi32, #tpu.memory_space<vmem>> -> memref<100xi32, #tpu.memory_space<vmem>>
      %dma_start3A_276 = arith.constant 0 : i32
      %dma_start3A_277 = arith.constant 0 : i32
      %dma_start3A_278 = tpu.memref_slice %arg2[%dma_start3A_276, %dma_start3A_277] : memref<20480x64xf32, #tpu.memory_space<hbm>> -> memref<20479x64xf32, #tpu.memory_space<hbm>>
      %dma_start3A_279 = arith.constant 0 : i32
      %dma_start3A_280 = arith.constant 0 : i32
      %dma_start3A_281 = tpu.memref_slice %dma_start3A_278[%dma_start3A_279, %dma_start3A_280] : memref<20479x64xf32, #tpu.memory_space<hbm>> -> memref<20479x64xf32, #tpu.memory_space<hbm>>
      tpu.enqueue_indirect_dma source(%dma_start3A_281 : memref<20479x64xf32, #tpu.memory_space<hbm>>) target(%arg16 : memref<100x64xf32, #tpu.memory_space<vmem>>) offsets(%dma_start3A_275 : memref<100xi32, #tpu.memory_space<vmem>>) semaphore(%arg21 : memref<!tpu.dma_semaphore, #tpu.memory_space<semaphore_mem>>)
      %add3A_282 = arith.constant 3 : i32
      %add3A_283 = arith.addi %add3A_248, %add3A_282 : i32
      %dma_start3A_284 = arith.constant 0 : i32
      %dma_start3A_285 = tpu.memref_slice %arg7[%add3A_283, %dma_start3A_284] : memref<50x100xi32, #tpu.memory_space<vmem>> -> memref<1x100xi32, #tpu.memory_space<vmem>>
      %dma_start3A_286 = tpu.memref_squeeze %dma_start3A_285 : memref<1x100xi32, #tpu.memory_space<vmem>> -> memref<100xi32, #tpu.memory_space<vmem>>
      %dma_start3A_287 = arith.constant 0 : i32
      %dma_start3A_288 = arith.constant 0 : i32
      %dma_start3A_289 = tpu.memref_slice %arg2[%dma_start3A_287, %dma_start3A_288] : memref<20480x64xf32, #tpu.memory_space<hbm>> -> memref<20479x64xf32, #tpu.memory_space<hbm>>
      %dma_start3A_290 = arith.constant 0 : i32
      %dma_start3A_291 = arith.constant 0 : i32
      %dma_start3A_292 = tpu.memref_slice %dma_start3A_289[%dma_start3A_290, %dma_start3A_291] : memref<20479x64xf32, #tpu.memory_space<hbm>> -> memref<20479x64xf32, #tpu.memory_space<hbm>>
      tpu.enqueue_indirect_dma source(%dma_start3A_292 : memref<20479x64xf32, #tpu.memory_space<hbm>>) target(%arg17 : memref<100x64xf32, #tpu.memory_space<vmem>>) offsets(%dma_start3A_286 : memref<100xi32, #tpu.memory_space<vmem>>) semaphore(%arg21 : memref<!tpu.dma_semaphore, #tpu.memory_space<semaphore_mem>>)
      %add3A_293 = arith.constant 4 : i32
      %add3A_294 = arith.addi %add3A_248, %add3A_293 : i32
      %dma_start3A_295 = arith.constant 0 : i32
      %dma_start3A_296 = tpu.memref_slice %arg7[%add3A_294, %dma_start3A_295] : memref<50x100xi32, #tpu.memory_space<vmem>> -> memref<1x100xi32, #tpu.memory_space<vmem>>
      %dma_start3A_297 = tpu.memref_squeeze %dma_start3A_296 : memref<1x100xi32, #tpu.memory_space<vmem>> -> memref<100xi32, #tpu.memory_space<vmem>>
      %dma_start3A_298 = arith.constant 0 : i32
      %dma_start3A_299 = arith.constant 0 : i32
      %dma_start3A_300 = tpu.memref_slice %arg2[%dma_start3A_298, %dma_start3A_299] : memref<20480x64xf32, #tpu.memory_space<hbm>> -> memref<20479x64xf32, #tpu.memory_space<hbm>>
      %dma_start3A_301 = arith.constant 0 : i32
      %dma_start3A_302 = arith.constant 0 : i32
      %dma_start3A_303 = tpu.memref_slice %dma_start3A_300[%dma_start3A_301, %dma_start3A_302] : memref<20479x64xf32, #tpu.memory_space<hbm>> -> memref<20479x64xf32, #tpu.memory_space<hbm>>
      tpu.enqueue_indirect_dma source(%dma_start3A_303 : memref<20479x64xf32, #tpu.memory_space<hbm>>) target(%arg18 : memref<100x64xf32, #tpu.memory_space<vmem>>) offsets(%dma_start3A_297 : memref<100xi32, #tpu.memory_space<vmem>>) semaphore(%arg21 : memref<!tpu.dma_semaphore, #tpu.memory_space<semaphore_mem>>)
      %add3A_304 = arith.constant 0 : i32
      %add3A_305 = arith.addi %mul3A_189, %add3A_304 : i32
      %dma_start3A_306 = arith.constant 0 : i32
      %dma_start3A_307 = tpu.memref_slice %arg8[%add3A_305, %dma_start3A_306] : memref<50x100xi32, #tpu.memory_space<vmem>> -> memref<1x100xi32, #tpu.memory_space<vmem>>
      %dma_start3A_308 = tpu.memref_squeeze %dma_start3A_307 : memref<1x100xi32, #tpu.memory_space<vmem>> -> memref<100xi32, #tpu.memory_space<vmem>>
      %dma_start3A_309 = arith.constant 0 : i32
      %dma_start3A_310 = arith.constant 0 : i32
      %dma_start3A_311 = tpu.memref_slice %arg19[%dma_start3A_309, %dma_start3A_310] : memref<10240x64xf32, #tpu.memory_space<vmem_shared>> -> memref<10240x64xf32, #tpu.memory_space<vmem_shared>>
      tpu.enqueue_indirect_dma source(%arg9 : memref<100x64xf32, #tpu.memory_space<vmem>>) target(%dma_start3A_311 : memref<10240x64xf32, #tpu.memory_space<vmem_shared>>) offsets(%dma_start3A_308 : memref<100xi32, #tpu.memory_space<vmem>>) semaphore(%arg22 : memref<!tpu.dma_semaphore, #tpu.memory_space<semaphore_mem>>) {add = true}
      %add3A_312 = arith.constant 1 : i32
      %add3A_313 = arith.addi %mul3A_189, %add3A_312 : i32
      %dma_start3A_314 = arith.constant 0 : i32
      %dma_start3A_315 = tpu.memref_slice %arg8[%add3A_313, %dma_start3A_314] : memref<50x100xi32, #tpu.memory_space<vmem>> -> memref<1x100xi32, #tpu.memory_space<vmem>>
      %dma_start3A_316 = tpu.memref_squeeze %dma_start3A_315 : memref<1x100xi32, #tpu.memory_space<vmem>> -> memref<100xi32, #tpu.memory_space<vmem>>
      %dma_start3A_317 = arith.constant 0 : i32
      %dma_start3A_318 = arith.constant 0 : i32
      %dma_start3A_319 = tpu.memref_slice %arg19[%dma_start3A_317, %dma_start3A_318] : memref<10240x64xf32, #tpu.memory_space<vmem_shared>> -> memref<10240x64xf32, #tpu.memory_space<vmem_shared>>
      tpu.enqueue_indirect_dma source(%arg10 : memref<100x64xf32, #tpu.memory_space<vmem>>) target(%dma_start3A_319 : memref<10240x64xf32, #tpu.memory_space<vmem_shared>>) offsets(%dma_start3A_316 : memref<100xi32, #tpu.memory_space<vmem>>) semaphore(%arg22 : memref<!tpu.dma_semaphore, #tpu.memory_space<semaphore_mem>>) {add = true}
      %add3A_320 = arith.constant 2 : i32
      %add3A_321 = arith.addi %mul3A_189, %add3A_320 : i32
      %dma_start3A_322 = arith.constant 0 : i32
      %dma_start3A_323 = tpu.memref_slice %arg8[%add3A_321, %dma_start3A_322] : memref<50x100xi32, #tpu.memory_space<vmem>> -> memref<1x100xi32, #tpu.memory_space<vmem>>
      %dma_start3A_324 = tpu.memref_squeeze %dma_start3A_323 : memref<1x100xi32, #tpu.memory_space<vmem>> -> memref<100xi32, #tpu.memory_space<vmem>>
      %dma_start3A_325 = arith.constant 0 : i32
      %dma_start3A_326 = arith.constant 0 : i32
      %dma_start3A_327 = tpu.memref_slice %arg19[%dma_start3A_325, %dma_start3A_326] : memref<10240x64xf32, #tpu.memory_space<vmem_shared>> -> memref<10240x64xf32, #tpu.memory_space<vmem_shared>>
      tpu.enqueue_indirect_dma source(%arg11 : memref<100x64xf32, #tpu.memory_space<vmem>>) target(%dma_start3A_327 : memref<10240x64xf32, #tpu.memory_space<vmem_shared>>) offsets(%dma_start3A_324 : memref<100xi32, #tpu.memory_space<vmem>>) semaphore(%arg22 : memref<!tpu.dma_semaphore, #tpu.memory_space<semaphore_mem>>) {add = true}
      %add3A_328 = arith.constant 3 : i32
      %add3A_329 = arith.addi %mul3A_189, %add3A_328 : i32
      %dma_start3A_330 = arith.constant 0 : i32
      %dma_start3A_331 = tpu.memref_slice %arg8[%add3A_329, %dma_start3A_330] : memref<50x100xi32, #tpu.memory_space<vmem>> -> memref<1x100xi32, #tpu.memory_space<vmem>>
      %dma_start3A_332 = tpu.memref_squeeze %dma_start3A_331 : memref<1x100xi32, #tpu.memory_space<vmem>> -> memref<100xi32, #tpu.memory_space<vmem>>
      %dma_start3A_333 = arith.constant 0 : i32
      %dma_start3A_334 = arith.constant 0 : i32
      %dma_start3A_335 = tpu.memref_slice %arg19[%dma_start3A_333, %dma_start3A_334] : memref<10240x64xf32, #tpu.memory_space<vmem_shared>> -> memref<10240x64xf32, #tpu.memory_space<vmem_shared>>
      tpu.enqueue_indirect_dma source(%arg12 : memref<100x64xf32, #tpu.memory_space<vmem>>) target(%dma_start3A_335 : memref<10240x64xf32, #tpu.memory_space<vmem_shared>>) offsets(%dma_start3A_332 : memref<100xi32, #tpu.memory_space<vmem>>) semaphore(%arg22 : memref<!tpu.dma_semaphore, #tpu.memory_space<semaphore_mem>>) {add = true}
      %add3A_336 = arith.constant 4 : i32
      %add3A_337 = arith.addi %mul3A_189, %add3A_336 : i32
      %dma_start3A_338 = arith.constant 0 : i32
      %dma_start3A_339 = tpu.memref_slice %arg8[%add3A_337, %dma_start3A_338] : memref<50x100xi32, #tpu.memory_space<vmem>> -> memref<1x100xi32, #tpu.memory_space<vmem>>
      %dma_start3A_340 = tpu.memref_squeeze %dma_start3A_339 : memref<1x100xi32, #tpu.memory_space<vmem>> -> memref<100xi32, #tpu.memory_space<vmem>>
      %dma_start3A_341 = arith.constant 0 : i32
      %dma_start3A_342 = arith.constant 0 : i32
      %dma_start3A_343 = tpu.memref_slice %arg19[%dma_start3A_341, %dma_start3A_342] : memref<10240x64xf32, #tpu.memory_space<vmem_shared>> -> memref<10240x64xf32, #tpu.memory_space<vmem_shared>>
      tpu.enqueue_indirect_dma source(%arg13 : memref<100x64xf32, #tpu.memory_space<vmem>>) target(%dma_start3A_343 : memref<10240x64xf32, #tpu.memory_space<vmem_shared>>) offsets(%dma_start3A_340 : memref<100xi32, #tpu.memory_space<vmem>>) semaphore(%arg22 : memref<!tpu.dma_semaphore, #tpu.memory_space<semaphore_mem>>) {add = true}
      %add3A_344 = arith.constant 5 : i32
      %add3A_345 = arith.addi %mul3A_189, %add3A_344 : i32
      %add3A_346 = arith.constant 0 : i32
      %add3A_347 = arith.addi %add3A_345, %add3A_346 : i32
      %dma_wait3A_348 = arith.constant 0 : i32
      %dma_wait3A_349 = tpu.memref_slice %arg7[%add3A_347, %dma_wait3A_348] : memref<50x100xi32, #tpu.memory_space<vmem>> -> memref<1x100xi32, #tpu.memory_space<vmem>>
      %dma_wait3A_350 = tpu.memref_squeeze %dma_wait3A_349 : memref<1x100xi32, #tpu.memory_space<vmem>> -> memref<100xi32, #tpu.memory_space<vmem>>
      %dma_wait3A_351 = arith.constant 0 : i32
      %dma_wait3A_352 = arith.constant 0 : i32
      %dma_wait3A_353 = tpu.memref_slice %arg2[%dma_wait3A_351, %dma_wait3A_352] : memref<20480x64xf32, #tpu.memory_space<hbm>> -> memref<20479x64xf32, #tpu.memory_space<hbm>>
      %dma_wait3A_354 = arith.constant 0 : i32
      %dma_wait3A_355 = arith.constant 0 : i32
      %dma_wait3A_356 = tpu.memref_slice %dma_wait3A_353[%dma_wait3A_354, %dma_wait3A_355] : memref<20479x64xf32, #tpu.memory_space<hbm>> -> memref<20479x64xf32, #tpu.memory_space<hbm>>
      tpu.wait_indirect_dma semaphore(%arg21 : memref<!tpu.dma_semaphore, #tpu.memory_space<semaphore_mem>>) src(%dma_wait3A_356 : memref<20479x64xf32, #tpu.memory_space<hbm>>) dst(%arg14 : memref<100x64xf32, #tpu.memory_space<vmem>>)
      %add3A_357 = arith.constant 1 : i32
      %add3A_358 = arith.addi %add3A_345, %add3A_357 : i32
      %dma_wait3A_359 = arith.constant 0 : i32
      %dma_wait3A_360 = tpu.memref_slice %arg7[%add3A_358, %dma_wait3A_359] : memref<50x100xi32, #tpu.memory_space<vmem>> -> memref<1x100xi32, #tpu.memory_space<vmem>>
      %dma_wait3A_361 = tpu.memref_squeeze %dma_wait3A_360 : memref<1x100xi32, #tpu.memory_space<vmem>> -> memref<100xi32, #tpu.memory_space<vmem>>
      %dma_wait3A_362 = arith.constant 0 : i32
      %dma_wait3A_363 = arith.constant 0 : i32
      %dma_wait3A_364 = tpu.memref_slice %arg2[%dma_wait3A_362, %dma_wait3A_363] : memref<20480x64xf32, #tpu.memory_space<hbm>> -> memref<20479x64xf32, #tpu.memory_space<hbm>>
      %dma_wait3A_365 = arith.constant 0 : i32
      %dma_wait3A_366 = arith.constant 0 : i32
      %dma_wait3A_367 = tpu.memref_slice %dma_wait3A_364[%dma_wait3A_365, %dma_wait3A_366] : memref<20479x64xf32, #tpu.memory_space<hbm>> -> memref<20479x64xf32, #tpu.memory_space<hbm>>
      tpu.wait_indirect_dma semaphore(%arg21 : memref<!tpu.dma_semaphore, #tpu.memory_space<semaphore_mem>>) src(%dma_wait3A_367 : memref<20479x64xf32, #tpu.memory_space<hbm>>) dst(%arg15 : memref<100x64xf32, #tpu.memory_space<vmem>>)
      %add3A_368 = arith.constant 2 : i32
      %add3A_369 = arith.addi %add3A_345, %add3A_368 : i32
      %dma_wait3A_370 = arith.constant 0 : i32
      %dma_wait3A_371 = tpu.memref_slice %arg7[%add3A_369, %dma_wait3A_370] : memref<50x100xi32, #tpu.memory_space<vmem>> -> memref<1x100xi32, #tpu.memory_space<vmem>>
      %dma_wait3A_372 = tpu.memref_squeeze %dma_wait3A_371 : memref<1x100xi32, #tpu.memory_space<vmem>> -> memref<100xi32, #tpu.memory_space<vmem>>
      %dma_wait3A_373 = arith.constant 0 : i32
      %dma_wait3A_374 = arith.constant 0 : i32
      %dma_wait3A_375 = tpu.memref_slice %arg2[%dma_wait3A_373, %dma_wait3A_374] : memref<20480x64xf32, #tpu.memory_space<hbm>> -> memref<20479x64xf32, #tpu.memory_space<hbm>>
      %dma_wait3A_376 = arith.constant 0 : i32
      %dma_wait3A_377 = arith.constant 0 : i32
      %dma_wait3A_378 = tpu.memref_slice %dma_wait3A_375[%dma_wait3A_376, %dma_wait3A_377] : memref<20479x64xf32, #tpu.memory_space<hbm>> -> memref<20479x64xf32, #tpu.memory_space<hbm>>
      tpu.wait_indirect_dma semaphore(%arg21 : memref<!tpu.dma_semaphore, #tpu.memory_space<semaphore_mem>>) src(%dma_wait3A_378 : memref<20479x64xf32, #tpu.memory_space<hbm>>) dst(%arg16 : memref<100x64xf32, #tpu.memory_space<vmem>>)
      %add3A_379 = arith.constant 3 : i32
      %add3A_380 = arith.addi %add3A_345, %add3A_379 : i32
      %dma_wait3A_381 = arith.constant 0 : i32
      %dma_wait3A_382 = tpu.memref_slice %arg7[%add3A_380, %dma_wait3A_381] : memref<50x100xi32, #tpu.memory_space<vmem>> -> memref<1x100xi32, #tpu.memory_space<vmem>>
      %dma_wait3A_383 = tpu.memref_squeeze %dma_wait3A_382 : memref<1x100xi32, #tpu.memory_space<vmem>> -> memref<100xi32, #tpu.memory_space<vmem>>
      %dma_wait3A_384 = arith.constant 0 : i32
      %dma_wait3A_385 = arith.constant 0 : i32
      %dma_wait3A_386 = tpu.memref_slice %arg2[%dma_wait3A_384, %dma_wait3A_385] : memref<20480x64xf32, #tpu.memory_space<hbm>> -> memref<20479x64xf32, #tpu.memory_space<hbm>>
      %dma_wait3A_387 = arith.constant 0 : i32
      %dma_wait3A_388 = arith.constant 0 : i32
      %dma_wait3A_389 = tpu.memref_slice %dma_wait3A_386[%dma_wait3A_387, %dma_wait3A_388] : memref<20479x64xf32, #tpu.memory_space<hbm>> -> memref<20479x64xf32, #tpu.memory_space<hbm>>
      tpu.wait_indirect_dma semaphore(%arg21 : memref<!tpu.dma_semaphore, #tpu.memory_space<semaphore_mem>>) src(%dma_wait3A_389 : memref<20479x64xf32, #tpu.memory_space<hbm>>) dst(%arg17 : memref<100x64xf32, #tpu.memory_space<vmem>>)
      %add3A_390 = arith.constant 4 : i32
      %add3A_391 = arith.addi %add3A_345, %add3A_390 : i32
      %dma_wait3A_392 = arith.constant 0 : i32
      %dma_wait3A_393 = tpu.memref_slice %arg7[%add3A_391, %dma_wait3A_392] : memref<50x100xi32, #tpu.memory_space<vmem>> -> memref<1x100xi32, #tpu.memory_space<vmem>>
      %dma_wait3A_394 = tpu.memref_squeeze %dma_wait3A_393 : memref<1x100xi32, #tpu.memory_space<vmem>> -> memref<100xi32, #tpu.memory_space<vmem>>
      %dma_wait3A_395 = arith.constant 0 : i32
      %dma_wait3A_396 = arith.constant 0 : i32
      %dma_wait3A_397 = tpu.memref_slice %arg2[%dma_wait3A_395, %dma_wait3A_396] : memref<20480x64xf32, #tpu.memory_space<hbm>> -> memref<20479x64xf32, #tpu.memory_space<hbm>>
      %dma_wait3A_398 = arith.constant 0 : i32
      %dma_wait3A_399 = arith.constant 0 : i32
      %dma_wait3A_400 = tpu.memref_slice %dma_wait3A_397[%dma_wait3A_398, %dma_wait3A_399] : memref<20479x64xf32, #tpu.memory_space<hbm>> -> memref<20479x64xf32, #tpu.memory_space<hbm>>
      tpu.wait_indirect_dma semaphore(%arg21 : memref<!tpu.dma_semaphore, #tpu.memory_space<semaphore_mem>>) src(%dma_wait3A_400 : memref<20479x64xf32, #tpu.memory_space<hbm>>) dst(%arg18 : memref<100x64xf32, #tpu.memory_space<vmem>>)
      %add3A_401 = arith.constant 0 : i32
      %add3A_402 = arith.addi %mul3A_189, %add3A_401 : i32
      %dma_wait3A_403 = arith.constant 0 : i32
      %dma_wait3A_404 = tpu.memref_slice %arg8[%add3A_402, %dma_wait3A_403] : memref<50x100xi32, #tpu.memory_space<vmem>> -> memref<1x100xi32, #tpu.memory_space<vmem>>
      %dma_wait3A_405 = tpu.memref_squeeze %dma_wait3A_404 : memref<1x100xi32, #tpu.memory_space<vmem>> -> memref<100xi32, #tpu.memory_space<vmem>>
      %dma_wait3A_406 = arith.constant 0 : i32
      %dma_wait3A_407 = arith.constant 0 : i32
      %dma_wait3A_408 = tpu.memref_slice %arg19[%dma_wait3A_406, %dma_wait3A_407] : memref<10240x64xf32, #tpu.memory_space<vmem_shared>> -> memref<10240x64xf32, #tpu.memory_space<vmem_shared>>
      tpu.wait_indirect_dma semaphore(%arg22 : memref<!tpu.dma_semaphore, #tpu.memory_space<semaphore_mem>>) src(%arg9 : memref<100x64xf32, #tpu.memory_space<vmem>>) dst(%dma_wait3A_408 : memref<10240x64xf32, #tpu.memory_space<vmem_shared>>)
      %add3A_409 = arith.constant 1 : i32
      %add3A_410 = arith.addi %mul3A_189, %add3A_409 : i32
      %dma_wait3A_411 = arith.constant 0 : i32
      %dma_wait3A_412 = tpu.memref_slice %arg8[%add3A_410, %dma_wait3A_411] : memref<50x100xi32, #tpu.memory_space<vmem>> -> memref<1x100xi32, #tpu.memory_space<vmem>>
      %dma_wait3A_413 = tpu.memref_squeeze %dma_wait3A_412 : memref<1x100xi32, #tpu.memory_space<vmem>> -> memref<100xi32, #tpu.memory_space<vmem>>
      %dma_wait3A_414 = arith.constant 0 : i32
      %dma_wait3A_415 = arith.constant 0 : i32
      %dma_wait3A_416 = tpu.memref_slice %arg19[%dma_wait3A_414, %dma_wait3A_415] : memref<10240x64xf32, #tpu.memory_space<vmem_shared>> -> memref<10240x64xf32, #tpu.memory_space<vmem_shared>>
      tpu.wait_indirect_dma semaphore(%arg22 : memref<!tpu.dma_semaphore, #tpu.memory_space<semaphore_mem>>) src(%arg10 : memref<100x64xf32, #tpu.memory_space<vmem>>) dst(%dma_wait3A_416 : memref<10240x64xf32, #tpu.memory_space<vmem_shared>>)
      %add3A_417 = arith.constant 2 : i32
      %add3A_418 = arith.addi %mul3A_189, %add3A_417 : i32
      %dma_wait3A_419 = arith.constant 0 : i32
      %dma_wait3A_420 = tpu.memref_slice %arg8[%add3A_418, %dma_wait3A_419] : memref<50x100xi32, #tpu.memory_space<vmem>> -> memref<1x100xi32, #tpu.memory_space<vmem>>
      %dma_wait3A_421 = tpu.memref_squeeze %dma_wait3A_420 : memref<1x100xi32, #tpu.memory_space<vmem>> -> memref<100xi32, #tpu.memory_space<vmem>>
      %dma_wait3A_422 = arith.constant 0 : i32
      %dma_wait3A_423 = arith.constant 0 : i32
      %dma_wait3A_424 = tpu.memref_slice %arg19[%dma_wait3A_422, %dma_wait3A_423] : memref<10240x64xf32, #tpu.memory_space<vmem_shared>> -> memref<10240x64xf32, #tpu.memory_space<vmem_shared>>
      tpu.wait_indirect_dma semaphore(%arg22 : memref<!tpu.dma_semaphore, #tpu.memory_space<semaphore_mem>>) src(%arg11 : memref<100x64xf32, #tpu.memory_space<vmem>>) dst(%dma_wait3A_424 : memref<10240x64xf32, #tpu.memory_space<vmem_shared>>)
      %add3A_425 = arith.constant 3 : i32
      %add3A_426 = arith.addi %mul3A_189, %add3A_425 : i32
      %dma_wait3A_427 = arith.constant 0 : i32
      %dma_wait3A_428 = tpu.memref_slice %arg8[%add3A_426, %dma_wait3A_427] : memref<50x100xi32, #tpu.memory_space<vmem>> -> memref<1x100xi32, #tpu.memory_space<vmem>>
      %dma_wait3A_429 = tpu.memref_squeeze %dma_wait3A_428 : memref<1x100xi32, #tpu.memory_space<vmem>> -> memref<100xi32, #tpu.memory_space<vmem>>
      %dma_wait3A_430 = arith.constant 0 : i32
      %dma_wait3A_431 = arith.constant 0 : i32
      %dma_wait3A_432 = tpu.memref_slice %arg19[%dma_wait3A_430, %dma_wait3A_431] : memref<10240x64xf32, #tpu.memory_space<vmem_shared>> -> memref<10240x64xf32, #tpu.memory_space<vmem_shared>>
      tpu.wait_indirect_dma semaphore(%arg22 : memref<!tpu.dma_semaphore, #tpu.memory_space<semaphore_mem>>) src(%arg12 : memref<100x64xf32, #tpu.memory_space<vmem>>) dst(%dma_wait3A_432 : memref<10240x64xf32, #tpu.memory_space<vmem_shared>>)
      %add3A_433 = arith.constant 4 : i32
      %add3A_434 = arith.addi %mul3A_189, %add3A_433 : i32
      %dma_wait3A_435 = arith.constant 0 : i32
      %dma_wait3A_436 = tpu.memref_slice %arg8[%add3A_434, %dma_wait3A_435] : memref<50x100xi32, #tpu.memory_space<vmem>> -> memref<1x100xi32, #tpu.memory_space<vmem>>
      %dma_wait3A_437 = tpu.memref_squeeze %dma_wait3A_436 : memref<1x100xi32, #tpu.memory_space<vmem>> -> memref<100xi32, #tpu.memory_space<vmem>>
      %dma_wait3A_438 = arith.constant 0 : i32
      %dma_wait3A_439 = arith.constant 0 : i32
      %dma_wait3A_440 = tpu.memref_slice %arg19[%dma_wait3A_438, %dma_wait3A_439] : memref<10240x64xf32, #tpu.memory_space<vmem_shared>> -> memref<10240x64xf32, #tpu.memory_space<vmem_shared>>
      tpu.wait_indirect_dma semaphore(%arg22 : memref<!tpu.dma_semaphore, #tpu.memory_space<semaphore_mem>>) src(%arg13 : memref<100x64xf32, #tpu.memory_space<vmem>>) dst(%dma_wait3A_440 : memref<10240x64xf32, #tpu.memory_space<vmem_shared>>)
      %lt3A = arith.constant 4 : i32
      %lt3A_441 = arith.cmpi slt, %scan3A_185, %lt3A : i32
      %convert_element_type3A_442 = arith.extui %lt3A_441 : i1 to i32
      %cond3A_443 = arith.constant 0 : i32
      %cond3A_444 = arith.cmpi ne, %convert_element_type3A_442, %cond3A_443 : i32
      scf.if %cond3A_444 {
        %add3A_487 = arith.constant 10 : i32
        %add3A_488 = arith.addi %mul3A_189, %add3A_487 : i32
        %add3A_489 = arith.constant 0 : i32
        %add3A_490 = arith.addi %add3A_488, %add3A_489 : i32
        %dma_start3A_491 = arith.constant 0 : i32
        %dma_start3A_492 = tpu.memref_slice %arg7[%add3A_490, %dma_start3A_491] : memref<50x100xi32, #tpu.memory_space<vmem>> -> memref<1x100xi32, #tpu.memory_space<vmem>>
        %dma_start3A_493 = tpu.memref_squeeze %dma_start3A_492 : memref<1x100xi32, #tpu.memory_space<vmem>> -> memref<100xi32, #tpu.memory_space<vmem>>
        %dma_start3A_494 = arith.constant 0 : i32
        %dma_start3A_495 = arith.constant 0 : i32
        %dma_start3A_496 = tpu.memref_slice %arg2[%dma_start3A_494, %dma_start3A_495] : memref<20480x64xf32, #tpu.memory_space<hbm>> -> memref<20479x64xf32, #tpu.memory_space<hbm>>
        %dma_start3A_497 = arith.constant 0 : i32
        %dma_start3A_498 = arith.constant 0 : i32
        %dma_start3A_499 = tpu.memref_slice %dma_start3A_496[%dma_start3A_497, %dma_start3A_498] : memref<20479x64xf32, #tpu.memory_space<hbm>> -> memref<20479x64xf32, #tpu.memory_space<hbm>>
        tpu.enqueue_indirect_dma source(%dma_start3A_499 : memref<20479x64xf32, #tpu.memory_space<hbm>>) target(%arg9 : memref<100x64xf32, #tpu.memory_space<vmem>>) offsets(%dma_start3A_493 : memref<100xi32, #tpu.memory_space<vmem>>) semaphore(%arg20 : memref<!tpu.dma_semaphore, #tpu.memory_space<semaphore_mem>>)
        %add3A_500 = arith.constant 1 : i32
        %add3A_501 = arith.addi %add3A_488, %add3A_500 : i32
        %dma_start3A_502 = arith.constant 0 : i32
        %dma_start3A_503 = tpu.memref_slice %arg7[%add3A_501, %dma_start3A_502] : memref<50x100xi32, #tpu.memory_space<vmem>> -> memref<1x100xi32, #tpu.memory_space<vmem>>
        %dma_start3A_504 = tpu.memref_squeeze %dma_start3A_503 : memref<1x100xi32, #tpu.memory_space<vmem>> -> memref<100xi32, #tpu.memory_space<vmem>>
        %dma_start3A_505 = arith.constant 0 : i32
        %dma_start3A_506 = arith.constant 0 : i32
        %dma_start3A_507 = tpu.memref_slice %arg2[%dma_start3A_505, %dma_start3A_506] : memref<20480x64xf32, #tpu.memory_space<hbm>> -> memref<20479x64xf32, #tpu.memory_space<hbm>>
        %dma_start3A_508 = arith.constant 0 : i32
        %dma_start3A_509 = arith.constant 0 : i32
        %dma_start3A_510 = tpu.memref_slice %dma_start3A_507[%dma_start3A_508, %dma_start3A_509] : memref<20479x64xf32, #tpu.memory_space<hbm>> -> memref<20479x64xf32, #tpu.memory_space<hbm>>
        tpu.enqueue_indirect_dma source(%dma_start3A_510 : memref<20479x64xf32, #tpu.memory_space<hbm>>) target(%arg10 : memref<100x64xf32, #tpu.memory_space<vmem>>) offsets(%dma_start3A_504 : memref<100xi32, #tpu.memory_space<vmem>>) semaphore(%arg20 : memref<!tpu.dma_semaphore, #tpu.memory_space<semaphore_mem>>)
        %add3A_511 = arith.constant 2 : i32
        %add3A_512 = arith.addi %add3A_488, %add3A_511 : i32
        %dma_start3A_513 = arith.constant 0 : i32
        %dma_start3A_514 = tpu.memref_slice %arg7[%add3A_512, %dma_start3A_513] : memref<50x100xi32, #tpu.memory_space<vmem>> -> memref<1x100xi32, #tpu.memory_space<vmem>>
        %dma_start3A_515 = tpu.memref_squeeze %dma_start3A_514 : memref<1x100xi32, #tpu.memory_space<vmem>> -> memref<100xi32, #tpu.memory_space<vmem>>
        %dma_start3A_516 = arith.constant 0 : i32
        %dma_start3A_517 = arith.constant 0 : i32
        %dma_start3A_518 = tpu.memref_slice %arg2[%dma_start3A_516, %dma_start3A_517] : memref<20480x64xf32, #tpu.memory_space<hbm>> -> memref<20479x64xf32, #tpu.memory_space<hbm>>
        %dma_start3A_519 = arith.constant 0 : i32
        %dma_start3A_520 = arith.constant 0 : i32
        %dma_start3A_521 = tpu.memref_slice %dma_start3A_518[%dma_start3A_519, %dma_start3A_520] : memref<20479x64xf32, #tpu.memory_space<hbm>> -> memref<20479x64xf32, #tpu.memory_space<hbm>>
        tpu.enqueue_indirect_dma source(%dma_start3A_521 : memref<20479x64xf32, #tpu.memory_space<hbm>>) target(%arg11 : memref<100x64xf32, #tpu.memory_space<vmem>>) offsets(%dma_start3A_515 : memref<100xi32, #tpu.memory_space<vmem>>) semaphore(%arg20 : memref<!tpu.dma_semaphore, #tpu.memory_space<semaphore_mem>>)
        %add3A_522 = arith.constant 3 : i32
        %add3A_523 = arith.addi %add3A_488, %add3A_522 : i32
        %dma_start3A_524 = arith.constant 0 : i32
        %dma_start3A_525 = tpu.memref_slice %arg7[%add3A_523, %dma_start3A_524] : memref<50x100xi32, #tpu.memory_space<vmem>> -> memref<1x100xi32, #tpu.memory_space<vmem>>
        %dma_start3A_526 = tpu.memref_squeeze %dma_start3A_525 : memref<1x100xi32, #tpu.memory_space<vmem>> -> memref<100xi32, #tpu.memory_space<vmem>>
        %dma_start3A_527 = arith.constant 0 : i32
        %dma_start3A_528 = arith.constant 0 : i32
        %dma_start3A_529 = tpu.memref_slice %arg2[%dma_start3A_527, %dma_start3A_528] : memref<20480x64xf32, #tpu.memory_space<hbm>> -> memref<20479x64xf32, #tpu.memory_space<hbm>>
        %dma_start3A_530 = arith.constant 0 : i32
        %dma_start3A_531 = arith.constant 0 : i32
        %dma_start3A_532 = tpu.memref_slice %dma_start3A_529[%dma_start3A_530, %dma_start3A_531] : memref<20479x64xf32, #tpu.memory_space<hbm>> -> memref<20479x64xf32, #tpu.memory_space<hbm>>
        tpu.enqueue_indirect_dma source(%dma_start3A_532 : memref<20479x64xf32, #tpu.memory_space<hbm>>) target(%arg12 : memref<100x64xf32, #tpu.memory_space<vmem>>) offsets(%dma_start3A_526 : memref<100xi32, #tpu.memory_space<vmem>>) semaphore(%arg20 : memref<!tpu.dma_semaphore, #tpu.memory_space<semaphore_mem>>)
        %add3A_533 = arith.constant 4 : i32
        %add3A_534 = arith.addi %add3A_488, %add3A_533 : i32
        %dma_start3A_535 = arith.constant 0 : i32
        %dma_start3A_536 = tpu.memref_slice %arg7[%add3A_534, %dma_start3A_535] : memref<50x100xi32, #tpu.memory_space<vmem>> -> memref<1x100xi32, #tpu.memory_space<vmem>>
        %dma_start3A_537 = tpu.memref_squeeze %dma_start3A_536 : memref<1x100xi32, #tpu.memory_space<vmem>> -> memref<100xi32, #tpu.memory_space<vmem>>
        %dma_start3A_538 = arith.constant 0 : i32
        %dma_start3A_539 = arith.constant 0 : i32
        %dma_start3A_540 = tpu.memref_slice %arg2[%dma_start3A_538, %dma_start3A_539] : memref<20480x64xf32, #tpu.memory_space<hbm>> -> memref<20479x64xf32, #tpu.memory_space<hbm>>
        %dma_start3A_541 = arith.constant 0 : i32
        %dma_start3A_542 = arith.constant 0 : i32
        %dma_start3A_543 = tpu.memref_slice %dma_start3A_540[%dma_start3A_541, %dma_start3A_542] : memref<20479x64xf32, #tpu.memory_space<hbm>> -> memref<20479x64xf32, #tpu.memory_space<hbm>>
        tpu.enqueue_indirect_dma source(%dma_start3A_543 : memref<20479x64xf32, #tpu.memory_space<hbm>>) target(%arg13 : memref<100x64xf32, #tpu.memory_space<vmem>>) offsets(%dma_start3A_537 : memref<100xi32, #tpu.memory_space<vmem>>) semaphore(%arg20 : memref<!tpu.dma_semaphore, #tpu.memory_space<semaphore_mem>>)
      } else {
      }
      %add3A_445 = arith.constant 5 : i32
      %add3A_446 = arith.addi %mul3A_189, %add3A_445 : i32
      %add3A_447 = arith.constant 0 : i32
      %add3A_448 = arith.addi %add3A_446, %add3A_447 : i32
      %dma_start3A_449 = arith.constant 0 : i32
      %dma_start3A_450 = tpu.memref_slice %arg8[%add3A_448, %dma_start3A_449] : memref<50x100xi32, #tpu.memory_space<vmem>> -> memref<1x100xi32, #tpu.memory_space<vmem>>
      %dma_start3A_451 = tpu.memref_squeeze %dma_start3A_450 : memref<1x100xi32, #tpu.memory_space<vmem>> -> memref<100xi32, #tpu.memory_space<vmem>>
      %dma_start3A_452 = arith.constant 0 : i32
      %dma_start3A_453 = arith.constant 0 : i32
      %dma_start3A_454 = tpu.memref_slice %arg19[%dma_start3A_452, %dma_start3A_453] : memref<10240x64xf32, #tpu.memory_space<vmem_shared>> -> memref<10240x64xf32, #tpu.memory_space<vmem_shared>>
      tpu.enqueue_indirect_dma source(%arg14 : memref<100x64xf32, #tpu.memory_space<vmem>>) target(%dma_start3A_454 : memref<10240x64xf32, #tpu.memory_space<vmem_shared>>) offsets(%dma_start3A_451 : memref<100xi32, #tpu.memory_space<vmem>>) semaphore(%arg23 : memref<!tpu.dma_semaphore, #tpu.memory_space<semaphore_mem>>) {add = true}
      %add3A_455 = arith.constant 1 : i32
      %add3A_456 = arith.addi %add3A_446, %add3A_455 : i32
      %dma_start3A_457 = arith.constant 0 : i32
      %dma_start3A_458 = tpu.memref_slice %arg8[%add3A_456, %dma_start3A_457] : memref<50x100xi32, #tpu.memory_space<vmem>> -> memref<1x100xi32, #tpu.memory_space<vmem>>
      %dma_start3A_459 = tpu.memref_squeeze %dma_start3A_458 : memref<1x100xi32, #tpu.memory_space<vmem>> -> memref<100xi32, #tpu.memory_space<vmem>>
      %dma_start3A_460 = arith.constant 0 : i32
      %dma_start3A_461 = arith.constant 0 : i32
      %dma_start3A_462 = tpu.memref_slice %arg19[%dma_start3A_460, %dma_start3A_461] : memref<10240x64xf32, #tpu.memory_space<vmem_shared>> -> memref<10240x64xf32, #tpu.memory_space<vmem_shared>>
      tpu.enqueue_indirect_dma source(%arg15 : memref<100x64xf32, #tpu.memory_space<vmem>>) target(%dma_start3A_462 : memref<10240x64xf32, #tpu.memory_space<vmem_shared>>) offsets(%dma_start3A_459 : memref<100xi32, #tpu.memory_space<vmem>>) semaphore(%arg23 : memref<!tpu.dma_semaphore, #tpu.memory_space<semaphore_mem>>) {add = true}
      %add3A_463 = arith.constant 2 : i32
      %add3A_464 = arith.addi %add3A_446, %add3A_463 : i32
      %dma_start3A_465 = arith.constant 0 : i32
      %dma_start3A_466 = tpu.memref_slice %arg8[%add3A_464, %dma_start3A_465] : memref<50x100xi32, #tpu.memory_space<vmem>> -> memref<1x100xi32, #tpu.memory_space<vmem>>
      %dma_start3A_467 = tpu.memref_squeeze %dma_start3A_466 : memref<1x100xi32, #tpu.memory_space<vmem>> -> memref<100xi32, #tpu.memory_space<vmem>>
      %dma_start3A_468 = arith.constant 0 : i32
      %dma_start3A_469 = arith.constant 0 : i32
      %dma_start3A_470 = tpu.memref_slice %arg19[%dma_start3A_468, %dma_start3A_469] : memref<10240x64xf32, #tpu.memory_space<vmem_shared>> -> memref<10240x64xf32, #tpu.memory_space<vmem_shared>>
      tpu.enqueue_indirect_dma source(%arg16 : memref<100x64xf32, #tpu.memory_space<vmem>>) target(%dma_start3A_470 : memref<10240x64xf32, #tpu.memory_space<vmem_shared>>) offsets(%dma_start3A_467 : memref<100xi32, #tpu.memory_space<vmem>>) semaphore(%arg23 : memref<!tpu.dma_semaphore, #tpu.memory_space<semaphore_mem>>) {add = true}
      %add3A_471 = arith.constant 3 : i32
      %add3A_472 = arith.addi %add3A_446, %add3A_471 : i32
      %dma_start3A_473 = arith.constant 0 : i32
      %dma_start3A_474 = tpu.memref_slice %arg8[%add3A_472, %dma_start3A_473] : memref<50x100xi32, #tpu.memory_space<vmem>> -> memref<1x100xi32, #tpu.memory_space<vmem>>
      %dma_start3A_475 = tpu.memref_squeeze %dma_start3A_474 : memref<1x100xi32, #tpu.memory_space<vmem>> -> memref<100xi32, #tpu.memory_space<vmem>>
      %dma_start3A_476 = arith.constant 0 : i32
      %dma_start3A_477 = arith.constant 0 : i32
      %dma_start3A_478 = tpu.memref_slice %arg19[%dma_start3A_476, %dma_start3A_477] : memref<10240x64xf32, #tpu.memory_space<vmem_shared>> -> memref<10240x64xf32, #tpu.memory_space<vmem_shared>>
      tpu.enqueue_indirect_dma source(%arg17 : memref<100x64xf32, #tpu.memory_space<vmem>>) target(%dma_start3A_478 : memref<10240x64xf32, #tpu.memory_space<vmem_shared>>) offsets(%dma_start3A_475 : memref<100xi32, #tpu.memory_space<vmem>>) semaphore(%arg23 : memref<!tpu.dma_semaphore, #tpu.memory_space<semaphore_mem>>) {add = true}
      %add3A_479 = arith.constant 4 : i32
      %add3A_480 = arith.addi %add3A_446, %add3A_479 : i32
      %dma_start3A_481 = arith.constant 0 : i32
      %dma_start3A_482 = tpu.memref_slice %arg8[%add3A_480, %dma_start3A_481] : memref<50x100xi32, #tpu.memory_space<vmem>> -> memref<1x100xi32, #tpu.memory_space<vmem>>
      %dma_start3A_483 = tpu.memref_squeeze %dma_start3A_482 : memref<1x100xi32, #tpu.memory_space<vmem>> -> memref<100xi32, #tpu.memory_space<vmem>>
      %dma_start3A_484 = arith.constant 0 : i32
      %dma_start3A_485 = arith.constant 0 : i32
      %dma_start3A_486 = tpu.memref_slice %arg19[%dma_start3A_484, %dma_start3A_485] : memref<10240x64xf32, #tpu.memory_space<vmem_shared>> -> memref<10240x64xf32, #tpu.memory_space<vmem_shared>>
      tpu.enqueue_indirect_dma source(%arg18 : memref<100x64xf32, #tpu.memory_space<vmem>>) target(%dma_start3A_486 : memref<10240x64xf32, #tpu.memory_space<vmem_shared>>) offsets(%dma_start3A_483 : memref<100xi32, #tpu.memory_space<vmem>>) semaphore(%arg23 : memref<!tpu.dma_semaphore, #tpu.memory_space<semaphore_mem>>) {add = true}
    }
    %scan3A_56 = arith.constant 5 : i32
    %dma_wait3A = arith.constant 45 : i32
    %dma_wait3A_57 = arith.constant 0 : i32
    %dma_wait3A_58 = tpu.memref_slice %arg8[%dma_wait3A, %dma_wait3A_57] : memref<50x100xi32, #tpu.memory_space<vmem>> -> memref<1x100xi32, #tpu.memory_space<vmem>>
    %dma_wait3A_59 = tpu.memref_squeeze %dma_wait3A_58 : memref<1x100xi32, #tpu.memory_space<vmem>> -> memref<100xi32, #tpu.memory_space<vmem>>
    %dma_wait3A_60 = arith.constant 0 : i32
    %dma_wait3A_61 = arith.constant 0 : i32
    %dma_wait3A_62 = tpu.memref_slice %arg19[%dma_wait3A_60, %dma_wait3A_61] : memref<10240x64xf32, #tpu.memory_space<vmem_shared>> -> memref<10240x64xf32, #tpu.memory_space<vmem_shared>>
    tpu.wait_indirect_dma semaphore(%arg23 : memref<!tpu.dma_semaphore, #tpu.memory_space<semaphore_mem>>) src(%arg14 : memref<100x64xf32, #tpu.memory_space<vmem>>) dst(%dma_wait3A_62 : memref<10240x64xf32, #tpu.memory_space<vmem_shared>>)
    %dma_wait3A_63 = arith.constant 46 : i32
    %dma_wait3A_64 = arith.constant 0 : i32
    %dma_wait3A_65 = tpu.memref_slice %arg8[%dma_wait3A_63, %dma_wait3A_64] : memref<50x100xi32, #tpu.memory_space<vmem>> -> memref<1x100xi32, #tpu.memory_space<vmem>>
    %dma_wait3A_66 = tpu.memref_squeeze %dma_wait3A_65 : memref<1x100xi32, #tpu.memory_space<vmem>> -> memref<100xi32, #tpu.memory_space<vmem>>
    %dma_wait3A_67 = arith.constant 0 : i32
    %dma_wait3A_68 = arith.constant 0 : i32
    %dma_wait3A_69 = tpu.memref_slice %arg19[%dma_wait3A_67, %dma_wait3A_68] : memref<10240x64xf32, #tpu.memory_space<vmem_shared>> -> memref<10240x64xf32, #tpu.memory_space<vmem_shared>>
    tpu.wait_indirect_dma semaphore(%arg23 : memref<!tpu.dma_semaphore, #tpu.memory_space<semaphore_mem>>) src(%arg15 : memref<100x64xf32, #tpu.memory_space<vmem>>) dst(%dma_wait3A_69 : memref<10240x64xf32, #tpu.memory_space<vmem_shared>>)
    %dma_wait3A_70 = arith.constant 47 : i32
    %dma_wait3A_71 = arith.constant 0 : i32
    %dma_wait3A_72 = tpu.memref_slice %arg8[%dma_wait3A_70, %dma_wait3A_71] : memref<50x100xi32, #tpu.memory_space<vmem>> -> memref<1x100xi32, #tpu.memory_space<vmem>>
    %dma_wait3A_73 = tpu.memref_squeeze %dma_wait3A_72 : memref<1x100xi32, #tpu.memory_space<vmem>> -> memref<100xi32, #tpu.memory_space<vmem>>
    %dma_wait3A_74 = arith.constant 0 : i32
    %dma_wait3A_75 = arith.constant 0 : i32
    %dma_wait3A_76 = tpu.memref_slice %arg19[%dma_wait3A_74, %dma_wait3A_75] : memref<10240x64xf32, #tpu.memory_space<vmem_shared>> -> memref<10240x64xf32, #tpu.memory_space<vmem_shared>>
    tpu.wait_indirect_dma semaphore(%arg23 : memref<!tpu.dma_semaphore, #tpu.memory_space<semaphore_mem>>) src(%arg16 : memref<100x64xf32, #tpu.memory_space<vmem>>) dst(%dma_wait3A_76 : memref<10240x64xf32, #tpu.memory_space<vmem_shared>>)
    %dma_wait3A_77 = arith.constant 48 : i32
    %dma_wait3A_78 = arith.constant 0 : i32
    %dma_wait3A_79 = tpu.memref_slice %arg8[%dma_wait3A_77, %dma_wait3A_78] : memref<50x100xi32, #tpu.memory_space<vmem>> -> memref<1x100xi32, #tpu.memory_space<vmem>>
    %dma_wait3A_80 = tpu.memref_squeeze %dma_wait3A_79 : memref<1x100xi32, #tpu.memory_space<vmem>> -> memref<100xi32, #tpu.memory_space<vmem>>
    %dma_wait3A_81 = arith.constant 0 : i32
    %dma_wait3A_82 = arith.constant 0 : i32
    %dma_wait3A_83 = tpu.memref_slice %arg19[%dma_wait3A_81, %dma_wait3A_82] : memref<10240x64xf32, #tpu.memory_space<vmem_shared>> -> memref<10240x64xf32, #tpu.memory_space<vmem_shared>>
    tpu.wait_indirect_dma semaphore(%arg23 : memref<!tpu.dma_semaphore, #tpu.memory_space<semaphore_mem>>) src(%arg17 : memref<100x64xf32, #tpu.memory_space<vmem>>) dst(%dma_wait3A_83 : memref<10240x64xf32, #tpu.memory_space<vmem_shared>>)
    %dma_wait3A_84 = arith.constant 49 : i32
    %dma_wait3A_85 = arith.constant 0 : i32
    %dma_wait3A_86 = tpu.memref_slice %arg8[%dma_wait3A_84, %dma_wait3A_85] : memref<50x100xi32, #tpu.memory_space<vmem>> -> memref<1x100xi32, #tpu.memory_space<vmem>>
    %dma_wait3A_87 = tpu.memref_squeeze %dma_wait3A_86 : memref<1x100xi32, #tpu.memory_space<vmem>> -> memref<100xi32, #tpu.memory_space<vmem>>
    %dma_wait3A_88 = arith.constant 0 : i32
    %dma_wait3A_89 = arith.constant 0 : i32
    %dma_wait3A_90 = tpu.memref_slice %arg19[%dma_wait3A_88, %dma_wait3A_89] : memref<10240x64xf32, #tpu.memory_space<vmem_shared>> -> memref<10240x64xf32, #tpu.memory_space<vmem_shared>>
    tpu.wait_indirect_dma semaphore(%arg23 : memref<!tpu.dma_semaphore, #tpu.memory_space<semaphore_mem>>) src(%arg18 : memref<100x64xf32, #tpu.memory_space<vmem>>) dst(%dma_wait3A_90 : memref<10240x64xf32, #tpu.memory_space<vmem_shared>>)
    "tpu.region"() ({
      %run_scoped3A = tpu.sem_alloc : memref<!tpu.dma_semaphore, #tpu.memory_space<semaphore_mem>>
      %dma_start3A_185 = arith.constant 0 : i32
      %dma_start3A_186 = arith.constant 0 : i32
      %dma_start3A_187 = tpu.memref_slice %arg3[%add3A, %dma_start3A_185, %dma_start3A_186] : memref<32x100x100xi32, #tpu.memory_space<hbm>> -> memref<1x100x100xi32, #tpu.memory_space<hbm>>
      %dma_start3A_188 = tpu.memref_squeeze %dma_start3A_187 : memref<1x100x100xi32, #tpu.memory_space<hbm>> -> memref<100x100xi32, #tpu.memory_space<hbm>>
      %dma_start3A_189 = arith.constant 50 : i32
      %dma_start3A_190 = arith.constant 0 : i32
      %dma_start3A_191 = tpu.memref_slice %dma_start3A_188[%dma_start3A_189, %dma_start3A_190] : memref<100x100xi32, #tpu.memory_space<hbm>> -> memref<50x100xi32, #tpu.memory_space<hbm>>
      %dma_start3A_192 = arith.constant 0 : i32
      %dma_start3A_193 = arith.constant 0 : i32
      %dma_start3A_194 = tpu.memref_slice %arg3[%add3A, %dma_start3A_192, %dma_start3A_193] : memref<32x100x100xi32, #tpu.memory_space<hbm>> -> memref<1x100x100xi32, #tpu.memory_space<hbm>>
      %dma_start3A_195 = tpu.memref_squeeze %dma_start3A_194 : memref<1x100x100xi32, #tpu.memory_space<hbm>> -> memref<100x100xi32, #tpu.memory_space<hbm>>
      %dma_start3A_196 = arith.constant 50 : i32
      %dma_start3A_197 = arith.constant 0 : i32
      %dma_start3A_198 = tpu.memref_slice %dma_start3A_195[%dma_start3A_196, %dma_start3A_197] : memref<100x100xi32, #tpu.memory_space<hbm>> -> memref<50x100xi32, #tpu.memory_space<hbm>>
      tpu.enqueue_dma source(%dma_start3A_198 : memref<50x100xi32, #tpu.memory_space<hbm>>) target(%arg7 : memref<50x100xi32, #tpu.memory_space<vmem>>) target_semaphore(%run_scoped3A : memref<!tpu.dma_semaphore, #tpu.memory_space<semaphore_mem>>)
      %dma_wait3A_199 = arith.constant 0 : i32
      %dma_wait3A_200 = arith.constant 0 : i32
      %dma_wait3A_201 = tpu.memref_slice %arg3[%add3A, %dma_wait3A_199, %dma_wait3A_200] : memref<32x100x100xi32, #tpu.memory_space<hbm>> -> memref<1x100x100xi32, #tpu.memory_space<hbm>>
      %dma_wait3A_202 = tpu.memref_squeeze %dma_wait3A_201 : memref<1x100x100xi32, #tpu.memory_space<hbm>> -> memref<100x100xi32, #tpu.memory_space<hbm>>
      %dma_wait3A_203 = arith.constant 50 : i32
      %dma_wait3A_204 = arith.constant 0 : i32
      %dma_wait3A_205 = tpu.memref_slice %dma_wait3A_202[%dma_wait3A_203, %dma_wait3A_204] : memref<100x100xi32, #tpu.memory_space<hbm>> -> memref<50x100xi32, #tpu.memory_space<hbm>>
      %dma_wait3A_206 = arith.constant 0 : i32
      %dma_wait3A_207 = arith.constant 0 : i32
      %dma_wait3A_208 = tpu.memref_slice %arg3[%add3A, %dma_wait3A_206, %dma_wait3A_207] : memref<32x100x100xi32, #tpu.memory_space<hbm>> -> memref<1x100x100xi32, #tpu.memory_space<hbm>>
      %dma_wait3A_209 = tpu.memref_squeeze %dma_wait3A_208 : memref<1x100x100xi32, #tpu.memory_space<hbm>> -> memref<100x100xi32, #tpu.memory_space<hbm>>
      %dma_wait3A_210 = arith.constant 50 : i32
      %dma_wait3A_211 = arith.constant 0 : i32
      %dma_wait3A_212 = tpu.memref_slice %dma_wait3A_209[%dma_wait3A_210, %dma_wait3A_211] : memref<100x100xi32, #tpu.memory_space<hbm>> -> memref<50x100xi32, #tpu.memory_space<hbm>>
      tpu.wait_dma2 semaphore(%run_scoped3A : memref<!tpu.dma_semaphore, #tpu.memory_space<semaphore_mem>>) src(%dma_wait3A_212 : memref<50x100xi32, #tpu.memory_space<hbm>>) dst(%arg7 : memref<50x100xi32, #tpu.memory_space<vmem>>)
      tpu.yield
    }) : () -> ()
    "tpu.region"() ({
      %run_scoped3A = tpu.sem_alloc : memref<!tpu.dma_semaphore, #tpu.memory_space<semaphore_mem>>
      %dma_start3A_185 = arith.constant 0 : i32
      %dma_start3A_186 = arith.constant 0 : i32
      %dma_start3A_187 = tpu.memref_slice %arg4[%add3A, %dma_start3A_185, %dma_start3A_186] : memref<32x100x100xi32, #tpu.memory_space<hbm>> -> memref<1x100x100xi32, #tpu.memory_space<hbm>>
      %dma_start3A_188 = tpu.memref_squeeze %dma_start3A_187 : memref<1x100x100xi32, #tpu.memory_space<hbm>> -> memref<100x100xi32, #tpu.memory_space<hbm>>
      %dma_start3A_189 = arith.constant 50 : i32
      %dma_start3A_190 = arith.constant 0 : i32
      %dma_start3A_191 = tpu.memref_slice %dma_start3A_188[%dma_start3A_189, %dma_start3A_190] : memref<100x100xi32, #tpu.memory_space<hbm>> -> memref<50x100xi32, #tpu.memory_space<hbm>>
      %dma_start3A_192 = arith.constant 0 : i32
      %dma_start3A_193 = arith.constant 0 : i32
      %dma_start3A_194 = tpu.memref_slice %arg4[%add3A, %dma_start3A_192, %dma_start3A_193] : memref<32x100x100xi32, #tpu.memory_space<hbm>> -> memref<1x100x100xi32, #tpu.memory_space<hbm>>
      %dma_start3A_195 = tpu.memref_squeeze %dma_start3A_194 : memref<1x100x100xi32, #tpu.memory_space<hbm>> -> memref<100x100xi32, #tpu.memory_space<hbm>>
      %dma_start3A_196 = arith.constant 50 : i32
      %dma_start3A_197 = arith.constant 0 : i32
      %dma_start3A_198 = tpu.memref_slice %dma_start3A_195[%dma_start3A_196, %dma_start3A_197] : memref<100x100xi32, #tpu.memory_space<hbm>> -> memref<50x100xi32, #tpu.memory_space<hbm>>
      tpu.enqueue_dma source(%dma_start3A_198 : memref<50x100xi32, #tpu.memory_space<hbm>>) target(%arg8 : memref<50x100xi32, #tpu.memory_space<vmem>>) target_semaphore(%run_scoped3A : memref<!tpu.dma_semaphore, #tpu.memory_space<semaphore_mem>>)
      %dma_wait3A_199 = arith.constant 0 : i32
      %dma_wait3A_200 = arith.constant 0 : i32
      %dma_wait3A_201 = tpu.memref_slice %arg4[%add3A, %dma_wait3A_199, %dma_wait3A_200] : memref<32x100x100xi32, #tpu.memory_space<hbm>> -> memref<1x100x100xi32, #tpu.memory_space<hbm>>
      %dma_wait3A_202 = tpu.memref_squeeze %dma_wait3A_201 : memref<1x100x100xi32, #tpu.memory_space<hbm>> -> memref<100x100xi32, #tpu.memory_space<hbm>>
      %dma_wait3A_203 = arith.constant 50 : i32
      %dma_wait3A_204 = arith.constant 0 : i32
      %dma_wait3A_205 = tpu.memref_slice %dma_wait3A_202[%dma_wait3A_203, %dma_wait3A_204] : memref<100x100xi32, #tpu.memory_space<hbm>> -> memref<50x100xi32, #tpu.memory_space<hbm>>
      %dma_wait3A_206 = arith.constant 0 : i32
      %dma_wait3A_207 = arith.constant 0 : i32
      %dma_wait3A_208 = tpu.memref_slice %arg4[%add3A, %dma_wait3A_206, %dma_wait3A_207] : memref<32x100x100xi32, #tpu.memory_space<hbm>> -> memref<1x100x100xi32, #tpu.memory_space<hbm>>
      %dma_wait3A_209 = tpu.memref_squeeze %dma_wait3A_208 : memref<1x100x100xi32, #tpu.memory_space<hbm>> -> memref<100x100xi32, #tpu.memory_space<hbm>>
      %dma_wait3A_210 = arith.constant 50 : i32
      %dma_wait3A_211 = arith.constant 0 : i32
      %dma_wait3A_212 = tpu.memref_slice %dma_wait3A_209[%dma_wait3A_210, %dma_wait3A_211] : memref<100x100xi32, #tpu.memory_space<hbm>> -> memref<50x100xi32, #tpu.memory_space<hbm>>
      tpu.wait_dma2 semaphore(%run_scoped3A : memref<!tpu.dma_semaphore, #tpu.memory_space<semaphore_mem>>) src(%dma_wait3A_212 : memref<50x100xi32, #tpu.memory_space<hbm>>) dst(%arg8 : memref<50x100xi32, #tpu.memory_space<vmem>>)
      tpu.yield
    }) : () -> ()
    %dma_start3A_91 = arith.constant 0 : i32
    %dma_start3A_92 = arith.constant 0 : i32
    %dma_start3A_93 = tpu.memref_slice %arg7[%dma_start3A_91, %dma_start3A_92] : memref<50x100xi32, #tpu.memory_space<vmem>> -> memref<1x100xi32, #tpu.memory_space<vmem>>
    %dma_start3A_94 = tpu.memref_squeeze %dma_start3A_93 : memref<1x100xi32, #tpu.memory_space<vmem>> -> memref<100xi32, #tpu.memory_space<vmem>>
    %dma_start3A_95 = arith.constant 0 : i32
    %dma_start3A_96 = arith.constant 0 : i32
    %dma_start3A_97 = tpu.memref_slice %arg2[%dma_start3A_95, %dma_start3A_96] : memref<20480x64xf32, #tpu.memory_space<hbm>> -> memref<20479x64xf32, #tpu.memory_space<hbm>>
    %dma_start3A_98 = arith.constant 0 : i32
    %dma_start3A_99 = arith.constant 0 : i32
    %dma_start3A_100 = tpu.memref_slice %dma_start3A_97[%dma_start3A_98, %dma_start3A_99] : memref<20479x64xf32, #tpu.memory_space<hbm>> -> memref<20479x64xf32, #tpu.memory_space<hbm>>
    tpu.enqueue_indirect_dma source(%dma_start3A_100 : memref<20479x64xf32, #tpu.memory_space<hbm>>) target(%arg9 : memref<100x64xf32, #tpu.memory_space<vmem>>) offsets(%dma_start3A_94 : memref<100xi32, #tpu.memory_space<vmem>>) semaphore(%arg20 : memref<!tpu.dma_semaphore, #tpu.memory_space<semaphore_mem>>)
    %dma_start3A_101 = arith.constant 1 : i32
    %dma_start3A_102 = arith.constant 0 : i32
    %dma_start3A_103 = tpu.memref_slice %arg7[%dma_start3A_101, %dma_start3A_102] : memref<50x100xi32, #tpu.memory_space<vmem>> -> memref<1x100xi32, #tpu.memory_space<vmem>>
    %dma_start3A_104 = tpu.memref_squeeze %dma_start3A_103 : memref<1x100xi32, #tpu.memory_space<vmem>> -> memref<100xi32, #tpu.memory_space<vmem>>
    %dma_start3A_105 = arith.constant 0 : i32
    %dma_start3A_106 = arith.constant 0 : i32
    %dma_start3A_107 = tpu.memref_slice %arg2[%dma_start3A_105, %dma_start3A_106] : memref<20480x64xf32, #tpu.memory_space<hbm>> -> memref<20479x64xf32, #tpu.memory_space<hbm>>
    %dma_start3A_108 = arith.constant 0 : i32
    %dma_start3A_109 = arith.constant 0 : i32
    %dma_start3A_110 = tpu.memref_slice %dma_start3A_107[%dma_start3A_108, %dma_start3A_109] : memref<20479x64xf32, #tpu.memory_space<hbm>> -> memref<20479x64xf32, #tpu.memory_space<hbm>>
    tpu.enqueue_indirect_dma source(%dma_start3A_110 : memref<20479x64xf32, #tpu.memory_space<hbm>>) target(%arg10 : memref<100x64xf32, #tpu.memory_space<vmem>>) offsets(%dma_start3A_104 : memref<100xi32, #tpu.memory_space<vmem>>) semaphore(%arg20 : memref<!tpu.dma_semaphore, #tpu.memory_space<semaphore_mem>>)
    %dma_start3A_111 = arith.constant 2 : i32
    %dma_start3A_112 = arith.constant 0 : i32
    %dma_start3A_113 = tpu.memref_slice %arg7[%dma_start3A_111, %dma_start3A_112] : memref<50x100xi32, #tpu.memory_space<vmem>> -> memref<1x100xi32, #tpu.memory_space<vmem>>
    %dma_start3A_114 = tpu.memref_squeeze %dma_start3A_113 : memref<1x100xi32, #tpu.memory_space<vmem>> -> memref<100xi32, #tpu.memory_space<vmem>>
    %dma_start3A_115 = arith.constant 0 : i32
    %dma_start3A_116 = arith.constant 0 : i32
    %dma_start3A_117 = tpu.memref_slice %arg2[%dma_start3A_115, %dma_start3A_116] : memref<20480x64xf32, #tpu.memory_space<hbm>> -> memref<20479x64xf32, #tpu.memory_space<hbm>>
    %dma_start3A_118 = arith.constant 0 : i32
    %dma_start3A_119 = arith.constant 0 : i32
    %dma_start3A_120 = tpu.memref_slice %dma_start3A_117[%dma_start3A_118, %dma_start3A_119] : memref<20479x64xf32, #tpu.memory_space<hbm>> -> memref<20479x64xf32, #tpu.memory_space<hbm>>
    tpu.enqueue_indirect_dma source(%dma_start3A_120 : memref<20479x64xf32, #tpu.memory_space<hbm>>) target(%arg11 : memref<100x64xf32, #tpu.memory_space<vmem>>) offsets(%dma_start3A_114 : memref<100xi32, #tpu.memory_space<vmem>>) semaphore(%arg20 : memref<!tpu.dma_semaphore, #tpu.memory_space<semaphore_mem>>)
    %dma_start3A_121 = arith.constant 3 : i32
    %dma_start3A_122 = arith.constant 0 : i32
    %dma_start3A_123 = tpu.memref_slice %arg7[%dma_start3A_121, %dma_start3A_122] : memref<50x100xi32, #tpu.memory_space<vmem>> -> memref<1x100xi32, #tpu.memory_space<vmem>>
    %dma_start3A_124 = tpu.memref_squeeze %dma_start3A_123 : memref<1x100xi32, #tpu.memory_space<vmem>> -> memref<100xi32, #tpu.memory_space<vmem>>
    %dma_start3A_125 = arith.constant 0 : i32
    %dma_start3A_126 = arith.constant 0 : i32
    %dma_start3A_127 = tpu.memref_slice %arg2[%dma_start3A_125, %dma_start3A_126] : memref<20480x64xf32, #tpu.memory_space<hbm>> -> memref<20479x64xf32, #tpu.memory_space<hbm>>
    %dma_start3A_128 = arith.constant 0 : i32
    %dma_start3A_129 = arith.constant 0 : i32
    %dma_start3A_130 = tpu.memref_slice %dma_start3A_127[%dma_start3A_128, %dma_start3A_129] : memref<20479x64xf32, #tpu.memory_space<hbm>> -> memref<20479x64xf32, #tpu.memory_space<hbm>>
    tpu.enqueue_indirect_dma source(%dma_start3A_130 : memref<20479x64xf32, #tpu.memory_space<hbm>>) target(%arg12 : memref<100x64xf32, #tpu.memory_space<vmem>>) offsets(%dma_start3A_124 : memref<100xi32, #tpu.memory_space<vmem>>) semaphore(%arg20 : memref<!tpu.dma_semaphore, #tpu.memory_space<semaphore_mem>>)
    %dma_start3A_131 = arith.constant 4 : i32
    %dma_start3A_132 = arith.constant 0 : i32
    %dma_start3A_133 = tpu.memref_slice %arg7[%dma_start3A_131, %dma_start3A_132] : memref<50x100xi32, #tpu.memory_space<vmem>> -> memref<1x100xi32, #tpu.memory_space<vmem>>
    %dma_start3A_134 = tpu.memref_squeeze %dma_start3A_133 : memref<1x100xi32, #tpu.memory_space<vmem>> -> memref<100xi32, #tpu.memory_space<vmem>>
    %dma_start3A_135 = arith.constant 0 : i32
    %dma_start3A_136 = arith.constant 0 : i32
    %dma_start3A_137 = tpu.memref_slice %arg2[%dma_start3A_135, %dma_start3A_136] : memref<20480x64xf32, #tpu.memory_space<hbm>> -> memref<20479x64xf32, #tpu.memory_space<hbm>>
    %dma_start3A_138 = arith.constant 0 : i32
    %dma_start3A_139 = arith.constant 0 : i32
    %dma_start3A_140 = tpu.memref_slice %dma_start3A_137[%dma_start3A_138, %dma_start3A_139] : memref<20479x64xf32, #tpu.memory_space<hbm>> -> memref<20479x64xf32, #tpu.memory_space<hbm>>
    tpu.enqueue_indirect_dma source(%dma_start3A_140 : memref<20479x64xf32, #tpu.memory_space<hbm>>) target(%arg13 : memref<100x64xf32, #tpu.memory_space<vmem>>) offsets(%dma_start3A_134 : memref<100xi32, #tpu.memory_space<vmem>>) semaphore(%arg20 : memref<!tpu.dma_semaphore, #tpu.memory_space<semaphore_mem>>)
    %scan3A_141 = arith.constant 0 : i32
    %scan3A_142 = arith.constant 0 : i32
    %scan3A_143 = arith.constant 5 : i32
    %scan3A_144 = arith.addi %scan3A_142, %scan3A_143 : i32
    %scan3A_145 = arith.constant 1 : i32
    scf.for %scan3A_185 = %scan3A_142 to %scan3A_144 step %scan3A_145  : i32 {
      %mul3A_186 = arith.constant 2 : i32
      %mul3A_187 = arith.muli %scan3A_185, %mul3A_186 : i32
      %mul3A_188 = arith.constant 5 : i32
      %mul3A_189 = arith.muli %mul3A_187, %mul3A_188 : i32
      %add3A_190 = arith.constant 0 : i32
      %add3A_191 = arith.addi %mul3A_189, %add3A_190 : i32
      %dma_wait3A_192 = arith.constant 0 : i32
      %dma_wait3A_193 = tpu.memref_slice %arg7[%add3A_191, %dma_wait3A_192] : memref<50x100xi32, #tpu.memory_space<vmem>> -> memref<1x100xi32, #tpu.memory_space<vmem>>
      %dma_wait3A_194 = tpu.memref_squeeze %dma_wait3A_193 : memref<1x100xi32, #tpu.memory_space<vmem>> -> memref<100xi32, #tpu.memory_space<vmem>>
      %dma_wait3A_195 = arith.constant 0 : i32
      %dma_wait3A_196 = arith.constant 0 : i32
      %dma_wait3A_197 = tpu.memref_slice %arg2[%dma_wait3A_195, %dma_wait3A_196] : memref<20480x64xf32, #tpu.memory_space<hbm>> -> memref<20479x64xf32, #tpu.memory_space<hbm>>
      %dma_wait3A_198 = arith.constant 0 : i32
      %dma_wait3A_199 = arith.constant 0 : i32
      %dma_wait3A_200 = tpu.memref_slice %dma_wait3A_197[%dma_wait3A_198, %dma_wait3A_199] : memref<20479x64xf32, #tpu.memory_space<hbm>> -> memref<20479x64xf32, #tpu.memory_space<hbm>>
      tpu.wait_indirect_dma semaphore(%arg20 : memref<!tpu.dma_semaphore, #tpu.memory_space<semaphore_mem>>) src(%dma_wait3A_200 : memref<20479x64xf32, #tpu.memory_space<hbm>>) dst(%arg9 : memref<100x64xf32, #tpu.memory_space<vmem>>)
      %add3A_201 = arith.constant 1 : i32
      %add3A_202 = arith.addi %mul3A_189, %add3A_201 : i32
      %dma_wait3A_203 = arith.constant 0 : i32
      %dma_wait3A_204 = tpu.memref_slice %arg7[%add3A_202, %dma_wait3A_203] : memref<50x100xi32, #tpu.memory_space<vmem>> -> memref<1x100xi32, #tpu.memory_space<vmem>>
      %dma_wait3A_205 = tpu.memref_squeeze %dma_wait3A_204 : memref<1x100xi32, #tpu.memory_space<vmem>> -> memref<100xi32, #tpu.memory_space<vmem>>
      %dma_wait3A_206 = arith.constant 0 : i32
      %dma_wait3A_207 = arith.constant 0 : i32
      %dma_wait3A_208 = tpu.memref_slice %arg2[%dma_wait3A_206, %dma_wait3A_207] : memref<20480x64xf32, #tpu.memory_space<hbm>> -> memref<20479x64xf32, #tpu.memory_space<hbm>>
      %dma_wait3A_209 = arith.constant 0 : i32
      %dma_wait3A_210 = arith.constant 0 : i32
      %dma_wait3A_211 = tpu.memref_slice %dma_wait3A_208[%dma_wait3A_209, %dma_wait3A_210] : memref<20479x64xf32, #tpu.memory_space<hbm>> -> memref<20479x64xf32, #tpu.memory_space<hbm>>
      tpu.wait_indirect_dma semaphore(%arg20 : memref<!tpu.dma_semaphore, #tpu.memory_space<semaphore_mem>>) src(%dma_wait3A_211 : memref<20479x64xf32, #tpu.memory_space<hbm>>) dst(%arg10 : memref<100x64xf32, #tpu.memory_space<vmem>>)
      %add3A_212 = arith.constant 2 : i32
      %add3A_213 = arith.addi %mul3A_189, %add3A_212 : i32
      %dma_wait3A_214 = arith.constant 0 : i32
      %dma_wait3A_215 = tpu.memref_slice %arg7[%add3A_213, %dma_wait3A_214] : memref<50x100xi32, #tpu.memory_space<vmem>> -> memref<1x100xi32, #tpu.memory_space<vmem>>
      %dma_wait3A_216 = tpu.memref_squeeze %dma_wait3A_215 : memref<1x100xi32, #tpu.memory_space<vmem>> -> memref<100xi32, #tpu.memory_space<vmem>>
      %dma_wait3A_217 = arith.constant 0 : i32
      %dma_wait3A_218 = arith.constant 0 : i32
      %dma_wait3A_219 = tpu.memref_slice %arg2[%dma_wait3A_217, %dma_wait3A_218] : memref<20480x64xf32, #tpu.memory_space<hbm>> -> memref<20479x64xf32, #tpu.memory_space<hbm>>
      %dma_wait3A_220 = arith.constant 0 : i32
      %dma_wait3A_221 = arith.constant 0 : i32
      %dma_wait3A_222 = tpu.memref_slice %dma_wait3A_219[%dma_wait3A_220, %dma_wait3A_221] : memref<20479x64xf32, #tpu.memory_space<hbm>> -> memref<20479x64xf32, #tpu.memory_space<hbm>>
      tpu.wait_indirect_dma semaphore(%arg20 : memref<!tpu.dma_semaphore, #tpu.memory_space<semaphore_mem>>) src(%dma_wait3A_222 : memref<20479x64xf32, #tpu.memory_space<hbm>>) dst(%arg11 : memref<100x64xf32, #tpu.memory_space<vmem>>)
      %add3A_223 = arith.constant 3 : i32
      %add3A_224 = arith.addi %mul3A_189, %add3A_223 : i32
      %dma_wait3A_225 = arith.constant 0 : i32
      %dma_wait3A_226 = tpu.memref_slice %arg7[%add3A_224, %dma_wait3A_225] : memref<50x100xi32, #tpu.memory_space<vmem>> -> memref<1x100xi32, #tpu.memory_space<vmem>>
      %dma_wait3A_227 = tpu.memref_squeeze %dma_wait3A_226 : memref<1x100xi32, #tpu.memory_space<vmem>> -> memref<100xi32, #tpu.memory_space<vmem>>
      %dma_wait3A_228 = arith.constant 0 : i32
      %dma_wait3A_229 = arith.constant 0 : i32
      %dma_wait3A_230 = tpu.memref_slice %arg2[%dma_wait3A_228, %dma_wait3A_229] : memref<20480x64xf32, #tpu.memory_space<hbm>> -> memref<20479x64xf32, #tpu.memory_space<hbm>>
      %dma_wait3A_231 = arith.constant 0 : i32
      %dma_wait3A_232 = arith.constant 0 : i32
      %dma_wait3A_233 = tpu.memref_slice %dma_wait3A_230[%dma_wait3A_231, %dma_wait3A_232] : memref<20479x64xf32, #tpu.memory_space<hbm>> -> memref<20479x64xf32, #tpu.memory_space<hbm>>
      tpu.wait_indirect_dma semaphore(%arg20 : memref<!tpu.dma_semaphore, #tpu.memory_space<semaphore_mem>>) src(%dma_wait3A_233 : memref<20479x64xf32, #tpu.memory_space<hbm>>) dst(%arg12 : memref<100x64xf32, #tpu.memory_space<vmem>>)
      %add3A_234 = arith.constant 4 : i32
      %add3A_235 = arith.addi %mul3A_189, %add3A_234 : i32
      %dma_wait3A_236 = arith.constant 0 : i32
      %dma_wait3A_237 = tpu.memref_slice %arg7[%add3A_235, %dma_wait3A_236] : memref<50x100xi32, #tpu.memory_space<vmem>> -> memref<1x100xi32, #tpu.memory_space<vmem>>
      %dma_wait3A_238 = tpu.memref_squeeze %dma_wait3A_237 : memref<1x100xi32, #tpu.memory_space<vmem>> -> memref<100xi32, #tpu.memory_space<vmem>>
      %dma_wait3A_239 = arith.constant 0 : i32
      %dma_wait3A_240 = arith.constant 0 : i32
      %dma_wait3A_241 = tpu.memref_slice %arg2[%dma_wait3A_239, %dma_wait3A_240] : memref<20480x64xf32, #tpu.memory_space<hbm>> -> memref<20479x64xf32, #tpu.memory_space<hbm>>
      %dma_wait3A_242 = arith.constant 0 : i32
      %dma_wait3A_243 = arith.constant 0 : i32
      %dma_wait3A_244 = tpu.memref_slice %dma_wait3A_241[%dma_wait3A_242, %dma_wait3A_243] : memref<20479x64xf32, #tpu.memory_space<hbm>> -> memref<20479x64xf32, #tpu.memory_space<hbm>>
      tpu.wait_indirect_dma semaphore(%arg20 : memref<!tpu.dma_semaphore, #tpu.memory_space<semaphore_mem>>) src(%dma_wait3A_244 : memref<20479x64xf32, #tpu.memory_space<hbm>>) dst(%arg13 : memref<100x64xf32, #tpu.memory_space<vmem>>)
      %gt3A = arith.constant 0 : i32
      %gt3A_245 = arith.cmpi sgt, %scan3A_185, %gt3A : i32
      %convert_element_type3A = arith.extui %gt3A_245 : i1 to i32
      %cond3A = arith.constant 0 : i32
      %cond3A_246 = arith.cmpi ne, %convert_element_type3A, %cond3A : i32
      scf.if %cond3A_246 {
        %sub3A = arith.constant 5 : i32
        %sub3A_487 = arith.subi %mul3A_189, %sub3A : i32
        %add3A_488 = arith.constant 0 : i32
        %add3A_489 = arith.addi %sub3A_487, %add3A_488 : i32
        %dma_wait3A_490 = arith.constant 0 : i32
        %dma_wait3A_491 = tpu.memref_slice %arg8[%add3A_489, %dma_wait3A_490] : memref<50x100xi32, #tpu.memory_space<vmem>> -> memref<1x100xi32, #tpu.memory_space<vmem>>
        %dma_wait3A_492 = tpu.memref_squeeze %dma_wait3A_491 : memref<1x100xi32, #tpu.memory_space<vmem>> -> memref<100xi32, #tpu.memory_space<vmem>>
        %dma_wait3A_493 = arith.constant 0 : i32
        %dma_wait3A_494 = arith.constant 0 : i32
        %dma_wait3A_495 = tpu.memref_slice %arg19[%dma_wait3A_493, %dma_wait3A_494] : memref<10240x64xf32, #tpu.memory_space<vmem_shared>> -> memref<10240x64xf32, #tpu.memory_space<vmem_shared>>
        tpu.wait_indirect_dma semaphore(%arg23 : memref<!tpu.dma_semaphore, #tpu.memory_space<semaphore_mem>>) src(%arg14 : memref<100x64xf32, #tpu.memory_space<vmem>>) dst(%dma_wait3A_495 : memref<10240x64xf32, #tpu.memory_space<vmem_shared>>)
        %add3A_496 = arith.constant 1 : i32
        %add3A_497 = arith.addi %sub3A_487, %add3A_496 : i32
        %dma_wait3A_498 = arith.constant 0 : i32
        %dma_wait3A_499 = tpu.memref_slice %arg8[%add3A_497, %dma_wait3A_498] : memref<50x100xi32, #tpu.memory_space<vmem>> -> memref<1x100xi32, #tpu.memory_space<vmem>>
        %dma_wait3A_500 = tpu.memref_squeeze %dma_wait3A_499 : memref<1x100xi32, #tpu.memory_space<vmem>> -> memref<100xi32, #tpu.memory_space<vmem>>
        %dma_wait3A_501 = arith.constant 0 : i32
        %dma_wait3A_502 = arith.constant 0 : i32
        %dma_wait3A_503 = tpu.memref_slice %arg19[%dma_wait3A_501, %dma_wait3A_502] : memref<10240x64xf32, #tpu.memory_space<vmem_shared>> -> memref<10240x64xf32, #tpu.memory_space<vmem_shared>>
        tpu.wait_indirect_dma semaphore(%arg23 : memref<!tpu.dma_semaphore, #tpu.memory_space<semaphore_mem>>) src(%arg15 : memref<100x64xf32, #tpu.memory_space<vmem>>) dst(%dma_wait3A_503 : memref<10240x64xf32, #tpu.memory_space<vmem_shared>>)
        %add3A_504 = arith.constant 2 : i32
        %add3A_505 = arith.addi %sub3A_487, %add3A_504 : i32
        %dma_wait3A_506 = arith.constant 0 : i32
        %dma_wait3A_507 = tpu.memref_slice %arg8[%add3A_505, %dma_wait3A_506] : memref<50x100xi32, #tpu.memory_space<vmem>> -> memref<1x100xi32, #tpu.memory_space<vmem>>
        %dma_wait3A_508 = tpu.memref_squeeze %dma_wait3A_507 : memref<1x100xi32, #tpu.memory_space<vmem>> -> memref<100xi32, #tpu.memory_space<vmem>>
        %dma_wait3A_509 = arith.constant 0 : i32
        %dma_wait3A_510 = arith.constant 0 : i32
        %dma_wait3A_511 = tpu.memref_slice %arg19[%dma_wait3A_509, %dma_wait3A_510] : memref<10240x64xf32, #tpu.memory_space<vmem_shared>> -> memref<10240x64xf32, #tpu.memory_space<vmem_shared>>
        tpu.wait_indirect_dma semaphore(%arg23 : memref<!tpu.dma_semaphore, #tpu.memory_space<semaphore_mem>>) src(%arg16 : memref<100x64xf32, #tpu.memory_space<vmem>>) dst(%dma_wait3A_511 : memref<10240x64xf32, #tpu.memory_space<vmem_shared>>)
        %add3A_512 = arith.constant 3 : i32
        %add3A_513 = arith.addi %sub3A_487, %add3A_512 : i32
        %dma_wait3A_514 = arith.constant 0 : i32
        %dma_wait3A_515 = tpu.memref_slice %arg8[%add3A_513, %dma_wait3A_514] : memref<50x100xi32, #tpu.memory_space<vmem>> -> memref<1x100xi32, #tpu.memory_space<vmem>>
        %dma_wait3A_516 = tpu.memref_squeeze %dma_wait3A_515 : memref<1x100xi32, #tpu.memory_space<vmem>> -> memref<100xi32, #tpu.memory_space<vmem>>
        %dma_wait3A_517 = arith.constant 0 : i32
        %dma_wait3A_518 = arith.constant 0 : i32
        %dma_wait3A_519 = tpu.memref_slice %arg19[%dma_wait3A_517, %dma_wait3A_518] : memref<10240x64xf32, #tpu.memory_space<vmem_shared>> -> memref<10240x64xf32, #tpu.memory_space<vmem_shared>>
        tpu.wait_indirect_dma semaphore(%arg23 : memref<!tpu.dma_semaphore, #tpu.memory_space<semaphore_mem>>) src(%arg17 : memref<100x64xf32, #tpu.memory_space<vmem>>) dst(%dma_wait3A_519 : memref<10240x64xf32, #tpu.memory_space<vmem_shared>>)
        %add3A_520 = arith.constant 4 : i32
        %add3A_521 = arith.addi %sub3A_487, %add3A_520 : i32
        %dma_wait3A_522 = arith.constant 0 : i32
        %dma_wait3A_523 = tpu.memref_slice %arg8[%add3A_521, %dma_wait3A_522] : memref<50x100xi32, #tpu.memory_space<vmem>> -> memref<1x100xi32, #tpu.memory_space<vmem>>
        %dma_wait3A_524 = tpu.memref_squeeze %dma_wait3A_523 : memref<1x100xi32, #tpu.memory_space<vmem>> -> memref<100xi32, #tpu.memory_space<vmem>>
        %dma_wait3A_525 = arith.constant 0 : i32
        %dma_wait3A_526 = arith.constant 0 : i32
        %dma_wait3A_527 = tpu.memref_slice %arg19[%dma_wait3A_525, %dma_wait3A_526] : memref<10240x64xf32, #tpu.memory_space<vmem_shared>> -> memref<10240x64xf32, #tpu.memory_space<vmem_shared>>
        tpu.wait_indirect_dma semaphore(%arg23 : memref<!tpu.dma_semaphore, #tpu.memory_space<semaphore_mem>>) src(%arg18 : memref<100x64xf32, #tpu.memory_space<vmem>>) dst(%dma_wait3A_527 : memref<10240x64xf32, #tpu.memory_space<vmem_shared>>)
      } else {
      }
      %add3A_247 = arith.constant 5 : i32
      %add3A_248 = arith.addi %mul3A_189, %add3A_247 : i32
      %add3A_249 = arith.constant 0 : i32
      %add3A_250 = arith.addi %add3A_248, %add3A_249 : i32
      %dma_start3A_251 = arith.constant 0 : i32
      %dma_start3A_252 = tpu.memref_slice %arg7[%add3A_250, %dma_start3A_251] : memref<50x100xi32, #tpu.memory_space<vmem>> -> memref<1x100xi32, #tpu.memory_space<vmem>>
      %dma_start3A_253 = tpu.memref_squeeze %dma_start3A_252 : memref<1x100xi32, #tpu.memory_space<vmem>> -> memref<100xi32, #tpu.memory_space<vmem>>
      %dma_start3A_254 = arith.constant 0 : i32
      %dma_start3A_255 = arith.constant 0 : i32
      %dma_start3A_256 = tpu.memref_slice %arg2[%dma_start3A_254, %dma_start3A_255] : memref<20480x64xf32, #tpu.memory_space<hbm>> -> memref<20479x64xf32, #tpu.memory_space<hbm>>
      %dma_start3A_257 = arith.constant 0 : i32
      %dma_start3A_258 = arith.constant 0 : i32
      %dma_start3A_259 = tpu.memref_slice %dma_start3A_256[%dma_start3A_257, %dma_start3A_258] : memref<20479x64xf32, #tpu.memory_space<hbm>> -> memref<20479x64xf32, #tpu.memory_space<hbm>>
      tpu.enqueue_indirect_dma source(%dma_start3A_259 : memref<20479x64xf32, #tpu.memory_space<hbm>>) target(%arg14 : memref<100x64xf32, #tpu.memory_space<vmem>>) offsets(%dma_start3A_253 : memref<100xi32, #tpu.memory_space<vmem>>) semaphore(%arg21 : memref<!tpu.dma_semaphore, #tpu.memory_space<semaphore_mem>>)
      %add3A_260 = arith.constant 1 : i32
      %add3A_261 = arith.addi %add3A_248, %add3A_260 : i32
      %dma_start3A_262 = arith.constant 0 : i32
      %dma_start3A_263 = tpu.memref_slice %arg7[%add3A_261, %dma_start3A_262] : memref<50x100xi32, #tpu.memory_space<vmem>> -> memref<1x100xi32, #tpu.memory_space<vmem>>
      %dma_start3A_264 = tpu.memref_squeeze %dma_start3A_263 : memref<1x100xi32, #tpu.memory_space<vmem>> -> memref<100xi32, #tpu.memory_space<vmem>>
      %dma_start3A_265 = arith.constant 0 : i32
      %dma_start3A_266 = arith.constant 0 : i32
      %dma_start3A_267 = tpu.memref_slice %arg2[%dma_start3A_265, %dma_start3A_266] : memref<20480x64xf32, #tpu.memory_space<hbm>> -> memref<20479x64xf32, #tpu.memory_space<hbm>>
      %dma_start3A_268 = arith.constant 0 : i32
      %dma_start3A_269 = arith.constant 0 : i32
      %dma_start3A_270 = tpu.memref_slice %dma_start3A_267[%dma_start3A_268, %dma_start3A_269] : memref<20479x64xf32, #tpu.memory_space<hbm>> -> memref<20479x64xf32, #tpu.memory_space<hbm>>
      tpu.enqueue_indirect_dma source(%dma_start3A_270 : memref<20479x64xf32, #tpu.memory_space<hbm>>) target(%arg15 : memref<100x64xf32, #tpu.memory_space<vmem>>) offsets(%dma_start3A_264 : memref<100xi32, #tpu.memory_space<vmem>>) semaphore(%arg21 : memref<!tpu.dma_semaphore, #tpu.memory_space<semaphore_mem>>)
      %add3A_271 = arith.constant 2 : i32
      %add3A_272 = arith.addi %add3A_248, %add3A_271 : i32
      %dma_start3A_273 = arith.constant 0 : i32
      %dma_start3A_274 = tpu.memref_slice %arg7[%add3A_272, %dma_start3A_273] : memref<50x100xi32, #tpu.memory_space<vmem>> -> memref<1x100xi32, #tpu.memory_space<vmem>>
      %dma_start3A_275 = tpu.memref_squeeze %dma_start3A_274 : memref<1x100xi32, #tpu.memory_space<vmem>> -> memref<100xi32, #tpu.memory_space<vmem>>
      %dma_start3A_276 = arith.constant 0 : i32
      %dma_start3A_277 = arith.constant 0 : i32
      %dma_start3A_278 = tpu.memref_slice %arg2[%dma_start3A_276, %dma_start3A_277] : memref<20480x64xf32, #tpu.memory_space<hbm>> -> memref<20479x64xf32, #tpu.memory_space<hbm>>
      %dma_start3A_279 = arith.constant 0 : i32
      %dma_start3A_280 = arith.constant 0 : i32
      %dma_start3A_281 = tpu.memref_slice %dma_start3A_278[%dma_start3A_279, %dma_start3A_280] : memref<20479x64xf32, #tpu.memory_space<hbm>> -> memref<20479x64xf32, #tpu.memory_space<hbm>>
      tpu.enqueue_indirect_dma source(%dma_start3A_281 : memref<20479x64xf32, #tpu.memory_space<hbm>>) target(%arg16 : memref<100x64xf32, #tpu.memory_space<vmem>>) offsets(%dma_start3A_275 : memref<100xi32, #tpu.memory_space<vmem>>) semaphore(%arg21 : memref<!tpu.dma_semaphore, #tpu.memory_space<semaphore_mem>>)
      %add3A_282 = arith.constant 3 : i32
      %add3A_283 = arith.addi %add3A_248, %add3A_282 : i32
      %dma_start3A_284 = arith.constant 0 : i32
      %dma_start3A_285 = tpu.memref_slice %arg7[%add3A_283, %dma_start3A_284] : memref<50x100xi32, #tpu.memory_space<vmem>> -> memref<1x100xi32, #tpu.memory_space<vmem>>
      %dma_start3A_286 = tpu.memref_squeeze %dma_start3A_285 : memref<1x100xi32, #tpu.memory_space<vmem>> -> memref<100xi32, #tpu.memory_space<vmem>>
      %dma_start3A_287 = arith.constant 0 : i32
      %dma_start3A_288 = arith.constant 0 : i32
      %dma_start3A_289 = tpu.memref_slice %arg2[%dma_start3A_287, %dma_start3A_288] : memref<20480x64xf32, #tpu.memory_space<hbm>> -> memref<20479x64xf32, #tpu.memory_space<hbm>>
      %dma_start3A_290 = arith.constant 0 : i32
      %dma_start3A_291 = arith.constant 0 : i32
      %dma_start3A_292 = tpu.memref_slice %dma_start3A_289[%dma_start3A_290, %dma_start3A_291] : memref<20479x64xf32, #tpu.memory_space<hbm>> -> memref<20479x64xf32, #tpu.memory_space<hbm>>
      tpu.enqueue_indirect_dma source(%dma_start3A_292 : memref<20479x64xf32, #tpu.memory_space<hbm>>) target(%arg17 : memref<100x64xf32, #tpu.memory_space<vmem>>) offsets(%dma_start3A_286 : memref<100xi32, #tpu.memory_space<vmem>>) semaphore(%arg21 : memref<!tpu.dma_semaphore, #tpu.memory_space<semaphore_mem>>)
      %add3A_293 = arith.constant 4 : i32
      %add3A_294 = arith.addi %add3A_248, %add3A_293 : i32
      %dma_start3A_295 = arith.constant 0 : i32
      %dma_start3A_296 = tpu.memref_slice %arg7[%add3A_294, %dma_start3A_295] : memref<50x100xi32, #tpu.memory_space<vmem>> -> memref<1x100xi32, #tpu.memory_space<vmem>>
      %dma_start3A_297 = tpu.memref_squeeze %dma_start3A_296 : memref<1x100xi32, #tpu.memory_space<vmem>> -> memref<100xi32, #tpu.memory_space<vmem>>
      %dma_start3A_298 = arith.constant 0 : i32
      %dma_start3A_299 = arith.constant 0 : i32
      %dma_start3A_300 = tpu.memref_slice %arg2[%dma_start3A_298, %dma_start3A_299] : memref<20480x64xf32, #tpu.memory_space<hbm>> -> memref<20479x64xf32, #tpu.memory_space<hbm>>
      %dma_start3A_301 = arith.constant 0 : i32
      %dma_start3A_302 = arith.constant 0 : i32
      %dma_start3A_303 = tpu.memref_slice %dma_start3A_300[%dma_start3A_301, %dma_start3A_302] : memref<20479x64xf32, #tpu.memory_space<hbm>> -> memref<20479x64xf32, #tpu.memory_space<hbm>>
      tpu.enqueue_indirect_dma source(%dma_start3A_303 : memref<20479x64xf32, #tpu.memory_space<hbm>>) target(%arg18 : memref<100x64xf32, #tpu.memory_space<vmem>>) offsets(%dma_start3A_297 : memref<100xi32, #tpu.memory_space<vmem>>) semaphore(%arg21 : memref<!tpu.dma_semaphore, #tpu.memory_space<semaphore_mem>>)
      %add3A_304 = arith.constant 0 : i32
      %add3A_305 = arith.addi %mul3A_189, %add3A_304 : i32
      %dma_start3A_306 = arith.constant 0 : i32
      %dma_start3A_307 = tpu.memref_slice %arg8[%add3A_305, %dma_start3A_306] : memref<50x100xi32, #tpu.memory_space<vmem>> -> memref<1x100xi32, #tpu.memory_space<vmem>>
      %dma_start3A_308 = tpu.memref_squeeze %dma_start3A_307 : memref<1x100xi32, #tpu.memory_space<vmem>> -> memref<100xi32, #tpu.memory_space<vmem>>
      %dma_start3A_309 = arith.constant 0 : i32
      %dma_start3A_310 = arith.constant 0 : i32
      %dma_start3A_311 = tpu.memref_slice %arg19[%dma_start3A_309, %dma_start3A_310] : memref<10240x64xf32, #tpu.memory_space<vmem_shared>> -> memref<10240x64xf32, #tpu.memory_space<vmem_shared>>
      tpu.enqueue_indirect_dma source(%arg9 : memref<100x64xf32, #tpu.memory_space<vmem>>) target(%dma_start3A_311 : memref<10240x64xf32, #tpu.memory_space<vmem_shared>>) offsets(%dma_start3A_308 : memref<100xi32, #tpu.memory_space<vmem>>) semaphore(%arg22 : memref<!tpu.dma_semaphore, #tpu.memory_space<semaphore_mem>>) {add = true}
      %add3A_312 = arith.constant 1 : i32
      %add3A_313 = arith.addi %mul3A_189, %add3A_312 : i32
      %dma_start3A_314 = arith.constant 0 : i32
      %dma_start3A_315 = tpu.memref_slice %arg8[%add3A_313, %dma_start3A_314] : memref<50x100xi32, #tpu.memory_space<vmem>> -> memref<1x100xi32, #tpu.memory_space<vmem>>
      %dma_start3A_316 = tpu.memref_squeeze %dma_start3A_315 : memref<1x100xi32, #tpu.memory_space<vmem>> -> memref<100xi32, #tpu.memory_space<vmem>>
      %dma_start3A_317 = arith.constant 0 : i32
      %dma_start3A_318 = arith.constant 0 : i32
      %dma_start3A_319 = tpu.memref_slice %arg19[%dma_start3A_317, %dma_start3A_318] : memref<10240x64xf32, #tpu.memory_space<vmem_shared>> -> memref<10240x64xf32, #tpu.memory_space<vmem_shared>>
      tpu.enqueue_indirect_dma source(%arg10 : memref<100x64xf32, #tpu.memory_space<vmem>>) target(%dma_start3A_319 : memref<10240x64xf32, #tpu.memory_space<vmem_shared>>) offsets(%dma_start3A_316 : memref<100xi32, #tpu.memory_space<vmem>>) semaphore(%arg22 : memref<!tpu.dma_semaphore, #tpu.memory_space<semaphore_mem>>) {add = true}
      %add3A_320 = arith.constant 2 : i32
      %add3A_321 = arith.addi %mul3A_189, %add3A_320 : i32
      %dma_start3A_322 = arith.constant 0 : i32
      %dma_start3A_323 = tpu.memref_slice %arg8[%add3A_321, %dma_start3A_322] : memref<50x100xi32, #tpu.memory_space<vmem>> -> memref<1x100xi32, #tpu.memory_space<vmem>>
      %dma_start3A_324 = tpu.memref_squeeze %dma_start3A_323 : memref<1x100xi32, #tpu.memory_space<vmem>> -> memref<100xi32, #tpu.memory_space<vmem>>
      %dma_start3A_325 = arith.constant 0 : i32
      %dma_start3A_326 = arith.constant 0 : i32
      %dma_start3A_327 = tpu.memref_slice %arg19[%dma_start3A_325, %dma_start3A_326] : memref<10240x64xf32, #tpu.memory_space<vmem_shared>> -> memref<10240x64xf32, #tpu.memory_space<vmem_shared>>
      tpu.enqueue_indirect_dma source(%arg11 : memref<100x64xf32, #tpu.memory_space<vmem>>) target(%dma_start3A_327 : memref<10240x64xf32, #tpu.memory_space<vmem_shared>>) offsets(%dma_start3A_324 : memref<100xi32, #tpu.memory_space<vmem>>) semaphore(%arg22 : memref<!tpu.dma_semaphore, #tpu.memory_space<semaphore_mem>>) {add = true}
      %add3A_328 = arith.constant 3 : i32
      %add3A_329 = arith.addi %mul3A_189, %add3A_328 : i32
      %dma_start3A_330 = arith.constant 0 : i32
      %dma_start3A_331 = tpu.memref_slice %arg8[%add3A_329, %dma_start3A_330] : memref<50x100xi32, #tpu.memory_space<vmem>> -> memref<1x100xi32, #tpu.memory_space<vmem>>
      %dma_start3A_332 = tpu.memref_squeeze %dma_start3A_331 : memref<1x100xi32, #tpu.memory_space<vmem>> -> memref<100xi32, #tpu.memory_space<vmem>>
      %dma_start3A_333 = arith.constant 0 : i32
      %dma_start3A_334 = arith.constant 0 : i32
      %dma_start3A_335 = tpu.memref_slice %arg19[%dma_start3A_333, %dma_start3A_334] : memref<10240x64xf32, #tpu.memory_space<vmem_shared>> -> memref<10240x64xf32, #tpu.memory_space<vmem_shared>>
      tpu.enqueue_indirect_dma source(%arg12 : memref<100x64xf32, #tpu.memory_space<vmem>>) target(%dma_start3A_335 : memref<10240x64xf32, #tpu.memory_space<vmem_shared>>) offsets(%dma_start3A_332 : memref<100xi32, #tpu.memory_space<vmem>>) semaphore(%arg22 : memref<!tpu.dma_semaphore, #tpu.memory_space<semaphore_mem>>) {add = true}
      %add3A_336 = arith.constant 4 : i32
      %add3A_337 = arith.addi %mul3A_189, %add3A_336 : i32
      %dma_start3A_338 = arith.constant 0 : i32
      %dma_start3A_339 = tpu.memref_slice %arg8[%add3A_337, %dma_start3A_338] : memref<50x100xi32, #tpu.memory_space<vmem>> -> memref<1x100xi32, #tpu.memory_space<vmem>>
      %dma_start3A_340 = tpu.memref_squeeze %dma_start3A_339 : memref<1x100xi32, #tpu.memory_space<vmem>> -> memref<100xi32, #tpu.memory_space<vmem>>
      %dma_start3A_341 = arith.constant 0 : i32
      %dma_start3A_342 = arith.constant 0 : i32
      %dma_start3A_343 = tpu.memref_slice %arg19[%dma_start3A_341, %dma_start3A_342] : memref<10240x64xf32, #tpu.memory_space<vmem_shared>> -> memref<10240x64xf32, #tpu.memory_space<vmem_shared>>
      tpu.enqueue_indirect_dma source(%arg13 : memref<100x64xf32, #tpu.memory_space<vmem>>) target(%dma_start3A_343 : memref<10240x64xf32, #tpu.memory_space<vmem_shared>>) offsets(%dma_start3A_340 : memref<100xi32, #tpu.memory_space<vmem>>) semaphore(%arg22 : memref<!tpu.dma_semaphore, #tpu.memory_space<semaphore_mem>>) {add = true}
      %add3A_344 = arith.constant 5 : i32
      %add3A_345 = arith.addi %mul3A_189, %add3A_344 : i32
      %add3A_346 = arith.constant 0 : i32
      %add3A_347 = arith.addi %add3A_345, %add3A_346 : i32
      %dma_wait3A_348 = arith.constant 0 : i32
      %dma_wait3A_349 = tpu.memref_slice %arg7[%add3A_347, %dma_wait3A_348] : memref<50x100xi32, #tpu.memory_space<vmem>> -> memref<1x100xi32, #tpu.memory_space<vmem>>
      %dma_wait3A_350 = tpu.memref_squeeze %dma_wait3A_349 : memref<1x100xi32, #tpu.memory_space<vmem>> -> memref<100xi32, #tpu.memory_space<vmem>>
      %dma_wait3A_351 = arith.constant 0 : i32
      %dma_wait3A_352 = arith.constant 0 : i32
      %dma_wait3A_353 = tpu.memref_slice %arg2[%dma_wait3A_351, %dma_wait3A_352] : memref<20480x64xf32, #tpu.memory_space<hbm>> -> memref<20479x64xf32, #tpu.memory_space<hbm>>
      %dma_wait3A_354 = arith.constant 0 : i32
      %dma_wait3A_355 = arith.constant 0 : i32
      %dma_wait3A_356 = tpu.memref_slice %dma_wait3A_353[%dma_wait3A_354, %dma_wait3A_355] : memref<20479x64xf32, #tpu.memory_space<hbm>> -> memref<20479x64xf32, #tpu.memory_space<hbm>>
      tpu.wait_indirect_dma semaphore(%arg21 : memref<!tpu.dma_semaphore, #tpu.memory_space<semaphore_mem>>) src(%dma_wait3A_356 : memref<20479x64xf32, #tpu.memory_space<hbm>>) dst(%arg14 : memref<100x64xf32, #tpu.memory_space<vmem>>)
      %add3A_357 = arith.constant 1 : i32
      %add3A_358 = arith.addi %add3A_345, %add3A_357 : i32
      %dma_wait3A_359 = arith.constant 0 : i32
      %dma_wait3A_360 = tpu.memref_slice %arg7[%add3A_358, %dma_wait3A_359] : memref<50x100xi32, #tpu.memory_space<vmem>> -> memref<1x100xi32, #tpu.memory_space<vmem>>
      %dma_wait3A_361 = tpu.memref_squeeze %dma_wait3A_360 : memref<1x100xi32, #tpu.memory_space<vmem>> -> memref<100xi32, #tpu.memory_space<vmem>>
      %dma_wait3A_362 = arith.constant 0 : i32
      %dma_wait3A_363 = arith.constant 0 : i32
      %dma_wait3A_364 = tpu.memref_slice %arg2[%dma_wait3A_362, %dma_wait3A_363] : memref<20480x64xf32, #tpu.memory_space<hbm>> -> memref<20479x64xf32, #tpu.memory_space<hbm>>
      %dma_wait3A_365 = arith.constant 0 : i32
      %dma_wait3A_366 = arith.constant 0 : i32
      %dma_wait3A_367 = tpu.memref_slice %dma_wait3A_364[%dma_wait3A_365, %dma_wait3A_366] : memref<20479x64xf32, #tpu.memory_space<hbm>> -> memref<20479x64xf32, #tpu.memory_space<hbm>>
      tpu.wait_indirect_dma semaphore(%arg21 : memref<!tpu.dma_semaphore, #tpu.memory_space<semaphore_mem>>) src(%dma_wait3A_367 : memref<20479x64xf32, #tpu.memory_space<hbm>>) dst(%arg15 : memref<100x64xf32, #tpu.memory_space<vmem>>)
      %add3A_368 = arith.constant 2 : i32
      %add3A_369 = arith.addi %add3A_345, %add3A_368 : i32
      %dma_wait3A_370 = arith.constant 0 : i32
      %dma_wait3A_371 = tpu.memref_slice %arg7[%add3A_369, %dma_wait3A_370] : memref<50x100xi32, #tpu.memory_space<vmem>> -> memref<1x100xi32, #tpu.memory_space<vmem>>
      %dma_wait3A_372 = tpu.memref_squeeze %dma_wait3A_371 : memref<1x100xi32, #tpu.memory_space<vmem>> -> memref<100xi32, #tpu.memory_space<vmem>>
      %dma_wait3A_373 = arith.constant 0 : i32
      %dma_wait3A_374 = arith.constant 0 : i32
      %dma_wait3A_375 = tpu.memref_slice %arg2[%dma_wait3A_373, %dma_wait3A_374] : memref<20480x64xf32, #tpu.memory_space<hbm>> -> memref<20479x64xf32, #tpu.memory_space<hbm>>
      %dma_wait3A_376 = arith.constant 0 : i32
      %dma_wait3A_377 = arith.constant 0 : i32
      %dma_wait3A_378 = tpu.memref_slice %dma_wait3A_375[%dma_wait3A_376, %dma_wait3A_377] : memref<20479x64xf32, #tpu.memory_space<hbm>> -> memref<20479x64xf32, #tpu.memory_space<hbm>>
      tpu.wait_indirect_dma semaphore(%arg21 : memref<!tpu.dma_semaphore, #tpu.memory_space<semaphore_mem>>) src(%dma_wait3A_378 : memref<20479x64xf32, #tpu.memory_space<hbm>>) dst(%arg16 : memref<100x64xf32, #tpu.memory_space<vmem>>)
      %add3A_379 = arith.constant 3 : i32
      %add3A_380 = arith.addi %add3A_345, %add3A_379 : i32
      %dma_wait3A_381 = arith.constant 0 : i32
      %dma_wait3A_382 = tpu.memref_slice %arg7[%add3A_380, %dma_wait3A_381] : memref<50x100xi32, #tpu.memory_space<vmem>> -> memref<1x100xi32, #tpu.memory_space<vmem>>
      %dma_wait3A_383 = tpu.memref_squeeze %dma_wait3A_382 : memref<1x100xi32, #tpu.memory_space<vmem>> -> memref<100xi32, #tpu.memory_space<vmem>>
      %dma_wait3A_384 = arith.constant 0 : i32
      %dma_wait3A_385 = arith.constant 0 : i32
      %dma_wait3A_386 = tpu.memref_slice %arg2[%dma_wait3A_384, %dma_wait3A_385] : memref<20480x64xf32, #tpu.memory_space<hbm>> -> memref<20479x64xf32, #tpu.memory_space<hbm>>
      %dma_wait3A_387 = arith.constant 0 : i32
      %dma_wait3A_388 = arith.constant 0 : i32
      %dma_wait3A_389 = tpu.memref_slice %dma_wait3A_386[%dma_wait3A_387, %dma_wait3A_388] : memref<20479x64xf32, #tpu.memory_space<hbm>> -> memref<20479x64xf32, #tpu.memory_space<hbm>>
      tpu.wait_indirect_dma semaphore(%arg21 : memref<!tpu.dma_semaphore, #tpu.memory_space<semaphore_mem>>) src(%dma_wait3A_389 : memref<20479x64xf32, #tpu.memory_space<hbm>>) dst(%arg17 : memref<100x64xf32, #tpu.memory_space<vmem>>)
      %add3A_390 = arith.constant 4 : i32
      %add3A_391 = arith.addi %add3A_345, %add3A_390 : i32
      %dma_wait3A_392 = arith.constant 0 : i32
      %dma_wait3A_393 = tpu.memref_slice %arg7[%add3A_391, %dma_wait3A_392] : memref<50x100xi32, #tpu.memory_space<vmem>> -> memref<1x100xi32, #tpu.memory_space<vmem>>
      %dma_wait3A_394 = tpu.memref_squeeze %dma_wait3A_393 : memref<1x100xi32, #tpu.memory_space<vmem>> -> memref<100xi32, #tpu.memory_space<vmem>>
      %dma_wait3A_395 = arith.constant 0 : i32
      %dma_wait3A_396 = arith.constant 0 : i32
      %dma_wait3A_397 = tpu.memref_slice %arg2[%dma_wait3A_395, %dma_wait3A_396] : memref<20480x64xf32, #tpu.memory_space<hbm>> -> memref<20479x64xf32, #tpu.memory_space<hbm>>
      %dma_wait3A_398 = arith.constant 0 : i32
      %dma_wait3A_399 = arith.constant 0 : i32
      %dma_wait3A_400 = tpu.memref_slice %dma_wait3A_397[%dma_wait3A_398, %dma_wait3A_399] : memref<20479x64xf32, #tpu.memory_space<hbm>> -> memref<20479x64xf32, #tpu.memory_space<hbm>>
      tpu.wait_indirect_dma semaphore(%arg21 : memref<!tpu.dma_semaphore, #tpu.memory_space<semaphore_mem>>) src(%dma_wait3A_400 : memref<20479x64xf32, #tpu.memory_space<hbm>>) dst(%arg18 : memref<100x64xf32, #tpu.memory_space<vmem>>)
      %add3A_401 = arith.constant 0 : i32
      %add3A_402 = arith.addi %mul3A_189, %add3A_401 : i32
      %dma_wait3A_403 = arith.constant 0 : i32
      %dma_wait3A_404 = tpu.memref_slice %arg8[%add3A_402, %dma_wait3A_403] : memref<50x100xi32, #tpu.memory_space<vmem>> -> memref<1x100xi32, #tpu.memory_space<vmem>>
      %dma_wait3A_405 = tpu.memref_squeeze %dma_wait3A_404 : memref<1x100xi32, #tpu.memory_space<vmem>> -> memref<100xi32, #tpu.memory_space<vmem>>
      %dma_wait3A_406 = arith.constant 0 : i32
      %dma_wait3A_407 = arith.constant 0 : i32
      %dma_wait3A_408 = tpu.memref_slice %arg19[%dma_wait3A_406, %dma_wait3A_407] : memref<10240x64xf32, #tpu.memory_space<vmem_shared>> -> memref<10240x64xf32, #tpu.memory_space<vmem_shared>>
      tpu.wait_indirect_dma semaphore(%arg22 : memref<!tpu.dma_semaphore, #tpu.memory_space<semaphore_mem>>) src(%arg9 : memref<100x64xf32, #tpu.memory_space<vmem>>) dst(%dma_wait3A_408 : memref<10240x64xf32, #tpu.memory_space<vmem_shared>>)
      %add3A_409 = arith.constant 1 : i32
      %add3A_410 = arith.addi %mul3A_189, %add3A_409 : i32
      %dma_wait3A_411 = arith.constant 0 : i32
      %dma_wait3A_412 = tpu.memref_slice %arg8[%add3A_410, %dma_wait3A_411] : memref<50x100xi32, #tpu.memory_space<vmem>> -> memref<1x100xi32, #tpu.memory_space<vmem>>
      %dma_wait3A_413 = tpu.memref_squeeze %dma_wait3A_412 : memref<1x100xi32, #tpu.memory_space<vmem>> -> memref<100xi32, #tpu.memory_space<vmem>>
      %dma_wait3A_414 = arith.constant 0 : i32
      %dma_wait3A_415 = arith.constant 0 : i32
      %dma_wait3A_416 = tpu.memref_slice %arg19[%dma_wait3A_414, %dma_wait3A_415] : memref<10240x64xf32, #tpu.memory_space<vmem_shared>> -> memref<10240x64xf32, #tpu.memory_space<vmem_shared>>
      tpu.wait_indirect_dma semaphore(%arg22 : memref<!tpu.dma_semaphore, #tpu.memory_space<semaphore_mem>>) src(%arg10 : memref<100x64xf32, #tpu.memory_space<vmem>>) dst(%dma_wait3A_416 : memref<10240x64xf32, #tpu.memory_space<vmem_shared>>)
      %add3A_417 = arith.constant 2 : i32
      %add3A_418 = arith.addi %mul3A_189, %add3A_417 : i32
      %dma_wait3A_419 = arith.constant 0 : i32
      %dma_wait3A_420 = tpu.memref_slice %arg8[%add3A_418, %dma_wait3A_419] : memref<50x100xi32, #tpu.memory_space<vmem>> -> memref<1x100xi32, #tpu.memory_space<vmem>>
      %dma_wait3A_421 = tpu.memref_squeeze %dma_wait3A_420 : memref<1x100xi32, #tpu.memory_space<vmem>> -> memref<100xi32, #tpu.memory_space<vmem>>
      %dma_wait3A_422 = arith.constant 0 : i32
      %dma_wait3A_423 = arith.constant 0 : i32
      %dma_wait3A_424 = tpu.memref_slice %arg19[%dma_wait3A_422, %dma_wait3A_423] : memref<10240x64xf32, #tpu.memory_space<vmem_shared>> -> memref<10240x64xf32, #tpu.memory_space<vmem_shared>>
      tpu.wait_indirect_dma semaphore(%arg22 : memref<!tpu.dma_semaphore, #tpu.memory_space<semaphore_mem>>) src(%arg11 : memref<100x64xf32, #tpu.memory_space<vmem>>) dst(%dma_wait3A_424 : memref<10240x64xf32, #tpu.memory_space<vmem_shared>>)
      %add3A_425 = arith.constant 3 : i32
      %add3A_426 = arith.addi %mul3A_189, %add3A_425 : i32
      %dma_wait3A_427 = arith.constant 0 : i32
      %dma_wait3A_428 = tpu.memref_slice %arg8[%add3A_426, %dma_wait3A_427] : memref<50x100xi32, #tpu.memory_space<vmem>> -> memref<1x100xi32, #tpu.memory_space<vmem>>
      %dma_wait3A_429 = tpu.memref_squeeze %dma_wait3A_428 : memref<1x100xi32, #tpu.memory_space<vmem>> -> memref<100xi32, #tpu.memory_space<vmem>>
      %dma_wait3A_430 = arith.constant 0 : i32
      %dma_wait3A_431 = arith.constant 0 : i32
      %dma_wait3A_432 = tpu.memref_slice %arg19[%dma_wait3A_430, %dma_wait3A_431] : memref<10240x64xf32, #tpu.memory_space<vmem_shared>> -> memref<10240x64xf32, #tpu.memory_space<vmem_shared>>
      tpu.wait_indirect_dma semaphore(%arg22 : memref<!tpu.dma_semaphore, #tpu.memory_space<semaphore_mem>>) src(%arg12 : memref<100x64xf32, #tpu.memory_space<vmem>>) dst(%dma_wait3A_432 : memref<10240x64xf32, #tpu.memory_space<vmem_shared>>)
      %add3A_433 = arith.constant 4 : i32
      %add3A_434 = arith.addi %mul3A_189, %add3A_433 : i32
      %dma_wait3A_435 = arith.constant 0 : i32
      %dma_wait3A_436 = tpu.memref_slice %arg8[%add3A_434, %dma_wait3A_435] : memref<50x100xi32, #tpu.memory_space<vmem>> -> memref<1x100xi32, #tpu.memory_space<vmem>>
      %dma_wait3A_437 = tpu.memref_squeeze %dma_wait3A_436 : memref<1x100xi32, #tpu.memory_space<vmem>> -> memref<100xi32, #tpu.memory_space<vmem>>
      %dma_wait3A_438 = arith.constant 0 : i32
      %dma_wait3A_439 = arith.constant 0 : i32
      %dma_wait3A_440 = tpu.memref_slice %arg19[%dma_wait3A_438, %dma_wait3A_439] : memref<10240x64xf32, #tpu.memory_space<vmem_shared>> -> memref<10240x64xf32, #tpu.memory_space<vmem_shared>>
      tpu.wait_indirect_dma semaphore(%arg22 : memref<!tpu.dma_semaphore, #tpu.memory_space<semaphore_mem>>) src(%arg13 : memref<100x64xf32, #tpu.memory_space<vmem>>) dst(%dma_wait3A_440 : memref<10240x64xf32, #tpu.memory_space<vmem_shared>>)
      %lt3A = arith.constant 4 : i32
      %lt3A_441 = arith.cmpi slt, %scan3A_185, %lt3A : i32
      %convert_element_type3A_442 = arith.extui %lt3A_441 : i1 to i32
      %cond3A_443 = arith.constant 0 : i32
      %cond3A_444 = arith.cmpi ne, %convert_element_type3A_442, %cond3A_443 : i32
      scf.if %cond3A_444 {
        %add3A_487 = arith.constant 10 : i32
        %add3A_488 = arith.addi %mul3A_189, %add3A_487 : i32
        %add3A_489 = arith.constant 0 : i32
        %add3A_490 = arith.addi %add3A_488, %add3A_489 : i32
        %dma_start3A_491 = arith.constant 0 : i32
        %dma_start3A_492 = tpu.memref_slice %arg7[%add3A_490, %dma_start3A_491] : memref<50x100xi32, #tpu.memory_space<vmem>> -> memref<1x100xi32, #tpu.memory_space<vmem>>
        %dma_start3A_493 = tpu.memref_squeeze %dma_start3A_492 : memref<1x100xi32, #tpu.memory_space<vmem>> -> memref<100xi32, #tpu.memory_space<vmem>>
        %dma_start3A_494 = arith.constant 0 : i32
        %dma_start3A_495 = arith.constant 0 : i32
        %dma_start3A_496 = tpu.memref_slice %arg2[%dma_start3A_494, %dma_start3A_495] : memref<20480x64xf32, #tpu.memory_space<hbm>> -> memref<20479x64xf32, #tpu.memory_space<hbm>>
        %dma_start3A_497 = arith.constant 0 : i32
        %dma_start3A_498 = arith.constant 0 : i32
        %dma_start3A_499 = tpu.memref_slice %dma_start3A_496[%dma_start3A_497, %dma_start3A_498] : memref<20479x64xf32, #tpu.memory_space<hbm>> -> memref<20479x64xf32, #tpu.memory_space<hbm>>
        tpu.enqueue_indirect_dma source(%dma_start3A_499 : memref<20479x64xf32, #tpu.memory_space<hbm>>) target(%arg9 : memref<100x64xf32, #tpu.memory_space<vmem>>) offsets(%dma_start3A_493 : memref<100xi32, #tpu.memory_space<vmem>>) semaphore(%arg20 : memref<!tpu.dma_semaphore, #tpu.memory_space<semaphore_mem>>)
        %add3A_500 = arith.constant 1 : i32
        %add3A_501 = arith.addi %add3A_488, %add3A_500 : i32
        %dma_start3A_502 = arith.constant 0 : i32
        %dma_start3A_503 = tpu.memref_slice %arg7[%add3A_501, %dma_start3A_502] : memref<50x100xi32, #tpu.memory_space<vmem>> -> memref<1x100xi32, #tpu.memory_space<vmem>>
        %dma_start3A_504 = tpu.memref_squeeze %dma_start3A_503 : memref<1x100xi32, #tpu.memory_space<vmem>> -> memref<100xi32, #tpu.memory_space<vmem>>
        %dma_start3A_505 = arith.constant 0 : i32
        %dma_start3A_506 = arith.constant 0 : i32
        %dma_start3A_507 = tpu.memref_slice %arg2[%dma_start3A_505, %dma_start3A_506] : memref<20480x64xf32, #tpu.memory_space<hbm>> -> memref<20479x64xf32, #tpu.memory_space<hbm>>
        %dma_start3A_508 = arith.constant 0 : i32
        %dma_start3A_509 = arith.constant 0 : i32
        %dma_start3A_510 = tpu.memref_slice %dma_start3A_507[%dma_start3A_508, %dma_start3A_509] : memref<20479x64xf32, #tpu.memory_space<hbm>> -> memref<20479x64xf32, #tpu.memory_space<hbm>>
        tpu.enqueue_indirect_dma source(%dma_start3A_510 : memref<20479x64xf32, #tpu.memory_space<hbm>>) target(%arg10 : memref<100x64xf32, #tpu.memory_space<vmem>>) offsets(%dma_start3A_504 : memref<100xi32, #tpu.memory_space<vmem>>) semaphore(%arg20 : memref<!tpu.dma_semaphore, #tpu.memory_space<semaphore_mem>>)
        %add3A_511 = arith.constant 2 : i32
        %add3A_512 = arith.addi %add3A_488, %add3A_511 : i32
        %dma_start3A_513 = arith.constant 0 : i32
        %dma_start3A_514 = tpu.memref_slice %arg7[%add3A_512, %dma_start3A_513] : memref<50x100xi32, #tpu.memory_space<vmem>> -> memref<1x100xi32, #tpu.memory_space<vmem>>
        %dma_start3A_515 = tpu.memref_squeeze %dma_start3A_514 : memref<1x100xi32, #tpu.memory_space<vmem>> -> memref<100xi32, #tpu.memory_space<vmem>>
        %dma_start3A_516 = arith.constant 0 : i32
        %dma_start3A_517 = arith.constant 0 : i32
        %dma_start3A_518 = tpu.memref_slice %arg2[%dma_start3A_516, %dma_start3A_517] : memref<20480x64xf32, #tpu.memory_space<hbm>> -> memref<20479x64xf32, #tpu.memory_space<hbm>>
        %dma_start3A_519 = arith.constant 0 : i32
        %dma_start3A_520 = arith.constant 0 : i32
        %dma_start3A_521 = tpu.memref_slice %dma_start3A_518[%dma_start3A_519, %dma_start3A_520] : memref<20479x64xf32, #tpu.memory_space<hbm>> -> memref<20479x64xf32, #tpu.memory_space<hbm>>
        tpu.enqueue_indirect_dma source(%dma_start3A_521 : memref<20479x64xf32, #tpu.memory_space<hbm>>) target(%arg11 : memref<100x64xf32, #tpu.memory_space<vmem>>) offsets(%dma_start3A_515 : memref<100xi32, #tpu.memory_space<vmem>>) semaphore(%arg20 : memref<!tpu.dma_semaphore, #tpu.memory_space<semaphore_mem>>)
        %add3A_522 = arith.constant 3 : i32
        %add3A_523 = arith.addi %add3A_488, %add3A_522 : i32
        %dma_start3A_524 = arith.constant 0 : i32
        %dma_start3A_525 = tpu.memref_slice %arg7[%add3A_523, %dma_start3A_524] : memref<50x100xi32, #tpu.memory_space<vmem>> -> memref<1x100xi32, #tpu.memory_space<vmem>>
        %dma_start3A_526 = tpu.memref_squeeze %dma_start3A_525 : memref<1x100xi32, #tpu.memory_space<vmem>> -> memref<100xi32, #tpu.memory_space<vmem>>
        %dma_start3A_527 = arith.constant 0 : i32
        %dma_start3A_528 = arith.constant 0 : i32
        %dma_start3A_529 = tpu.memref_slice %arg2[%dma_start3A_527, %dma_start3A_528] : memref<20480x64xf32, #tpu.memory_space<hbm>> -> memref<20479x64xf32, #tpu.memory_space<hbm>>
        %dma_start3A_530 = arith.constant 0 : i32
        %dma_start3A_531 = arith.constant 0 : i32
        %dma_start3A_532 = tpu.memref_slice %dma_start3A_529[%dma_start3A_530, %dma_start3A_531] : memref<20479x64xf32, #tpu.memory_space<hbm>> -> memref<20479x64xf32, #tpu.memory_space<hbm>>
        tpu.enqueue_indirect_dma source(%dma_start3A_532 : memref<20479x64xf32, #tpu.memory_space<hbm>>) target(%arg12 : memref<100x64xf32, #tpu.memory_space<vmem>>) offsets(%dma_start3A_526 : memref<100xi32, #tpu.memory_space<vmem>>) semaphore(%arg20 : memref<!tpu.dma_semaphore, #tpu.memory_space<semaphore_mem>>)
        %add3A_533 = arith.constant 4 : i32
        %add3A_534 = arith.addi %add3A_488, %add3A_533 : i32
        %dma_start3A_535 = arith.constant 0 : i32
        %dma_start3A_536 = tpu.memref_slice %arg7[%add3A_534, %dma_start3A_535] : memref<50x100xi32, #tpu.memory_space<vmem>> -> memref<1x100xi32, #tpu.memory_space<vmem>>
        %dma_start3A_537 = tpu.memref_squeeze %dma_start3A_536 : memref<1x100xi32, #tpu.memory_space<vmem>> -> memref<100xi32, #tpu.memory_space<vmem>>
        %dma_start3A_538 = arith.constant 0 : i32
        %dma_start3A_539 = arith.constant 0 : i32
        %dma_start3A_540 = tpu.memref_slice %arg2[%dma_start3A_538, %dma_start3A_539] : memref<20480x64xf32, #tpu.memory_space<hbm>> -> memref<20479x64xf32, #tpu.memory_space<hbm>>
        %dma_start3A_541 = arith.constant 0 : i32
        %dma_start3A_542 = arith.constant 0 : i32
        %dma_start3A_543 = tpu.memref_slice %dma_start3A_540[%dma_start3A_541, %dma_start3A_542] : memref<20479x64xf32, #tpu.memory_space<hbm>> -> memref<20479x64xf32, #tpu.memory_space<hbm>>
        tpu.enqueue_indirect_dma source(%dma_start3A_543 : memref<20479x64xf32, #tpu.memory_space<hbm>>) target(%arg13 : memref<100x64xf32, #tpu.memory_space<vmem>>) offsets(%dma_start3A_537 : memref<100xi32, #tpu.memory_space<vmem>>) semaphore(%arg20 : memref<!tpu.dma_semaphore, #tpu.memory_space<semaphore_mem>>)
      } else {
      }
      %add3A_445 = arith.constant 5 : i32
      %add3A_446 = arith.addi %mul3A_189, %add3A_445 : i32
      %add3A_447 = arith.constant 0 : i32
      %add3A_448 = arith.addi %add3A_446, %add3A_447 : i32
      %dma_start3A_449 = arith.constant 0 : i32
      %dma_start3A_450 = tpu.memref_slice %arg8[%add3A_448, %dma_start3A_449] : memref<50x100xi32, #tpu.memory_space<vmem>> -> memref<1x100xi32, #tpu.memory_space<vmem>>
      %dma_start3A_451 = tpu.memref_squeeze %dma_start3A_450 : memref<1x100xi32, #tpu.memory_space<vmem>> -> memref<100xi32, #tpu.memory_space<vmem>>
      %dma_start3A_452 = arith.constant 0 : i32
      %dma_start3A_453 = arith.constant 0 : i32
      %dma_start3A_454 = tpu.memref_slice %arg19[%dma_start3A_452, %dma_start3A_453] : memref<10240x64xf32, #tpu.memory_space<vmem_shared>> -> memref<10240x64xf32, #tpu.memory_space<vmem_shared>>
      tpu.enqueue_indirect_dma source(%arg14 : memref<100x64xf32, #tpu.memory_space<vmem>>) target(%dma_start3A_454 : memref<10240x64xf32, #tpu.memory_space<vmem_shared>>) offsets(%dma_start3A_451 : memref<100xi32, #tpu.memory_space<vmem>>) semaphore(%arg23 : memref<!tpu.dma_semaphore, #tpu.memory_space<semaphore_mem>>) {add = true}
      %add3A_455 = arith.constant 1 : i32
      %add3A_456 = arith.addi %add3A_446, %add3A_455 : i32
      %dma_start3A_457 = arith.constant 0 : i32
      %dma_start3A_458 = tpu.memref_slice %arg8[%add3A_456, %dma_start3A_457] : memref<50x100xi32, #tpu.memory_space<vmem>> -> memref<1x100xi32, #tpu.memory_space<vmem>>
      %dma_start3A_459 = tpu.memref_squeeze %dma_start3A_458 : memref<1x100xi32, #tpu.memory_space<vmem>> -> memref<100xi32, #tpu.memory_space<vmem>>
      %dma_start3A_460 = arith.constant 0 : i32
      %dma_start3A_461 = arith.constant 0 : i32
      %dma_start3A_462 = tpu.memref_slice %arg19[%dma_start3A_460, %dma_start3A_461] : memref<10240x64xf32, #tpu.memory_space<vmem_shared>> -> memref<10240x64xf32, #tpu.memory_space<vmem_shared>>
      tpu.enqueue_indirect_dma source(%arg15 : memref<100x64xf32, #tpu.memory_space<vmem>>) target(%dma_start3A_462 : memref<10240x64xf32, #tpu.memory_space<vmem_shared>>) offsets(%dma_start3A_459 : memref<100xi32, #tpu.memory_space<vmem>>) semaphore(%arg23 : memref<!tpu.dma_semaphore, #tpu.memory_space<semaphore_mem>>) {add = true}
      %add3A_463 = arith.constant 2 : i32
      %add3A_464 = arith.addi %add3A_446, %add3A_463 : i32
      %dma_start3A_465 = arith.constant 0 : i32
      %dma_start3A_466 = tpu.memref_slice %arg8[%add3A_464, %dma_start3A_465] : memref<50x100xi32, #tpu.memory_space<vmem>> -> memref<1x100xi32, #tpu.memory_space<vmem>>
      %dma_start3A_467 = tpu.memref_squeeze %dma_start3A_466 : memref<1x100xi32, #tpu.memory_space<vmem>> -> memref<100xi32, #tpu.memory_space<vmem>>
      %dma_start3A_468 = arith.constant 0 : i32
      %dma_start3A_469 = arith.constant 0 : i32
      %dma_start3A_470 = tpu.memref_slice %arg19[%dma_start3A_468, %dma_start3A_469] : memref<10240x64xf32, #tpu.memory_space<vmem_shared>> -> memref<10240x64xf32, #tpu.memory_space<vmem_shared>>
      tpu.enqueue_indirect_dma source(%arg16 : memref<100x64xf32, #tpu.memory_space<vmem>>) target(%dma_start3A_470 : memref<10240x64xf32, #tpu.memory_space<vmem_shared>>) offsets(%dma_start3A_467 : memref<100xi32, #tpu.memory_space<vmem>>) semaphore(%arg23 : memref<!tpu.dma_semaphore, #tpu.memory_space<semaphore_mem>>) {add = true}
      %add3A_471 = arith.constant 3 : i32
      %add3A_472 = arith.addi %add3A_446, %add3A_471 : i32
      %dma_start3A_473 = arith.constant 0 : i32
      %dma_start3A_474 = tpu.memref_slice %arg8[%add3A_472, %dma_start3A_473] : memref<50x100xi32, #tpu.memory_space<vmem>> -> memref<1x100xi32, #tpu.memory_space<vmem>>
      %dma_start3A_475 = tpu.memref_squeeze %dma_start3A_474 : memref<1x100xi32, #tpu.memory_space<vmem>> -> memref<100xi32, #tpu.memory_space<vmem>>
      %dma_start3A_476 = arith.constant 0 : i32
      %dma_start3A_477 = arith.constant 0 : i32
      %dma_start3A_478 = tpu.memref_slice %arg19[%dma_start3A_476, %dma_start3A_477] : memref<10240x64xf32, #tpu.memory_space<vmem_shared>> -> memref<10240x64xf32, #tpu.memory_space<vmem_shared>>
      tpu.enqueue_indirect_dma source(%arg17 : memref<100x64xf32, #tpu.memory_space<vmem>>) target(%dma_start3A_478 : memref<10240x64xf32, #tpu.memory_space<vmem_shared>>) offsets(%dma_start3A_475 : memref<100xi32, #tpu.memory_space<vmem>>) semaphore(%arg23 : memref<!tpu.dma_semaphore, #tpu.memory_space<semaphore_mem>>) {add = true}
      %add3A_479 = arith.constant 4 : i32
      %add3A_480 = arith.addi %add3A_446, %add3A_479 : i32
      %dma_start3A_481 = arith.constant 0 : i32
      %dma_start3A_482 = tpu.memref_slice %arg8[%add3A_480, %dma_start3A_481] : memref<50x100xi32, #tpu.memory_space<vmem>> -> memref<1x100xi32, #tpu.memory_space<vmem>>
      %dma_start3A_483 = tpu.memref_squeeze %dma_start3A_482 : memref<1x100xi32, #tpu.memory_space<vmem>> -> memref<100xi32, #tpu.memory_space<vmem>>
      %dma_start3A_484 = arith.constant 0 : i32
      %dma_start3A_485 = arith.constant 0 : i32
      %dma_start3A_486 = tpu.memref_slice %arg19[%dma_start3A_484, %dma_start3A_485] : memref<10240x64xf32, #tpu.memory_space<vmem_shared>> -> memref<10240x64xf32, #tpu.memory_space<vmem_shared>>
      tpu.enqueue_indirect_dma source(%arg18 : memref<100x64xf32, #tpu.memory_space<vmem>>) target(%dma_start3A_486 : memref<10240x64xf32, #tpu.memory_space<vmem_shared>>) offsets(%dma_start3A_483 : memref<100xi32, #tpu.memory_space<vmem>>) semaphore(%arg23 : memref<!tpu.dma_semaphore, #tpu.memory_space<semaphore_mem>>) {add = true}
    }
    %scan3A_146 = arith.constant 5 : i32
    %dma_wait3A_147 = arith.constant 45 : i32
    %dma_wait3A_148 = arith.constant 0 : i32
    %dma_wait3A_149 = tpu.memref_slice %arg8[%dma_wait3A_147, %dma_wait3A_148] : memref<50x100xi32, #tpu.memory_space<vmem>> -> memref<1x100xi32, #tpu.memory_space<vmem>>
    %dma_wait3A_150 = tpu.memref_squeeze %dma_wait3A_149 : memref<1x100xi32, #tpu.memory_space<vmem>> -> memref<100xi32, #tpu.memory_space<vmem>>
    %dma_wait3A_151 = arith.constant 0 : i32
    %dma_wait3A_152 = arith.constant 0 : i32
    %dma_wait3A_153 = tpu.memref_slice %arg19[%dma_wait3A_151, %dma_wait3A_152] : memref<10240x64xf32, #tpu.memory_space<vmem_shared>> -> memref<10240x64xf32, #tpu.memory_space<vmem_shared>>
    tpu.wait_indirect_dma semaphore(%arg23 : memref<!tpu.dma_semaphore, #tpu.memory_space<semaphore_mem>>) src(%arg14 : memref<100x64xf32, #tpu.memory_space<vmem>>) dst(%dma_wait3A_153 : memref<10240x64xf32, #tpu.memory_space<vmem_shared>>)
    %dma_wait3A_154 = arith.constant 46 : i32
    %dma_wait3A_155 = arith.constant 0 : i32
    %dma_wait3A_156 = tpu.memref_slice %arg8[%dma_wait3A_154, %dma_wait3A_155] : memref<50x100xi32, #tpu.memory_space<vmem>> -> memref<1x100xi32, #tpu.memory_space<vmem>>
    %dma_wait3A_157 = tpu.memref_squeeze %dma_wait3A_156 : memref<1x100xi32, #tpu.memory_space<vmem>> -> memref<100xi32, #tpu.memory_space<vmem>>
    %dma_wait3A_158 = arith.constant 0 : i32
    %dma_wait3A_159 = arith.constant 0 : i32
    %dma_wait3A_160 = tpu.memref_slice %arg19[%dma_wait3A_158, %dma_wait3A_159] : memref<10240x64xf32, #tpu.memory_space<vmem_shared>> -> memref<10240x64xf32, #tpu.memory_space<vmem_shared>>
    tpu.wait_indirect_dma semaphore(%arg23 : memref<!tpu.dma_semaphore, #tpu.memory_space<semaphore_mem>>) src(%arg15 : memref<100x64xf32, #tpu.memory_space<vmem>>) dst(%dma_wait3A_160 : memref<10240x64xf32, #tpu.memory_space<vmem_shared>>)
    %dma_wait3A_161 = arith.constant 47 : i32
    %dma_wait3A_162 = arith.constant 0 : i32
    %dma_wait3A_163 = tpu.memref_slice %arg8[%dma_wait3A_161, %dma_wait3A_162] : memref<50x100xi32, #tpu.memory_space<vmem>> -> memref<1x100xi32, #tpu.memory_space<vmem>>
    %dma_wait3A_164 = tpu.memref_squeeze %dma_wait3A_163 : memref<1x100xi32, #tpu.memory_space<vmem>> -> memref<100xi32, #tpu.memory_space<vmem>>
    %dma_wait3A_165 = arith.constant 0 : i32
    %dma_wait3A_166 = arith.constant 0 : i32
    %dma_wait3A_167 = tpu.memref_slice %arg19[%dma_wait3A_165, %dma_wait3A_166] : memref<10240x64xf32, #tpu.memory_space<vmem_shared>> -> memref<10240x64xf32, #tpu.memory_space<vmem_shared>>
    tpu.wait_indirect_dma semaphore(%arg23 : memref<!tpu.dma_semaphore, #tpu.memory_space<semaphore_mem>>) src(%arg16 : memref<100x64xf32, #tpu.memory_space<vmem>>) dst(%dma_wait3A_167 : memref<10240x64xf32, #tpu.memory_space<vmem_shared>>)
    %dma_wait3A_168 = arith.constant 48 : i32
    %dma_wait3A_169 = arith.constant 0 : i32
    %dma_wait3A_170 = tpu.memref_slice %arg8[%dma_wait3A_168, %dma_wait3A_169] : memref<50x100xi32, #tpu.memory_space<vmem>> -> memref<1x100xi32, #tpu.memory_space<vmem>>
    %dma_wait3A_171 = tpu.memref_squeeze %dma_wait3A_170 : memref<1x100xi32, #tpu.memory_space<vmem>> -> memref<100xi32, #tpu.memory_space<vmem>>
    %dma_wait3A_172 = arith.constant 0 : i32
    %dma_wait3A_173 = arith.constant 0 : i32
    %dma_wait3A_174 = tpu.memref_slice %arg19[%dma_wait3A_172, %dma_wait3A_173] : memref<10240x64xf32, #tpu.memory_space<vmem_shared>> -> memref<10240x64xf32, #tpu.memory_space<vmem_shared>>
    tpu.wait_indirect_dma semaphore(%arg23 : memref<!tpu.dma_semaphore, #tpu.memory_space<semaphore_mem>>) src(%arg17 : memref<100x64xf32, #tpu.memory_space<vmem>>) dst(%dma_wait3A_174 : memref<10240x64xf32, #tpu.memory_space<vmem_shared>>)
    %dma_wait3A_175 = arith.constant 49 : i32
    %dma_wait3A_176 = arith.constant 0 : i32
    %dma_wait3A_177 = tpu.memref_slice %arg8[%dma_wait3A_175, %dma_wait3A_176] : memref<50x100xi32, #tpu.memory_space<vmem>> -> memref<1x100xi32, #tpu.memory_space<vmem>>
    %dma_wait3A_178 = tpu.memref_squeeze %dma_wait3A_177 : memref<1x100xi32, #tpu.memory_space<vmem>> -> memref<100xi32, #tpu.memory_space<vmem>>
    %dma_wait3A_179 = arith.constant 0 : i32
    %dma_wait3A_180 = arith.constant 0 : i32
    %dma_wait3A_181 = tpu.memref_slice %arg19[%dma_wait3A_179, %dma_wait3A_180] : memref<10240x64xf32, #tpu.memory_space<vmem_shared>> -> memref<10240x64xf32, #tpu.memory_space<vmem_shared>>
    tpu.wait_indirect_dma semaphore(%arg23 : memref<!tpu.dma_semaphore, #tpu.memory_space<semaphore_mem>>) src(%arg18 : memref<100x64xf32, #tpu.memory_space<vmem>>) dst(%dma_wait3A_181 : memref<10240x64xf32, #tpu.memory_space<vmem_shared>>)
    %barrier3A_182 = arith.constant 0 : index
    tpu.barrier barrier_id(%barrier3A_182)
    %mul3A_183 = arith.constant 64 : i32
    %mul3A_184 = arith.muli %arg0, %mul3A_183 : i32
    "tpu.region"() ({
      %run_scoped3A = tpu.sem_alloc : memref<!tpu.dma_semaphore, #tpu.memory_space<semaphore_mem>>
      %dma_start3A_185 = tpu.memref_slice %arg6[%mul3A_2, %mul3A_184] : memref<10240x128xf32, #tpu.memory_space<hbm>> -> memref<640x64xf32, #tpu.memory_space<hbm>>
      %dma_start3A_186 = arith.constant 0 : i32
      %dma_start3A_187 = tpu.memref_slice %arg19[%mul3A_2, %dma_start3A_186] : memref<10240x64xf32, #tpu.memory_space<vmem_shared>> -> memref<640x64xf32, #tpu.memory_space<vmem_shared>>
      tpu.enqueue_dma source(%dma_start3A_187 : memref<640x64xf32, #tpu.memory_space<vmem_shared>>) target(%dma_start3A_185 : memref<640x64xf32, #tpu.memory_space<hbm>>) target_semaphore(%run_scoped3A : memref<!tpu.dma_semaphore, #tpu.memory_space<semaphore_mem>>)
      %dma_wait3A_188 = tpu.memref_slice %arg6[%mul3A_2, %mul3A_184] : memref<10240x128xf32, #tpu.memory_space<hbm>> -> memref<640x64xf32, #tpu.memory_space<hbm>>
      %dma_wait3A_189 = arith.constant 0 : i32
      %dma_wait3A_190 = tpu.memref_slice %arg19[%mul3A_2, %dma_wait3A_189] : memref<10240x64xf32, #tpu.memory_space<vmem_shared>> -> memref<640x64xf32, #tpu.memory_space<vmem_shared>>
      tpu.wait_dma2 semaphore(%run_scoped3A : memref<!tpu.dma_semaphore, #tpu.memory_space<semaphore_mem>>) src(%dma_wait3A_190 : memref<640x64xf32, #tpu.memory_space<vmem_shared>>) dst(%dma_wait3A_188 : memref<640x64xf32, #tpu.memory_space<hbm>>)
      tpu.yield
    }) : () -> ()
    return
  }
}

module attributes {stable_mosaic.version = 14 : i64} {
  func.func @_mm1_body(%arg0: i32, %arg1: memref<640x128xf32, #tpu.memory_space<vmem>>, %arg2: memref<128x128xf32, #tpu.memory_space<vmem>>, %arg3: memref<640x128xf32, #tpu.memory_space<vmem>>, %arg4: memref<640x128xf32, #tpu.memory_space<vmem>>, %arg5: memref<640x8xf32, #tpu.memory_space<vmem>>) attributes {dimension_semantics = [#tpu.dimension_semantics<arbitrary>], iteration_bounds = array<i64: 16>, scalar_prefetch = 0 : i64, scratch_operands = 0 : i64, tpu.core_type = #tpu.core_type<tc>, window_params = [{transform_indices = @transform_0, window_bounds = array<i64: 640, 128>}, {pipeline_mode = #tpu.pipeline_mode<synchronous>, transform_indices = @transform_1, window_bounds = array<i64: 128, 128>}, {transform_indices = @transform_2, window_bounds = array<i64: 640, 128>}, {transform_indices = @transform_3, window_bounds = array<i64: 640, 128>}, {transform_indices = @transform_4, window_bounds = array<i64: 640, 8>}]} {
    %get3A = arith.constant 0 : index
    %get3A_0 = arith.constant 0 : index
    %get3A_1 = vector.load %arg3[%get3A, %get3A_0] : memref<640x128xf32, #tpu.memory_space<vmem>>, vector<640x1xf32>
    %get3A_2 = arith.constant 0 : index
    %get3A_3 = arith.constant 8 : index
    %get3A_4 = vector.load %arg3[%get3A_2, %get3A_3] : memref<640x128xf32, #tpu.memory_space<vmem>>, vector<640x1xf32>
    %add3A = arith.addf %get3A_1, %get3A_4 : vector<640x1xf32>
    %add3A_5 = arith.constant 1.000000e+00 : f32
    %add3A_6 = vector.broadcast %add3A_5 : f32 to vector<640x1xf32>
    %add3A_7 = arith.addf %add3A, %add3A_6 : vector<640x1xf32>
    %rsqrt3A = math.rsqrt %add3A_7 : vector<640x1xf32>
    %get3A_8 = arith.constant 0 : index
    %get3A_9 = arith.constant 0 : index
    %get3A_10 = vector.load %arg1[%get3A_8, %get3A_9] : memref<640x128xf32, #tpu.memory_space<vmem>>, vector<640x128xf32>
    %get3A_11 = arith.constant 0 : index
    %get3A_12 = arith.constant 0 : index
    %get3A_13 = vector.load %arg2[%get3A_11, %get3A_12] : memref<128x128xf32, #tpu.memory_space<vmem>>, vector<128x128xf32>
    %dot_general3A = arith.constant dense<0.000000e+00> : vector<640x128xf32>
    %dot_general3A_14 = tpu.matmul %get3A_10, %get3A_13, %dot_general3A {dimension_numbers = #tpu.dot_dimension_numbers<[1], [0], [0], [1], [0, 0, 1, 1], [], []>, transpose_lhs_hint = false} : vector<640x128xf32>, vector<128x128xf32>, vector<640x128xf32> -> vector<640x128xf32>
    %mul3A = vector.broadcast %rsqrt3A : vector<640x1xf32> to vector<640x128xf32>
    %mul3A_15 = arith.mulf %mul3A, %dot_general3A_14 : vector<640x128xf32>
    %swap3A = arith.constant 0 : index
    %swap3A_16 = arith.constant 0 : index
    %swap3A_17 = vector.load %arg4[%swap3A, %swap3A_16] : memref<640x128xf32, #tpu.memory_space<vmem>>, vector<640x128xf32>
    tpu.vector_store %arg4[%swap3A, %swap3A_16], %mul3A_15 {strides = array<i32>} : memref<640x128xf32, #tpu.memory_space<vmem>>, vector<640x128xf32>,
    %broadcast_in_dim3A = vector.shape_cast %rsqrt3A : vector<640x1xf32> to vector<640x1xf32>
    %broadcast_in_dim3A_18 = vector.broadcast %broadcast_in_dim3A : vector<640x1xf32> to vector<640x8xf32>
    %swap3A_19 = arith.constant 0 : index
    %swap3A_20 = arith.constant 0 : index
    %swap3A_21 = vector.load %arg5[%swap3A_19, %swap3A_20] : memref<640x8xf32, #tpu.memory_space<vmem>>, vector<640x8xf32>
    tpu.vector_store %arg5[%swap3A_19, %swap3A_20], %broadcast_in_dim3A_18 {strides = array<i32>} : memref<640x8xf32, #tpu.memory_space<vmem>>, vector<640x8xf32>,
    return
  }
  func.func @transform_0(%arg0: i32) -> (i32, i32) {
    %c0_i32 = arith.constant 0 : i32
    %c0_i32_0 = arith.constant 0 : i32
    return %arg0, %c0_i32 : i32, i32
  }
  func.func @transform_1(%arg0: i32) -> (i32, i32) {
    %c0_i32 = arith.constant 0 : i32
    %c0_i32_0 = arith.constant 0 : i32
    %c0_i32_1 = arith.constant 0 : i32
    return %c0_i32, %c0_i32_0 : i32, i32
  }
  func.func @transform_2(%arg0: i32) -> (i32, i32) {
    %c0_i32 = arith.constant 0 : i32
    %c0_i32_0 = arith.constant 0 : i32
    return %arg0, %c0_i32 : i32, i32
  }
  func.func @transform_3(%arg0: i32) -> (i32, i32) {
    %c0_i32 = arith.constant 0 : i32
    %c0_i32_0 = arith.constant 0 : i32
    return %arg0, %c0_i32 : i32, i32
  }
  func.func @transform_4(%arg0: i32) -> (i32, i32) {
    %c0_i32 = arith.constant 0 : i32
    %c0_i32_0 = arith.constant 0 : i32
    return %arg0, %c0_i32 : i32, i32
  }
}

module attributes {stable_mosaic.version = 14 : i64} {
  func.func @_mid_body(%arg0: i32, %arg1: memref<640x128xf32, #tpu.memory_space<vmem>>, %arg2: memref<640x128xf32, #tpu.memory_space<vmem>>, %arg3: memref<640x8xf32, #tpu.memory_space<vmem>>, %arg4: memref<1x128xf32, #tpu.memory_space<vmem>>, %arg5: memref<1x128xf32, #tpu.memory_space<vmem>>, %arg6: memref<1x128xf32, #tpu.memory_space<vmem>>, %arg7: memref<128x64xf32, #tpu.memory_space<vmem>>, %arg8: memref<640x128xf32, #tpu.memory_space<vmem>>) attributes {dimension_semantics = [#tpu.dimension_semantics<arbitrary>], iteration_bounds = array<i64: 16>, scalar_prefetch = 0 : i64, scratch_operands = 0 : i64, tpu.core_type = #tpu.core_type<tc>, window_params = [{transform_indices = @transform_0, window_bounds = array<i64: 640, 128>}, {transform_indices = @transform_1, window_bounds = array<i64: 640, 128>}, {transform_indices = @transform_2, window_bounds = array<i64: 640, 8>}, {pipeline_mode = #tpu.pipeline_mode<synchronous>, transform_indices = @transform_3, window_bounds = array<i64: 1, 128>}, {pipeline_mode = #tpu.pipeline_mode<synchronous>, transform_indices = @transform_4, window_bounds = array<i64: 1, 128>}, {pipeline_mode = #tpu.pipeline_mode<synchronous>, transform_indices = @transform_5, window_bounds = array<i64: 1, 128>}, {pipeline_mode = #tpu.pipeline_mode<synchronous>, transform_indices = @transform_6, window_bounds = array<i64: 128, 64>}, {transform_indices = @transform_7, window_bounds = array<i64: 640, 128>}]} {
    %get3A = arith.constant 0 : index
    %get3A_0 = arith.constant 0 : index
    %get3A_1 = vector.load %arg3[%get3A, %get3A_0] : memref<640x8xf32, #tpu.memory_space<vmem>>, vector<640x1xf32>
    %get3A_2 = arith.constant 0 : index
    %get3A_3 = arith.constant 0 : index
    %get3A_4 = vector.load %arg1[%get3A_2, %get3A_3] : memref<640x128xf32, #tpu.memory_space<vmem>>, vector<640x128xf32>
    %get3A_5 = arith.constant 0 : index
    %get3A_6 = arith.constant 0 : index
    %get3A_7 = vector.load %arg2[%get3A_5, %get3A_6] : memref<640x128xf32, #tpu.memory_space<vmem>>, vector<640x128xf32>
    %add3A = arith.addf %get3A_4, %get3A_7 : vector<640x128xf32>
    %mul3A = vector.broadcast %get3A_1 : vector<640x1xf32> to vector<640x128xf32>
    %mul3A_8 = arith.mulf %mul3A, %add3A : vector<640x128xf32>
    %get3A_9 = arith.constant 0 : index
    %get3A_10 = arith.constant 0 : index
    %get3A_11 = vector.load %arg4[%get3A_9, %get3A_10] : memref<1x128xf32, #tpu.memory_space<vmem>>, vector<1x128xf32>
    %add3A_12 = vector.broadcast %get3A_11 : vector<1x128xf32> to vector<640x128xf32>
    %add3A_13 = arith.addf %mul3A_8, %add3A_12 : vector<640x128xf32>
    %reduce_sum3A = arith.constant dense<0.000000e+00> : vector<640xf32>
    %reduce_sum3A_14 = vector.multi_reduction <add>, %add3A_13, %reduce_sum3A [1] : vector<640x128xf32> to vector<640xf32>
    %broadcast_in_dim3A = vector.shape_cast %reduce_sum3A_14 : vector<640xf32> to vector<640x1xf32>
    %div3A = arith.constant 1.280000e+02 : f32
    %div3A_15 = vector.broadcast %div3A : f32 to vector<640x1xf32>
    %div3A_16 = arith.divf %broadcast_in_dim3A, %div3A_15 : vector<640x1xf32>
    %sub3A = vector.broadcast %div3A_16 : vector<640x1xf32> to vector<640x128xf32>
    %sub3A_17 = arith.subf %add3A_13, %sub3A : vector<640x128xf32>
    %integer_pow3A = arith.mulf %sub3A_17, %sub3A_17 : vector<640x128xf32>
    %reduce_sum3A_18 = arith.constant dense<0.000000e+00> : vector<640xf32>
    %reduce_sum3A_19 = vector.multi_reduction <add>, %integer_pow3A, %reduce_sum3A_18 [1] : vector<640x128xf32> to vector<640xf32>
    %broadcast_in_dim3A_20 = vector.shape_cast %reduce_sum3A_19 : vector<640xf32> to vector<640x1xf32>
    %div3A_21 = arith.constant 1.280000e+02 : f32
    %div3A_22 = vector.broadcast %div3A_21 : f32 to vector<640x1xf32>
    %div3A_23 = arith.divf %broadcast_in_dim3A_20, %div3A_22 : vector<640x1xf32>
    %sub3A_24 = vector.broadcast %div3A_16 : vector<640x1xf32> to vector<640x128xf32>
    %sub3A_25 = arith.subf %add3A_13, %sub3A_24 : vector<640x128xf32>
    %add3A_26 = arith.constant 9.99999997E-7 : f32
    %add3A_27 = vector.broadcast %add3A_26 : f32 to vector<640x1xf32>
    %add3A_28 = arith.addf %div3A_23, %add3A_27 : vector<640x1xf32>
    %rsqrt3A = math.rsqrt %add3A_28 : vector<640x1xf32>
    %mul3A_29 = vector.broadcast %rsqrt3A : vector<640x1xf32> to vector<640x128xf32>
    %mul3A_30 = arith.mulf %sub3A_25, %mul3A_29 : vector<640x128xf32>
    %get3A_31 = arith.constant 0 : index
    %get3A_32 = arith.constant 0 : index
    %get3A_33 = vector.load %arg5[%get3A_31, %get3A_32] : memref<1x128xf32, #tpu.memory_space<vmem>>, vector<1x128xf32>
    %mul3A_34 = vector.broadcast %get3A_33 : vector<1x128xf32> to vector<640x128xf32>
    %mul3A_35 = arith.mulf %mul3A_30, %mul3A_34 : vector<640x128xf32>
    %get3A_36 = arith.constant 0 : index
    %get3A_37 = arith.constant 0 : index
    %get3A_38 = vector.load %arg6[%get3A_36, %get3A_37] : memref<1x128xf32, #tpu.memory_space<vmem>>, vector<1x128xf32>
    %add3A_39 = vector.broadcast %get3A_38 : vector<1x128xf32> to vector<640x128xf32>
    %add3A_40 = arith.addf %mul3A_35, %add3A_39 : vector<640x128xf32>
    %max3A = arith.constant 0.000000e+00 : f32
    %max3A_41 = vector.broadcast %max3A : f32 to vector<640x128xf32>
    %max3A_42 = arith.maximumf %add3A_40, %max3A_41 : vector<640x128xf32>
    %get3A_43 = arith.constant 0 : index
    %get3A_44 = arith.constant 0 : index
    %get3A_45 = vector.load %arg7[%get3A_43, %get3A_44] : memref<128x64xf32, #tpu.memory_space<vmem>>, vector<128x64xf32>
    %dot_general3A = arith.constant dense<0.000000e+00> : vector<640x64xf32>
    %dot_general3A_46 = tpu.matmul %max3A_42, %get3A_45, %dot_general3A {dimension_numbers = #tpu.dot_dimension_numbers<[1], [0], [0], [1], [0, 0, 1, 1], [], []>, transpose_lhs_hint = false} : vector<640x128xf32>, vector<128x64xf32>, vector<640x64xf32> -> vector<640x64xf32>
    %mul3A_47 = vector.broadcast %get3A_1 : vector<640x1xf32> to vector<640x64xf32>
    %mul3A_48 = arith.mulf %mul3A_47, %dot_general3A_46 : vector<640x64xf32>
    %concatenate3A = tpu.concatenate %mul3A_48, %mul3A_48 in 1 : vector<640x64xf32>, vector<640x64xf32> -> vector<640x128xf32>
    %swap3A = arith.constant 0 : index
    %swap3A_49 = arith.constant 0 : index
    %swap3A_50 = vector.load %arg8[%swap3A, %swap3A_49] : memref<640x128xf32, #tpu.memory_space<vmem>>, vector<640x128xf32>
    tpu.vector_store %arg8[%swap3A, %swap3A_49], %concatenate3A {strides = array<i32>} : memref<640x128xf32, #tpu.memory_space<vmem>>, vector<640x128xf32>,
    return
  }
  func.func @transform_0(%arg0: i32) -> (i32, i32) {
    %c0_i32 = arith.constant 0 : i32
    %c0_i32_0 = arith.constant 0 : i32
    return %arg0, %c0_i32 : i32, i32
  }
  func.func @transform_1(%arg0: i32) -> (i32, i32) {
    %c0_i32 = arith.constant 0 : i32
    %c0_i32_0 = arith.constant 0 : i32
    return %arg0, %c0_i32 : i32, i32
  }
  func.func @transform_2(%arg0: i32) -> (i32, i32) {
    %c0_i32 = arith.constant 0 : i32
    %c0_i32_0 = arith.constant 0 : i32
    return %arg0, %c0_i32 : i32, i32
  }
  func.func @transform_3(%arg0: i32) -> (i32, i32) {
    %c0_i32 = arith.constant 0 : i32
    %c0_i32_0 = arith.constant 0 : i32
    %c0_i32_1 = arith.constant 0 : i32
    return %c0_i32, %c0_i32_0 : i32, i32
  }
  func.func @transform_4(%arg0: i32) -> (i32, i32) {
    %c0_i32 = arith.constant 0 : i32
    %c0_i32_0 = arith.constant 0 : i32
    %c0_i32_1 = arith.constant 0 : i32
    return %c0_i32, %c0_i32_0 : i32, i32
  }
  func.func @transform_5(%arg0: i32) -> (i32, i32) {
    %c0_i32 = arith.constant 0 : i32
    %c0_i32_0 = arith.constant 0 : i32
    %c0_i32_1 = arith.constant 0 : i32
    return %c0_i32, %c0_i32_0 : i32, i32
  }
  func.func @transform_6(%arg0: i32) -> (i32, i32) {
    %c0_i32 = arith.constant 0 : i32
    %c0_i32_0 = arith.constant 0 : i32
    %c0_i32_1 = arith.constant 0 : i32
    return %c0_i32, %c0_i32_0 : i32, i32
  }
  func.func @transform_7(%arg0: i32) -> (i32, i32) {
    %c0_i32 = arith.constant 0 : i32
    %c0_i32_0 = arith.constant 0 : i32
    return %arg0, %c0_i32 : i32, i32
  }
}

module attributes {stable_mosaic.version = 14 : i64} {
  func.func @_final_body(%arg0: i32, %arg1: memref<1000x128xf32, #tpu.memory_space<vmem>>, %arg2: memref<1000x128xf32, #tpu.memory_space<vmem>>, %arg3: memref<1000x8xf32, #tpu.memory_space<vmem>>, %arg4: memref<1x40xf32, #tpu.memory_space<vmem>>, %arg5: memref<1000x40xf32, #tpu.memory_space<vmem>>) attributes {dimension_semantics = [#tpu.dimension_semantics<arbitrary>], iteration_bounds = array<i64: 10>, scalar_prefetch = 0 : i64, scratch_operands = 0 : i64, tpu.core_type = #tpu.core_type<tc>, window_params = [{transform_indices = @transform_0, window_bounds = array<i64: 1000, 128>}, {transform_indices = @transform_1, window_bounds = array<i64: 1000, 128>}, {transform_indices = @transform_2, window_bounds = array<i64: 1000, 8>}, {pipeline_mode = #tpu.pipeline_mode<synchronous>, transform_indices = @transform_3, window_bounds = array<i64: 1, 40>}, {transform_indices = @transform_4, window_bounds = array<i64: 1000, 40>}]} {
    %get3A = arith.constant 0 : index
    %get3A_0 = arith.constant 0 : index
    %get3A_1 = vector.load %arg3[%get3A, %get3A_0] : memref<1000x8xf32, #tpu.memory_space<vmem>>, vector<1000x1xf32>
    %get3A_2 = arith.constant 0 : index
    %get3A_3 = arith.constant 0 : index
    %get3A_4 = vector.load %arg1[%get3A_2, %get3A_3] : memref<1000x128xf32, #tpu.memory_space<vmem>>, vector<1000x64xf32>
    %get3A_5 = arith.constant 0 : index
    %get3A_6 = arith.constant 64 : index
    %get3A_7 = vector.load %arg1[%get3A_5, %get3A_6] : memref<1000x128xf32, #tpu.memory_space<vmem>>, vector<1000x64xf32>
    %add3A = arith.addf %get3A_4, %get3A_7 : vector<1000x64xf32>
    %get3A_8 = arith.constant 0 : index
    %get3A_9 = arith.constant 0 : index
    %get3A_10 = vector.load %arg2[%get3A_8, %get3A_9] : memref<1000x128xf32, #tpu.memory_space<vmem>>, vector<1000x64xf32>
    %add3A_11 = arith.addf %add3A, %get3A_10 : vector<1000x64xf32>
    %mul3A = vector.broadcast %get3A_1 : vector<1000x1xf32> to vector<1000x64xf32>
    %mul3A_12 = arith.mulf %mul3A, %add3A_11 : vector<1000x64xf32>
    %slice3A = vector.extract_strided_slice %mul3A_12 {offsets = [0, 0], sizes = [1000, 40], strides = [1, 1]} : vector<1000x64xf32> to vector<1000x40xf32>
    %get3A_13 = arith.constant 0 : index
    %get3A_14 = arith.constant 0 : index
    %get3A_15 = vector.load %arg4[%get3A_13, %get3A_14] : memref<1x40xf32, #tpu.memory_space<vmem>>, vector<1x40xf32>
    %add3A_16 = vector.broadcast %get3A_15 : vector<1x40xf32> to vector<1000x40xf32>
    %add3A_17 = arith.addf %slice3A, %add3A_16 : vector<1000x40xf32>
    %swap3A = arith.constant 0 : index
    %swap3A_18 = arith.constant 0 : index
    %swap3A_19 = vector.load %arg5[%swap3A, %swap3A_18] : memref<1000x40xf32, #tpu.memory_space<vmem>>, vector<1000x40xf32>
    tpu.vector_store %arg5[%swap3A, %swap3A_18], %add3A_17 {strides = array<i32>} : memref<1000x40xf32, #tpu.memory_space<vmem>>, vector<1000x40xf32>,
    return
  }
  func.func @transform_0(%arg0: i32) -> (i32, i32) {
    %c0_i32 = arith.constant 0 : i32
    %c0_i32_0 = arith.constant 0 : i32
    return %arg0, %c0_i32 : i32, i32
  }
  func.func @transform_1(%arg0: i32) -> (i32, i32) {
    %c0_i32 = arith.constant 0 : i32
    %c0_i32_0 = arith.constant 0 : i32
    return %arg0, %c0_i32 : i32, i32
  }
  func.func @transform_2(%arg0: i32) -> (i32, i32) {
    %c0_i32 = arith.constant 0 : i32
    %c0_i32_0 = arith.constant 0 : i32
    return %arg0, %c0_i32 : i32, i32
  }
  func.func @transform_3(%arg0: i32) -> (i32, i32) {
    %c0_i32 = arith.constant 0 : i32
    %c0_i32_0 = arith.constant 0 : i32
    %c0_i32_1 = arith.constant 0 : i32
    return %c0_i32, %c0_i32_0 : i32, i32
  }
  func.func @transform_4(%arg0: i32) -> (i32, i32) {
    %c0_i32 = arith.constant 0 : i32
    %c0_i32_0 = arith.constant 0 : i32
    return %arg0, %c0_i32 : i32, i32
  }
}

</mosaic_0001>

<sc_bundles>
// kernel: kernel.11.cloned.1.call-start
scs
__scs_entry_jumppad:
0x0: {  	(pc) =	sbr.rel $0x88, $3  }
0x1: {  	(tag) =	ssettag $0x0;
	lr =	simm.s32 $0x1  }
0x2: {  	[smem:$0x3F99] =	sst lr;
	_ =	strace $0xD0000000  }
0x3: {  	_ = 	snop  }
0x4: {  	_ = 	snop  }
0x5: {  	_ = 	snop  }
0x6: {  	_ = 	snop  }
0x7: {  	_ = 	snop  }
__scs_overlays_trampoline_lowered:
0x8: {  	[smem:$0x3FA8] =	sst s0  }
0x9: {  	[smem:$0x3FA9] =	sst s1  }
0xa: {  	[smem:$0x3FAA] =	sst s2  }
0xb: {  	[smem:$0x3FAB] =	sst s3  }
0xc: {  	[smem:$0x3FAC] =	sst s4  }
0xd: {  	[smem:$0x3FAD] =	sst s5  }
0xe: {  	[smem:$0x3FAE] =	sst s6  }
0xf: {  	[smem:$0x3FAF] =	sst s7  }
0x10: {  	[smem:$0x3FB0] =	sst s8  }
0x11: {  	[smem:$0x3FB1] =	sst s9;
	s0 =	simm.s32 @!p0 $0x0  }
0x12: {  	s1 =	sld [smem:$0x3F97];
	s0 =	simm.s32 @p0 $0x1  }
0x13: {  	[smem:$0x3FB2] =	sst s0;
	s0 =	simm.s32 @!p1 $0x0  }
0x14: {  	s2 =	sld [smem:$0x3F96];
	s0 =	simm.s32 @p1 $0x1  }
0x15: {  	[smem:$0x3FB3] =	sst s0;
	s0 =	simm.s32 @!p2 $0x0  }
0x16: {  	s3 =	sld [smem:$0x3FDB];
	s0 =	simm.s32 @p2 $0x1  }
0x17: {  	s4 =	simm.s32 $0x1BF5;
	[smem:$0x3FB5] =	sst s0  }
0x18: {  	s0 =	sld [smem:$0x3F98];
	_ =	swait.ge [sflag:s4], $0x0  }
0x19: {  	s7 =	sld [smem:$0x3F99]  }
0x1a: {  	s8 =	sadd.s32 $0xFFFFE003, lr  }
0x1b: {  	s9 =	sadd.s32 $0xFFFFFEF7, lr;
	s5 =	simm.s32 $0xFFFFFFFF;
	p2 =	slt.u32 s8, $0xFFFFF086  }
0x1c: {  	p1 =	slt.u32 s9, $0xF7A;
	s5 =	simm.s32 @!p2 $0x0  }
0x1d: {  	s5 =	simm.s32 @p1 $0x1;
	p0 =	seq.s32 s7, s2  }
0x1e: {  	s7 =	smul.u32 @!p0 $0xF7A, s2;
	p2 =	seq.s32 @!p0 s5, $0x0  }
0x1f: {  	s9 =	smul.u32 $0xF7A, s1;
	s8 =	simm.s32 @!p0 $0x1BF5;
	p2 =	por !p2, p0  }
0x20: {  	[sflag:s8] =	ssyncset.s32 @!p0 $0xFFFFF086;
	s6 =	sadd.s32 @!p0 s3, s7;
	s7 =	simm.s32 @!p0 $0x108  }
0x21: {  	s3 =	sadd.s32 s3, s9;
	s6 =	sadd.s32 @!p0 $0x88, s6;
	s7 =	simm.s32 @p2 $0x1082  }
0x22: {  	[simem:s7], [sflag:s8] =	dma.local @!p0 [hbm:s6], $0xF7A  }
0x23: {  	s9 =	sor.u32 $0xD0000000, s2;
	s6 =	simm.s32 $0x108;
	_ =	swait.ge @!p0 [sflag:s8], $0x0  }
0x24: {  	s3 =	sadd.s32 $0x88, s3;
	s6 =	simm.s32 @!p1 $0x1082;
	[sflag:s4] =	ssyncset.s32 $0xFFFFF086  }
0x25: {  	[simem:s6], [sflag:s4] =	dma.local [hbm:s3], $0xF7A  }
0x26: {  	[smem:$0x3F99] =	sst s1;
	(tag) =	ssettag s2;
	_ =	strace s9  }
0x27: {  	s1 =	sld [smem:$0x3FA9]  }
0x28: {  	s2 =	sld [smem:$0x3FAA]  }
0x29: {  	s4 =	sld [smem:$0x3FAC]  }
0x2a: {  	p0 =	seq.s32 s5, $0x0;
	s5 =	sld [smem:$0x3FAD]  }
0x2b: {  	s6 =	sld [smem:$0x3FAE]  }
0x2c: {  	s7 =	sld [smem:$0x3FAF]  }
0x2d: {  	s3 =	simm.s32 $0x108;
	s8 =	sld [smem:$0x3FB0]  }
0x2e: {  	s3 =	simm.s32 @!p0 $0x1082;
	s9 =	sld [smem:$0x3FB1]  }
0x2f: {  	lr =	sadd.s32 s0, s3;
	s0 =	sld [smem:$0x3FA8]  }
0x30: {  	s3 =	sld [smem:$0x3FAB]  }
0x31: {  	[smem:$0x3FB4] =	sst s10  }
0x32: {  	s10 =	sld [smem:$0x3FB2];
	_ =	sdelay $0x3  }
0x33: {  	p0 =	seq.s32 s10, $0x1;
	s10 =	sld [smem:$0x3FB4];
	_ =	sdelay $0x3  }
0x34: {  	[smem:$0x3FB4] =	sst s10  }
0x35: {  	s10 =	sld [smem:$0x3FB3];
	_ =	sdelay $0x3  }
0x36: {  	p1 =	seq.s32 s10, $0x1;
	s10 =	sld [smem:$0x3FB4];
	_ =	sdelay $0x3  }
0x37: {  	[smem:$0x3FB4] =	sst s10  }
0x38: {  	s10 =	sld [smem:$0x3FB5]  }
0x39: {  	_ = 	snop;
	(pc) =	sbr.ind lr, $3  }
0x3a: {  	_ = 	snop  }
0x3b: {  	_ = 	snop  }
0x3c: {  	p2 =	seq.s32 s10, $0x1;
	s10 =	sld [smem:$0x3FB4]  }
0x3d: {  	_ =	shalt  }
0x3e: {  	_ =	shalt  }
0x3f: {  	_ =	shalt  }
0x40: {  	_ =	shalt  }
0x41: {  	_ =	shalt  }
0x42: {  	_ =	shalt  }
0x43: {  	_ =	shalt  }
0x44: {  	_ =	shalt  }
0x45: {  	_ =	shalt  }
0x46: {  	_ =	shalt  }
0x47: {  	_ =	shalt  }
0x48: {  	_ =	shalt  }
0x49: {  	_ =	shalt  }
0x4a: {  	_ =	shalt  }
0x4b: {  	_ =	shalt  }
0x4c: {  	_ =	shalt  }
0x4d: {  	_ =	shalt  }
0x4e: {  	_ =	shalt  }
0x4f: {  	_ =	shalt  }
0x50: {  	_ =	shalt  }
0x51: {  	_ =	shalt  }
0x52: {  	_ =	shalt  }
0x53: {  	_ =	shalt  }
0x54: {  	_ =	shalt  }
0x55: {  	_ =	shalt  }
0x56: {  	_ =	shalt  }
0x57: {  	_ =	shalt  }
0x58: {  	_ =	shalt  }
0x59: {  	_ =	shalt  }
0x5a: {  	_ =	shalt  }
0x5b: {  	_ =	shalt  }
0x5c: {  	_ =	shalt  }
0x5d: {  	_ =	shalt  }
0x5e: {  	_ =	shalt  }
0x5f: {  	_ =	shalt  }
0x60: {  	_ =	shalt  }
0x61: {  	_ =	shalt  }
0x62: {  	_ =	shalt  }
0x63: {  	_ =	shalt  }
0x64: {  	_ =	shalt  }
0x65: {  	_ =	shalt  }
0x66: {  	_ =	shalt  }
0x67: {  	_ =	shalt  }
0x68: {  	_ =	shalt  }
0x69: {  	_ =	shalt  }
0x6a: {  	_ =	shalt  }
0x6b: {  	_ =	shalt  }
0x6c: {  	_ =	shalt  }
0x6d: {  	_ =	shalt  }
0x6e: {  	_ =	shalt  }
0x6f: {  	_ =	shalt  }
0x70: {  	_ =	shalt  }
0x71: {  	_ =	shalt  }
0x72: {  	_ =	shalt  }
0x73: {  	_ =	shalt  }
0x74: {  	_ =	shalt  }
0x75: {  	_ =	shalt  }
0x76: {  	_ =	shalt  }
0x77: {  	_ =	shalt  }
0x78: {  	_ =	shalt  }
0x79: {  	_ =	shalt  }
0x7a: {  	_ =	shalt  }
0x7b: {  	_ =	shalt  }
0x7c: {  	_ =	shalt  }
0x7d: {  	_ =	shalt  }
0x7e: {  	_ =	shalt  }
0x7f: {  	_ =	shalt  }
0x80: {  	_ =	shalt  }
0x81: {  	_ =	shalt  }
0x82: {  	_ =	shalt  }
0x83: {  	_ =	shalt  }
0x84: {  	_ =	shalt  }
0x85: {  	_ =	shalt  }
0x86: {  	_ =	shalt  }
0x87: {  	_ =	shalt  }
.Lfunc_end0:
.L_simem_size_0:
called_computation.1_lowered:
.L_overlay_start_0:
0x88: {  	s2 =	sld [smem:$0x3FD9]  }
0x89: {  	s3 =	sld [smem:$0x3FFE];
	_ =	sdelay $0x1  }
0x8a: {  	s1 =	srdreg.scid  }
0x8b: {  	s0 =	sand.u32 $0x1, s1  }
0x8c: {  	s16 =	sshll.u32 s0, $0xA;
	s2 =	sadd.s32 s3, s2  }
0x8d: {  	s2 =	sadd.s32 s2, s16  }
0x8e: {  	[smem:$0x3FC0] =	sst s2  }
0x8f: {  	_ = 	snop  }
0x90: {  	(tm) =	ssettm $0x1  }
0x91: {  	s17 =	sld [smem:$0x3FFB];
	_ =	sdelay $0x3  }
0x92: {  	_ =	strace s17  }
0x93: {  	s2 =	sld [smem:$0x3FFC];
	_ =	sdelay $0x3  }
0x94: {  	_ =	strace s2  }
0x95: {  	s2 =	sld [smem:$0x3FFD];
	_ =	sdelay $0x3  }
0x96: {  	_ =	strace s2  }
0x97: {  	_ =	strace $0x8FFFFFFF  }
0x98: {  	s18 =	sld [smem:$0x3FDB];
	_ =	sdelay $0x1  }
0x99: {  	s19 =	simm.s32 $_scs_section_size  }
0x9a: {  	s4 =	simm.s32 $_size__tile_overlayer_lowered;
	s5 =	simm.s32 $_tile_overlayer_lowered  }
0x9b: {  	s22 =	simm.s32 $0x1BFF;
	s21 =	sshll.u32 s5, $0x1;
	s2 =	sadd.s32 s19, s18  }
0x9c: {  	s6 =	simm.s32 $0x0;
	s20 =	sshll.u32 s4, $0x1;
	s4 =	sadd.s32 s21, s2  }
0x9d: {  	[timem:s6], [sflag:s22] =	dma.local [hbm:s4], s20  }
0x9e: {  	_ =	swait.ge [sflag:s22], s20  }
0x9f: {  	s3 =	ssub.s32 $0x0, s20;
	[sflag:s22] =	ssyncset.done $0x0  }
0xa0: {  	[sflag:s22] =	ssyncadd.s32 s3;
	_ =	sdelay $0x1  }
0xa1: {  	s23 =	simm.s32 $0x1B8B  }
0xa2: {  	_ =	swait.ge [sflag:s23], $0x1  }
0xa3: {  	[sflag:s23] =	ssyncset.done $0x0  }
0xa4: {  	s25 =	simm.s32 $0x1B8E;
	s24 =	sld [smem:$0x3FFE];
	[sflag:s23] =	ssyncadd.s32 $0xFFFFFFFF  }
0xa5: {  	s26 =	simm.s32 $execute0_lowered;
	[smem:$0x3FD2] =	sst s25  }
0xa6: {  	s4 =	sshll.u32 s26, $0x1;
	_ =	strace $0x80000049;
	[dreg:$0x1] =	wrdreg $0xFFFFFFFF  }
0xa7: {  	s28 =	simm.s32 $_size_execute0_lowered;
	s2 =	sadd.s32 s2, s4;
	[dreg:$0x0] =	wrdreg $0x0  }
0xa8: {  	s4 =	sshll.u32 s28, $0x1;
	[dreg:$0x2] =	wrdreg s2  }
0xa9: {  	[dreg:$0x3] =	wrdreg s4  }
0xaa: {  	[dreg:$0x4] =	wrdreg $0xC0  }
0xab: {  	_ =	task [dreg:s6], $0x5FFFF  }
0xac: {  	[dreg:$0x1] =	wrdreg $0xFFFFFFFF  }
0xad: {  	[dreg:$0x0] =	wrdreg $0x60  }
0xae: {  	[dreg:$0x2] =	wrdreg s24  }
0xaf: {  	[dreg:$0x3] =	wrdreg $0x14B400  }
0xb0: {  	[dreg:$0x4] =	wrdreg $0x9  }
0xb1: {  	_ =	task.clear_ibuf [dreg:s6], $0x5FFFF;
	_ =	strace $0x90000049  }
0xb2: {  	s29 =	simm.s32 $0x9;
	_ =	strace $0x8000004B  }
0xb3: {  	_ =	swait.ge [sflag:s29], $0x1  }
0xb4: {  	[sflag:s29] =	ssyncadd.s32 $0xFFFFFFFF  }
0xb5: {  	_ =	strace $0x9000004B  }
0xb6: {  	_ =	sfence  }
0xb7: {  	s30 =	sld [smem:$0x0];
	_ =	sdelay $0x2  }
0xb8: {  	s31 =	sshll.u32 s1, $0xD;
	s1 =	sshrl.u32 s1, $0x2  }
0xb9: {  	s3 =	sand.u32 $0x4000, s31;
	s1 =	sadd.s32 s1, s30  }
0xba: {  	s0 =	sor.u32 s3, s0;
	s1 =	sshll.u32 s1, $0x11  }
0xbb: {  	s0 =	sor.u32 s1, s0  }
0xbc: {  	s0 =	sadd.s32 $0x8F2B, s0  }
0xbd: {  	[sflag:s0] =	ssyncadd.remote.s32 $0x1  }
0xbe: {  	_ =	sfence.sel $0xFFFF  }
0xbf: {  	[dreg:$0x0] =	wrdreg $0xFFFFFFFF;
	(pc) =	sbr.abs _section_cstart, $3  }
0xc0: {  	[dreg:$0x1] =	wrdreg $0xFFFFFFFF  }
0xc1: {  	_ =	task.clear_ibuf [dreg:s6], $0x2FFFF;
	_ =	strace $0x9FFFFFFF  }
0xc2: {  	(tm) =	ssettm $0x7FFFFFFF  }
0xc3: {  	_ =	shalt  }
tec
execute0_lowered:
.L_overlay_start_1:
0x0: {  	(tag) =	ssettag $0x1  }
0x1: {  	s0 =	rddreg [dreg:$0x0]  }
0x2: {  	s2 =	rddreg [dreg:$0x1];
	s3 =	simm.s32 $0x0;
	s1 =	srdreg.scid  }
0x3: {  	s9 =	stileid.u32;
	s12 =	simm.s32 $0x5;
	s14 =	simm.s32 $0x64  }
0x4: {  	s15 =	simm.s32 $0x5140;
	s17 =	simm.s32 $0x6A40;
	s19 =	simm.s32 $0x8340  }
0x5: {  	s28 =	simm.s32 $0x10040;
	s29 =	simm.s32 $0x11940;
	s4 =	smul.u32 $0x14000, s9  }
0x6: {  	s30 =	simm.s32 $0x13240;
	s31 =	simm.s32 $0x2;
	s6 =	smul.u32 $0xA28, s9  }
0x7: {  	[smem:$0x7FF] =	sst s3;
	s1 =	sand.u32 $0x1, s1;
	s21 =	smul.u32 $0x28000, s9  }
0x8: {  	s22 =	sadd.s32 $0x40200, s0;
	s24 =	sshll.u32 s9, $0x6;
	s5 =	sshll.u32 s1, $0x3  }
0x9: {  	s7 =	sshll.u32 s1, $0x6;
	_ =	strace $0x8000004A;
	[dreg:$0x3] =	wrdreg s22  }
0xa: {  	s1 =	ssub.s32 $0x2, s1;
	s8 =	sadd.s32 s5, s0;
	s4 =	sor.u32 s7, s4  }
0xb: {  	s20 =	sadd.s32 s6, s0;
	s23 =	sshrl.u32 s1, $0x1;
	s5 =	sshrl.u32 s21, $0x2  }
0xc: {  	s21 =	simm.s32 $0x9C40;
	s4 =	sshrl.u32 s4, $0x3;
	s1 =	ssub.s32 s1, s23  }
0xd: {  	s25 =	sadd.s32 s5, s2;
	s5 =	sor.u32 $0x1C05, s24;
	s6 =	sadd.s32 $0x35E00, s20  }
0xe: {  	s7 =	sadd.s32 $0x2BA00, s20;
	s8 =	sadd.s32 $0x3400, s8;
	s23 =	simm.s32 $0xB540  }
0xf: {  	s24 =	simm.s32 $0x1;
	s0 =	sadd.s32 s4, s0;
	s26 =	smax.u32 s1, $0x1  }
0x10: {  	s11 =	sshrl.u32 s25, $0x3;
	s25 =	simm.s32 $0xCE40;
	s1 =	simm.s32 $0x4  }
0x11: {  	s4 =	simm.s32 $0x0;
	s0 =	sadd.s32 $0x41600, s0;
	[dreg:$0x5] =	wrdreg s26  }
0x12: {  	s26 =	simm.s32 $0xE740;
	[dreg:$0x4] =	wrdreg s0;
	s0 =	simm.s32 $0x3  }
.LBB2_1:
0x13: {  	s9 =	rddreg [dreg:$0x3]  }
0x14: {  	[spmem:s11], [sflag:s5] =	dma.local [hbm:s9], $0x1400  }
0x15: {  	_ =	swait.ge [sflag:s12], $0x1400  }
0x16: {  	[sflag:s12] =	ssyncset.done $0x0  }
0x17: {  	[sflag:s12] =	ssyncadd.s32 $0xFFFFEC00  }
0x18: {  	[bflag:$0x0] =	sbarrier.arrive $0xFFFF  }
0x19: {  	[tilespmem:s3], [sflag:$0x5] =	stream.linear.gather [hbm4b:s6+s3], $0x28A0, $0x38;
	[tilespmem:$0x1EB40] =	vst v63  }
0x1a: {  	_ =	swait.ge [sflag:s12], $0x28A0  }
0x1b: {  	[sflag:s12] =	ssyncset.done $0x0  }
0x1c: {  	s22 =	simm.s32 $0x28A0;
	[sflag:s12] =	ssyncadd.s32 $0xFFFFD760  }
0x1d: {  	[tilespmem:s22], [sflag:$0x5] =	stream.linear.gather [hbm4b:s7+s3], $0x28A0, $0x38;
	[tilespmem:$0x1EB40] =	vst v63  }
0x1e: {  	_ =	swait.ge [sflag:s12], $0x28A0  }
0x1f: {  	[sflag:s12] =	ssyncset.done $0x0  }
0x20: {  	[sflag:s12] =	ssyncadd.s32 $0xFFFFD760  }
0x21: {  	[tilespmem:s15], [sflag:$0x1] =	stream.indirect.gather [hbm4b:s8+s14], $0x40, s3, s14, $0xb8;
	[tilespmem:$0x1EB40] =	vst v63  }
0x22: {  	s10 =	simm.s32 $0x68  }
0x23: {  	[tilespmem:s17], [sflag:$0x1] =	stream.indirect.gather [hbm4b:s8+s14], $0x40, s10, s14, $0xb8;
	[tilespmem:$0x1EB40] =	vst v63  }
0x24: {  	s13 =	simm.s32 $0xD0  }
0x25: {  	[tilespmem:s19], [sflag:$0x1] =	stream.indirect.gather [hbm4b:s8+s14], $0x40, s13, s14, $0xb8;
	[tilespmem:$0x1EB40] =	vst v63  }
0x26: {  	s16 =	simm.s32 $0x138  }
0x27: {  	[tilespmem:s21], [sflag:$0x1] =	stream.indirect.gather [hbm4b:s8+s14], $0x40, s16, s14, $0xb8;
	[tilespmem:$0x1EB40] =	vst v63  }
0x28: {  	s18 =	simm.s32 $0x1A0  }
0x29: {  	[tilespmem:s23], [sflag:$0x1] =	stream.indirect.gather [hbm4b:s8+s14], $0x40, s18, s14, $0xb8;
	[tilespmem:$0x1EB40] =	vst v63  }
0x2a: {  	_ =	swait.ge [sflag:s24], $0x1900  }
0x2b: {  	[sflag:s24] =	ssyncset.done $0x0  }
0x2c: {  	[sflag:s24] =	ssyncadd.s32 $0xFFFFE700  }
0x2d: {  	_ =	swait.ge [sflag:s24], $0x1900  }
0x2e: {  	[sflag:s24] =	ssyncset.done $0x0  }
0x2f: {  	[sflag:s24] =	ssyncadd.s32 $0xFFFFE700  }
0x30: {  	_ =	swait.ge [sflag:s24], $0x1900  }
0x31: {  	[sflag:s24] =	ssyncset.done $0x0  }
0x32: {  	[sflag:s24] =	ssyncadd.s32 $0xFFFFE700  }
0x33: {  	_ =	swait.ge [sflag:s24], $0x1900  }
0x34: {  	[sflag:s24] =	ssyncset.done $0x0  }
0x35: {  	[sflag:s24] =	ssyncadd.s32 $0xFFFFE700  }
0x36: {  	_ =	swait.ge [sflag:s24], $0x1900  }
0x37: {  	p0 =	por $0x1, $0x1;
	[sflag:s24] =	ssyncset.done $0x0  }
0x38: {  	s13 =	simm.s32 @!p0 $0x4;
	[sflag:s24] =	ssyncadd.s32 $0xFFFFE700  }
0x39: {  	_ =	swait.ge @!p0 [sflag:s13], $0x1900  }
0x3a: {  	[sflag:s13] =	ssyncset.done @!p0 $0x0  }
0x3b: {  	[sflag:s13] =	ssyncadd.s32 @!p0 $0xFFFFE700  }
0x3c: {  	_ =	swait.ge @!p0 [sflag:s13], $0x1900  }
0x3d: {  	[sflag:s13] =	ssyncset.done @!p0 $0x0  }
0x3e: {  	[sflag:s13] =	ssyncadd.s32 @!p0 $0xFFFFE700  }
0x3f: {  	_ =	swait.ge @!p0 [sflag:s13], $0x1900  }
0x40: {  	[sflag:s13] =	ssyncset.done @!p0 $0x0  }
0x41: {  	[sflag:s13] =	ssyncadd.s32 @!p0 $0xFFFFE700  }
0x42: {  	_ =	swait.ge @!p0 [sflag:s13], $0x1900  }
0x43: {  	[sflag:s13] =	ssyncset.done @!p0 $0x0  }
0x44: {  	[sflag:s13] =	ssyncadd.s32 @!p0 $0xFFFFE700  }
0x45: {  	_ =	swait.ge @!p0 [sflag:s13], $0x1900  }
0x46: {  	[sflag:s13] =	ssyncset.done @!p0 $0x0  }
0x47: {  	s20 =	simm.s32 $0x208;
	[sflag:s13] =	ssyncadd.s32 @!p0 $0xFFFFE700  }
0x48: {  	[tilespmem:s25], [sflag:$0x2] =	stream.indirect.gather [hbm4b:s8+s14], $0x40, s20, s14, $0xb8;
	[tilespmem:$0x1EB40] =	vst v63  }
0x49: {  	s22 =	simm.s32 $0x270  }
0x4a: {  	[tilespmem:s26], [sflag:$0x2] =	stream.indirect.gather [hbm4b:s8+s14], $0x40, s22, s14, $0xb8;
	[tilespmem:$0x1EB40] =	vst v63  }
0x4b: {  	s9 =	simm.s32 $0x2D8  }
0x4c: {  	[tilespmem:s28], [sflag:$0x2] =	stream.indirect.gather [hbm4b:s8+s14], $0x40, s9, s14, $0xb8;
	[tilespmem:$0x1EB40] =	vst v63  }
0x4d: {  	s10 =	simm.s32 $0x340  }
0x4e: {  	[tilespmem:s29], [sflag:$0x2] =	stream.indirect.gather [hbm4b:s8+s14], $0x40, s10, s14, $0xb8;
	[tilespmem:$0x1EB40] =	vst v63  }
0x4f: {  	s16 =	simm.s32 $0x3A8  }
0x50: {  	[tilespmem:s30], [sflag:$0x2] =	stream.indirect.gather [hbm4b:s8+s14], $0x40, s16, s14, $0xb8;
	[tilespmem:$0x1EB40] =	vst v63  }
0x51: {  	s18 =	simm.s32 $0x28A0  }
0x52: {  	[spmem:s2] =	stream.indirect.scatter.add.f32 [tilespmem:s15], [sflag:$0x3], $0x40, s18, s14, $0xb8;
	[tilespmem:$0x1EB40] =	vst v63  }
0x53: {  	s20 =	simm.s32 $0x2908  }
0x54: {  	[spmem:s2] =	stream.indirect.scatter.add.f32 [tilespmem:s17], [sflag:$0x3], $0x40, s20, s14, $0xb8;
	[tilespmem:$0x1EB40] =	vst v63  }
0x55: {  	s22 =	simm.s32 $0x2970  }
0x56: {  	[spmem:s2] =	stream.indirect.scatter.add.f32 [tilespmem:s19], [sflag:$0x3], $0x40, s22, s14, $0xb8;
	[tilespmem:$0x1EB40] =	vst v63  }
0x57: {  	s9 =	simm.s32 $0x29D8  }
0x58: {  	[spmem:s2] =	stream.indirect.scatter.add.f32 [tilespmem:s21], [sflag:$0x3], $0x40, s9, s14, $0xb8;
	[tilespmem:$0x1EB40] =	vst v63  }
0x59: {  	s10 =	simm.s32 $0x2A40  }
0x5a: {  	[spmem:s2] =	stream.indirect.scatter.add.f32 [tilespmem:s23], [sflag:$0x3], $0x40, s10, s14, $0xb8;
	[tilespmem:$0x1EB40] =	vst v63  }
0x5b: {  	_ =	swait.ge [sflag:s31], $0x1900  }
0x5c: {  	[sflag:s31] =	ssyncset.done $0x0  }
0x5d: {  	[sflag:s31] =	ssyncadd.s32 $0xFFFFE700  }
0x5e: {  	_ =	swait.ge [sflag:s31], $0x1900  }
0x5f: {  	[sflag:s31] =	ssyncset.done $0x0  }
0x60: {  	[sflag:s31] =	ssyncadd.s32 $0xFFFFE700  }
0x61: {  	_ =	swait.ge [sflag:s31], $0x1900  }
0x62: {  	[sflag:s31] =	ssyncset.done $0x0  }
0x63: {  	[sflag:s31] =	ssyncadd.s32 $0xFFFFE700  }
0x64: {  	_ =	swait.ge [sflag:s31], $0x1900  }
0x65: {  	[sflag:s31] =	ssyncset.done $0x0  }
0x66: {  	[sflag:s31] =	ssyncadd.s32 $0xFFFFE700  }
0x67: {  	_ =	swait.ge [sflag:s31], $0x1900  }
0x68: {  	[sflag:s31] =	ssyncset.done $0x0  }
0x69: {  	[sflag:s31] =	ssyncadd.s32 $0xFFFFE700  }
0x6a: {  	_ =	swait.ge [sflag:s0], $0x1900  }
0x6b: {  	[sflag:s0] =	ssyncset.done $0x0  }
0x6c: {  	[sflag:s0] =	ssyncadd.s32 $0xFFFFE700  }
0x6d: {  	_ =	swait.ge [sflag:s0], $0x1900  }
0x6e: {  	[sflag:s0] =	ssyncset.done $0x0  }
0x6f: {  	[sflag:s0] =	ssyncadd.s32 $0xFFFFE700  }
0x70: {  	_ =	swait.ge [sflag:s0], $0x1900  }
0x71: {  	[sflag:s0] =	ssyncset.done $0x0  }
0x72: {  	[sflag:s0] =	ssyncadd.s32 $0xFFFFE700  }
0x73: {  	_ =	swait.ge [sflag:s0], $0x1900  }
0x74: {  	[sflag:s0] =	ssyncset.done $0x0  }
0x75: {  	[sflag:s0] =	ssyncadd.s32 $0xFFFFE700  }
0x76: {  	p0 =	por $0x0, $0x0;
	_ =	swait.ge [sflag:s0], $0x1900  }
0x77: {  	s13 =	simm.s32 @!p0 $0x5140;
	[sflag:s0] =	ssyncset.done $0x0  }
0x78: {  	s16 =	simm.s32 @!p0 $0x410;
	s18 =	simm.s32 @!p0 $0x64;
	[sflag:s0] =	ssyncadd.s32 $0xFFFFE700  }
0x79: {  	[tilespmem:s13], [sflag:$0x1] =	stream.indirect.gather @!p0 [hbm4b:s8+s18], $0x40, s16, s18, $0xb8;
	[tilespmem:$0x1EB40] =	vst v63  }
0x7a: {  	s13 =	simm.s32 @!p0 $0x478;
	s16 =	simm.s32 @!p0 $0x6A40  }
0x7b: {  	[tilespmem:s16], [sflag:$0x1] =	stream.indirect.gather @!p0 [hbm4b:s8+s18], $0x40, s13, s18, $0xb8;
	[tilespmem:$0x1EB40] =	vst v63  }
0x7c: {  	s13 =	simm.s32 @!p0 $0x4E0;
	s16 =	simm.s32 @!p0 $0x8340  }
0x7d: {  	[tilespmem:s16], [sflag:$0x1] =	stream.indirect.gather @!p0 [hbm4b:s8+s18], $0x40, s13, s18, $0xb8;
	[tilespmem:$0x1EB40] =	vst v63  }
0x7e: {  	s13 =	simm.s32 @!p0 $0x548;
	s16 =	simm.s32 @!p0 $0x9C40  }
0x7f: {  	[tilespmem:s16], [sflag:$0x1] =	stream.indirect.gather @!p0 [hbm4b:s8+s18], $0x40, s13, s18, $0xb8;
	[tilespmem:$0x1EB40] =	vst v63  }
0x80: {  	s13 =	simm.s32 @!p0 $0x5B0;
	s16 =	simm.s32 @!p0 $0xB540  }
0x81: {  	[tilespmem:s16], [sflag:$0x1] =	stream.indirect.gather @!p0 [hbm4b:s8+s18], $0x40, s13, s18, $0xb8;
	[tilespmem:$0x1EB40] =	vst v63  }
0x82: {  	s16 =	simm.s32 $0x2AA8  }
0x83: {  	[spmem:s2] =	stream.indirect.scatter.add.f32 [tilespmem:s25], [sflag:$0x4], $0x40, s16, s14, $0xb8;
	[tilespmem:$0x1EB40] =	vst v63  }
0x84: {  	s18 =	simm.s32 $0x2B10  }
0x85: {  	[spmem:s2] =	stream.indirect.scatter.add.f32 [tilespmem:s26], [sflag:$0x4], $0x40, s18, s14, $0xb8;
	[tilespmem:$0x1EB40] =	vst v63  }
0x86: {  	s20 =	simm.s32 $0x2B78  }
0x87: {  	[spmem:s2] =	stream.indirect.scatter.add.f32 [tilespmem:s28], [sflag:$0x4], $0x40, s20, s14, $0xb8;
	[tilespmem:$0x1EB40] =	vst v63  }
0x88: {  	s22 =	simm.s32 $0x2BE0;
	s13 =	simm.s32 $0x1040;
	s16 =	simm.s32 $0x2C48  }
0x89: {  	[spmem:s2] =	stream.indirect.scatter.add.f32 [tilespmem:s29], [sflag:$0x4], $0x40, s22, s14, $0xb8;
	[tilespmem:$0x1EB40] =	vst v63  }
.LBB2_2:
0x8a: {  	[spmem:s2] =	stream.indirect.scatter.add.f32 [tilespmem:s30], [sflag:$0x4], $0x40, s16, s14, $0xb8;
	[tilespmem:$0x1EB40] =	vst v63  }
0x8b: {  	s16 =	smov.u32 s13;
	s13 =	sadd.s32 $0x1040, s13;
	_ =	swait.ge [sflag:s24], $0x1900  }
0x8c: {  	p0 =	sne.s32 s13, $0xA280;
	[sflag:s24] =	ssyncset.done $0x0  }
0x8d: {  	[sflag:s24] =	ssyncadd.s32 $0xFFFFE700  }
0x8e: {  	_ =	swait.ge [sflag:s24], $0x1900  }
0x8f: {  	[sflag:s24] =	ssyncset.done $0x0  }
0x90: {  	[sflag:s24] =	ssyncadd.s32 $0xFFFFE700  }
0x91: {  	_ =	swait.ge [sflag:s24], $0x1900  }
0x92: {  	[sflag:s24] =	ssyncset.done $0x0  }
0x93: {  	[sflag:s24] =	ssyncadd.s32 $0xFFFFE700  }
0x94: {  	_ =	swait.ge [sflag:s24], $0x1900  }
0x95: {  	[sflag:s24] =	ssyncset.done $0x0  }
0x96: {  	[sflag:s24] =	ssyncadd.s32 $0xFFFFE700  }
0x97: {  	_ =	swait.ge [sflag:s24], $0x1900  }
0x98: {  	p1 =	seq.s32 s16, $0x0;
	[sflag:s24] =	ssyncset.done $0x0  }
0x99: {  	s20 =	simm.s32 @!p1 $0x4;
	[sflag:s24] =	ssyncadd.s32 $0xFFFFE700  }
0x9a: {  	_ =	swait.ge @!p1 [sflag:s20], $0x1900  }
0x9b: {  	[sflag:s20] =	ssyncset.done @!p1 $0x0  }
0x9c: {  	[sflag:s20] =	ssyncadd.s32 @!p1 $0xFFFFE700  }
0x9d: {  	_ =	swait.ge @!p1 [sflag:s20], $0x1900  }
0x9e: {  	[sflag:s20] =	ssyncset.done @!p1 $0x0  }
0x9f: {  	[sflag:s20] =	ssyncadd.s32 @!p1 $0xFFFFE700  }
0xa0: {  	_ =	swait.ge @!p1 [sflag:s20], $0x1900  }
0xa1: {  	[sflag:s20] =	ssyncset.done @!p1 $0x0  }
0xa2: {  	[sflag:s20] =	ssyncadd.s32 @!p1 $0xFFFFE700  }
0xa3: {  	_ =	swait.ge @!p1 [sflag:s20], $0x1900  }
0xa4: {  	[sflag:s20] =	ssyncset.done @!p1 $0x0  }
0xa5: {  	[sflag:s20] =	ssyncadd.s32 @!p1 $0xFFFFE700  }
0xa6: {  	_ =	swait.ge @!p1 [sflag:s20], $0x1900  }
0xa7: {  	s18 =	sshra.s32 s16, $0x2;
	[sflag:s20] =	ssyncset.done @!p1 $0x0  }
0xa8: {  	[sflag:s20] =	ssyncadd.s32 @!p1 $0xFFFFE700;
	s20 =	sadd.s32 $0x208, s18  }
0xa9: {  	[tilespmem:s25], [sflag:$0x2] =	stream.indirect.gather [hbm4b:s8+s14], $0x40, s20, s14, $0xb8;
	[tilespmem:$0x1EB40] =	vst v63  }
0xaa: {  	s20 =	sadd.s32 $0x270, s18  }
0xab: {  	[tilespmem:s26], [sflag:$0x2] =	stream.indirect.gather [hbm4b:s8+s14], $0x40, s20, s14, $0xb8;
	[tilespmem:$0x1EB40] =	vst v63  }
0xac: {  	s20 =	sadd.s32 $0x2D8, s18  }
0xad: {  	[tilespmem:s28], [sflag:$0x2] =	stream.indirect.gather [hbm4b:s8+s14], $0x40, s20, s14, $0xb8;
	[tilespmem:$0x1EB40] =	vst v63  }
0xae: {  	s20 =	sadd.s32 $0x340, s18  }
0xaf: {  	[tilespmem:s29], [sflag:$0x2] =	stream.indirect.gather [hbm4b:s8+s14], $0x40, s20, s14, $0xb8;
	[tilespmem:$0x1EB40] =	vst v63  }
0xb0: {  	s20 =	sadd.s32 $0x3A8, s18  }
0xb1: {  	[tilespmem:s30], [sflag:$0x2] =	stream.indirect.gather [hbm4b:s8+s14], $0x40, s20, s14, $0xb8;
	[tilespmem:$0x1EB40] =	vst v63  }
0xb2: {  	s20 =	sadd.s32 $0x28A0, s18  }
0xb3: {  	[spmem:s2] =	stream.indirect.scatter.add.f32 [tilespmem:s15], [sflag:$0x3], $0x40, s20, s14, $0xb8;
	[tilespmem:$0x1EB40] =	vst v63  }
0xb4: {  	s20 =	sadd.s32 $0x2908, s18  }
0xb5: {  	[spmem:s2] =	stream.indirect.scatter.add.f32 [tilespmem:s17], [sflag:$0x3], $0x40, s20, s14, $0xb8;
	[tilespmem:$0x1EB40] =	vst v63  }
0xb6: {  	s20 =	sadd.s32 $0x2970, s18  }
0xb7: {  	[spmem:s2] =	stream.indirect.scatter.add.f32 [tilespmem:s19], [sflag:$0x3], $0x40, s20, s14, $0xb8;
	[tilespmem:$0x1EB40] =	vst v63  }
0xb8: {  	s20 =	sadd.s32 $0x29D8, s18  }
0xb9: {  	[spmem:s2] =	stream.indirect.scatter.add.f32 [tilespmem:s21], [sflag:$0x3], $0x40, s20, s14, $0xb8;
	[tilespmem:$0x1EB40] =	vst v63  }
0xba: {  	s20 =	sadd.s32 $0x2A40, s18  }
0xbb: {  	[spmem:s2] =	stream.indirect.scatter.add.f32 [tilespmem:s23], [sflag:$0x3], $0x40, s20, s14, $0xb8;
	[tilespmem:$0x1EB40] =	vst v63  }
0xbc: {  	_ =	swait.ge [sflag:s31], $0x1900  }
0xbd: {  	[sflag:s31] =	ssyncset.done $0x0  }
0xbe: {  	[sflag:s31] =	ssyncadd.s32 $0xFFFFE700  }
0xbf: {  	_ =	swait.ge [sflag:s31], $0x1900  }
0xc0: {  	[sflag:s31] =	ssyncset.done $0x0  }
0xc1: {  	[sflag:s31] =	ssyncadd.s32 $0xFFFFE700  }
0xc2: {  	_ =	swait.ge [sflag:s31], $0x1900  }
0xc3: {  	[sflag:s31] =	ssyncset.done $0x0  }
0xc4: {  	[sflag:s31] =	ssyncadd.s32 $0xFFFFE700  }
0xc5: {  	_ =	swait.ge [sflag:s31], $0x1900  }
0xc6: {  	[sflag:s31] =	ssyncset.done $0x0  }
0xc7: {  	[sflag:s31] =	ssyncadd.s32 $0xFFFFE700  }
0xc8: {  	_ =	swait.ge [sflag:s31], $0x1900  }
0xc9: {  	[sflag:s31] =	ssyncset.done $0x0  }
0xca: {  	[sflag:s31] =	ssyncadd.s32 $0xFFFFE700  }
0xcb: {  	_ =	swait.ge [sflag:s0], $0x1900  }
0xcc: {  	[sflag:s0] =	ssyncset.done $0x0  }
0xcd: {  	[sflag:s0] =	ssyncadd.s32 $0xFFFFE700  }
0xce: {  	_ =	swait.ge [sflag:s0], $0x1900  }
0xcf: {  	[sflag:s0] =	ssyncset.done $0x0  }
0xd0: {  	[sflag:s0] =	ssyncadd.s32 $0xFFFFE700  }
0xd1: {  	_ =	swait.ge [sflag:s0], $0x1900  }
0xd2: {  	[sflag:s0] =	ssyncset.done $0x0  }
0xd3: {  	[sflag:s0] =	ssyncadd.s32 $0xFFFFE700  }
0xd4: {  	_ =	swait.ge [sflag:s0], $0x1900  }
0xd5: {  	[sflag:s0] =	ssyncset.done $0x0  }
0xd6: {  	[sflag:s0] =	ssyncadd.s32 $0xFFFFE700  }
0xd7: {  	p1 =	seq.s32 s16, $0x9240;
	_ =	swait.ge [sflag:s0], $0x1900  }
0xd8: {  	s16 =	sshra.s32 @!p1 s16, $0x2;
	s20 =	simm.s32 @!p1 $0x5140;
	[sflag:s0] =	ssyncset.done $0x0  }
0xd9: {  	s10 =	simm.s32 @!p1 $0x64;
	s9 =	sadd.s32 @!p1 $0x410, s16;
	[sflag:s0] =	ssyncadd.s32 $0xFFFFE700  }
0xda: {  	[tilespmem:s20], [sflag:$0x1] =	stream.indirect.gather @!p1 [hbm4b:s8+s10], $0x40, s9, s10, $0xb8;
	[tilespmem:$0x1EB40] =	vst v63  }
0xdb: {  	s22 =	sadd.s32 @!p1 $0x4E0, s16;
	s9 =	sadd.s32 @!p1 $0x478, s16;
	s20 =	simm.s32 @!p1 $0x6A40  }
0xdc: {  	[tilespmem:s20], [sflag:$0x1] =	stream.indirect.gather @!p1 [hbm4b:s8+s10], $0x40, s9, s10, $0xb8;
	[tilespmem:$0x1EB40] =	vst v63  }
0xdd: {  	s9 =	simm.s32 @!p1 $0x8340;
	s20 =	sadd.s32 @!p1 $0x548, s16;
	s16 =	sadd.s32 @!p1 $0x5B0, s16  }
0xde: {  	[tilespmem:s9], [sflag:$0x1] =	stream.indirect.gather @!p1 [hbm4b:s8+s10], $0x40, s22, s10, $0xb8;
	[tilespmem:$0x1EB40] =	vst v63  }
0xdf: {  	s9 =	simm.s32 @!p1 $0x9C40  }
0xe0: {  	[tilespmem:s9], [sflag:$0x1] =	stream.indirect.gather @!p1 [hbm4b:s8+s10], $0x40, s20, s10, $0xb8;
	[tilespmem:$0x1EB40] =	vst v63  }
0xe1: {  	s9 =	simm.s32 @!p1 $0xB540  }
0xe2: {  	[tilespmem:s9], [sflag:$0x1] =	stream.indirect.gather @!p1 [hbm4b:s8+s10], $0x40, s16, s10, $0xb8;
	[tilespmem:$0x1EB40] =	vst v63  }
0xe3: {  	s9 =	sadd.s32 $0x2AA8, s18  }
0xe4: {  	[spmem:s2] =	stream.indirect.scatter.add.f32 [tilespmem:s25], [sflag:$0x4], $0x40, s9, s14, $0xb8;
	[tilespmem:$0x1EB40] =	vst v63  }
0xe5: {  	s9 =	sadd.s32 $0x2B10, s18  }
0xe6: {  	[spmem:s2] =	stream.indirect.scatter.add.f32 [tilespmem:s26], [sflag:$0x4], $0x40, s9, s14, $0xb8;
	[tilespmem:$0x1EB40] =	vst v63  }
.Ltmp0:
0xe7: {  	s9 =	sadd.s32 $0x2B78, s18;
	(pc) =	sbr.rel @p0 .LBB2_2-.Ltmp0, $4  }
0xe8: {  	[spmem:s2] =	stream.indirect.scatter.add.f32 [tilespmem:s28], [sflag:$0x4], $0x40, s9, s14, $0xb8;
	[tilespmem:$0x1EB40] =	vst v63  }
0xe9: {  	s9 =	sadd.s32 $0x2BE0, s18  }
0xea: {  	[spmem:s2] =	stream.indirect.scatter.add.f32 [tilespmem:s29], [sflag:$0x4], $0x40, s9, s14, $0xb8;
	[tilespmem:$0x1EB40] =	vst v63  }
0xeb: {  	s16 =	sadd.s32 $0x2C48, s18  }
0xec: {  	[spmem:s2] =	stream.indirect.scatter.add.f32 [tilespmem:s30], [sflag:$0x4], $0x40, s16, s14, $0xb8;
	[tilespmem:$0x1EB40] =	vst v63  }
0xed: {  	_ =	swait.ge [sflag:s1], $0x1900  }
0xee: {  	[sflag:s1] =	ssyncset.done $0x0  }
0xef: {  	[sflag:s1] =	ssyncadd.s32 $0xFFFFE700  }
0xf0: {  	_ =	swait.ge [sflag:s1], $0x1900  }
0xf1: {  	[sflag:s1] =	ssyncset.done $0x0  }
0xf2: {  	[sflag:s1] =	ssyncadd.s32 $0xFFFFE700  }
0xf3: {  	_ =	swait.ge [sflag:s1], $0x1900  }
0xf4: {  	[sflag:s1] =	ssyncset.done $0x0  }
0xf5: {  	[sflag:s1] =	ssyncadd.s32 $0xFFFFE700  }
0xf6: {  	_ =	swait.ge [sflag:s1], $0x1900  }
0xf7: {  	[sflag:s1] =	ssyncset.done $0x0  }
0xf8: {  	[sflag:s1] =	ssyncadd.s32 $0xFFFFE700  }
0xf9: {  	_ =	swait.ge [sflag:s1], $0x1900  }
0xfa: {  	[sflag:s1] =	ssyncset.done $0x0  }
0xfb: {  	s9 =	sadd.s32 $0x514, s6;
	s10 =	simm.s32 $0x0;
	[sflag:s1] =	ssyncadd.s32 $0xFFFFE700  }
0xfc: {  	[tilespmem:s10], [sflag:$0x5] =	stream.linear.gather [hbm4b:s9+s10], $0x28A0, $0x38;
	[tilespmem:$0x1EB40] =	vst v63  }
0xfd: {  	_ =	swait.ge [sflag:s12], $0x28A0  }
0xfe: {  	[sflag:s12] =	ssyncset.done $0x0  }
0xff: {  	s22 =	sadd.s32 $0x514, s7;
	s13 =	simm.s32 $0x28A0;
	[sflag:s12] =	ssyncadd.s32 $0xFFFFD760  }
0x100: {  	[tilespmem:s13], [sflag:$0x5] =	stream.linear.gather [hbm4b:s22+s10], $0x28A0, $0x38;
	[tilespmem:$0x1EB40] =	vst v63  }
0x101: {  	_ =	swait.ge [sflag:s12], $0x28A0  }
0x102: {  	[sflag:s12] =	ssyncset.done $0x0  }
0x103: {  	[sflag:s12] =	ssyncadd.s32 $0xFFFFD760  }
0x104: {  	[tilespmem:s15], [sflag:$0x1] =	stream.indirect.gather [hbm4b:s8+s14], $0x40, s10, s14, $0xb8;
	[tilespmem:$0x1EB40] =	vst v63  }
0x105: {  	s10 =	simm.s32 $0x68  }
0x106: {  	[tilespmem:s17], [sflag:$0x1] =	stream.indirect.gather [hbm4b:s8+s14], $0x40, s10, s14, $0xb8;
	[tilespmem:$0x1EB40] =	vst v63  }
0x107: {  	s13 =	simm.s32 $0xD0  }
0x108: {  	[tilespmem:s19], [sflag:$0x1] =	stream.indirect.gather [hbm4b:s8+s14], $0x40, s13, s14, $0xb8;
	[tilespmem:$0x1EB40] =	vst v63  }
0x109: {  	s16 =	simm.s32 $0x138  }
0x10a: {  	[tilespmem:s21], [sflag:$0x1] =	stream.indirect.gather [hbm4b:s8+s14], $0x40, s16, s14, $0xb8;
	[tilespmem:$0x1EB40] =	vst v63  }
0x10b: {  	s18 =	simm.s32 $0x1A0  }
0x10c: {  	[tilespmem:s23], [sflag:$0x1] =	stream.indirect.gather [hbm4b:s8+s14], $0x40, s18, s14, $0xb8;
	[tilespmem:$0x1EB40] =	vst v63  }
0x10d: {  	_ =	swait.ge [sflag:s24], $0x1900  }
0x10e: {  	[sflag:s24] =	ssyncset.done $0x0  }
0x10f: {  	[sflag:s24] =	ssyncadd.s32 $0xFFFFE700  }
0x110: {  	_ =	swait.ge [sflag:s24], $0x1900  }
0x111: {  	[sflag:s24] =	ssyncset.done $0x0  }
0x112: {  	[sflag:s24] =	ssyncadd.s32 $0xFFFFE700  }
0x113: {  	_ =	swait.ge [sflag:s24], $0x1900  }
0x114: {  	[sflag:s24] =	ssyncset.done $0x0  }
0x115: {  	[sflag:s24] =	ssyncadd.s32 $0xFFFFE700  }
0x116: {  	_ =	swait.ge [sflag:s24], $0x1900  }
0x117: {  	[sflag:s24] =	ssyncset.done $0x0  }
0x118: {  	[sflag:s24] =	ssyncadd.s32 $0xFFFFE700  }
0x119: {  	_ =	swait.ge [sflag:s24], $0x1900  }
0x11a: {  	p0 =	por $0x1, $0x1;
	[sflag:s24] =	ssyncset.done $0x0  }
0x11b: {  	s9 =	simm.s32 @!p0 $0x4;
	[sflag:s24] =	ssyncadd.s32 $0xFFFFE700  }
0x11c: {  	_ =	swait.ge @!p0 [sflag:s9], $0x1900  }
0x11d: {  	[sflag:s9] =	ssyncset.done @!p0 $0x0  }
0x11e: {  	[sflag:s9] =	ssyncadd.s32 @!p0 $0xFFFFE700  }
0x11f: {  	_ =	swait.ge @!p0 [sflag:s9], $0x1900  }
0x120: {  	[sflag:s9] =	ssyncset.done @!p0 $0x0  }
0x121: {  	[sflag:s9] =	ssyncadd.s32 @!p0 $0xFFFFE700  }
0x122: {  	_ =	swait.ge @!p0 [sflag:s9], $0x1900  }
0x123: {  	[sflag:s9] =	ssyncset.done @!p0 $0x0  }
0x124: {  	[sflag:s9] =	ssyncadd.s32 @!p0 $0xFFFFE700  }
0x125: {  	_ =	swait.ge @!p0 [sflag:s9], $0x1900  }
0x126: {  	[sflag:s9] =	ssyncset.done @!p0 $0x0  }
0x127: {  	[sflag:s9] =	ssyncadd.s32 @!p0 $0xFFFFE700  }
0x128: {  	_ =	swait.ge @!p0 [sflag:s9], $0x1900  }
0x129: {  	[sflag:s9] =	ssyncset.done @!p0 $0x0  }
0x12a: {  	s20 =	simm.s32 $0x208;
	[sflag:s9] =	ssyncadd.s32 @!p0 $0xFFFFE700  }
0x12b: {  	[tilespmem:s25], [sflag:$0x2] =	stream.indirect.gather [hbm4b:s8+s14], $0x40, s20, s14, $0xb8;
	[tilespmem:$0x1EB40] =	vst v63  }
0x12c: {  	s22 =	simm.s32 $0x270  }
0x12d: {  	[tilespmem:s26], [sflag:$0x2] =	stream.indirect.gather [hbm4b:s8+s14], $0x40, s22, s14, $0xb8;
	[tilespmem:$0x1EB40] =	vst v63  }
0x12e: {  	s10 =	simm.s32 $0x2D8  }
0x12f: {  	[tilespmem:s28], [sflag:$0x2] =	stream.indirect.gather [hbm4b:s8+s14], $0x40, s10, s14, $0xb8;
	[tilespmem:$0x1EB40] =	vst v63  }
0x130: {  	s13 =	simm.s32 $0x340  }
0x131: {  	[tilespmem:s29], [sflag:$0x2] =	stream.indirect.gather [hbm4b:s8+s14], $0x40, s13, s14, $0xb8;
	[tilespmem:$0x1EB40] =	vst v63  }
0x132: {  	s16 =	simm.s32 $0x3A8  }
0x133: {  	[tilespmem:s30], [sflag:$0x2] =	stream.indirect.gather [hbm4b:s8+s14], $0x40, s16, s14, $0xb8;
	[tilespmem:$0x1EB40] =	vst v63  }
0x134: {  	s18 =	simm.s32 $0x28A0  }
0x135: {  	[spmem:s2] =	stream.indirect.scatter.add.f32 [tilespmem:s15], [sflag:$0x3], $0x40, s18, s14, $0xb8;
	[tilespmem:$0x1EB40] =	vst v63  }
0x136: {  	s20 =	simm.s32 $0x2908  }
0x137: {  	[spmem:s2] =	stream.indirect.scatter.add.f32 [tilespmem:s17], [sflag:$0x3], $0x40, s20, s14, $0xb8;
	[tilespmem:$0x1EB40] =	vst v63  }
0x138: {  	s22 =	simm.s32 $0x2970  }
0x139: {  	[spmem:s2] =	stream.indirect.scatter.add.f32 [tilespmem:s19], [sflag:$0x3], $0x40, s22, s14, $0xb8;
	[tilespmem:$0x1EB40] =	vst v63  }
0x13a: {  	s10 =	simm.s32 $0x29D8  }
0x13b: {  	[spmem:s2] =	stream.indirect.scatter.add.f32 [tilespmem:s21], [sflag:$0x3], $0x40, s10, s14, $0xb8;
	[tilespmem:$0x1EB40] =	vst v63  }
0x13c: {  	s13 =	simm.s32 $0x2A40  }
0x13d: {  	[spmem:s2] =	stream.indirect.scatter.add.f32 [tilespmem:s23], [sflag:$0x3], $0x40, s13, s14, $0xb8;
	[tilespmem:$0x1EB40] =	vst v63  }
0x13e: {  	_ =	swait.ge [sflag:s31], $0x1900  }
0x13f: {  	[sflag:s31] =	ssyncset.done $0x0  }
0x140: {  	[sflag:s31] =	ssyncadd.s32 $0xFFFFE700  }
0x141: {  	_ =	swait.ge [sflag:s31], $0x1900  }
0x142: {  	[sflag:s31] =	ssyncset.done $0x0  }
0x143: {  	[sflag:s31] =	ssyncadd.s32 $0xFFFFE700  }
0x144: {  	_ =	swait.ge [sflag:s31], $0x1900  }
0x145: {  	[sflag:s31] =	ssyncset.done $0x0  }
0x146: {  	[sflag:s31] =	ssyncadd.s32 $0xFFFFE700  }
0x147: {  	_ =	swait.ge [sflag:s31], $0x1900  }
0x148: {  	[sflag:s31] =	ssyncset.done $0x0  }
0x149: {  	[sflag:s31] =	ssyncadd.s32 $0xFFFFE700  }
0x14a: {  	_ =	swait.ge [sflag:s31], $0x1900  }
0x14b: {  	[sflag:s31] =	ssyncset.done $0x0  }
0x14c: {  	[sflag:s31] =	ssyncadd.s32 $0xFFFFE700  }
0x14d: {  	_ =	swait.ge [sflag:s0], $0x1900  }
0x14e: {  	[sflag:s0] =	ssyncset.done $0x0  }
0x14f: {  	[sflag:s0] =	ssyncadd.s32 $0xFFFFE700  }
0x150: {  	_ =	swait.ge [sflag:s0], $0x1900  }
0x151: {  	[sflag:s0] =	ssyncset.done $0x0  }
0x152: {  	[sflag:s0] =	ssyncadd.s32 $0xFFFFE700  }
0x153: {  	_ =	swait.ge [sflag:s0], $0x1900  }
0x154: {  	[sflag:s0] =	ssyncset.done $0x0  }
0x155: {  	[sflag:s0] =	ssyncadd.s32 $0xFFFFE700  }
0x156: {  	_ =	swait.ge [sflag:s0], $0x1900  }
0x157: {  	[sflag:s0] =	ssyncset.done $0x0  }
0x158: {  	[sflag:s0] =	ssyncadd.s32 $0xFFFFE700  }
0x159: {  	p0 =	por $0x0, $0x0;
	_ =	swait.ge [sflag:s0], $0x1900  }
0x15a: {  	s9 =	simm.s32 @!p0 $0x5140;
	[sflag:s0] =	ssyncset.done $0x0  }
0x15b: {  	s10 =	simm.s32 @!p0 $0x410;
	s13 =	simm.s32 @!p0 $0x64;
	[sflag:s0] =	ssyncadd.s32 $0xFFFFE700  }
0x15c: {  	[tilespmem:s9], [sflag:$0x1] =	stream.indirect.gather @!p0 [hbm4b:s8+s13], $0x40, s10, s13, $0xb8;
	[tilespmem:$0x1EB40] =	vst v63  }
0x15d: {  	s9 =	simm.s32 @!p0 $0x478;
	s10 =	simm.s32 @!p0 $0x6A40  }
0x15e: {  	[tilespmem:s10], [sflag:$0x1] =	stream.indirect.gather @!p0 [hbm4b:s8+s13], $0x40, s9, s13, $0xb8;
	[tilespmem:$0x1EB40] =	vst v63  }
0x15f: {  	s9 =	simm.s32 @!p0 $0x4E0;
	s10 =	simm.s32 @!p0 $0x8340  }
0x160: {  	[tilespmem:s10], [sflag:$0x1] =	stream.indirect.gather @!p0 [hbm4b:s8+s13], $0x40, s9, s13, $0xb8;
	[tilespmem:$0x1EB40] =	vst v63  }
0x161: {  	s9 =	simm.s32 @!p0 $0x548;
	s10 =	simm.s32 @!p0 $0x9C40  }
0x162: {  	[tilespmem:s10], [sflag:$0x1] =	stream.indirect.gather @!p0 [hbm4b:s8+s13], $0x40, s9, s13, $0xb8;
	[tilespmem:$0x1EB40] =	vst v63  }
0x163: {  	s9 =	simm.s32 @!p0 $0x5B0;
	s10 =	simm.s32 @!p0 $0xB540  }
0x164: {  	[tilespmem:s10], [sflag:$0x1] =	stream.indirect.gather @!p0 [hbm4b:s8+s13], $0x40, s9, s13, $0xb8;
	[tilespmem:$0x1EB40] =	vst v63  }
0x165: {  	s16 =	simm.s32 $0x2AA8  }
0x166: {  	[spmem:s2] =	stream.indirect.scatter.add.f32 [tilespmem:s25], [sflag:$0x4], $0x40, s16, s14, $0xb8;
	[tilespmem:$0x1EB40] =	vst v63  }
0x167: {  	s18 =	simm.s32 $0x2B10  }
0x168: {  	[spmem:s2] =	stream.indirect.scatter.add.f32 [tilespmem:s26], [sflag:$0x4], $0x40, s18, s14, $0xb8;
	[tilespmem:$0x1EB40] =	vst v63  }
0x169: {  	s20 =	simm.s32 $0x2B78  }
0x16a: {  	[spmem:s2] =	stream.indirect.scatter.add.f32 [tilespmem:s28], [sflag:$0x4], $0x40, s20, s14, $0xb8;
	[tilespmem:$0x1EB40] =	vst v63  }
0x16b: {  	s22 =	simm.s32 $0x2BE0;
	s13 =	simm.s32 $0x1040;
	s16 =	simm.s32 $0x2C48  }
0x16c: {  	[spmem:s2] =	stream.indirect.scatter.add.f32 [tilespmem:s29], [sflag:$0x4], $0x40, s22, s14, $0xb8;
	[tilespmem:$0x1EB40] =	vst v63  }
.LBB2_4:
0x16d: {  	[spmem:s2] =	stream.indirect.scatter.add.f32 [tilespmem:s30], [sflag:$0x4], $0x40, s16, s14, $0xb8;
	[tilespmem:$0x1EB40] =	vst v63  }
0x16e: {  	s16 =	smov.u32 s13;
	s13 =	sadd.s32 $0x1040, s13;
	_ =	swait.ge [sflag:s24], $0x1900  }
0x16f: {  	p0 =	sne.s32 s13, $0xA280;
	[sflag:s24] =	ssyncset.done $0x0  }
0x170: {  	[sflag:s24] =	ssyncadd.s32 $0xFFFFE700  }
0x171: {  	_ =	swait.ge [sflag:s24], $0x1900  }
0x172: {  	[sflag:s24] =	ssyncset.done $0x0  }
0x173: {  	[sflag:s24] =	ssyncadd.s32 $0xFFFFE700  }
0x174: {  	_ =	swait.ge [sflag:s24], $0x1900  }
0x175: {  	[sflag:s24] =	ssyncset.done $0x0  }
0x176: {  	[sflag:s24] =	ssyncadd.s32 $0xFFFFE700  }
0x177: {  	_ =	swait.ge [sflag:s24], $0x1900  }
0x178: {  	[sflag:s24] =	ssyncset.done $0x0  }
0x179: {  	[sflag:s24] =	ssyncadd.s32 $0xFFFFE700  }
0x17a: {  	_ =	swait.ge [sflag:s24], $0x1900  }
0x17b: {  	p1 =	seq.s32 s16, $0x0;
	[sflag:s24] =	ssyncset.done $0x0  }
0x17c: {  	s9 =	simm.s32 @!p1 $0x4;
	[sflag:s24] =	ssyncadd.s32 $0xFFFFE700  }
0x17d: {  	_ =	swait.ge @!p1 [sflag:s9], $0x1900  }
0x17e: {  	[sflag:s9] =	ssyncset.done @!p1 $0x0  }
0x17f: {  	[sflag:s9] =	ssyncadd.s32 @!p1 $0xFFFFE700  }
0x180: {  	_ =	swait.ge @!p1 [sflag:s9], $0x1900  }
0x181: {  	[sflag:s9] =	ssyncset.done @!p1 $0x0  }
0x182: {  	[sflag:s9] =	ssyncadd.s32 @!p1 $0xFFFFE700  }
0x183: {  	_ =	swait.ge @!p1 [sflag:s9], $0x1900  }
0x184: {  	[sflag:s9] =	ssyncset.done @!p1 $0x0  }
0x185: {  	[sflag:s9] =	ssyncadd.s32 @!p1 $0xFFFFE700  }
0x186: {  	_ =	swait.ge @!p1 [sflag:s9], $0x1900  }
0x187: {  	[sflag:s9] =	ssyncset.done @!p1 $0x0  }
0x188: {  	[sflag:s9] =	ssyncadd.s32 @!p1 $0xFFFFE700  }
0x189: {  	_ =	swait.ge @!p1 [sflag:s9], $0x1900  }
0x18a: {  	s18 =	sshra.s32 s16, $0x2;
	[sflag:s9] =	ssyncset.done @!p1 $0x0  }
0x18b: {  	[sflag:s9] =	ssyncadd.s32 @!p1 $0xFFFFE700;
	s9 =	sadd.s32 $0x208, s18  }
0x18c: {  	[tilespmem:s25], [sflag:$0x2] =	stream.indirect.gather [hbm4b:s8+s14], $0x40, s9, s14, $0xb8;
	[tilespmem:$0x1EB40] =	vst v63  }
0x18d: {  	s9 =	sadd.s32 $0x270, s18  }
0x18e: {  	[tilespmem:s26], [sflag:$0x2] =	stream.indirect.gather [hbm4b:s8+s14], $0x40, s9, s14, $0xb8;
	[tilespmem:$0x1EB40] =	vst v63  }
0x18f: {  	s9 =	sadd.s32 $0x2D8, s18  }
0x190: {  	[tilespmem:s28], [sflag:$0x2] =	stream.indirect.gather [hbm4b:s8+s14], $0x40, s9, s14, $0xb8;
	[tilespmem:$0x1EB40] =	vst v63  }
0x191: {  	s9 =	sadd.s32 $0x340, s18  }
0x192: {  	[tilespmem:s29], [sflag:$0x2] =	stream.indirect.gather [hbm4b:s8+s14], $0x40, s9, s14, $0xb8;
	[tilespmem:$0x1EB40] =	vst v63  }
0x193: {  	s9 =	sadd.s32 $0x3A8, s18  }
0x194: {  	[tilespmem:s30], [sflag:$0x2] =	stream.indirect.gather [hbm4b:s8+s14], $0x40, s9, s14, $0xb8;
	[tilespmem:$0x1EB40] =	vst v63  }
0x195: {  	s9 =	sadd.s32 $0x28A0, s18  }
0x196: {  	[spmem:s2] =	stream.indirect.scatter.add.f32 [tilespmem:s15], [sflag:$0x3], $0x40, s9, s14, $0xb8;
	[tilespmem:$0x1EB40] =	vst v63  }
0x197: {  	s9 =	sadd.s32 $0x2908, s18  }
0x198: {  	[spmem:s2] =	stream.indirect.scatter.add.f32 [tilespmem:s17], [sflag:$0x3], $0x40, s9, s14, $0xb8;
	[tilespmem:$0x1EB40] =	vst v63  }
0x199: {  	s9 =	sadd.s32 $0x2970, s18  }
0x19a: {  	[spmem:s2] =	stream.indirect.scatter.add.f32 [tilespmem:s19], [sflag:$0x3], $0x40, s9, s14, $0xb8;
	[tilespmem:$0x1EB40] =	vst v63  }
0x19b: {  	s9 =	sadd.s32 $0x29D8, s18  }
0x19c: {  	[spmem:s2] =	stream.indirect.scatter.add.f32 [tilespmem:s21], [sflag:$0x3], $0x40, s9, s14, $0xb8;
	[tilespmem:$0x1EB40] =	vst v63  }
0x19d: {  	s9 =	sadd.s32 $0x2A40, s18  }
0x19e: {  	[spmem:s2] =	stream.indirect.scatter.add.f32 [tilespmem:s23], [sflag:$0x3], $0x40, s9, s14, $0xb8;
	[tilespmem:$0x1EB40] =	vst v63  }
0x19f: {  	_ =	swait.ge [sflag:s31], $0x1900  }
0x1a0: {  	[sflag:s31] =	ssyncset.done $0x0  }
0x1a1: {  	[sflag:s31] =	ssyncadd.s32 $0xFFFFE700  }
0x1a2: {  	_ =	swait.ge [sflag:s31], $0x1900  }
0x1a3: {  	[sflag:s31] =	ssyncset.done $0x0  }
0x1a4: {  	[sflag:s31] =	ssyncadd.s32 $0xFFFFE700  }
0x1a5: {  	_ =	swait.ge [sflag:s31], $0x1900  }
0x1a6: {  	[sflag:s31] =	ssyncset.done $0x0  }
0x1a7: {  	[sflag:s31] =	ssyncadd.s32 $0xFFFFE700  }
0x1a8: {  	_ =	swait.ge [sflag:s31], $0x1900  }
0x1a9: {  	[sflag:s31] =	ssyncset.done $0x0  }
0x1aa: {  	[sflag:s31] =	ssyncadd.s32 $0xFFFFE700  }
0x1ab: {  	_ =	swait.ge [sflag:s31], $0x1900  }
0x1ac: {  	[sflag:s31] =	ssyncset.done $0x0  }
0x1ad: {  	[sflag:s31] =	ssyncadd.s32 $0xFFFFE700  }
0x1ae: {  	_ =	swait.ge [sflag:s0], $0x1900  }
0x1af: {  	[sflag:s0] =	ssyncset.done $0x0  }
0x1b0: {  	[sflag:s0] =	ssyncadd.s32 $0xFFFFE700  }
0x1b1: {  	_ =	swait.ge [sflag:s0], $0x1900  }
0x1b2: {  	[sflag:s0] =	ssyncset.done $0x0  }
0x1b3: {  	[sflag:s0] =	ssyncadd.s32 $0xFFFFE700  }
0x1b4: {  	_ =	swait.ge [sflag:s0], $0x1900  }
0x1b5: {  	[sflag:s0] =	ssyncset.done $0x0  }
0x1b6: {  	[sflag:s0] =	ssyncadd.s32 $0xFFFFE700  }
0x1b7: {  	_ =	swait.ge [sflag:s0], $0x1900  }
0x1b8: {  	[sflag:s0] =	ssyncset.done $0x0  }
0x1b9: {  	[sflag:s0] =	ssyncadd.s32 $0xFFFFE700  }
0x1ba: {  	p1 =	seq.s32 s16, $0x9240;
	_ =	swait.ge [sflag:s0], $0x1900  }
0x1bb: {  	s10 =	simm.s32 @!p1 $0x5140;
	s9 =	sshra.s32 @!p1 s16, $0x2;
	[sflag:s0] =	ssyncset.done $0x0  }
0x1bc: {  	s20 =	simm.s32 @!p1 $0x64;
	s16 =	sadd.s32 @!p1 $0x410, s9;
	[sflag:s0] =	ssyncadd.s32 $0xFFFFE700  }
0x1bd: {  	[tilespmem:s10], [sflag:$0x1] =	stream.indirect.gather @!p1 [hbm4b:s8+s20], $0x40, s16, s20, $0xb8;
	[tilespmem:$0x1EB40] =	vst v63  }
0x1be: {  	s22 =	sadd.s32 @!p1 $0x4E0, s9;
	s10 =	sadd.s32 @!p1 $0x478, s9;
	s16 =	simm.s32 @!p1 $0x6A40  }
0x1bf: {  	[tilespmem:s16], [sflag:$0x1] =	stream.indirect.gather @!p1 [hbm4b:s8+s20], $0x40, s10, s20, $0xb8;
	[tilespmem:$0x1EB40] =	vst v63  }
0x1c0: {  	s10 =	simm.s32 @!p1 $0x8340;
	s16 =	sadd.s32 @!p1 $0x548, s9;
	s9 =	sadd.s32 @!p1 $0x5B0, s9  }
0x1c1: {  	[tilespmem:s10], [sflag:$0x1] =	stream.indirect.gather @!p1 [hbm4b:s8+s20], $0x40, s22, s20, $0xb8;
	[tilespmem:$0x1EB40] =	vst v63  }
0x1c2: {  	s10 =	simm.s32 @!p1 $0x9C40  }
0x1c3: {  	[tilespmem:s10], [sflag:$0x1] =	stream.indirect.gather @!p1 [hbm4b:s8+s20], $0x40, s16, s20, $0xb8;
	[tilespmem:$0x1EB40] =	vst v63  }
0x1c4: {  	s10 =	simm.s32 @!p1 $0xB540  }
0x1c5: {  	[tilespmem:s10], [sflag:$0x1] =	stream.indirect.gather @!p1 [hbm4b:s8+s20], $0x40, s9, s20, $0xb8;
	[tilespmem:$0x1EB40] =	vst v63  }
0x1c6: {  	s9 =	sadd.s32 $0x2AA8, s18  }
0x1c7: {  	[spmem:s2] =	stream.indirect.scatter.add.f32 [tilespmem:s25], [sflag:$0x4], $0x40, s9, s14, $0xb8;
	[tilespmem:$0x1EB40] =	vst v63  }
0x1c8: {  	s9 =	sadd.s32 $0x2B10, s18  }
0x1c9: {  	[spmem:s2] =	stream.indirect.scatter.add.f32 [tilespmem:s26], [sflag:$0x4], $0x40, s9, s14, $0xb8;
	[tilespmem:$0x1EB40] =	vst v63  }
.Ltmp1:
0x1ca: {  	s9 =	sadd.s32 $0x2B78, s18;
	(pc) =	sbr.rel @p0 .LBB2_4-.Ltmp1, $4  }
0x1cb: {  	[spmem:s2] =	stream.indirect.scatter.add.f32 [tilespmem:s28], [sflag:$0x4], $0x40, s9, s14, $0xb8;
	[tilespmem:$0x1EB40] =	vst v63  }
0x1cc: {  	s9 =	sadd.s32 $0x2BE0, s18  }
0x1cd: {  	[spmem:s2] =	stream.indirect.scatter.add.f32 [tilespmem:s29], [sflag:$0x4], $0x40, s9, s14, $0xb8;
	[tilespmem:$0x1EB40] =	vst v63  }
0x1ce: {  	s16 =	sadd.s32 $0x2C48, s18  }
0x1cf: {  	[spmem:s2] =	stream.indirect.scatter.add.f32 [tilespmem:s30], [sflag:$0x4], $0x40, s16, s14, $0xb8;
	[tilespmem:$0x1EB40] =	vst v63  }
0x1d0: {  	_ =	swait.ge [sflag:s1], $0x1900  }
0x1d1: {  	[sflag:s1] =	ssyncset.done $0x0  }
0x1d2: {  	[sflag:s1] =	ssyncadd.s32 $0xFFFFE700  }
0x1d3: {  	_ =	swait.ge [sflag:s1], $0x1900  }
0x1d4: {  	[sflag:s1] =	ssyncset.done $0x0  }
0x1d5: {  	[sflag:s1] =	ssyncadd.s32 $0xFFFFE700  }
0x1d6: {  	_ =	swait.ge [sflag:s1], $0x1900  }
0x1d7: {  	[sflag:s1] =	ssyncset.done $0x0  }
0x1d8: {  	[sflag:s1] =	ssyncadd.s32 $0xFFFFE700  }
0x1d9: {  	_ =	swait.ge [sflag:s1], $0x1900  }
0x1da: {  	[sflag:s1] =	ssyncset.done $0x0  }
0x1db: {  	[sflag:s1] =	ssyncadd.s32 $0xFFFFE700  }
0x1dc: {  	_ =	swait.ge [sflag:s1], $0x1900  }
0x1dd: {  	[sflag:s1] =	ssyncset.done $0x0  }
0x1de: {  	[sflag:s1] =	ssyncadd.s32 $0xFFFFE700  }
0x1df: {  	[bflag:$0x0] =	sbarrier.arrive $0xFFFF  }
0x1e0: {  	s10 =	simm.s32 $0x10;
	s13 =	simm.s32 $0x8;
	s9 =	rddreg [dreg:$0x4]  }
0x1e1: {  	[hbm:s9@s10], [sflag:s5] =	dma.strided [spmem:s11@s13], $0x1400, s24, $0x8   }
0x1e2: {  	_ =	swait.ge [sflag:s12], $0x1400  }
0x1e3: {  	s4 =	sadd.s32 $0x1, s4;
	s22 =	rddreg [dreg:$0x5]  }
0x1e4: {  	p0 =	sne.s32 s4, s22  }
.Ltmp2:
0x1e5: {  	_ = 	snop;
	(pc) =	sbr.rel @p0 .LBB2_1-.Ltmp2, $3  }
0x1e6: {  	_ =	sdelay $0x1  }
0x1e7: {  	[sflag:s12] =	ssyncset.done $0x0  }
0x1e8: {  	[sflag:s12] =	ssyncadd.s32 $0xFFFFEC00  }
0x1e9: {  	_ =	sfence.sel $0x180000  }
0x1ea: {  	[bflag:$0x0] =	sbarrier.arrive $0xFFFF  }
0x1eb: {  	_ =	strace $0x9000004A  }
0x1ec: {  	s0 =	stileid.u32;
	[bflag:$0x2] =	sbarrier.arrive $0xFFFF  }
0x1ed: {  	p0 =	sne.s32 s0, $0x0;
	s0 =	rddreg [dreg:$0x2]  }
0x1ee: {  	s0 =	sadd.s32 @!p0 $0x100000, s0  }
0x1ef: {  	[sflag:s0] =	ssyncadd.tile.s32 @!p0 $0x1;
	_ =	shalt  }
.Lfunc_end2:
_tile_overlayer_lowered:
.L_overlay_start_2:
0x1f0: {  	(tag) =	ssettag $0x2  }
0x1f1: {  	s0 =	rddreg [dreg:$0x0];
	s2 =	stileid.u32  }
0x1f2: {  	s1 =	rddreg [dreg:$0x1];
	p0 =	sne.s32 s2, $0x0  }
0x1f3: {  	s3 =	rddreg [dreg:$0x2];
	[bflag:$0x3] =	sbarrier.arrive $0xFFFF;
	s2 =	simm.s32 @!p0 $0x1C05  }
0x1f4: {  	[timem:s3], [sflag:s2] =	dma.local @!p0 [hbm:s0], s1  }
0x1f5: {  	s0 =	simm.s32 @!p0 $0x5  }
0x1f6: {  	_ =	swait.ge @!p0 [sflag:s0], s1  }
0x1f7: {  	s1 =	ssub.s32 @!p0 $0x0, s1;
	[sflag:s0] =	ssyncset.done @!p0 $0x0  }
0x1f8: {  	[sflag:s0] =	ssyncadd.s32 @!p0 s1  }
0x1f9: {  	[bflag:$0x3] =	sbarrier.arrive $0xFFFF  }
0x1fa: {  	_ =	shalt  }

// kernel: kernel.14.cloned.1.call-start
scs
__scs_entry_jumppad:
0x0: {  	(pc) =	sbr.rel $0x88, $3  }
0x1: {  	(tag) =	ssettag $0x0;
	lr =	simm.s32 $0x1  }
0x2: {  	[smem:$0x3F99] =	sst lr;
	_ =	strace $0xD0000000  }
0x3: {  	_ = 	snop  }
0x4: {  	_ = 	snop  }
0x5: {  	_ = 	snop  }
0x6: {  	_ = 	snop  }
0x7: {  	_ = 	snop  }
__scs_overlays_trampoline_lowered:
0x8: {  	[smem:$0x3FA8] =	sst s0  }
0x9: {  	[smem:$0x3FA9] =	sst s1  }
0xa: {  	[smem:$0x3FAA] =	sst s2  }
0xb: {  	[smem:$0x3FAB] =	sst s3  }
0xc: {  	[smem:$0x3FAC] =	sst s4  }
0xd: {  	[smem:$0x3FAD] =	sst s5  }
0xe: {  	[smem:$0x3FAE] =	sst s6  }
0xf: {  	[smem:$0x3FAF] =	sst s7  }
0x10: {  	[smem:$0x3FB0] =	sst s8  }
0x11: {  	[smem:$0x3FB1] =	sst s9;
	s0 =	simm.s32 @!p0 $0x0  }
0x12: {  	s1 =	sld [smem:$0x3F97];
	s0 =	simm.s32 @p0 $0x1  }
0x13: {  	[smem:$0x3FB2] =	sst s0;
	s0 =	simm.s32 @!p1 $0x0  }
0x14: {  	s2 =	sld [smem:$0x3F96];
	s0 =	simm.s32 @p1 $0x1  }
0x15: {  	[smem:$0x3FB3] =	sst s0;
	s0 =	simm.s32 @!p2 $0x0  }
0x16: {  	s3 =	sld [smem:$0x3FDB];
	s0 =	simm.s32 @p2 $0x1  }
0x17: {  	s4 =	simm.s32 $0x1BF5;
	[smem:$0x3FB5] =	sst s0  }
0x18: {  	s0 =	sld [smem:$0x3F98];
	_ =	swait.ge [sflag:s4], $0x0  }
0x19: {  	s7 =	sld [smem:$0x3F99]  }
0x1a: {  	s8 =	sadd.s32 $0xFFFFE003, lr  }
0x1b: {  	s9 =	sadd.s32 $0xFFFFFEF7, lr;
	s5 =	simm.s32 $0xFFFFFFFF;
	p2 =	slt.u32 s8, $0xFFFFF086  }
0x1c: {  	p1 =	slt.u32 s9, $0xF7A;
	s5 =	simm.s32 @!p2 $0x0  }
0x1d: {  	s5 =	simm.s32 @p1 $0x1;
	p0 =	seq.s32 s7, s2  }
0x1e: {  	s7 =	smul.u32 @!p0 $0xF7A, s2;
	p2 =	seq.s32 @!p0 s5, $0x0  }
0x1f: {  	s9 =	smul.u32 $0xF7A, s1;
	s8 =	simm.s32 @!p0 $0x1BF5;
	p2 =	por !p2, p0  }
0x20: {  	[sflag:s8] =	ssyncset.s32 @!p0 $0xFFFFF086;
	s6 =	sadd.s32 @!p0 s3, s7;
	s7 =	simm.s32 @!p0 $0x108  }
0x21: {  	s3 =	sadd.s32 s3, s9;
	s6 =	sadd.s32 @!p0 $0x88, s6;
	s7 =	simm.s32 @p2 $0x1082  }
0x22: {  	[simem:s7], [sflag:s8] =	dma.local @!p0 [hbm:s6], $0xF7A  }
0x23: {  	s9 =	sor.u32 $0xD0000000, s2;
	s6 =	simm.s32 $0x108;
	_ =	swait.ge @!p0 [sflag:s8], $0x0  }
0x24: {  	s3 =	sadd.s32 $0x88, s3;
	s6 =	simm.s32 @!p1 $0x1082;
	[sflag:s4] =	ssyncset.s32 $0xFFFFF086  }
0x25: {  	[simem:s6], [sflag:s4] =	dma.local [hbm:s3], $0xF7A  }
0x26: {  	[smem:$0x3F99] =	sst s1;
	(tag) =	ssettag s2;
	_ =	strace s9  }
0x27: {  	s1 =	sld [smem:$0x3FA9]  }
0x28: {  	s2 =	sld [smem:$0x3FAA]  }
0x29: {  	s4 =	sld [smem:$0x3FAC]  }
0x2a: {  	p0 =	seq.s32 s5, $0x0;
	s5 =	sld [smem:$0x3FAD]  }
0x2b: {  	s6 =	sld [smem:$0x3FAE]  }
0x2c: {  	s7 =	sld [smem:$0x3FAF]  }
0x2d: {  	s3 =	simm.s32 $0x108;
	s8 =	sld [smem:$0x3FB0]  }
0x2e: {  	s3 =	simm.s32 @!p0 $0x1082;
	s9 =	sld [smem:$0x3FB1]  }
0x2f: {  	lr =	sadd.s32 s0, s3;
	s0 =	sld [smem:$0x3FA8]  }
0x30: {  	s3 =	sld [smem:$0x3FAB]  }
0x31: {  	[smem:$0x3FB4] =	sst s10  }
0x32: {  	s10 =	sld [smem:$0x3FB2];
	_ =	sdelay $0x3  }
0x33: {  	p0 =	seq.s32 s10, $0x1;
	s10 =	sld [smem:$0x3FB4];
	_ =	sdelay $0x3  }
0x34: {  	[smem:$0x3FB4] =	sst s10  }
0x35: {  	s10 =	sld [smem:$0x3FB3];
	_ =	sdelay $0x3  }
0x36: {  	p1 =	seq.s32 s10, $0x1;
	s10 =	sld [smem:$0x3FB4];
	_ =	sdelay $0x3  }
0x37: {  	[smem:$0x3FB4] =	sst s10  }
0x38: {  	s10 =	sld [smem:$0x3FB5]  }
0x39: {  	_ = 	snop;
	(pc) =	sbr.ind lr, $3  }
0x3a: {  	_ = 	snop  }
0x3b: {  	_ = 	snop  }
0x3c: {  	p2 =	seq.s32 s10, $0x1;
	s10 =	sld [smem:$0x3FB4]  }
0x3d: {  	_ =	shalt  }
0x3e: {  	_ =	shalt  }
0x3f: {  	_ =	shalt  }
0x40: {  	_ =	shalt  }
0x41: {  	_ =	shalt  }
0x42: {  	_ =	shalt  }
0x43: {  	_ =	shalt  }
0x44: {  	_ =	shalt  }
0x45: {  	_ =	shalt  }
0x46: {  	_ =	shalt  }
0x47: {  	_ =	shalt  }
0x48: {  	_ =	shalt  }
0x49: {  	_ =	shalt  }
0x4a: {  	_ =	shalt  }
0x4b: {  	_ =	shalt  }
0x4c: {  	_ =	shalt  }
0x4d: {  	_ =	shalt  }
0x4e: {  	_ =	shalt  }
0x4f: {  	_ =	shalt  }
0x50: {  	_ =	shalt  }
0x51: {  	_ =	shalt  }
0x52: {  	_ =	shalt  }
0x53: {  	_ =	shalt  }
0x54: {  	_ =	shalt  }
0x55: {  	_ =	shalt  }
0x56: {  	_ =	shalt  }
0x57: {  	_ =	shalt  }
0x58: {  	_ =	shalt  }
0x59: {  	_ =	shalt  }
0x5a: {  	_ =	shalt  }
0x5b: {  	_ =	shalt  }
0x5c: {  	_ =	shalt  }
0x5d: {  	_ =	shalt  }
0x5e: {  	_ =	shalt  }
0x5f: {  	_ =	shalt  }
0x60: {  	_ =	shalt  }
0x61: {  	_ =	shalt  }
0x62: {  	_ =	shalt  }
0x63: {  	_ =	shalt  }
0x64: {  	_ =	shalt  }
0x65: {  	_ =	shalt  }
0x66: {  	_ =	shalt  }
0x67: {  	_ =	shalt  }
0x68: {  	_ =	shalt  }
0x69: {  	_ =	shalt  }
0x6a: {  	_ =	shalt  }
0x6b: {  	_ =	shalt  }
0x6c: {  	_ =	shalt  }
0x6d: {  	_ =	shalt  }
0x6e: {  	_ =	shalt  }
0x6f: {  	_ =	shalt  }
0x70: {  	_ =	shalt  }
0x71: {  	_ =	shalt  }
0x72: {  	_ =	shalt  }
0x73: {  	_ =	shalt  }
0x74: {  	_ =	shalt  }
0x75: {  	_ =	shalt  }
0x76: {  	_ =	shalt  }
0x77: {  	_ =	shalt  }
0x78: {  	_ =	shalt  }
0x79: {  	_ =	shalt  }
0x7a: {  	_ =	shalt  }
0x7b: {  	_ =	shalt  }
0x7c: {  	_ =	shalt  }
0x7d: {  	_ =	shalt  }
0x7e: {  	_ =	shalt  }
0x7f: {  	_ =	shalt  }
0x80: {  	_ =	shalt  }
0x81: {  	_ =	shalt  }
0x82: {  	_ =	shalt  }
0x83: {  	_ =	shalt  }
0x84: {  	_ =	shalt  }
0x85: {  	_ =	shalt  }
0x86: {  	_ =	shalt  }
0x87: {  	_ =	shalt  }
.Lfunc_end0:
.L_simem_size_0:
called_computation.2_lowered:
.L_overlay_start_0:
0x88: {  	s2 =	sld [smem:$0x3FD9]  }
0x89: {  	s3 =	sld [smem:$0x3FFE];
	_ =	sdelay $0x1  }
0x8a: {  	s1 =	srdreg.scid  }
0x8b: {  	s0 =	sand.u32 $0x1, s1  }
0x8c: {  	s17 =	sshll.u32 s0, $0xA;
	s2 =	sadd.s32 s3, s2  }
0x8d: {  	s2 =	sadd.s32 s2, s17  }
0x8e: {  	[smem:$0x3FC0] =	sst s2  }
0x8f: {  	_ = 	snop  }
0x90: {  	s2 =	sld [smem:$0x3FD0];
	(tm) =	ssettm $0x1  }
0x91: {  	s18 =	sld [smem:$0x3FFB];
	_ =	sdelay $0x3  }
0x92: {  	_ =	strace s18  }
0x93: {  	s3 =	sld [smem:$0x3FFC];
	_ =	sdelay $0x3  }
0x94: {  	_ =	strace s3  }
0x95: {  	s3 =	sld [smem:$0x3FFD];
	_ =	sdelay $0x3  }
0x96: {  	_ =	strace s3  }
0x97: {  	_ =	strace $0x8FFFFFFF  }
0x98: {  	s19 =	sld [smem:$0x3FDB];
	_ =	sdelay $0x1  }
0x99: {  	s4 =	simm.s32 $_scs_section_size  }
0x9a: {  	s5 =	simm.s32 $_size__tile_overlayer_lowered;
	s6 =	simm.s32 $_tile_overlayer_lowered  }
0x9b: {  	s22 =	simm.s32 $0x1BFF;
	s21 =	sshll.u32 s6, $0x1;
	s3 =	sadd.s32 s4, s19  }
0x9c: {  	s7 =	simm.s32 $0x0;
	s20 =	sshll.u32 s5, $0x1;
	s5 =	sadd.s32 s21, s3  }
0x9d: {  	[timem:s7], [sflag:s22] =	dma.local [hbm:s5], s20  }
0x9e: {  	_ =	swait.ge [sflag:s22], s20  }
0x9f: {  	s4 =	ssub.s32 $0x0, s20;
	[sflag:s22] =	ssyncset.done $0x0  }
0xa0: {  	[sflag:s22] =	ssyncadd.s32 s4;
	_ =	sdelay $0x1  }
0xa1: {  	s23 =	simm.s32 $0x1B8B  }
0xa2: {  	_ =	swait.ge [sflag:s23], $0x1  }
0xa3: {  	[sflag:s23] =	ssyncset.done $0x0  }
0xa4: {  	s25 =	simm.s32 $0x1B8E;
	s24 =	sld [smem:$0x3FFE];
	[sflag:s23] =	ssyncadd.s32 $0xFFFFFFFF  }
0xa5: {  	s26 =	simm.s32 $execute0_lowered;
	[smem:$0x3FD2] =	sst s25  }
0xa6: {  	s5 =	sshll.u32 s26, $0x1;
	_ =	strace $0x8000004C;
	[dreg:$0x1] =	wrdreg $0xFFFFFFFF  }
0xa7: {  	s28 =	simm.s32 $_size_execute0_lowered;
	s3 =	sadd.s32 s3, s5;
	[dreg:$0x0] =	wrdreg $0x0  }
0xa8: {  	s5 =	sshll.u32 s28, $0x1;
	[dreg:$0x2] =	wrdreg s3  }
0xa9: {  	[dreg:$0x3] =	wrdreg s5  }
0xaa: {  	[dreg:$0x4] =	wrdreg $0xC0  }
0xab: {  	_ =	task [dreg:s7], $0x5FFFF  }
0xac: {  	[dreg:$0x1] =	wrdreg $0xFFFFFFFF  }
0xad: {  	[dreg:$0x0] =	wrdreg $0x60  }
0xae: {  	[dreg:$0x2] =	wrdreg s24  }
0xaf: {  	[dreg:$0x3] =	wrdreg s2  }
0xb0: {  	[dreg:$0x4] =	wrdreg $0x122A00  }
0xb1: {  	[dreg:$0x5] =	wrdreg $0x9  }
0xb2: {  	_ =	task.clear_ibuf [dreg:s7], $0x6FFFF;
	_ =	strace $0x9000004C  }
0xb3: {  	s29 =	simm.s32 $0x9;
	_ =	strace $0x8000004E  }
0xb4: {  	_ =	swait.ge [sflag:s29], $0x1  }
0xb5: {  	[sflag:s29] =	ssyncadd.s32 $0xFFFFFFFF  }
0xb6: {  	_ =	strace $0x9000004E  }
0xb7: {  	_ =	sfence  }
0xb8: {  	s30 =	sld [smem:$0x0];
	_ =	sdelay $0x2  }
0xb9: {  	s31 =	sshll.u32 s1, $0xD;
	s1 =	sshrl.u32 s1, $0x2  }
0xba: {  	s3 =	sand.u32 $0x4000, s31;
	s1 =	sadd.s32 s1, s30  }
0xbb: {  	s0 =	sor.u32 s3, s0;
	s1 =	sshll.u32 s1, $0x11  }
0xbc: {  	s0 =	sor.u32 s1, s0  }
0xbd: {  	s0 =	sadd.s32 $0x8F2B, s0  }
0xbe: {  	[sflag:s0] =	ssyncadd.remote.s32 $0x1  }
0xbf: {  	_ =	sfence.sel $0xFFFF  }
0xc0: {  	[dreg:$0x0] =	wrdreg $0xFFFFFFFF;
	(pc) =	sbr.abs _section_cstart, $3  }
0xc1: {  	[dreg:$0x1] =	wrdreg $0xFFFFFFFF  }
0xc2: {  	_ =	task.clear_ibuf [dreg:s7], $0x2FFFF;
	_ =	strace $0x9FFFFFFF  }
0xc3: {  	(tm) =	ssettm $0x7FFFFFFF  }
tec
execute0_lowered:
.L_overlay_start_1:
0x0: {  	(tag) =	ssettag $0x1  }
0x1: {  	s0 =	rddreg [dreg:$0x0]  }
0x2: {  	s1 =	srdreg.scid;
	s5 =	rddreg [dreg:$0x1]  }
0x3: {  	s10 =	stileid.u32;
	s2 =	rddreg [dreg:$0x2]  }
0x4: {  	s12 =	simm.s32 $0x5;
	s14 =	simm.s32 $0x64;
	s15 =	simm.s32 $0x28A0  }
0x5: {  	s17 =	simm.s32 $0x41A0;
	s19 =	simm.s32 $0x5AA0;
	s21 =	simm.s32 $0x73A0  }
0x6: {  	s28 =	simm.s32 $0xD7A0;
	s29 =	simm.s32 $0xF0A0;
	s30 =	simm.s32 $0x109A0  }
0x7: {  	s31 =	simm.s32 $0x2;
	s1 =	sand.u32 $0x1, s1;
	s6 =	smul.u32 $0x14000, s10  }
0x8: {  	s3 =	sshll.u32 s10, $0x1;
	s22 =	smul.u32 $0x28000, s10;
	s11 =	sadd.s32 $0x40200, s0  }
0x9: {  	s25 =	sshll.u32 s10, $0x6;
	s4 =	sor.u32 s1, s3;
	s3 =	simm.s32 $0x0  }
0xa: {  	s7 =	sshll.u32 s1, $0x6;
	s1 =	ssub.s32 $0x2, s1;
	s8 =	smul.u32 $0x514, s4  }
0xb: {  	[smem:$0x7FF] =	sst s3;
	s4 =	sadd.s32 $0x41600, s0;
	s6 =	sor.u32 s7, s6  }
0xc: {  	s23 =	sshrl.u32 s1, $0x1;
	s7 =	sshrl.u32 s22, $0x2;
	_ =	strace $0x8000004D  }
0xd: {  	[dreg:$0x4] =	wrdreg s11;
	s6 =	sshrl.u32 s6, $0x3;
	s1 =	ssub.s32 s1, s23  }
0xe: {  	s24 =	sadd.s32 s7, s2;
	s23 =	simm.s32 $0x8CA0;
	s9 =	sadd.s32 s8, s0  }
0xf: {  	s0 =	sadd.s32 s6, s0;
	s6 =	sor.u32 $0x1C05, s25;
	s8 =	sadd.s32 s5, s8  }
0x10: {  	s26 =	smax.u32 s1, $0x1;
	s11 =	sshrl.u32 s24, $0x3;
	s24 =	simm.s32 $0x1  }
0x11: {  	s25 =	simm.s32 $0xA5A0;
	s1 =	simm.s32 $0x3;
	s5 =	simm.s32 $0x0  }
0x12: {  	s7 =	sadd.s32 $0x69600, s9;
	s0 =	sadd.s32 $0x3400, s0;
	[dreg:$0x6] =	wrdreg s26  }
0x13: {  	s26 =	simm.s32 $0xBEA0;
	[dreg:$0x5] =	wrdreg s0;
	s0 =	simm.s32 $0x4  }
.LBB2_1:
0x14: {  	s9 =	rddreg [dreg:$0x4]  }
0x15: {  	[spmem:s11], [sflag:s6] =	dma.local [hbm:s9], $0x1400  }
0x16: {  	_ =	swait.ge [sflag:s12], $0x1400  }
0x17: {  	[sflag:s12] =	ssyncset.done $0x0  }
0x18: {  	[sflag:s12] =	ssyncadd.s32 $0xFFFFEC00  }
0x19: {  	[bflag:$0x0] =	sbarrier.arrive $0xFFFF  }
0x1a: {  	[tilespmem:s3], [sflag:$0x5] =	stream.linear.gather [hbm4b:s7+s3], $0x1450, $0x38;
	[tilespmem:$0x1C2A0] =	vst v63  }
0x1b: {  	_ =	swait.ge [sflag:s12], $0x1450  }
0x1c: {  	[sflag:s12] =	ssyncset.done $0x0  }
0x1d: {  	s22 =	simm.s32 $0x1450;
	[sflag:s12] =	ssyncadd.s32 $0xFFFFEBB0  }
0x1e: {  	[tilespmem:s22], [sflag:$0x5] =	stream.linear.gather [hbm4b:s8+s3], $0x1450, $0x38;
	[tilespmem:$0x1C2A0] =	vst v63  }
0x1f: {  	_ =	swait.ge [sflag:s12], $0x1450  }
0x20: {  	[sflag:s12] =	ssyncset.done $0x0  }
0x21: {  	[sflag:s12] =	ssyncadd.s32 $0xFFFFEBB0  }
0x22: {  	[tilespmem:s15], [sflag:$0x1] =	stream.indirect.gather [hbm4b:s4+s14], $0x40, s3, s14, $0xb8;
	[tilespmem:$0x1C2A0] =	vst v63  }
0x23: {  	s10 =	simm.s32 $0x68  }
0x24: {  	[tilespmem:s17], [sflag:$0x1] =	stream.indirect.gather [hbm4b:s4+s14], $0x40, s10, s14, $0xb8;
	[tilespmem:$0x1C2A0] =	vst v63  }
0x25: {  	s13 =	simm.s32 $0xD0  }
0x26: {  	[tilespmem:s19], [sflag:$0x1] =	stream.indirect.gather [hbm4b:s4+s14], $0x40, s13, s14, $0xb8;
	[tilespmem:$0x1C2A0] =	vst v63  }
0x27: {  	s16 =	simm.s32 $0x138  }
0x28: {  	[tilespmem:s21], [sflag:$0x1] =	stream.indirect.gather [hbm4b:s4+s14], $0x40, s16, s14, $0xb8;
	[tilespmem:$0x1C2A0] =	vst v63  }
0x29: {  	s18 =	simm.s32 $0x1A0  }
0x2a: {  	[tilespmem:s23], [sflag:$0x1] =	stream.indirect.gather [hbm4b:s4+s14], $0x40, s18, s14, $0xb8;
	[tilespmem:$0x1C2A0] =	vst v63  }
0x2b: {  	_ =	swait.ge [sflag:s24], $0x1900  }
0x2c: {  	[sflag:s24] =	ssyncset.done $0x0  }
0x2d: {  	[sflag:s24] =	ssyncadd.s32 $0xFFFFE700  }
0x2e: {  	_ =	swait.ge [sflag:s24], $0x1900  }
0x2f: {  	[sflag:s24] =	ssyncset.done $0x0  }
0x30: {  	[sflag:s24] =	ssyncadd.s32 $0xFFFFE700  }
0x31: {  	_ =	swait.ge [sflag:s24], $0x1900  }
0x32: {  	[sflag:s24] =	ssyncset.done $0x0  }
0x33: {  	[sflag:s24] =	ssyncadd.s32 $0xFFFFE700  }
0x34: {  	_ =	swait.ge [sflag:s24], $0x1900  }
0x35: {  	[sflag:s24] =	ssyncset.done $0x0  }
0x36: {  	[sflag:s24] =	ssyncadd.s32 $0xFFFFE700  }
0x37: {  	_ =	swait.ge [sflag:s24], $0x1900  }
0x38: {  	p0 =	por $0x1, $0x1;
	[sflag:s24] =	ssyncset.done $0x0  }
0x39: {  	s13 =	simm.s32 @!p0 $0x4;
	[sflag:s24] =	ssyncadd.s32 $0xFFFFE700  }
0x3a: {  	_ =	swait.ge @!p0 [sflag:s13], $0x1900  }
0x3b: {  	[sflag:s13] =	ssyncset.done @!p0 $0x0  }
0x3c: {  	[sflag:s13] =	ssyncadd.s32 @!p0 $0xFFFFE700  }
0x3d: {  	_ =	swait.ge @!p0 [sflag:s13], $0x1900  }
0x3e: {  	[sflag:s13] =	ssyncset.done @!p0 $0x0  }
0x3f: {  	[sflag:s13] =	ssyncadd.s32 @!p0 $0xFFFFE700  }
0x40: {  	_ =	swait.ge @!p0 [sflag:s13], $0x1900  }
0x41: {  	[sflag:s13] =	ssyncset.done @!p0 $0x0  }
0x42: {  	[sflag:s13] =	ssyncadd.s32 @!p0 $0xFFFFE700  }
0x43: {  	_ =	swait.ge @!p0 [sflag:s13], $0x1900  }
0x44: {  	[sflag:s13] =	ssyncset.done @!p0 $0x0  }
0x45: {  	[sflag:s13] =	ssyncadd.s32 @!p0 $0xFFFFE700  }
0x46: {  	_ =	swait.ge @!p0 [sflag:s13], $0x1900  }
0x47: {  	[sflag:s13] =	ssyncset.done @!p0 $0x0  }
0x48: {  	s20 =	simm.s32 $0x208;
	[sflag:s13] =	ssyncadd.s32 @!p0 $0xFFFFE700  }
0x49: {  	[tilespmem:s25], [sflag:$0x2] =	stream.indirect.gather [hbm4b:s4+s14], $0x40, s20, s14, $0xb8;
	[tilespmem:$0x1C2A0] =	vst v63  }
0x4a: {  	s22 =	simm.s32 $0x270  }
0x4b: {  	[tilespmem:s26], [sflag:$0x2] =	stream.indirect.gather [hbm4b:s4+s14], $0x40, s22, s14, $0xb8;
	[tilespmem:$0x1C2A0] =	vst v63  }
0x4c: {  	s9 =	simm.s32 $0x2D8  }
0x4d: {  	[tilespmem:s28], [sflag:$0x2] =	stream.indirect.gather [hbm4b:s4+s14], $0x40, s9, s14, $0xb8;
	[tilespmem:$0x1C2A0] =	vst v63  }
0x4e: {  	s10 =	simm.s32 $0x340  }
0x4f: {  	[tilespmem:s29], [sflag:$0x2] =	stream.indirect.gather [hbm4b:s4+s14], $0x40, s10, s14, $0xb8;
	[tilespmem:$0x1C2A0] =	vst v63  }
0x50: {  	s16 =	simm.s32 $0x3A8  }
0x51: {  	[tilespmem:s30], [sflag:$0x2] =	stream.indirect.gather [hbm4b:s4+s14], $0x40, s16, s14, $0xb8;
	[tilespmem:$0x1C2A0] =	vst v63  }
0x52: {  	s18 =	simm.s32 $0x1450  }
0x53: {  	[spmem:s2] =	stream.indirect.scatter.add.f32 [tilespmem:s15], [sflag:$0x3], $0x40, s18, s14, $0xb8;
	[tilespmem:$0x1C2A0] =	vst v63  }
0x54: {  	s20 =	simm.s32 $0x14B8  }
0x55: {  	[spmem:s2] =	stream.indirect.scatter.add.f32 [tilespmem:s17], [sflag:$0x3], $0x40, s20, s14, $0xb8;
	[tilespmem:$0x1C2A0] =	vst v63  }
0x56: {  	s22 =	simm.s32 $0x1520  }
0x57: {  	[spmem:s2] =	stream.indirect.scatter.add.f32 [tilespmem:s19], [sflag:$0x3], $0x40, s22, s14, $0xb8;
	[tilespmem:$0x1C2A0] =	vst v63  }
0x58: {  	s9 =	simm.s32 $0x1588  }
0x59: {  	[spmem:s2] =	stream.indirect.scatter.add.f32 [tilespmem:s21], [sflag:$0x3], $0x40, s9, s14, $0xb8;
	[tilespmem:$0x1C2A0] =	vst v63  }
0x5a: {  	s10 =	simm.s32 $0x15F0  }
0x5b: {  	[spmem:s2] =	stream.indirect.scatter.add.f32 [tilespmem:s23], [sflag:$0x3], $0x40, s10, s14, $0xb8;
	[tilespmem:$0x1C2A0] =	vst v63  }
0x5c: {  	_ =	swait.ge [sflag:s31], $0x1900  }
0x5d: {  	[sflag:s31] =	ssyncset.done $0x0  }
0x5e: {  	[sflag:s31] =	ssyncadd.s32 $0xFFFFE700  }
0x5f: {  	_ =	swait.ge [sflag:s31], $0x1900  }
0x60: {  	[sflag:s31] =	ssyncset.done $0x0  }
0x61: {  	[sflag:s31] =	ssyncadd.s32 $0xFFFFE700  }
0x62: {  	_ =	swait.ge [sflag:s31], $0x1900  }
0x63: {  	[sflag:s31] =	ssyncset.done $0x0  }
0x64: {  	[sflag:s31] =	ssyncadd.s32 $0xFFFFE700  }
0x65: {  	_ =	swait.ge [sflag:s31], $0x1900  }
0x66: {  	[sflag:s31] =	ssyncset.done $0x0  }
0x67: {  	[sflag:s31] =	ssyncadd.s32 $0xFFFFE700  }
0x68: {  	_ =	swait.ge [sflag:s31], $0x1900  }
0x69: {  	[sflag:s31] =	ssyncset.done $0x0  }
0x6a: {  	[sflag:s31] =	ssyncadd.s32 $0xFFFFE700  }
0x6b: {  	_ =	swait.ge [sflag:s1], $0x1900  }
0x6c: {  	[sflag:s1] =	ssyncset.done $0x0  }
0x6d: {  	[sflag:s1] =	ssyncadd.s32 $0xFFFFE700  }
0x6e: {  	_ =	swait.ge [sflag:s1], $0x1900  }
0x6f: {  	[sflag:s1] =	ssyncset.done $0x0  }
0x70: {  	[sflag:s1] =	ssyncadd.s32 $0xFFFFE700  }
0x71: {  	_ =	swait.ge [sflag:s1], $0x1900  }
0x72: {  	[sflag:s1] =	ssyncset.done $0x0  }
0x73: {  	[sflag:s1] =	ssyncadd.s32 $0xFFFFE700  }
0x74: {  	_ =	swait.ge [sflag:s1], $0x1900  }
0x75: {  	[sflag:s1] =	ssyncset.done $0x0  }
0x76: {  	[sflag:s1] =	ssyncadd.s32 $0xFFFFE700  }
0x77: {  	p0 =	por $0x0, $0x0;
	_ =	swait.ge [sflag:s1], $0x1900  }
0x78: {  	s13 =	simm.s32 @!p0 $0x28A0;
	[sflag:s1] =	ssyncset.done $0x0  }
0x79: {  	s16 =	simm.s32 @!p0 $0x410;
	s18 =	simm.s32 @!p0 $0x64;
	[sflag:s1] =	ssyncadd.s32 $0xFFFFE700  }
0x7a: {  	[tilespmem:s13], [sflag:$0x1] =	stream.indirect.gather @!p0 [hbm4b:s4+s18], $0x40, s16, s18, $0xb8;
	[tilespmem:$0x1C2A0] =	vst v63  }
0x7b: {  	s13 =	simm.s32 @!p0 $0x478;
	s16 =	simm.s32 @!p0 $0x41A0  }
0x7c: {  	[tilespmem:s16], [sflag:$0x1] =	stream.indirect.gather @!p0 [hbm4b:s4+s18], $0x40, s13, s18, $0xb8;
	[tilespmem:$0x1C2A0] =	vst v63  }
0x7d: {  	s13 =	simm.s32 @!p0 $0x4E0;
	s16 =	simm.s32 @!p0 $0x5AA0  }
0x7e: {  	[tilespmem:s16], [sflag:$0x1] =	stream.indirect.gather @!p0 [hbm4b:s4+s18], $0x40, s13, s18, $0xb8;
	[tilespmem:$0x1C2A0] =	vst v63  }
0x7f: {  	s13 =	simm.s32 @!p0 $0x548;
	s16 =	simm.s32 @!p0 $0x73A0  }
0x80: {  	[tilespmem:s16], [sflag:$0x1] =	stream.indirect.gather @!p0 [hbm4b:s4+s18], $0x40, s13, s18, $0xb8;
	[tilespmem:$0x1C2A0] =	vst v63  }
0x81: {  	s13 =	simm.s32 @!p0 $0x5B0;
	s16 =	simm.s32 @!p0 $0x8CA0  }
0x82: {  	[tilespmem:s16], [sflag:$0x1] =	stream.indirect.gather @!p0 [hbm4b:s4+s18], $0x40, s13, s18, $0xb8;
	[tilespmem:$0x1C2A0] =	vst v63  }
0x83: {  	s16 =	simm.s32 $0x1658  }
0x84: {  	[spmem:s2] =	stream.indirect.scatter.add.f32 [tilespmem:s25], [sflag:$0x4], $0x40, s16, s14, $0xb8;
	[tilespmem:$0x1C2A0] =	vst v63  }
0x85: {  	s18 =	simm.s32 $0x16C0  }
0x86: {  	[spmem:s2] =	stream.indirect.scatter.add.f32 [tilespmem:s26], [sflag:$0x4], $0x40, s18, s14, $0xb8;
	[tilespmem:$0x1C2A0] =	vst v63  }
0x87: {  	s20 =	simm.s32 $0x1728  }
0x88: {  	[spmem:s2] =	stream.indirect.scatter.add.f32 [tilespmem:s28], [sflag:$0x4], $0x40, s20, s14, $0xb8;
	[tilespmem:$0x1C2A0] =	vst v63  }
0x89: {  	s22 =	simm.s32 $0x1790;
	s13 =	simm.s32 $0x1040;
	s16 =	simm.s32 $0x17F8  }
0x8a: {  	[spmem:s2] =	stream.indirect.scatter.add.f32 [tilespmem:s29], [sflag:$0x4], $0x40, s22, s14, $0xb8;
	[tilespmem:$0x1C2A0] =	vst v63  }
.LBB2_2:
0x8b: {  	[spmem:s2] =	stream.indirect.scatter.add.f32 [tilespmem:s30], [sflag:$0x4], $0x40, s16, s14, $0xb8;
	[tilespmem:$0x1C2A0] =	vst v63  }
0x8c: {  	s16 =	smov.u32 s13;
	s13 =	sadd.s32 $0x1040, s13;
	_ =	swait.ge [sflag:s24], $0x1900  }
0x8d: {  	p0 =	sne.s32 s13, $0x5140;
	[sflag:s24] =	ssyncset.done $0x0  }
0x8e: {  	[sflag:s24] =	ssyncadd.s32 $0xFFFFE700  }
0x8f: {  	_ =	swait.ge [sflag:s24], $0x1900  }
0x90: {  	[sflag:s24] =	ssyncset.done $0x0  }
0x91: {  	[sflag:s24] =	ssyncadd.s32 $0xFFFFE700  }
0x92: {  	_ =	swait.ge [sflag:s24], $0x1900  }
0x93: {  	[sflag:s24] =	ssyncset.done $0x0  }
0x94: {  	[sflag:s24] =	ssyncadd.s32 $0xFFFFE700  }
0x95: {  	_ =	swait.ge [sflag:s24], $0x1900  }
0x96: {  	[sflag:s24] =	ssyncset.done $0x0  }
0x97: {  	[sflag:s24] =	ssyncadd.s32 $0xFFFFE700  }
0x98: {  	_ =	swait.ge [sflag:s24], $0x1900  }
0x99: {  	p1 =	seq.s32 s16, $0x0;
	[sflag:s24] =	ssyncset.done $0x0  }
0x9a: {  	s20 =	simm.s32 @!p1 $0x4;
	[sflag:s24] =	ssyncadd.s32 $0xFFFFE700  }
0x9b: {  	_ =	swait.ge @!p1 [sflag:s20], $0x1900  }
0x9c: {  	[sflag:s20] =	ssyncset.done @!p1 $0x0  }
0x9d: {  	[sflag:s20] =	ssyncadd.s32 @!p1 $0xFFFFE700  }
0x9e: {  	_ =	swait.ge @!p1 [sflag:s20], $0x1900  }
0x9f: {  	[sflag:s20] =	ssyncset.done @!p1 $0x0  }
0xa0: {  	[sflag:s20] =	ssyncadd.s32 @!p1 $0xFFFFE700  }
0xa1: {  	_ =	swait.ge @!p1 [sflag:s20], $0x1900  }
0xa2: {  	[sflag:s20] =	ssyncset.done @!p1 $0x0  }
0xa3: {  	[sflag:s20] =	ssyncadd.s32 @!p1 $0xFFFFE700  }
0xa4: {  	_ =	swait.ge @!p1 [sflag:s20], $0x1900  }
0xa5: {  	[sflag:s20] =	ssyncset.done @!p1 $0x0  }
0xa6: {  	[sflag:s20] =	ssyncadd.s32 @!p1 $0xFFFFE700  }
0xa7: {  	_ =	swait.ge @!p1 [sflag:s20], $0x1900  }
0xa8: {  	s18 =	sshra.s32 s16, $0x2;
	[sflag:s20] =	ssyncset.done @!p1 $0x0  }
0xa9: {  	[sflag:s20] =	ssyncadd.s32 @!p1 $0xFFFFE700;
	s20 =	sadd.s32 $0x208, s18  }
0xaa: {  	[tilespmem:s25], [sflag:$0x2] =	stream.indirect.gather [hbm4b:s4+s14], $0x40, s20, s14, $0xb8;
	[tilespmem:$0x1C2A0] =	vst v63  }
0xab: {  	s20 =	sadd.s32 $0x270, s18  }
0xac: {  	[tilespmem:s26], [sflag:$0x2] =	stream.indirect.gather [hbm4b:s4+s14], $0x40, s20, s14, $0xb8;
	[tilespmem:$0x1C2A0] =	vst v63  }
0xad: {  	s20 =	sadd.s32 $0x2D8, s18  }
0xae: {  	[tilespmem:s28], [sflag:$0x2] =	stream.indirect.gather [hbm4b:s4+s14], $0x40, s20, s14, $0xb8;
	[tilespmem:$0x1C2A0] =	vst v63  }
0xaf: {  	s20 =	sadd.s32 $0x340, s18  }
0xb0: {  	[tilespmem:s29], [sflag:$0x2] =	stream.indirect.gather [hbm4b:s4+s14], $0x40, s20, s14, $0xb8;
	[tilespmem:$0x1C2A0] =	vst v63  }
0xb1: {  	s20 =	sadd.s32 $0x3A8, s18  }
0xb2: {  	[tilespmem:s30], [sflag:$0x2] =	stream.indirect.gather [hbm4b:s4+s14], $0x40, s20, s14, $0xb8;
	[tilespmem:$0x1C2A0] =	vst v63  }
0xb3: {  	s20 =	sadd.s32 $0x1450, s18  }
0xb4: {  	[spmem:s2] =	stream.indirect.scatter.add.f32 [tilespmem:s15], [sflag:$0x3], $0x40, s20, s14, $0xb8;
	[tilespmem:$0x1C2A0] =	vst v63  }
0xb5: {  	s20 =	sadd.s32 $0x14B8, s18  }
0xb6: {  	[spmem:s2] =	stream.indirect.scatter.add.f32 [tilespmem:s17], [sflag:$0x3], $0x40, s20, s14, $0xb8;
	[tilespmem:$0x1C2A0] =	vst v63  }
0xb7: {  	s20 =	sadd.s32 $0x1520, s18  }
0xb8: {  	[spmem:s2] =	stream.indirect.scatter.add.f32 [tilespmem:s19], [sflag:$0x3], $0x40, s20, s14, $0xb8;
	[tilespmem:$0x1C2A0] =	vst v63  }
0xb9: {  	s20 =	sadd.s32 $0x1588, s18  }
0xba: {  	[spmem:s2] =	stream.indirect.scatter.add.f32 [tilespmem:s21], [sflag:$0x3], $0x40, s20, s14, $0xb8;
	[tilespmem:$0x1C2A0] =	vst v63  }
0xbb: {  	s20 =	sadd.s32 $0x15F0, s18  }
0xbc: {  	[spmem:s2] =	stream.indirect.scatter.add.f32 [tilespmem:s23], [sflag:$0x3], $0x40, s20, s14, $0xb8;
	[tilespmem:$0x1C2A0] =	vst v63  }
0xbd: {  	_ =	swait.ge [sflag:s31], $0x1900  }
0xbe: {  	[sflag:s31] =	ssyncset.done $0x0  }
0xbf: {  	[sflag:s31] =	ssyncadd.s32 $0xFFFFE700  }
0xc0: {  	_ =	swait.ge [sflag:s31], $0x1900  }
0xc1: {  	[sflag:s31] =	ssyncset.done $0x0  }
0xc2: {  	[sflag:s31] =	ssyncadd.s32 $0xFFFFE700  }
0xc3: {  	_ =	swait.ge [sflag:s31], $0x1900  }
0xc4: {  	[sflag:s31] =	ssyncset.done $0x0  }
0xc5: {  	[sflag:s31] =	ssyncadd.s32 $0xFFFFE700  }
0xc6: {  	_ =	swait.ge [sflag:s31], $0x1900  }
0xc7: {  	[sflag:s31] =	ssyncset.done $0x0  }
0xc8: {  	[sflag:s31] =	ssyncadd.s32 $0xFFFFE700  }
0xc9: {  	_ =	swait.ge [sflag:s31], $0x1900  }
0xca: {  	[sflag:s31] =	ssyncset.done $0x0  }
0xcb: {  	[sflag:s31] =	ssyncadd.s32 $0xFFFFE700  }
0xcc: {  	_ =	swait.ge [sflag:s1], $0x1900  }
0xcd: {  	[sflag:s1] =	ssyncset.done $0x0  }
0xce: {  	[sflag:s1] =	ssyncadd.s32 $0xFFFFE700  }
0xcf: {  	_ =	swait.ge [sflag:s1], $0x1900  }
0xd0: {  	[sflag:s1] =	ssyncset.done $0x0  }
0xd1: {  	[sflag:s1] =	ssyncadd.s32 $0xFFFFE700  }
0xd2: {  	_ =	swait.ge [sflag:s1], $0x1900  }
0xd3: {  	[sflag:s1] =	ssyncset.done $0x0  }
0xd4: {  	[sflag:s1] =	ssyncadd.s32 $0xFFFFE700  }
0xd5: {  	_ =	swait.ge [sflag:s1], $0x1900  }
0xd6: {  	[sflag:s1] =	ssyncset.done $0x0  }
0xd7: {  	[sflag:s1] =	ssyncadd.s32 $0xFFFFE700  }
0xd8: {  	p1 =	seq.s32 s16, $0x4100;
	_ =	swait.ge [sflag:s1], $0x1900  }
0xd9: {  	s16 =	sshra.s32 @!p1 s16, $0x2;
	s20 =	simm.s32 @!p1 $0x28A0;
	[sflag:s1] =	ssyncset.done $0x0  }
0xda: {  	s10 =	simm.s32 @!p1 $0x64;
	s9 =	sadd.s32 @!p1 $0x410, s16;
	[sflag:s1] =	ssyncadd.s32 $0xFFFFE700  }
0xdb: {  	[tilespmem:s20], [sflag:$0x1] =	stream.indirect.gather @!p1 [hbm4b:s4+s10], $0x40, s9, s10, $0xb8;
	[tilespmem:$0x1C2A0] =	vst v63  }
0xdc: {  	s22 =	sadd.s32 @!p1 $0x4E0, s16;
	s9 =	sadd.s32 @!p1 $0x478, s16;
	s20 =	simm.s32 @!p1 $0x41A0  }
0xdd: {  	[tilespmem:s20], [sflag:$0x1] =	stream.indirect.gather @!p1 [hbm4b:s4+s10], $0x40, s9, s10, $0xb8;
	[tilespmem:$0x1C2A0] =	vst v63  }
0xde: {  	s9 =	simm.s32 @!p1 $0x5AA0;
	s20 =	sadd.s32 @!p1 $0x548, s16;
	s16 =	sadd.s32 @!p1 $0x5B0, s16  }
0xdf: {  	[tilespmem:s9], [sflag:$0x1] =	stream.indirect.gather @!p1 [hbm4b:s4+s10], $0x40, s22, s10, $0xb8;
	[tilespmem:$0x1C2A0] =	vst v63  }
0xe0: {  	s9 =	simm.s32 @!p1 $0x73A0  }
0xe1: {  	[tilespmem:s9], [sflag:$0x1] =	stream.indirect.gather @!p1 [hbm4b:s4+s10], $0x40, s20, s10, $0xb8;
	[tilespmem:$0x1C2A0] =	vst v63  }
0xe2: {  	s9 =	simm.s32 @!p1 $0x8CA0  }
0xe3: {  	[tilespmem:s9], [sflag:$0x1] =	stream.indirect.gather @!p1 [hbm4b:s4+s10], $0x40, s16, s10, $0xb8;
	[tilespmem:$0x1C2A0] =	vst v63  }
0xe4: {  	s9 =	sadd.s32 $0x1658, s18  }
0xe5: {  	[spmem:s2] =	stream.indirect.scatter.add.f32 [tilespmem:s25], [sflag:$0x4], $0x40, s9, s14, $0xb8;
	[tilespmem:$0x1C2A0] =	vst v63  }
0xe6: {  	s9 =	sadd.s32 $0x16C0, s18  }
0xe7: {  	[spmem:s2] =	stream.indirect.scatter.add.f32 [tilespmem:s26], [sflag:$0x4], $0x40, s9, s14, $0xb8;
	[tilespmem:$0x1C2A0] =	vst v63  }
.Ltmp0:
0xe8: {  	s9 =	sadd.s32 $0x1728, s18;
	(pc) =	sbr.rel @p0 .LBB2_2-.Ltmp0, $4  }
0xe9: {  	[spmem:s2] =	stream.indirect.scatter.add.f32 [tilespmem:s28], [sflag:$0x4], $0x40, s9, s14, $0xb8;
	[tilespmem:$0x1C2A0] =	vst v63  }
0xea: {  	s9 =	sadd.s32 $0x1790, s18  }
0xeb: {  	[spmem:s2] =	stream.indirect.scatter.add.f32 [tilespmem:s29], [sflag:$0x4], $0x40, s9, s14, $0xb8;
	[tilespmem:$0x1C2A0] =	vst v63  }
0xec: {  	s16 =	sadd.s32 $0x17F8, s18  }
0xed: {  	[spmem:s2] =	stream.indirect.scatter.add.f32 [tilespmem:s30], [sflag:$0x4], $0x40, s16, s14, $0xb8;
	[tilespmem:$0x1C2A0] =	vst v63  }
0xee: {  	_ =	swait.ge [sflag:s0], $0x1900  }
0xef: {  	[sflag:s0] =	ssyncset.done $0x0  }
0xf0: {  	[sflag:s0] =	ssyncadd.s32 $0xFFFFE700  }
0xf1: {  	_ =	swait.ge [sflag:s0], $0x1900  }
0xf2: {  	[sflag:s0] =	ssyncset.done $0x0  }
0xf3: {  	[sflag:s0] =	ssyncadd.s32 $0xFFFFE700  }
0xf4: {  	_ =	swait.ge [sflag:s0], $0x1900  }
0xf5: {  	[sflag:s0] =	ssyncset.done $0x0  }
0xf6: {  	[sflag:s0] =	ssyncadd.s32 $0xFFFFE700  }
0xf7: {  	_ =	swait.ge [sflag:s0], $0x1900  }
0xf8: {  	[sflag:s0] =	ssyncset.done $0x0  }
0xf9: {  	[sflag:s0] =	ssyncadd.s32 $0xFFFFE700  }
0xfa: {  	_ =	swait.ge [sflag:s0], $0x1900  }
0xfb: {  	[sflag:s0] =	ssyncset.done $0x0  }
0xfc: {  	s9 =	sadd.s32 $0x28A, s7;
	s10 =	simm.s32 $0x0;
	[sflag:s0] =	ssyncadd.s32 $0xFFFFE700  }
0xfd: {  	[tilespmem:s10], [sflag:$0x5] =	stream.linear.gather [hbm4b:s9+s10], $0x1450, $0x38;
	[tilespmem:$0x1C2A0] =	vst v63  }
0xfe: {  	_ =	swait.ge [sflag:s12], $0x1450  }
0xff: {  	[sflag:s12] =	ssyncset.done $0x0  }
0x100: {  	s22 =	sadd.s32 $0x28A, s8;
	s13 =	simm.s32 $0x1450;
	[sflag:s12] =	ssyncadd.s32 $0xFFFFEBB0  }
0x101: {  	[tilespmem:s13], [sflag:$0x5] =	stream.linear.gather [hbm4b:s22+s10], $0x1450, $0x38;
	[tilespmem:$0x1C2A0] =	vst v63  }
0x102: {  	_ =	swait.ge [sflag:s12], $0x1450  }
0x103: {  	[sflag:s12] =	ssyncset.done $0x0  }
0x104: {  	[sflag:s12] =	ssyncadd.s32 $0xFFFFEBB0  }
0x105: {  	[tilespmem:s15], [sflag:$0x1] =	stream.indirect.gather [hbm4b:s4+s14], $0x40, s10, s14, $0xb8;
	[tilespmem:$0x1C2A0] =	vst v63  }
0x106: {  	s10 =	simm.s32 $0x68  }
0x107: {  	[tilespmem:s17], [sflag:$0x1] =	stream.indirect.gather [hbm4b:s4+s14], $0x40, s10, s14, $0xb8;
	[tilespmem:$0x1C2A0] =	vst v63  }
0x108: {  	s13 =	simm.s32 $0xD0  }
0x109: {  	[tilespmem:s19], [sflag:$0x1] =	stream.indirect.gather [hbm4b:s4+s14], $0x40, s13, s14, $0xb8;
	[tilespmem:$0x1C2A0] =	vst v63  }
0x10a: {  	s16 =	simm.s32 $0x138  }
0x10b: {  	[tilespmem:s21], [sflag:$0x1] =	stream.indirect.gather [hbm4b:s4+s14], $0x40, s16, s14, $0xb8;
	[tilespmem:$0x1C2A0] =	vst v63  }
0x10c: {  	s18 =	simm.s32 $0x1A0  }
0x10d: {  	[tilespmem:s23], [sflag:$0x1] =	stream.indirect.gather [hbm4b:s4+s14], $0x40, s18, s14, $0xb8;
	[tilespmem:$0x1C2A0] =	vst v63  }
0x10e: {  	_ =	swait.ge [sflag:s24], $0x1900  }
0x10f: {  	[sflag:s24] =	ssyncset.done $0x0  }
0x110: {  	[sflag:s24] =	ssyncadd.s32 $0xFFFFE700  }
0x111: {  	_ =	swait.ge [sflag:s24], $0x1900  }
0x112: {  	[sflag:s24] =	ssyncset.done $0x0  }
0x113: {  	[sflag:s24] =	ssyncadd.s32 $0xFFFFE700  }
0x114: {  	_ =	swait.ge [sflag:s24], $0x1900  }
0x115: {  	[sflag:s24] =	ssyncset.done $0x0  }
0x116: {  	[sflag:s24] =	ssyncadd.s32 $0xFFFFE700  }
0x117: {  	_ =	swait.ge [sflag:s24], $0x1900  }
0x118: {  	[sflag:s24] =	ssyncset.done $0x0  }
0x119: {  	[sflag:s24] =	ssyncadd.s32 $0xFFFFE700  }
0x11a: {  	_ =	swait.ge [sflag:s24], $0x1900  }
0x11b: {  	p0 =	por $0x1, $0x1;
	[sflag:s24] =	ssyncset.done $0x0  }
0x11c: {  	s9 =	simm.s32 @!p0 $0x4;
	[sflag:s24] =	ssyncadd.s32 $0xFFFFE700  }
0x11d: {  	_ =	swait.ge @!p0 [sflag:s9], $0x1900  }
0x11e: {  	[sflag:s9] =	ssyncset.done @!p0 $0x0  }
0x11f: {  	[sflag:s9] =	ssyncadd.s32 @!p0 $0xFFFFE700  }
0x120: {  	_ =	swait.ge @!p0 [sflag:s9], $0x1900  }
0x121: {  	[sflag:s9] =	ssyncset.done @!p0 $0x0  }
0x122: {  	[sflag:s9] =	ssyncadd.s32 @!p0 $0xFFFFE700  }
0x123: {  	_ =	swait.ge @!p0 [sflag:s9], $0x1900  }
0x124: {  	[sflag:s9] =	ssyncset.done @!p0 $0x0  }
0x125: {  	[sflag:s9] =	ssyncadd.s32 @!p0 $0xFFFFE700  }
0x126: {  	_ =	swait.ge @!p0 [sflag:s9], $0x1900  }
0x127: {  	[sflag:s9] =	ssyncset.done @!p0 $0x0  }
0x128: {  	[sflag:s9] =	ssyncadd.s32 @!p0 $0xFFFFE700  }
0x129: {  	_ =	swait.ge @!p0 [sflag:s9], $0x1900  }
0x12a: {  	[sflag:s9] =	ssyncset.done @!p0 $0x0  }
0x12b: {  	s20 =	simm.s32 $0x208;
	[sflag:s9] =	ssyncadd.s32 @!p0 $0xFFFFE700  }
0x12c: {  	[tilespmem:s25], [sflag:$0x2] =	stream.indirect.gather [hbm4b:s4+s14], $0x40, s20, s14, $0xb8;
	[tilespmem:$0x1C2A0] =	vst v63  }
0x12d: {  	s22 =	simm.s32 $0x270  }
0x12e: {  	[tilespmem:s26], [sflag:$0x2] =	stream.indirect.gather [hbm4b:s4+s14], $0x40, s22, s14, $0xb8;
	[tilespmem:$0x1C2A0] =	vst v63  }
0x12f: {  	s10 =	simm.s32 $0x2D8  }
0x130: {  	[tilespmem:s28], [sflag:$0x2] =	stream.indirect.gather [hbm4b:s4+s14], $0x40, s10, s14, $0xb8;
	[tilespmem:$0x1C2A0] =	vst v63  }
0x131: {  	s13 =	simm.s32 $0x340  }
0x132: {  	[tilespmem:s29], [sflag:$0x2] =	stream.indirect.gather [hbm4b:s4+s14], $0x40, s13, s14, $0xb8;
	[tilespmem:$0x1C2A0] =	vst v63  }
0x133: {  	s16 =	simm.s32 $0x3A8  }
0x134: {  	[tilespmem:s30], [sflag:$0x2] =	stream.indirect.gather [hbm4b:s4+s14], $0x40, s16, s14, $0xb8;
	[tilespmem:$0x1C2A0] =	vst v63  }
0x135: {  	s18 =	simm.s32 $0x1450  }
0x136: {  	[spmem:s2] =	stream.indirect.scatter.add.f32 [tilespmem:s15], [sflag:$0x3], $0x40, s18, s14, $0xb8;
	[tilespmem:$0x1C2A0] =	vst v63  }
0x137: {  	s20 =	simm.s32 $0x14B8  }
0x138: {  	[spmem:s2] =	stream.indirect.scatter.add.f32 [tilespmem:s17], [sflag:$0x3], $0x40, s20, s14, $0xb8;
	[tilespmem:$0x1C2A0] =	vst v63  }
0x139: {  	s22 =	simm.s32 $0x1520  }
0x13a: {  	[spmem:s2] =	stream.indirect.scatter.add.f32 [tilespmem:s19], [sflag:$0x3], $0x40, s22, s14, $0xb8;
	[tilespmem:$0x1C2A0] =	vst v63  }
0x13b: {  	s10 =	simm.s32 $0x1588  }
0x13c: {  	[spmem:s2] =	stream.indirect.scatter.add.f32 [tilespmem:s21], [sflag:$0x3], $0x40, s10, s14, $0xb8;
	[tilespmem:$0x1C2A0] =	vst v63  }
0x13d: {  	s13 =	simm.s32 $0x15F0  }
0x13e: {  	[spmem:s2] =	stream.indirect.scatter.add.f32 [tilespmem:s23], [sflag:$0x3], $0x40, s13, s14, $0xb8;
	[tilespmem:$0x1C2A0] =	vst v63  }
0x13f: {  	_ =	swait.ge [sflag:s31], $0x1900  }
0x140: {  	[sflag:s31] =	ssyncset.done $0x0  }
0x141: {  	[sflag:s31] =	ssyncadd.s32 $0xFFFFE700  }
0x142: {  	_ =	swait.ge [sflag:s31], $0x1900  }
0x143: {  	[sflag:s31] =	ssyncset.done $0x0  }
0x144: {  	[sflag:s31] =	ssyncadd.s32 $0xFFFFE700  }
0x145: {  	_ =	swait.ge [sflag:s31], $0x1900  }
0x146: {  	[sflag:s31] =	ssyncset.done $0x0  }
0x147: {  	[sflag:s31] =	ssyncadd.s32 $0xFFFFE700  }
0x148: {  	_ =	swait.ge [sflag:s31], $0x1900  }
0x149: {  	[sflag:s31] =	ssyncset.done $0x0  }
0x14a: {  	[sflag:s31] =	ssyncadd.s32 $0xFFFFE700  }
0x14b: {  	_ =	swait.ge [sflag:s31], $0x1900  }
0x14c: {  	[sflag:s31] =	ssyncset.done $0x0  }
0x14d: {  	[sflag:s31] =	ssyncadd.s32 $0xFFFFE700  }
0x14e: {  	_ =	swait.ge [sflag:s1], $0x1900  }
0x14f: {  	[sflag:s1] =	ssyncset.done $0x0  }
0x150: {  	[sflag:s1] =	ssyncadd.s32 $0xFFFFE700  }
0x151: {  	_ =	swait.ge [sflag:s1], $0x1900  }
0x152: {  	[sflag:s1] =	ssyncset.done $0x0  }
0x153: {  	[sflag:s1] =	ssyncadd.s32 $0xFFFFE700  }
0x154: {  	_ =	swait.ge [sflag:s1], $0x1900  }
0x155: {  	[sflag:s1] =	ssyncset.done $0x0  }
0x156: {  	[sflag:s1] =	ssyncadd.s32 $0xFFFFE700  }
0x157: {  	_ =	swait.ge [sflag:s1], $0x1900  }
0x158: {  	[sflag:s1] =	ssyncset.done $0x0  }
0x159: {  	[sflag:s1] =	ssyncadd.s32 $0xFFFFE700  }
0x15a: {  	p0 =	por $0x0, $0x0;
	_ =	swait.ge [sflag:s1], $0x1900  }
0x15b: {  	s9 =	simm.s32 @!p0 $0x28A0;
	[sflag:s1] =	ssyncset.done $0x0  }
0x15c: {  	s10 =	simm.s32 @!p0 $0x410;
	s13 =	simm.s32 @!p0 $0x64;
	[sflag:s1] =	ssyncadd.s32 $0xFFFFE700  }
0x15d: {  	[tilespmem:s9], [sflag:$0x1] =	stream.indirect.gather @!p0 [hbm4b:s4+s13], $0x40, s10, s13, $0xb8;
	[tilespmem:$0x1C2A0] =	vst v63  }
0x15e: {  	s9 =	simm.s32 @!p0 $0x478;
	s10 =	simm.s32 @!p0 $0x41A0  }
0x15f: {  	[tilespmem:s10], [sflag:$0x1] =	stream.indirect.gather @!p0 [hbm4b:s4+s13], $0x40, s9, s13, $0xb8;
	[tilespmem:$0x1C2A0] =	vst v63  }
0x160: {  	s9 =	simm.s32 @!p0 $0x4E0;
	s10 =	simm.s32 @!p0 $0x5AA0  }
0x161: {  	[tilespmem:s10], [sflag:$0x1] =	stream.indirect.gather @!p0 [hbm4b:s4+s13], $0x40, s9, s13, $0xb8;
	[tilespmem:$0x1C2A0] =	vst v63  }
0x162: {  	s9 =	simm.s32 @!p0 $0x548;
	s10 =	simm.s32 @!p0 $0x73A0  }
0x163: {  	[tilespmem:s10], [sflag:$0x1] =	stream.indirect.gather @!p0 [hbm4b:s4+s13], $0x40, s9, s13, $0xb8;
	[tilespmem:$0x1C2A0] =	vst v63  }
0x164: {  	s9 =	simm.s32 @!p0 $0x5B0;
	s10 =	simm.s32 @!p0 $0x8CA0  }
0x165: {  	[tilespmem:s10], [sflag:$0x1] =	stream.indirect.gather @!p0 [hbm4b:s4+s13], $0x40, s9, s13, $0xb8;
	[tilespmem:$0x1C2A0] =	vst v63  }
0x166: {  	s16 =	simm.s32 $0x1658  }
0x167: {  	[spmem:s2] =	stream.indirect.scatter.add.f32 [tilespmem:s25], [sflag:$0x4], $0x40, s16, s14, $0xb8;
	[tilespmem:$0x1C2A0] =	vst v63  }
0x168: {  	s18 =	simm.s32 $0x16C0  }
0x169: {  	[spmem:s2] =	stream.indirect.scatter.add.f32 [tilespmem:s26], [sflag:$0x4], $0x40, s18, s14, $0xb8;
	[tilespmem:$0x1C2A0] =	vst v63  }
0x16a: {  	s20 =	simm.s32 $0x1728  }
0x16b: {  	[spmem:s2] =	stream.indirect.scatter.add.f32 [tilespmem:s28], [sflag:$0x4], $0x40, s20, s14, $0xb8;
	[tilespmem:$0x1C2A0] =	vst v63  }
0x16c: {  	s22 =	simm.s32 $0x1790;
	s13 =	simm.s32 $0x1040;
	s16 =	simm.s32 $0x17F8  }
0x16d: {  	[spmem:s2] =	stream.indirect.scatter.add.f32 [tilespmem:s29], [sflag:$0x4], $0x40, s22, s14, $0xb8;
	[tilespmem:$0x1C2A0] =	vst v63  }
.LBB2_4:
0x16e: {  	[spmem:s2] =	stream.indirect.scatter.add.f32 [tilespmem:s30], [sflag:$0x4], $0x40, s16, s14, $0xb8;
	[tilespmem:$0x1C2A0] =	vst v63  }
0x16f: {  	s16 =	smov.u32 s13;
	s13 =	sadd.s32 $0x1040, s13;
	_ =	swait.ge [sflag:s24], $0x1900  }
0x170: {  	p0 =	sne.s32 s13, $0x5140;
	[sflag:s24] =	ssyncset.done $0x0  }
0x171: {  	[sflag:s24] =	ssyncadd.s32 $0xFFFFE700  }
0x172: {  	_ =	swait.ge [sflag:s24], $0x1900  }
0x173: {  	[sflag:s24] =	ssyncset.done $0x0  }
0x174: {  	[sflag:s24] =	ssyncadd.s32 $0xFFFFE700  }
0x175: {  	_ =	swait.ge [sflag:s24], $0x1900  }
0x176: {  	[sflag:s24] =	ssyncset.done $0x0  }
0x177: {  	[sflag:s24] =	ssyncadd.s32 $0xFFFFE700  }
0x178: {  	_ =	swait.ge [sflag:s24], $0x1900  }
0x179: {  	[sflag:s24] =	ssyncset.done $0x0  }
0x17a: {  	[sflag:s24] =	ssyncadd.s32 $0xFFFFE700  }
0x17b: {  	_ =	swait.ge [sflag:s24], $0x1900  }
0x17c: {  	p1 =	seq.s32 s16, $0x0;
	[sflag:s24] =	ssyncset.done $0x0  }
0x17d: {  	s9 =	simm.s32 @!p1 $0x4;
	[sflag:s24] =	ssyncadd.s32 $0xFFFFE700  }
0x17e: {  	_ =	swait.ge @!p1 [sflag:s9], $0x1900  }
0x17f: {  	[sflag:s9] =	ssyncset.done @!p1 $0x0  }
0x180: {  	[sflag:s9] =	ssyncadd.s32 @!p1 $0xFFFFE700  }
0x181: {  	_ =	swait.ge @!p1 [sflag:s9], $0x1900  }
0x182: {  	[sflag:s9] =	ssyncset.done @!p1 $0x0  }
0x183: {  	[sflag:s9] =	ssyncadd.s32 @!p1 $0xFFFFE700  }
0x184: {  	_ =	swait.ge @!p1 [sflag:s9], $0x1900  }
0x185: {  	[sflag:s9] =	ssyncset.done @!p1 $0x0  }
0x186: {  	[sflag:s9] =	ssyncadd.s32 @!p1 $0xFFFFE700  }
0x187: {  	_ =	swait.ge @!p1 [sflag:s9], $0x1900  }
0x188: {  	[sflag:s9] =	ssyncset.done @!p1 $0x0  }
0x189: {  	[sflag:s9] =	ssyncadd.s32 @!p1 $0xFFFFE700  }
0x18a: {  	_ =	swait.ge @!p1 [sflag:s9], $0x1900  }
0x18b: {  	s18 =	sshra.s32 s16, $0x2;
	[sflag:s9] =	ssyncset.done @!p1 $0x0  }
0x18c: {  	[sflag:s9] =	ssyncadd.s32 @!p1 $0xFFFFE700;
	s9 =	sadd.s32 $0x208, s18  }
0x18d: {  	[tilespmem:s25], [sflag:$0x2] =	stream.indirect.gather [hbm4b:s4+s14], $0x40, s9, s14, $0xb8;
	[tilespmem:$0x1C2A0] =	vst v63  }
0x18e: {  	s9 =	sadd.s32 $0x270, s18  }
0x18f: {  	[tilespmem:s26], [sflag:$0x2] =	stream.indirect.gather [hbm4b:s4+s14], $0x40, s9, s14, $0xb8;
	[tilespmem:$0x1C2A0] =	vst v63  }
0x190: {  	s9 =	sadd.s32 $0x2D8, s18  }
0x191: {  	[tilespmem:s28], [sflag:$0x2] =	stream.indirect.gather [hbm4b:s4+s14], $0x40, s9, s14, $0xb8;
	[tilespmem:$0x1C2A0] =	vst v63  }
0x192: {  	s9 =	sadd.s32 $0x340, s18  }
0x193: {  	[tilespmem:s29], [sflag:$0x2] =	stream.indirect.gather [hbm4b:s4+s14], $0x40, s9, s14, $0xb8;
	[tilespmem:$0x1C2A0] =	vst v63  }
0x194: {  	s9 =	sadd.s32 $0x3A8, s18  }
0x195: {  	[tilespmem:s30], [sflag:$0x2] =	stream.indirect.gather [hbm4b:s4+s14], $0x40, s9, s14, $0xb8;
	[tilespmem:$0x1C2A0] =	vst v63  }
0x196: {  	s9 =	sadd.s32 $0x1450, s18  }
0x197: {  	[spmem:s2] =	stream.indirect.scatter.add.f32 [tilespmem:s15], [sflag:$0x3], $0x40, s9, s14, $0xb8;
	[tilespmem:$0x1C2A0] =	vst v63  }
0x198: {  	s9 =	sadd.s32 $0x14B8, s18  }
0x199: {  	[spmem:s2] =	stream.indirect.scatter.add.f32 [tilespmem:s17], [sflag:$0x3], $0x40, s9, s14, $0xb8;
	[tilespmem:$0x1C2A0] =	vst v63  }
0x19a: {  	s9 =	sadd.s32 $0x1520, s18  }
0x19b: {  	[spmem:s2] =	stream.indirect.scatter.add.f32 [tilespmem:s19], [sflag:$0x3], $0x40, s9, s14, $0xb8;
	[tilespmem:$0x1C2A0] =	vst v63  }
0x19c: {  	s9 =	sadd.s32 $0x1588, s18  }
0x19d: {  	[spmem:s2] =	stream.indirect.scatter.add.f32 [tilespmem:s21], [sflag:$0x3], $0x40, s9, s14, $0xb8;
	[tilespmem:$0x1C2A0] =	vst v63  }
0x19e: {  	s9 =	sadd.s32 $0x15F0, s18  }
0x19f: {  	[spmem:s2] =	stream.indirect.scatter.add.f32 [tilespmem:s23], [sflag:$0x3], $0x40, s9, s14, $0xb8;
	[tilespmem:$0x1C2A0] =	vst v63  }
0x1a0: {  	_ =	swait.ge [sflag:s31], $0x1900  }
0x1a1: {  	[sflag:s31] =	ssyncset.done $0x0  }
0x1a2: {  	[sflag:s31] =	ssyncadd.s32 $0xFFFFE700  }
0x1a3: {  	_ =	swait.ge [sflag:s31], $0x1900  }
0x1a4: {  	[sflag:s31] =	ssyncset.done $0x0  }
0x1a5: {  	[sflag:s31] =	ssyncadd.s32 $0xFFFFE700  }
0x1a6: {  	_ =	swait.ge [sflag:s31], $0x1900  }
0x1a7: {  	[sflag:s31] =	ssyncset.done $0x0  }
0x1a8: {  	[sflag:s31] =	ssyncadd.s32 $0xFFFFE700  }
0x1a9: {  	_ =	swait.ge [sflag:s31], $0x1900  }
0x1aa: {  	[sflag:s31] =	ssyncset.done $0x0  }
0x1ab: {  	[sflag:s31] =	ssyncadd.s32 $0xFFFFE700  }
0x1ac: {  	_ =	swait.ge [sflag:s31], $0x1900  }
0x1ad: {  	[sflag:s31] =	ssyncset.done $0x0  }
0x1ae: {  	[sflag:s31] =	ssyncadd.s32 $0xFFFFE700  }
0x1af: {  	_ =	swait.ge [sflag:s1], $0x1900  }
0x1b0: {  	[sflag:s1] =	ssyncset.done $0x0  }
0x1b1: {  	[sflag:s1] =	ssyncadd.s32 $0xFFFFE700  }
0x1b2: {  	_ =	swait.ge [sflag:s1], $0x1900  }
0x1b3: {  	[sflag:s1] =	ssyncset.done $0x0  }
0x1b4: {  	[sflag:s1] =	ssyncadd.s32 $0xFFFFE700  }
0x1b5: {  	_ =	swait.ge [sflag:s1], $0x1900  }
0x1b6: {  	[sflag:s1] =	ssyncset.done $0x0  }
0x1b7: {  	[sflag:s1] =	ssyncadd.s32 $0xFFFFE700  }
0x1b8: {  	_ =	swait.ge [sflag:s1], $0x1900  }
0x1b9: {  	[sflag:s1] =	ssyncset.done $0x0  }
0x1ba: {  	[sflag:s1] =	ssyncadd.s32 $0xFFFFE700  }
0x1bb: {  	p1 =	seq.s32 s16, $0x4100;
	_ =	swait.ge [sflag:s1], $0x1900  }
0x1bc: {  	s10 =	simm.s32 @!p1 $0x28A0;
	s9 =	sshra.s32 @!p1 s16, $0x2;
	[sflag:s1] =	ssyncset.done $0x0  }
0x1bd: {  	s20 =	simm.s32 @!p1 $0x64;
	s16 =	sadd.s32 @!p1 $0x410, s9;
	[sflag:s1] =	ssyncadd.s32 $0xFFFFE700  }
0x1be: {  	[tilespmem:s10], [sflag:$0x1] =	stream.indirect.gather @!p1 [hbm4b:s4+s20], $0x40, s16, s20, $0xb8;
	[tilespmem:$0x1C2A0] =	vst v63  }
0x1bf: {  	s22 =	sadd.s32 @!p1 $0x4E0, s9;
	s10 =	sadd.s32 @!p1 $0x478, s9;
	s16 =	simm.s32 @!p1 $0x41A0  }
0x1c0: {  	[tilespmem:s16], [sflag:$0x1] =	stream.indirect.gather @!p1 [hbm4b:s4+s20], $0x40, s10, s20, $0xb8;
	[tilespmem:$0x1C2A0] =	vst v63  }
0x1c1: {  	s10 =	simm.s32 @!p1 $0x5AA0;
	s16 =	sadd.s32 @!p1 $0x548, s9;
	s9 =	sadd.s32 @!p1 $0x5B0, s9  }
0x1c2: {  	[tilespmem:s10], [sflag:$0x1] =	stream.indirect.gather @!p1 [hbm4b:s4+s20], $0x40, s22, s20, $0xb8;
	[tilespmem:$0x1C2A0] =	vst v63  }
0x1c3: {  	s10 =	simm.s32 @!p1 $0x73A0  }
0x1c4: {  	[tilespmem:s10], [sflag:$0x1] =	stream.indirect.gather @!p1 [hbm4b:s4+s20], $0x40, s16, s20, $0xb8;
	[tilespmem:$0x1C2A0] =	vst v63  }
0x1c5: {  	s10 =	simm.s32 @!p1 $0x8CA0  }
0x1c6: {  	[tilespmem:s10], [sflag:$0x1] =	stream.indirect.gather @!p1 [hbm4b:s4+s20], $0x40, s9, s20, $0xb8;
	[tilespmem:$0x1C2A0] =	vst v63  }
0x1c7: {  	s9 =	sadd.s32 $0x1658, s18  }
0x1c8: {  	[spmem:s2] =	stream.indirect.scatter.add.f32 [tilespmem:s25], [sflag:$0x4], $0x40, s9, s14, $0xb8;
	[tilespmem:$0x1C2A0] =	vst v63  }
0x1c9: {  	s9 =	sadd.s32 $0x16C0, s18  }
0x1ca: {  	[spmem:s2] =	stream.indirect.scatter.add.f32 [tilespmem:s26], [sflag:$0x4], $0x40, s9, s14, $0xb8;
	[tilespmem:$0x1C2A0] =	vst v63  }
.Ltmp1:
0x1cb: {  	s9 =	sadd.s32 $0x1728, s18;
	(pc) =	sbr.rel @p0 .LBB2_4-.Ltmp1, $4  }
0x1cc: {  	[spmem:s2] =	stream.indirect.scatter.add.f32 [tilespmem:s28], [sflag:$0x4], $0x40, s9, s14, $0xb8;
	[tilespmem:$0x1C2A0] =	vst v63  }
0x1cd: {  	s9 =	sadd.s32 $0x1790, s18  }
0x1ce: {  	[spmem:s2] =	stream.indirect.scatter.add.f32 [tilespmem:s29], [sflag:$0x4], $0x40, s9, s14, $0xb8;
	[tilespmem:$0x1C2A0] =	vst v63  }
0x1cf: {  	s16 =	sadd.s32 $0x17F8, s18  }
0x1d0: {  	[spmem:s2] =	stream.indirect.scatter.add.f32 [tilespmem:s30], [sflag:$0x4], $0x40, s16, s14, $0xb8;
	[tilespmem:$0x1C2A0] =	vst v63  }
0x1d1: {  	_ =	swait.ge [sflag:s0], $0x1900  }
0x1d2: {  	[sflag:s0] =	ssyncset.done $0x0  }
0x1d3: {  	[sflag:s0] =	ssyncadd.s32 $0xFFFFE700  }
0x1d4: {  	_ =	swait.ge [sflag:s0], $0x1900  }
0x1d5: {  	[sflag:s0] =	ssyncset.done $0x0  }
0x1d6: {  	[sflag:s0] =	ssyncadd.s32 $0xFFFFE700  }
0x1d7: {  	_ =	swait.ge [sflag:s0], $0x1900  }
0x1d8: {  	[sflag:s0] =	ssyncset.done $0x0  }
0x1d9: {  	[sflag:s0] =	ssyncadd.s32 $0xFFFFE700  }
0x1da: {  	_ =	swait.ge [sflag:s0], $0x1900  }
0x1db: {  	[sflag:s0] =	ssyncset.done $0x0  }
0x1dc: {  	[sflag:s0] =	ssyncadd.s32 $0xFFFFE700  }
0x1dd: {  	_ =	swait.ge [sflag:s0], $0x1900  }
0x1de: {  	[sflag:s0] =	ssyncset.done $0x0  }
0x1df: {  	[sflag:s0] =	ssyncadd.s32 $0xFFFFE700  }
0x1e0: {  	[bflag:$0x0] =	sbarrier.arrive $0xFFFF  }
0x1e1: {  	s10 =	simm.s32 $0x10;
	s13 =	simm.s32 $0x8;
	s9 =	rddreg [dreg:$0x5]  }
0x1e2: {  	[hbm:s9@s10], [sflag:s6] =	dma.strided [spmem:s11@s13], $0x1400, s24, $0x8   }
0x1e3: {  	_ =	swait.ge [sflag:s12], $0x1400  }
0x1e4: {  	s5 =	sadd.s32 $0x1, s5;
	s22 =	rddreg [dreg:$0x6]  }
0x1e5: {  	p0 =	sne.s32 s5, s22  }
.Ltmp2:
0x1e6: {  	_ = 	snop;
	(pc) =	sbr.rel @p0 .LBB2_1-.Ltmp2, $3  }
0x1e7: {  	_ =	sdelay $0x1  }
0x1e8: {  	[sflag:s12] =	ssyncset.done $0x0  }
0x1e9: {  	[sflag:s12] =	ssyncadd.s32 $0xFFFFEC00  }
0x1ea: {  	_ =	sfence.sel $0x180000  }
0x1eb: {  	[bflag:$0x0] =	sbarrier.arrive $0xFFFF  }
0x1ec: {  	_ =	strace $0x9000004D  }
0x1ed: {  	s0 =	stileid.u32;
	[bflag:$0x2] =	sbarrier.arrive $0xFFFF  }
0x1ee: {  	p0 =	sne.s32 s0, $0x0;
	s0 =	rddreg [dreg:$0x3]  }
0x1ef: {  	s0 =	sadd.s32 @!p0 $0x100000, s0  }
0x1f0: {  	[sflag:s0] =	ssyncadd.tile.s32 @!p0 $0x1;
	_ =	shalt  }
.Lfunc_end2:
_tile_overlayer_lowered:
.L_overlay_start_2:
0x1f1: {  	(tag) =	ssettag $0x2  }
0x1f2: {  	s0 =	rddreg [dreg:$0x0];
	s2 =	stileid.u32  }
0x1f3: {  	s1 =	rddreg [dreg:$0x1];
	p0 =	sne.s32 s2, $0x0  }
0x1f4: {  	s3 =	rddreg [dreg:$0x2];
	[bflag:$0x3] =	sbarrier.arrive $0xFFFF;
	s2 =	simm.s32 @!p0 $0x1C05  }
0x1f5: {  	[timem:s3], [sflag:s2] =	dma.local @!p0 [hbm:s0], s1  }
0x1f6: {  	s0 =	simm.s32 @!p0 $0x5  }
0x1f7: {  	_ =	swait.ge @!p0 [sflag:s0], s1  }
0x1f8: {  	s1 =	ssub.s32 @!p0 $0x0, s1;
	[sflag:s0] =	ssyncset.done @!p0 $0x0  }
0x1f9: {  	[sflag:s0] =	ssyncadd.s32 @!p0 s1  }
0x1fa: {  	[bflag:$0x3] =	sbarrier.arrive $0xFFFF  }
0x1fb: {  	_ =	shalt  }

// kernel: kernel.8.cloned.1.call-start
scs
__scs_entry_jumppad:
0x0: {  	(pc) =	sbr.rel $0x88, $3  }
0x1: {  	(tag) =	ssettag $0x0;
	lr =	simm.s32 $0x1  }
0x2: {  	[smem:$0x3F99] =	sst lr;
	_ =	strace $0xD0000000  }
0x3: {  	_ = 	snop  }
0x4: {  	_ = 	snop  }
0x5: {  	_ = 	snop  }
0x6: {  	_ = 	snop  }
0x7: {  	_ = 	snop  }
__scs_overlays_trampoline_lowered:
0x8: {  	[smem:$0x3FA8] =	sst s0  }
0x9: {  	[smem:$0x3FA9] =	sst s1  }
0xa: {  	[smem:$0x3FAA] =	sst s2  }
0xb: {  	[smem:$0x3FAB] =	sst s3  }
0xc: {  	[smem:$0x3FAC] =	sst s4  }
0xd: {  	[smem:$0x3FAD] =	sst s5  }
0xe: {  	[smem:$0x3FAE] =	sst s6  }
0xf: {  	[smem:$0x3FAF] =	sst s7  }
0x10: {  	[smem:$0x3FB0] =	sst s8  }
0x11: {  	[smem:$0x3FB1] =	sst s9;
	s0 =	simm.s32 @!p0 $0x0  }
0x12: {  	s1 =	sld [smem:$0x3F97];
	s0 =	simm.s32 @p0 $0x1  }
0x13: {  	[smem:$0x3FB2] =	sst s0;
	s0 =	simm.s32 @!p1 $0x0  }
0x14: {  	s2 =	sld [smem:$0x3F96];
	s0 =	simm.s32 @p1 $0x1  }
0x15: {  	[smem:$0x3FB3] =	sst s0;
	s0 =	simm.s32 @!p2 $0x0  }
0x16: {  	s3 =	sld [smem:$0x3FDB];
	s0 =	simm.s32 @p2 $0x1  }
0x17: {  	s4 =	simm.s32 $0x1BF5;
	[smem:$0x3FB5] =	sst s0  }
0x18: {  	s0 =	sld [smem:$0x3F98];
	_ =	swait.ge [sflag:s4], $0x0  }
0x19: {  	s7 =	sld [smem:$0x3F99]  }
0x1a: {  	s8 =	sadd.s32 $0xFFFFE003, lr  }
0x1b: {  	s9 =	sadd.s32 $0xFFFFFEF7, lr;
	s5 =	simm.s32 $0xFFFFFFFF;
	p2 =	slt.u32 s8, $0xFFFFF086  }
0x1c: {  	p1 =	slt.u32 s9, $0xF7A;
	s5 =	simm.s32 @!p2 $0x0  }
0x1d: {  	s5 =	simm.s32 @p1 $0x1;
	p0 =	seq.s32 s7, s2  }
0x1e: {  	s7 =	smul.u32 @!p0 $0xF7A, s2;
	p2 =	seq.s32 @!p0 s5, $0x0  }
0x1f: {  	s9 =	smul.u32 $0xF7A, s1;
	s8 =	simm.s32 @!p0 $0x1BF5;
	p2 =	por !p2, p0  }
0x20: {  	[sflag:s8] =	ssyncset.s32 @!p0 $0xFFFFF086;
	s6 =	sadd.s32 @!p0 s3, s7;
	s7 =	simm.s32 @!p0 $0x108  }
0x21: {  	s3 =	sadd.s32 s3, s9;
	s6 =	sadd.s32 @!p0 $0x88, s6;
	s7 =	simm.s32 @p2 $0x1082  }
0x22: {  	[simem:s7], [sflag:s8] =	dma.local @!p0 [hbm:s6], $0xF7A  }
0x23: {  	s9 =	sor.u32 $0xD0000000, s2;
	s6 =	simm.s32 $0x108;
	_ =	swait.ge @!p0 [sflag:s8], $0x0  }
0x24: {  	s3 =	sadd.s32 $0x88, s3;
	s6 =	simm.s32 @!p1 $0x1082;
	[sflag:s4] =	ssyncset.s32 $0xFFFFF086  }
0x25: {  	[simem:s6], [sflag:s4] =	dma.local [hbm:s3], $0xF7A  }
0x26: {  	[smem:$0x3F99] =	sst s1;
	(tag) =	ssettag s2;
	_ =	strace s9  }
0x27: {  	s1 =	sld [smem:$0x3FA9]  }
0x28: {  	s2 =	sld [smem:$0x3FAA]  }
0x29: {  	s4 =	sld [smem:$0x3FAC]  }
0x2a: {  	p0 =	seq.s32 s5, $0x0;
	s5 =	sld [smem:$0x3FAD]  }
0x2b: {  	s6 =	sld [smem:$0x3FAE]  }
0x2c: {  	s7 =	sld [smem:$0x3FAF]  }
0x2d: {  	s3 =	simm.s32 $0x108;
	s8 =	sld [smem:$0x3FB0]  }
0x2e: {  	s3 =	simm.s32 @!p0 $0x1082;
	s9 =	sld [smem:$0x3FB1]  }
0x2f: {  	lr =	sadd.s32 s0, s3;
	s0 =	sld [smem:$0x3FA8]  }
0x30: {  	s3 =	sld [smem:$0x3FAB]  }
0x31: {  	[smem:$0x3FB4] =	sst s10  }
0x32: {  	s10 =	sld [smem:$0x3FB2];
	_ =	sdelay $0x3  }
0x33: {  	p0 =	seq.s32 s10, $0x1;
	s10 =	sld [smem:$0x3FB4];
	_ =	sdelay $0x3  }
0x34: {  	[smem:$0x3FB4] =	sst s10  }
0x35: {  	s10 =	sld [smem:$0x3FB3];
	_ =	sdelay $0x3  }
0x36: {  	p1 =	seq.s32 s10, $0x1;
	s10 =	sld [smem:$0x3FB4];
	_ =	sdelay $0x3  }
0x37: {  	[smem:$0x3FB4] =	sst s10  }
0x38: {  	s10 =	sld [smem:$0x3FB5]  }
0x39: {  	_ = 	snop;
	(pc) =	sbr.ind lr, $3  }
0x3a: {  	_ = 	snop  }
0x3b: {  	_ = 	snop  }
0x3c: {  	p2 =	seq.s32 s10, $0x1;
	s10 =	sld [smem:$0x3FB4]  }
0x3d: {  	_ =	shalt  }
0x3e: {  	_ =	shalt  }
0x3f: {  	_ =	shalt  }
0x40: {  	_ =	shalt  }
0x41: {  	_ =	shalt  }
0x42: {  	_ =	shalt  }
0x43: {  	_ =	shalt  }
0x44: {  	_ =	shalt  }
0x45: {  	_ =	shalt  }
0x46: {  	_ =	shalt  }
0x47: {  	_ =	shalt  }
0x48: {  	_ =	shalt  }
0x49: {  	_ =	shalt  }
0x4a: {  	_ =	shalt  }
0x4b: {  	_ =	shalt  }
0x4c: {  	_ =	shalt  }
0x4d: {  	_ =	shalt  }
0x4e: {  	_ =	shalt  }
0x4f: {  	_ =	shalt  }
0x50: {  	_ =	shalt  }
0x51: {  	_ =	shalt  }
0x52: {  	_ =	shalt  }
0x53: {  	_ =	shalt  }
0x54: {  	_ =	shalt  }
0x55: {  	_ =	shalt  }
0x56: {  	_ =	shalt  }
0x57: {  	_ =	shalt  }
0x58: {  	_ =	shalt  }
0x59: {  	_ =	shalt  }
0x5a: {  	_ =	shalt  }
0x5b: {  	_ =	shalt  }
0x5c: {  	_ =	shalt  }
0x5d: {  	_ =	shalt  }
0x5e: {  	_ =	shalt  }
0x5f: {  	_ =	shalt  }
0x60: {  	_ =	shalt  }
0x61: {  	_ =	shalt  }
0x62: {  	_ =	shalt  }
0x63: {  	_ =	shalt  }
0x64: {  	_ =	shalt  }
0x65: {  	_ =	shalt  }
0x66: {  	_ =	shalt  }
0x67: {  	_ =	shalt  }
0x68: {  	_ =	shalt  }
0x69: {  	_ =	shalt  }
0x6a: {  	_ =	shalt  }
0x6b: {  	_ =	shalt  }
0x6c: {  	_ =	shalt  }
0x6d: {  	_ =	shalt  }
0x6e: {  	_ =	shalt  }
0x6f: {  	_ =	shalt  }
0x70: {  	_ =	shalt  }
0x71: {  	_ =	shalt  }
0x72: {  	_ =	shalt  }
0x73: {  	_ =	shalt  }
0x74: {  	_ =	shalt  }
0x75: {  	_ =	shalt  }
0x76: {  	_ =	shalt  }
0x77: {  	_ =	shalt  }
0x78: {  	_ =	shalt  }
0x79: {  	_ =	shalt  }
0x7a: {  	_ =	shalt  }
0x7b: {  	_ =	shalt  }
0x7c: {  	_ =	shalt  }
0x7d: {  	_ =	shalt  }
0x7e: {  	_ =	shalt  }
0x7f: {  	_ =	shalt  }
0x80: {  	_ =	shalt  }
0x81: {  	_ =	shalt  }
0x82: {  	_ =	shalt  }
0x83: {  	_ =	shalt  }
0x84: {  	_ =	shalt  }
0x85: {  	_ =	shalt  }
0x86: {  	_ =	shalt  }
0x87: {  	_ =	shalt  }
.Lfunc_end0:
.L_simem_size_0:
called_computation_lowered:
.L_overlay_start_0:
0x88: {  	s2 =	sld [smem:$0x3FD9]  }
0x89: {  	s3 =	sld [smem:$0x3FFE];
	_ =	sdelay $0x1  }
0x8a: {  	s1 =	srdreg.scid  }
0x8b: {  	s0 =	sand.u32 $0x1, s1  }
0x8c: {  	s17 =	sshll.u32 s0, $0xA;
	s2 =	sadd.s32 s3, s2  }
0x8d: {  	s2 =	sadd.s32 s2, s17  }
0x8e: {  	[smem:$0x3FC0] =	sst s2  }
0x8f: {  	_ = 	snop  }
0x90: {  	s2 =	sld [smem:$0x3FD0];
	(tm) =	ssettm $0x1  }
0x91: {  	s18 =	sld [smem:$0x3FFB];
	_ =	sdelay $0x3  }
0x92: {  	_ =	strace s18  }
0x93: {  	s3 =	sld [smem:$0x3FFC];
	_ =	sdelay $0x3  }
0x94: {  	_ =	strace s3  }
0x95: {  	s3 =	sld [smem:$0x3FFD];
	_ =	sdelay $0x3  }
0x96: {  	_ =	strace s3  }
0x97: {  	_ =	strace $0x8FFFFFFF  }
0x98: {  	s19 =	sld [smem:$0x3FDB];
	_ =	sdelay $0x1  }
0x99: {  	s4 =	simm.s32 $_scs_section_size  }
0x9a: {  	s5 =	simm.s32 $_size__tile_overlayer_lowered;
	s6 =	simm.s32 $_tile_overlayer_lowered  }
0x9b: {  	s22 =	simm.s32 $0x1BFF;
	s21 =	sshll.u32 s6, $0x1;
	s3 =	sadd.s32 s4, s19  }
0x9c: {  	s7 =	simm.s32 $0x0;
	s20 =	sshll.u32 s5, $0x1;
	s5 =	sadd.s32 s21, s3  }
0x9d: {  	[timem:s7], [sflag:s22] =	dma.local [hbm:s5], s20  }
0x9e: {  	_ =	swait.ge [sflag:s22], s20  }
0x9f: {  	s4 =	ssub.s32 $0x0, s20;
	[sflag:s22] =	ssyncset.done $0x0  }
0xa0: {  	[sflag:s22] =	ssyncadd.s32 s4;
	_ =	sdelay $0x1  }
0xa1: {  	s23 =	simm.s32 $0x1B8B  }
0xa2: {  	_ =	swait.ge [sflag:s23], $0x1  }
0xa3: {  	[sflag:s23] =	ssyncset.done $0x0  }
0xa4: {  	s25 =	simm.s32 $0x1B8E;
	s24 =	sld [smem:$0x3FFE];
	[sflag:s23] =	ssyncadd.s32 $0xFFFFFFFF  }
0xa5: {  	s26 =	simm.s32 $execute0_lowered;
	[smem:$0x3FD2] =	sst s25  }
0xa6: {  	s5 =	sshll.u32 s26, $0x1;
	_ =	strace $0x80000046;
	[dreg:$0x1] =	wrdreg $0xFFFFFFFF  }
0xa7: {  	s28 =	simm.s32 $_size_execute0_lowered;
	s3 =	sadd.s32 s3, s5;
	[dreg:$0x0] =	wrdreg $0x0  }
0xa8: {  	s5 =	sshll.u32 s28, $0x1;
	[dreg:$0x2] =	wrdreg s3  }
0xa9: {  	[dreg:$0x3] =	wrdreg s5  }
0xaa: {  	[dreg:$0x4] =	wrdreg $0xC0  }
0xab: {  	_ =	task [dreg:s7], $0x5FFFF  }
0xac: {  	[dreg:$0x1] =	wrdreg $0xFFFFFFFF  }
0xad: {  	[dreg:$0x0] =	wrdreg $0x60  }
0xae: {  	[dreg:$0x2] =	wrdreg s2  }
0xaf: {  	[dreg:$0x3] =	wrdreg s24  }
0xb0: {  	[dreg:$0x4] =	wrdreg $0x2BC00  }
0xb1: {  	[dreg:$0x5] =	wrdreg $0x9  }
0xb2: {  	_ =	task.clear_ibuf [dreg:s7], $0x6FFFF;
	_ =	strace $0x90000046  }
0xb3: {  	s29 =	simm.s32 $0x9;
	_ =	strace $0x80000048  }
0xb4: {  	_ =	swait.ge [sflag:s29], $0x1  }
0xb5: {  	[sflag:s29] =	ssyncadd.s32 $0xFFFFFFFF  }
0xb6: {  	_ =	strace $0x90000048  }
0xb7: {  	_ =	sfence  }
0xb8: {  	s30 =	sld [smem:$0x0];
	_ =	sdelay $0x2  }
0xb9: {  	s31 =	sshll.u32 s1, $0xD;
	s1 =	sshrl.u32 s1, $0x2  }
0xba: {  	s3 =	sand.u32 $0x4000, s31;
	s1 =	sadd.s32 s1, s30  }
0xbb: {  	s0 =	sor.u32 s3, s0;
	s1 =	sshll.u32 s1, $0x11  }
0xbc: {  	s0 =	sor.u32 s1, s0  }
0xbd: {  	s0 =	sadd.s32 $0x8F2B, s0  }
0xbe: {  	[sflag:s0] =	ssyncadd.remote.s32 $0x1  }
0xbf: {  	_ =	sfence.sel $0xFFFF  }
0xc0: {  	[dreg:$0x0] =	wrdreg $0xFFFFFFFF;
	(pc) =	sbr.abs _section_cstart, $3  }
0xc1: {  	[dreg:$0x1] =	wrdreg $0xFFFFFFFF  }
0xc2: {  	_ =	task.clear_ibuf [dreg:s7], $0x2FFFF;
	_ =	strace $0x9FFFFFFF  }
0xc3: {  	(tm) =	ssettm $0x7FFFFFFF  }
tec
execute0_lowered:
.L_overlay_start_1:
0x0: {  	(tag) =	ssettag $0x1  }
0x1: {  	s6 =	rddreg [dreg:$0x0]  }
0x2: {  	s7 =	rddreg [dreg:$0x1]  }
0x3: {  	s1 =	rddreg [dreg:$0x2]  }
0x4: {  	s0 =	rddreg [dreg:$0x3];
	s2 =	simm.s32 $0x0  }
0x5: {  	s8 =	srdreg.scid;
	s3 =	stileid.u32;
	s13 =	simm.s32 $0x64  }
0x6: {  	s14 =	simm.s32 $0x10;
	s15 =	simm.s32 $0x0;
	[smem:$0x7FF] =	sst s2  }
0x7: {  	s4 =	sadd.s32 $0x3800, s7;
	s5 =	sadd.s32 $0x3400, s7;
	s10 =	smul.u32 $0x5000, s3  }
0x8: {  	s8 =	sand.u32 $0x1, s8;
	s9 =	sshll.u32 s3, $0x1;
	s12 =	smul.u32 $0x2800, s3  }
0x9: {  	s31 =	sshll.u32 s3, $0x6;
	_ =	strace $0x80000047;
	s11 =	ssub.s32 $0x2, s8  }
0xa: {  	s9 =	sor.u32 s8, s9;
	s7 =	sadd.s32 s8, s7;
	s29 =	sshrl.u32 s11, $0x1  }
0xb: {  	s9 =	smul.u32 $0x514, s9;
	s10 =	sshrl.u32 s10, $0x2;
	s7 =	sadd.s32 s12, s7  }
0xc: {  	s8 =	ssub.s32 s11, s29;
	s30 =	sadd.s32 s10, s1;
	s7 =	sadd.s32 $0x3A00, s7  }
0xd: {  	s10 =	simm.s32 $0x28A0;
	s11 =	sor.u32 $0x1C01, s31;
	s6 =	sadd.s32 s6, s9  }
0xe: {  	s8 =	smax.u32 s8, $0x1;
	s9 =	simm.s32 $0x1;
	s12 =	sshrl.u32 s30, $0x3  }
.LBB2_1:
0xf: {  	[tilespmem:s2], [sflag:$0x1] =	stream.linear.gather [hbm4b:s6+s2], $0x28A0, $0x38;
	[tilespmem:$0x3FC0] =	vst v63  }
0x10: {  	_ =	swait.ge [sflag:s9], $0x28A0  }
0x11: {  	[sflag:s9] =	ssyncset.done $0x0  }
0x12: {  	[sflag:s9] =	ssyncadd.s32 $0xFFFFD760  }
0x13: {  	[tilespmem:s10], [sflag:$0x1] =	stream.linear.gather [hbm4b:s4+s2], $0x320, $0x38;
	[tilespmem:$0x3FC0] =	vst v63  }
0x14: {  	_ =	swait.ge [sflag:s9], $0x320  }
0x15: {  	[sflag:s9] =	ssyncset.done $0x0  }
0x16: {  	[sflag:s9] =	ssyncadd.s32 $0xFFFFFCE0  }
0x17: {  	[spmem:s12], [sflag:s11] =	dma.local [hbm:s5], $0x280  }
0x18: {  	_ =	swait.ge [sflag:s9], $0x280  }
0x19: {  	[sflag:s9] =	ssyncset.done $0x0  }
0x1a: {  	[sflag:s9] =	ssyncadd.s32 $0xFFFFFD80  }
0x1b: {  	s16 =	simm.s32 $0x0;
	[bflag:$0x0] =	sbarrier.arrive $0xFFFF  }
0x1c: {  	[spmem:s1] =	stream.indirect.scatter.add.f32 [tilespmem:s10], [sflag:$0x1], $0x8, s16, s13, $0xb8;
	[tilespmem:$0x3FC0] =	vst v63  }
0x1d: {  	_ =	swait.ge [sflag:s9], $0x320  }
0x1e: {  	s16 =	simm.s32 $0x1A0;
	[sflag:s9] =	ssyncset.done $0x0  }
.LBB2_2:
0x1f: {  	s17 =	sshra.s32 s16, $0x2;
	[sflag:s9] =	ssyncadd.s32 $0xFFFFFCE0;
	p0 =	sne.s32 s16, $0xA0E0  }
0x20: {  	[spmem:s1] =	stream.indirect.scatter.add.f32 [tilespmem:s10], [sflag:$0x1], $0x8, s17, s13, $0xb8;
	[tilespmem:$0x3FC0] =	vst v63  }
.Ltmp0:
0x21: {  	_ = 	snop;
	(pc) =	sbr.rel @p0 .LBB2_2-.Ltmp0, $4  }
0x22: {  	_ = 	snop  }
0x23: {  	s16 =	sadd.s32 $0x1A0, s16  }
0x24: {  	_ =	swait.ge [sflag:s9], $0x320  }
0x25: {  	[sflag:s9] =	ssyncset.done $0x0  }
0x26: {  	s15 =	sadd.s32 $0x1, s15  }
0x27: {  	[sflag:s9] =	ssyncadd.s32 $0xFFFFFCE0;
	p0 =	sne.s32 s15, s8  }
.Ltmp1:
0x28: {  	[bflag:$0x0] =	sbarrier.arrive $0xFFFF;
	(pc) =	sbr.rel @p0 .LBB2_1-.Ltmp1, $4  }
0x29: {  	[hbm:s7@s14], [sflag:s11] =	dma.strided [spmem:s12@s9], $0x280, s9, $0x1   }
0x2a: {  	_ =	swait.ge [sflag:s9], $0x280  }
0x2b: {  	[sflag:s9] =	ssyncset.done $0x0  }
0x2c: {  	[sflag:s9] =	ssyncadd.s32 $0xFFFFFD80  }
0x2d: {  	_ =	sfence.sel $0x180000  }
0x2e: {  	[bflag:$0x0] =	sbarrier.arrive $0xFFFF  }
0x2f: {  	p0 =	sne.s32 s3, $0x0;
	_ =	strace $0x90000047  }
0x30: {  	s0 =	sadd.s32 @!p0 $0x100000, s0;
	[bflag:$0x2] =	sbarrier.arrive $0xFFFF  }
0x31: {  	[sflag:s0] =	ssyncadd.tile.s32 @!p0 $0x1;
	_ =	shalt  }
.Lfunc_end2:
_tile_overlayer_lowered:
.L_overlay_start_2:
0x32: {  	(tag) =	ssettag $0x2  }
0x33: {  	s0 =	rddreg [dreg:$0x0];
	s2 =	stileid.u32  }
0x34: {  	s1 =	rddreg [dreg:$0x1];
	p0 =	sne.s32 s2, $0x0  }
0x35: {  	s3 =	rddreg [dreg:$0x2];
	[bflag:$0x3] =	sbarrier.arrive $0xFFFF;
	s2 =	simm.s32 @!p0 $0x1C01  }
0x36: {  	[timem:s3], [sflag:s2] =	dma.local @!p0 [hbm:s0], s1  }
0x37: {  	s0 =	simm.s32 @!p0 $0x1  }
0x38: {  	_ =	swait.ge @!p0 [sflag:s0], s1  }
0x39: {  	s1 =	ssub.s32 @!p0 $0x0, s1;
	[sflag:s0] =	ssyncset.done @!p0 $0x0  }
0x3a: {  	[sflag:s0] =	ssyncadd.s32 @!p0 s1  }
0x3b: {  	[bflag:$0x3] =	sbarrier.arrive $0xFFFF  }
0x3c: {  	_ =	shalt  }

</sc_bundles>
